<compile_context>
chip_gen: v7x
topology: tpu7x:2x2x1
jax: 0.10.2.dev20260603
libtpu: 0.0.44.dev20260713+nightly
codegen_flags: <defaults>
</compile_context>

<pallas_src>
import functools

import jax
import jax.numpy as jnp
from jax import lax
from jax.experimental import pallas as pl
from jax.experimental.pallas import tpu as pltpu
from jax.experimental.pallas import tpu_sc as plsc

N = 32768
C = 2048
NC, NS, L = 2, 16, 16
NW = NC * NS
PER_W = N // NW
CB = 128
TPB = 32
NBATCH = PER_W // TPB


def _sc_partials(logits, target):
    mesh = plsc.VectorSubcoreMesh(core_axis_name="c", subcore_axis_name="s")

    @functools.partial(
        pl.kernel,
        out_type=jax.ShapeDtypeStruct((NW * 2 * L,), jnp.float32),
        mesh=mesh,
        compiler_params=pltpu.CompilerParams(
            use_tc_tiling_on_sc=True, needs_layout_passes=False
        ),
        scratch_types=[
            pltpu.VMEM((8 + PER_W,), jnp.int32),
            pltpu.VMEM((2, TPB, 8, CB), jnp.float32),
            pltpu.VMEM((2 * L,), jnp.float32),
            pltpu.SemaphoreType.DMA,
        ],
    )
    def kern(logits_hbm, tgt_hbm, out_hbm, tgt_v, gat_v, acc_v, sem):
        wid = lax.axis_index("s") * NC + lax.axis_index("c")
        base = wid * PER_W

        tgt_v[pl.ds(0, L)] = jnp.zeros((L,), jnp.int32)
        pltpu.sync_copy(tgt_hbm.at[pl.ds(base, PER_W)], tgt_v.at[pl.ds(8, PER_W)])

        lane = lax.iota(jnp.int32, L)
        lanepos = lane & 7

        def cb_of(t):
            return jnp.where(t >= 0, t, 0) >> 7

        def dists(b, q):
            off = 8 + b * TPB + q * L
            cb16 = cb_of(tgt_v[pl.ds(off, L)])
            dist = jnp.zeros((L,), jnp.int32)
            for d in range(1, 8):
                cbs = cb_of(tgt_v[pl.ds(off - d, L)])
                match = (cb16 == cbs) & (lanepos >= d)
                dist = jnp.where(match, d, dist)
            return dist

        def fire(b):
            p = b & 1
            nfetch = jnp.int32(0)
            for q in range(TPB // L):
                t16 = tgt_v[pl.ds(8 + b * TPB + q * L, L)]
                cb16 = cb_of(t16)
                dist = dists(b, q)
                cnt = plsc.all_reduce_population_count(dist == 0)
                nfetch = nfetch + cnt[0]
                for l in range(L):
                    e = q * L + l

                    @pl.when(dist[l] == 0)
                    def _():
                        row = base + b * TPB + e
                        rowa = pl.multiple_of((row >> 3) << 3, 8)
                        cstart = pl.multiple_of(cb16[l] << 7, CB)
                        pltpu.make_async_copy(
                            logits_hbm.at[pl.ds(rowa, 8), pl.ds(cstart, CB)],
                            gat_v.at[p, e],
                            sem,
                        ).start()

            return nfetch

        def drain(k):
            def w(_, carry):
                pltpu.make_async_copy(
                    logits_hbm.at[pl.ds(0, 8), pl.ds(0, CB)],
                    gat_v.at[0, 0],
                    sem,
                ).wait()
                return carry

            lax.fori_loop(0, k, w, 0, unroll=False)

        def extract(b, acc):
            a_sq, a_m = acc
            p = b & 1
            for q in range(TPB // L):
                t16 = tgt_v[pl.ds(8 + b * TPB + q * L, L)]
                safe = jnp.where(t16 >= 0, t16, 0)
                m16 = jnp.where(t16 >= 0, 1.0, 0.0).astype(jnp.float32)
                dist = dists(b, q)
                slot = q * L + lane - dist
                sub = (base + b * TPB + q * L + lane) & 7
                col = safe & (CB - 1)
                g16 = plsc.load_gather(gat_v.at[p], [slot, sub, col])
                d = 1.0 - g16
                a_sq = a_sq + d * d * m16
                a_m = a_m + m16
            return a_sq, a_m

        k0 = fire(0)

        def body(b, carry):
            a_sq, a_m, kprev = carry
            knext = fire(b + 1)
            drain(kprev)
            a_sq, a_m = extract(b, (a_sq, a_m))
            return a_sq, a_m, knext

        acc_sq, acc_m, klast = lax.fori_loop(
            0, NBATCH - 1, body,
            (jnp.zeros((L,), jnp.float32), jnp.zeros((L,), jnp.float32), k0),
            unroll=False,
        )
        drain(klast)
        acc_sq, acc_m = extract(NBATCH - 1, (acc_sq, acc_m))

        acc_v[pl.ds(0, L)] = acc_sq
        acc_v[pl.ds(L, L)] = acc_m
        pltpu.sync_copy(acc_v.at[pl.ds(0, L)], out_hbm.at[pl.ds(wid * L, L)])
        pltpu.sync_copy(
            acc_v.at[pl.ds(L, L)], out_hbm.at[pl.ds(NW * L + wid * L, L)]
        )

    return kern(logits, target)


def _tc_finalize(partials):
    def body(p_ref, o_ref):
        p = p_ref[...]
        s = jnp.sum(p[0:4])
        m = jnp.sum(p[4:8])
        o_ref[...] = jnp.full((1, 1), s / m, jnp.float32)

    return pl.pallas_call(
        body,
        out_shape=jax.ShapeDtypeStruct((1, 1), jnp.float32),
    )(partials)


@jax.jit
def kernel(contrast_logits, contrast_target):
    partials = _sc_partials(contrast_logits, contrast_target)
    loss = _tc_finalize(partials.reshape(8, 128))
    return loss[0, 0]

# --- scband reference (transcript-rebuilt; emitter-appended) ---
"""Pipeline reference for scband-ppd-14525579395573 (READ-ONLY COPY).

The authoritative reference and input builder live on the scoring server;
editing this copy changes nothing except your own understanding.
"""

import jax, jax.numpy as jnp
import numpy as np


def setup_inputs(seed: int = 0) -> dict:
    key = jax.random.key(seed)
    k1, k2 = jax.random.split(key)
    N, C = 32768, 2048
    contrast_logits = jax.random.normal(k1, (N, C), dtype=jnp.float32)
    contrast_target = jax.random.randint(k2, (N,), 0, C, dtype=jnp.int32)
    return {"contrast_logits": contrast_logits, "contrast_target": contrast_target}


def reference(contrast_logits, contrast_target):
    ignore_label = -1
    mask = contrast_target != ignore_label
    safe_target = jnp.where(mask, contrast_target, 0)
    gathered = jnp.take_along_axis(
        contrast_logits, safe_target[:, None].astype(jnp.int32), axis=1
    )
    sq = (1.0 - gathered) ** 2
    maskf = mask[:, None].astype(sq.dtype)
    loss_ppd = jnp.sum(sq * maskf) / jnp.sum(maskf)
    return loss_ppd

if __name__ == "__main__":
    import jax
    _d = setup_inputs()
    print(jax.jit(kernel)(*tuple(_d.values())))

</pallas_src>

<mosaic_0001>
#map = affine_map<(d0, d1) -> (0, 0)>
#map1 = affine_map<(d0, d1) -> (0)>
module attributes {stable_mosaic.version = 14 : i64} {
  func.func @kern(%arg0: i32, %arg1: i32, %arg2: memref<32768x2048xf32, #tpu.memory_space<hbm>>, %arg3: memref<32768xi32, #tpu.memory_space<hbm>>, %arg4: memref<1024xf32, #tpu.memory_space<hbm>>, %arg5: memref<1032xi32, #tpu.memory_space<vmem>>, %arg6: memref<2x32x8x128xf32, #tpu.memory_space<vmem>>, %arg7: memref<32xf32, #tpu.memory_space<vmem>>, %arg8: memref<!tpu.dma_semaphore, #tpu.memory_space<semaphore_mem>>) attributes {dimension_semantics = [#tpu.dimension_semantics<core_parallel>, #tpu.dimension_semantics<subcore_parallel>], iteration_bounds = array<i64: 2, 16>, scalar_prefetch = 0 : i64, scratch_operands = 4 : i64, tpu.core_type = #tpu.core_type<sc_vector_subcore>, window_params = [{transform_indices = #map}, {transform_indices = #map1}, {transform_indices = #map1}]} {
    %mul3A = arith.constant 2 : i32
    %mul3A_0 = arith.muli %arg1, %mul3A : i32
    %add3A = arith.addi %mul3A_0, %arg0 : i32
    %mul3A_1 = arith.constant 1024 : i32
    %mul3A_2 = arith.muli %add3A, %mul3A_1 : i32
    %broadcast_in_dim3A = arith.constant 0 : i32
    %broadcast_in_dim3A_3 = vector.broadcast %broadcast_in_dim3A : i32 to vector<16xi32>
    %swap3A = arith.constant 0 : index
    %swap3A_4 = tpu.vector_load %arg5[%swap3A] {strides = array<i32>} : memref<1032xi32, #tpu.memory_space<vmem>>, vector<16xi32>,
    tpu.vector_store %arg5[%swap3A], %broadcast_in_dim3A_3 {strides = array<i32>} : memref<1032xi32, #tpu.memory_space<vmem>>, vector<16xi32>,
    "tpu.region"() ({
      %run_scoped3A = tpu.sem_alloc : memref<!tpu.dma_semaphore, #tpu.memory_space<semaphore_mem>>
      %dma_start3A = arith.constant 8 : i32
      %dma_start3A_959 = tpu.memref_slice %arg5[%dma_start3A] : memref<1032xi32, #tpu.memory_space<vmem>> -> memref<1024xi32, #tpu.memory_space<vmem>>
      %dma_start3A_960 = tpu.memref_slice %arg3[%mul3A_2] : memref<32768xi32, #tpu.memory_space<hbm>> -> memref<1024xi32, #tpu.memory_space<hbm>>
      %dma_start3A_961 = arith.constant 8 : i32
      %dma_start3A_962 = tpu.memref_slice %arg5[%dma_start3A_961] : memref<1032xi32, #tpu.memory_space<vmem>> -> memref<1024xi32, #tpu.memory_space<vmem>>
      %dma_start3A_963 = tpu.memref_slice %arg3[%mul3A_2] : memref<32768xi32, #tpu.memory_space<hbm>> -> memref<1024xi32, #tpu.memory_space<hbm>>
      tpu.enqueue_dma source(%dma_start3A_963 : memref<1024xi32, #tpu.memory_space<hbm>>) target(%dma_start3A_962 : memref<1024xi32, #tpu.memory_space<vmem>>) target_semaphore(%run_scoped3A : memref<!tpu.dma_semaphore, #tpu.memory_space<semaphore_mem>>)
      %dma_wait3A = arith.constant 8 : i32
      %dma_wait3A_964 = tpu.memref_slice %arg5[%dma_wait3A] : memref<1032xi32, #tpu.memory_space<vmem>> -> memref<1024xi32, #tpu.memory_space<vmem>>
      %dma_wait3A_965 = tpu.memref_slice %arg3[%mul3A_2] : memref<32768xi32, #tpu.memory_space<hbm>> -> memref<1024xi32, #tpu.memory_space<hbm>>
      %dma_wait3A_966 = arith.constant 8 : i32
      %dma_wait3A_967 = tpu.memref_slice %arg5[%dma_wait3A_966] : memref<1032xi32, #tpu.memory_space<vmem>> -> memref<1024xi32, #tpu.memory_space<vmem>>
      %dma_wait3A_968 = tpu.memref_slice %arg3[%mul3A_2] : memref<32768xi32, #tpu.memory_space<hbm>> -> memref<1024xi32, #tpu.memory_space<hbm>>
      tpu.wait_dma2 semaphore(%run_scoped3A : memref<!tpu.dma_semaphore, #tpu.memory_space<semaphore_mem>>) src(%dma_wait3A_968 : memref<1024xi32, #tpu.memory_space<hbm>>) dst(%dma_wait3A_967 : memref<1024xi32, #tpu.memory_space<vmem>>)
      tpu.yield
    }) : () -> ()
    %iota3A = tpu.iota {dimensions = array<i32: 0>} : vector<16xi32>
    %and3A = arith.constant 7 : i32
    %and3A_5 = vector.broadcast %and3A : i32 to vector<16xi32>
    %and3A_6 = arith.andi %iota3A, %and3A_5 : vector<16xi32>
    %get3A = arith.constant 8 : index
    %get3A_7 = tpu.vector_load %arg5[%get3A] {strides = array<i32>} : memref<1032xi32, #tpu.memory_space<vmem>>, vector<16xi32>,
    %ge3A = arith.constant 0 : i32
    %ge3A_8 = vector.broadcast %ge3A : i32 to vector<16xi32>
    %ge3A_9 = arith.cmpi sge, %get3A_7, %ge3A_8 : vector<16xi32>
    %jit3A = arith.constant 0 : i32
    %broadcast_in_dim3A_10 = vector.broadcast %jit3A : i32 to vector<16xi32>
    %select_n3A = arith.select %ge3A_9, %get3A_7, %broadcast_in_dim3A_10 : vector<16xi1>, vector<16xi32>
    %shift_right_arithmetic3A = arith.constant 7 : i32
    %shift_right_arithmetic3A_11 = vector.broadcast %shift_right_arithmetic3A : i32 to vector<16xi32>
    %shift_right_arithmetic3A_12 = arith.shrsi %select_n3A, %shift_right_arithmetic3A_11 : vector<16xi32>
    %get3A_13 = arith.constant 8 : index
    %get3A_14 = tpu.vector_load %arg5[%get3A_13] {strides = array<i32>} : memref<1032xi32, #tpu.memory_space<vmem>>, vector<16xi32>,
    %ge3A_15 = arith.constant 0 : i32
    %ge3A_16 = vector.broadcast %ge3A_15 : i32 to vector<16xi32>
    %ge3A_17 = arith.cmpi sge, %get3A_14, %ge3A_16 : vector<16xi32>
    %jit3A_18 = arith.constant 0 : i32
    %broadcast_in_dim3A_19 = vector.broadcast %jit3A_18 : i32 to vector<16xi32>
    %select_n3A_20 = arith.select %ge3A_17, %get3A_14, %broadcast_in_dim3A_19 : vector<16xi1>, vector<16xi32>
    %shift_right_arithmetic3A_21 = arith.constant 7 : i32
    %shift_right_arithmetic3A_22 = vector.broadcast %shift_right_arithmetic3A_21 : i32 to vector<16xi32>
    %shift_right_arithmetic3A_23 = arith.shrsi %select_n3A_20, %shift_right_arithmetic3A_22 : vector<16xi32>
    %broadcast_in_dim3A_24 = arith.constant 0 : i32
    %broadcast_in_dim3A_25 = vector.broadcast %broadcast_in_dim3A_24 : i32 to vector<16xi32>
    %get3A_26 = arith.constant 7 : index
    %get3A_27 = tpu.vector_load %arg5[%get3A_26] {strides = array<i32>} : memref<1032xi32, #tpu.memory_space<vmem>>, vector<16xi32>,
    %ge3A_28 = arith.constant 0 : i32
    %ge3A_29 = vector.broadcast %ge3A_28 : i32 to vector<16xi32>
    %ge3A_30 = arith.cmpi sge, %get3A_27, %ge3A_29 : vector<16xi32>
    %jit3A_31 = arith.constant 0 : i32
    %broadcast_in_dim3A_32 = vector.broadcast %jit3A_31 : i32 to vector<16xi32>
    %select_n3A_33 = arith.select %ge3A_30, %get3A_27, %broadcast_in_dim3A_32 : vector<16xi1>, vector<16xi32>
    %shift_right_arithmetic3A_34 = arith.constant 7 : i32
    %shift_right_arithmetic3A_35 = vector.broadcast %shift_right_arithmetic3A_34 : i32 to vector<16xi32>
    %shift_right_arithmetic3A_36 = arith.shrsi %select_n3A_33, %shift_right_arithmetic3A_35 : vector<16xi32>
    %eq3A = arith.cmpi eq, %shift_right_arithmetic3A_23, %shift_right_arithmetic3A_36 : vector<16xi32>
    %ge3A_37 = arith.constant 1 : i32
    %ge3A_38 = vector.broadcast %ge3A_37 : i32 to vector<16xi32>
    %ge3A_39 = arith.cmpi sge, %and3A_6, %ge3A_38 : vector<16xi32>
    %and3A_40 = arith.andi %eq3A, %ge3A_39 : vector<16xi1>
    %jit3A_41 = arith.constant 1 : i32
    %broadcast_in_dim3A_42 = vector.broadcast %jit3A_41 : i32 to vector<16xi32>
    %select_n3A_43 = arith.select %and3A_40, %broadcast_in_dim3A_42, %broadcast_in_dim3A_25 : vector<16xi1>, vector<16xi32>
    %get3A_44 = arith.constant 6 : index
    %get3A_45 = tpu.vector_load %arg5[%get3A_44] {strides = array<i32>} : memref<1032xi32, #tpu.memory_space<vmem>>, vector<16xi32>,
    %ge3A_46 = arith.constant 0 : i32
    %ge3A_47 = vector.broadcast %ge3A_46 : i32 to vector<16xi32>
    %ge3A_48 = arith.cmpi sge, %get3A_45, %ge3A_47 : vector<16xi32>
    %jit3A_49 = arith.constant 0 : i32
    %broadcast_in_dim3A_50 = vector.broadcast %jit3A_49 : i32 to vector<16xi32>
    %select_n3A_51 = arith.select %ge3A_48, %get3A_45, %broadcast_in_dim3A_50 : vector<16xi1>, vector<16xi32>
    %shift_right_arithmetic3A_52 = arith.constant 7 : i32
    %shift_right_arithmetic3A_53 = vector.broadcast %shift_right_arithmetic3A_52 : i32 to vector<16xi32>
    %shift_right_arithmetic3A_54 = arith.shrsi %select_n3A_51, %shift_right_arithmetic3A_53 : vector<16xi32>
    %eq3A_55 = arith.cmpi eq, %shift_right_arithmetic3A_23, %shift_right_arithmetic3A_54 : vector<16xi32>
    %ge3A_56 = arith.constant 2 : i32
    %ge3A_57 = vector.broadcast %ge3A_56 : i32 to vector<16xi32>
    %ge3A_58 = arith.cmpi sge, %and3A_6, %ge3A_57 : vector<16xi32>
    %and3A_59 = arith.andi %eq3A_55, %ge3A_58 : vector<16xi1>
    %jit3A_60 = arith.constant 2 : i32
    %broadcast_in_dim3A_61 = vector.broadcast %jit3A_60 : i32 to vector<16xi32>
    %select_n3A_62 = arith.select %and3A_59, %broadcast_in_dim3A_61, %select_n3A_43 : vector<16xi1>, vector<16xi32>
    %get3A_63 = arith.constant 5 : index
    %get3A_64 = tpu.vector_load %arg5[%get3A_63] {strides = array<i32>} : memref<1032xi32, #tpu.memory_space<vmem>>, vector<16xi32>,
    %ge3A_65 = arith.constant 0 : i32
    %ge3A_66 = vector.broadcast %ge3A_65 : i32 to vector<16xi32>
    %ge3A_67 = arith.cmpi sge, %get3A_64, %ge3A_66 : vector<16xi32>
    %jit3A_68 = arith.constant 0 : i32
    %broadcast_in_dim3A_69 = vector.broadcast %jit3A_68 : i32 to vector<16xi32>
    %select_n3A_70 = arith.select %ge3A_67, %get3A_64, %broadcast_in_dim3A_69 : vector<16xi1>, vector<16xi32>
    %shift_right_arithmetic3A_71 = arith.constant 7 : i32
    %shift_right_arithmetic3A_72 = vector.broadcast %shift_right_arithmetic3A_71 : i32 to vector<16xi32>
    %shift_right_arithmetic3A_73 = arith.shrsi %select_n3A_70, %shift_right_arithmetic3A_72 : vector<16xi32>
    %eq3A_74 = arith.cmpi eq, %shift_right_arithmetic3A_23, %shift_right_arithmetic3A_73 : vector<16xi32>
    %ge3A_75 = arith.constant 3 : i32
    %ge3A_76 = vector.broadcast %ge3A_75 : i32 to vector<16xi32>
    %ge3A_77 = arith.cmpi sge, %and3A_6, %ge3A_76 : vector<16xi32>
    %and3A_78 = arith.andi %eq3A_74, %ge3A_77 : vector<16xi1>
    %jit3A_79 = arith.constant 3 : i32
    %broadcast_in_dim3A_80 = vector.broadcast %jit3A_79 : i32 to vector<16xi32>
    %select_n3A_81 = arith.select %and3A_78, %broadcast_in_dim3A_80, %select_n3A_62 : vector<16xi1>, vector<16xi32>
    %get3A_82 = arith.constant 4 : index
    %get3A_83 = tpu.vector_load %arg5[%get3A_82] {strides = array<i32>} : memref<1032xi32, #tpu.memory_space<vmem>>, vector<16xi32>,
    %ge3A_84 = arith.constant 0 : i32
    %ge3A_85 = vector.broadcast %ge3A_84 : i32 to vector<16xi32>
    %ge3A_86 = arith.cmpi sge, %get3A_83, %ge3A_85 : vector<16xi32>
    %jit3A_87 = arith.constant 0 : i32
    %broadcast_in_dim3A_88 = vector.broadcast %jit3A_87 : i32 to vector<16xi32>
    %select_n3A_89 = arith.select %ge3A_86, %get3A_83, %broadcast_in_dim3A_88 : vector<16xi1>, vector<16xi32>
    %shift_right_arithmetic3A_90 = arith.constant 7 : i32
    %shift_right_arithmetic3A_91 = vector.broadcast %shift_right_arithmetic3A_90 : i32 to vector<16xi32>
    %shift_right_arithmetic3A_92 = arith.shrsi %select_n3A_89, %shift_right_arithmetic3A_91 : vector<16xi32>
    %eq3A_93 = arith.cmpi eq, %shift_right_arithmetic3A_23, %shift_right_arithmetic3A_92 : vector<16xi32>
    %ge3A_94 = arith.constant 4 : i32
    %ge3A_95 = vector.broadcast %ge3A_94 : i32 to vector<16xi32>
    %ge3A_96 = arith.cmpi sge, %and3A_6, %ge3A_95 : vector<16xi32>
    %and3A_97 = arith.andi %eq3A_93, %ge3A_96 : vector<16xi1>
    %jit3A_98 = arith.constant 4 : i32
    %broadcast_in_dim3A_99 = vector.broadcast %jit3A_98 : i32 to vector<16xi32>
    %select_n3A_100 = arith.select %and3A_97, %broadcast_in_dim3A_99, %select_n3A_81 : vector<16xi1>, vector<16xi32>
    %get3A_101 = arith.constant 3 : index
    %get3A_102 = tpu.vector_load %arg5[%get3A_101] {strides = array<i32>} : memref<1032xi32, #tpu.memory_space<vmem>>, vector<16xi32>,
    %ge3A_103 = arith.constant 0 : i32
    %ge3A_104 = vector.broadcast %ge3A_103 : i32 to vector<16xi32>
    %ge3A_105 = arith.cmpi sge, %get3A_102, %ge3A_104 : vector<16xi32>
    %jit3A_106 = arith.constant 0 : i32
    %broadcast_in_dim3A_107 = vector.broadcast %jit3A_106 : i32 to vector<16xi32>
    %select_n3A_108 = arith.select %ge3A_105, %get3A_102, %broadcast_in_dim3A_107 : vector<16xi1>, vector<16xi32>
    %shift_right_arithmetic3A_109 = arith.constant 7 : i32
    %shift_right_arithmetic3A_110 = vector.broadcast %shift_right_arithmetic3A_109 : i32 to vector<16xi32>
    %shift_right_arithmetic3A_111 = arith.shrsi %select_n3A_108, %shift_right_arithmetic3A_110 : vector<16xi32>
    %eq3A_112 = arith.cmpi eq, %shift_right_arithmetic3A_23, %shift_right_arithmetic3A_111 : vector<16xi32>
    %ge3A_113 = arith.constant 5 : i32
    %ge3A_114 = vector.broadcast %ge3A_113 : i32 to vector<16xi32>
    %ge3A_115 = arith.cmpi sge, %and3A_6, %ge3A_114 : vector<16xi32>
    %and3A_116 = arith.andi %eq3A_112, %ge3A_115 : vector<16xi1>
    %jit3A_117 = arith.constant 5 : i32
    %broadcast_in_dim3A_118 = vector.broadcast %jit3A_117 : i32 to vector<16xi32>
    %select_n3A_119 = arith.select %and3A_116, %broadcast_in_dim3A_118, %select_n3A_100 : vector<16xi1>, vector<16xi32>
    %get3A_120 = arith.constant 2 : index
    %get3A_121 = tpu.vector_load %arg5[%get3A_120] {strides = array<i32>} : memref<1032xi32, #tpu.memory_space<vmem>>, vector<16xi32>,
    %ge3A_122 = arith.constant 0 : i32
    %ge3A_123 = vector.broadcast %ge3A_122 : i32 to vector<16xi32>
    %ge3A_124 = arith.cmpi sge, %get3A_121, %ge3A_123 : vector<16xi32>
    %jit3A_125 = arith.constant 0 : i32
    %broadcast_in_dim3A_126 = vector.broadcast %jit3A_125 : i32 to vector<16xi32>
    %select_n3A_127 = arith.select %ge3A_124, %get3A_121, %broadcast_in_dim3A_126 : vector<16xi1>, vector<16xi32>
    %shift_right_arithmetic3A_128 = arith.constant 7 : i32
    %shift_right_arithmetic3A_129 = vector.broadcast %shift_right_arithmetic3A_128 : i32 to vector<16xi32>
    %shift_right_arithmetic3A_130 = arith.shrsi %select_n3A_127, %shift_right_arithmetic3A_129 : vector<16xi32>
    %eq3A_131 = arith.cmpi eq, %shift_right_arithmetic3A_23, %shift_right_arithmetic3A_130 : vector<16xi32>
    %ge3A_132 = arith.constant 6 : i32
    %ge3A_133 = vector.broadcast %ge3A_132 : i32 to vector<16xi32>
    %ge3A_134 = arith.cmpi sge, %and3A_6, %ge3A_133 : vector<16xi32>
    %and3A_135 = arith.andi %eq3A_131, %ge3A_134 : vector<16xi1>
    %jit3A_136 = arith.constant 6 : i32
    %broadcast_in_dim3A_137 = vector.broadcast %jit3A_136 : i32 to vector<16xi32>
    %select_n3A_138 = arith.select %and3A_135, %broadcast_in_dim3A_137, %select_n3A_119 : vector<16xi1>, vector<16xi32>
    %get3A_139 = arith.constant 1 : index
    %get3A_140 = tpu.vector_load %arg5[%get3A_139] {strides = array<i32>} : memref<1032xi32, #tpu.memory_space<vmem>>, vector<16xi32>,
    %ge3A_141 = arith.constant 0 : i32
    %ge3A_142 = vector.broadcast %ge3A_141 : i32 to vector<16xi32>
    %ge3A_143 = arith.cmpi sge, %get3A_140, %ge3A_142 : vector<16xi32>
    %jit3A_144 = arith.constant 0 : i32
    %broadcast_in_dim3A_145 = vector.broadcast %jit3A_144 : i32 to vector<16xi32>
    %select_n3A_146 = arith.select %ge3A_143, %get3A_140, %broadcast_in_dim3A_145 : vector<16xi1>, vector<16xi32>
    %shift_right_arithmetic3A_147 = arith.constant 7 : i32
    %shift_right_arithmetic3A_148 = vector.broadcast %shift_right_arithmetic3A_147 : i32 to vector<16xi32>
    %shift_right_arithmetic3A_149 = arith.shrsi %select_n3A_146, %shift_right_arithmetic3A_148 : vector<16xi32>
    %eq3A_150 = arith.cmpi eq, %shift_right_arithmetic3A_23, %shift_right_arithmetic3A_149 : vector<16xi32>
    %ge3A_151 = arith.constant 7 : i32
    %ge3A_152 = vector.broadcast %ge3A_151 : i32 to vector<16xi32>
    %ge3A_153 = arith.cmpi sge, %and3A_6, %ge3A_152 : vector<16xi32>
    %and3A_154 = arith.andi %eq3A_150, %ge3A_153 : vector<16xi1>
    %jit3A_155 = arith.constant 7 : i32
    %broadcast_in_dim3A_156 = vector.broadcast %jit3A_155 : i32 to vector<16xi32>
    %select_n3A_157 = arith.select %and3A_154, %broadcast_in_dim3A_156, %select_n3A_138 : vector<16xi1>, vector<16xi32>
    %eq3A_158 = arith.constant 0 : i32
    %eq3A_159 = vector.broadcast %eq3A_158 : i32 to vector<16xi32>
    %eq3A_160 = arith.cmpi eq, %select_n3A_157, %eq3A_159 : vector<16xi32>
    %all_reduce_population_count3A = tpu.all_reduce %eq3A_160 {dim = 0 : i64, kind = #tpu.reduction_kind<sum>} : vector<16xi1> -> vector<16xi32>
    %slice3A = vector.extract_strided_slice %all_reduce_population_count3A {offsets = [0], sizes = [1], strides = [1]} : vector<16xi32> to vector<1xi32>
    %squeeze3A = vector.extract %slice3A[0] : i32 from vector<1xi32>
    %add3A_161 = arith.constant 0 : i32
    %add3A_162 = arith.addi %add3A_161, %squeeze3A : i32
    %slice3A_163 = vector.extract_strided_slice %select_n3A_157 {offsets = [0], sizes = [1], strides = [1]} : vector<16xi32> to vector<1xi32>
    %squeeze3A_164 = vector.extract %slice3A_163[0] : i32 from vector<1xi32>
    %eq3A_165 = arith.constant 0 : i32
    %eq3A_166 = arith.cmpi eq, %squeeze3A_164, %eq3A_165 : i32
    %convert_element_type3A = arith.extui %eq3A_166 : i1 to i32
    %cond3A = arith.constant 0 : i32
    %cond3A_167 = arith.cmpi ne, %convert_element_type3A, %cond3A : i32
    scf.if %cond3A_167 {
      %add3A_959 = arith.constant 0 : i32
      %add3A_960 = arith.addi %mul3A_2, %add3A_959 : i32
      %add3A_961 = arith.constant 0 : i32
      %add3A_962 = arith.addi %add3A_960, %add3A_961 : i32
      %shift_right_arithmetic3A_963 = arith.constant 3 : i32
      %shift_right_arithmetic3A_964 = arith.shrsi %add3A_962, %shift_right_arithmetic3A_963 : i32
      %shift_left3A = arith.constant 3 : i32
      %shift_left3A_965 = arith.shli %shift_right_arithmetic3A_964, %shift_left3A : i32
      %multiple_of3A = tpu.assume_multiple %shift_left3A_965, 8 : i32
      %slice3A_966 = vector.extract_strided_slice %shift_right_arithmetic3A_12 {offsets = [0], sizes = [1], strides = [1]} : vector<16xi32> to vector<1xi32>
      %squeeze3A_967 = vector.extract %slice3A_966[0] : i32 from vector<1xi32>
      %shift_left3A_968 = arith.constant 7 : i32
      %shift_left3A_969 = arith.shli %squeeze3A_967, %shift_left3A_968 : i32
      %multiple_of3A_970 = tpu.assume_multiple %shift_left3A_969, 128 : i32
      %dma_start3A = arith.constant 0 : i32
      %dma_start3A_971 = arith.constant 0 : i32
      %dma_start3A_972 = arith.constant 0 : i32
      %dma_start3A_973 = arith.constant 0 : i32
      %dma_start3A_974 = tpu.memref_slice %arg6[%dma_start3A, %dma_start3A_971, %dma_start3A_972, %dma_start3A_973] : memref<2x32x8x128xf32, #tpu.memory_space<vmem>> -> memref<1x1x8x128xf32, #tpu.memory_space<vmem>>
      %dma_start3A_975 = tpu.memref_squeeze %dma_start3A_974 : memref<1x1x8x128xf32, #tpu.memory_space<vmem>> -> memref<8x128xf32, #tpu.memory_space<vmem>>
      %dma_start3A_976 = tpu.memref_slice %arg2[%multiple_of3A, %multiple_of3A_970] : memref<32768x2048xf32, #tpu.memory_space<hbm>> -> memref<8x128xf32, #tpu.memory_space<hbm>>
      %dma_start3A_977 = arith.constant 0 : i32
      %dma_start3A_978 = arith.constant 0 : i32
      %dma_start3A_979 = tpu.memref_slice %arg6[%dma_start3A, %dma_start3A_971, %dma_start3A_977, %dma_start3A_978] : memref<2x32x8x128xf32, #tpu.memory_space<vmem>> -> memref<1x1x8x128xf32, #tpu.memory_space<vmem>>
      %dma_start3A_980 = tpu.memref_squeeze %dma_start3A_979 : memref<1x1x8x128xf32, #tpu.memory_space<vmem>> -> memref<8x128xf32, #tpu.memory_space<vmem>>
      %dma_start3A_981 = tpu.memref_slice %arg2[%multiple_of3A, %multiple_of3A_970] : memref<32768x2048xf32, #tpu.memory_space<hbm>> -> memref<8x128xf32, #tpu.memory_space<hbm>>
      tpu.enqueue_dma source(%dma_start3A_981 : memref<8x128xf32, #tpu.memory_space<hbm>>) target(%dma_start3A_980 : memref<8x128xf32, #tpu.memory_space<vmem>>) target_semaphore(%arg8 : memref<!tpu.dma_semaphore, #tpu.memory_space<semaphore_mem>>)
    } else {
    }
    %slice3A_168 = vector.extract_strided_slice %select_n3A_157 {offsets = [1], sizes = [1], strides = [1]} : vector<16xi32> to vector<1xi32>
    %squeeze3A_169 = vector.extract %slice3A_168[0] : i32 from vector<1xi32>
    %eq3A_170 = arith.constant 0 : i32
    %eq3A_171 = arith.cmpi eq, %squeeze3A_169, %eq3A_170 : i32
    %convert_element_type3A_172 = arith.extui %eq3A_171 : i1 to i32
    %cond3A_173 = arith.constant 0 : i32
    %cond3A_174 = arith.cmpi ne, %convert_element_type3A_172, %cond3A_173 : i32
    scf.if %cond3A_174 {
      %add3A_959 = arith.constant 0 : i32
      %add3A_960 = arith.addi %mul3A_2, %add3A_959 : i32
      %add3A_961 = arith.constant 1 : i32
      %add3A_962 = arith.addi %add3A_960, %add3A_961 : i32
      %shift_right_arithmetic3A_963 = arith.constant 3 : i32
      %shift_right_arithmetic3A_964 = arith.shrsi %add3A_962, %shift_right_arithmetic3A_963 : i32
      %shift_left3A = arith.constant 3 : i32
      %shift_left3A_965 = arith.shli %shift_right_arithmetic3A_964, %shift_left3A : i32
      %multiple_of3A = tpu.assume_multiple %shift_left3A_965, 8 : i32
      %slice3A_966 = vector.extract_strided_slice %shift_right_arithmetic3A_12 {offsets = [1], sizes = [1], strides = [1]} : vector<16xi32> to vector<1xi32>
      %squeeze3A_967 = vector.extract %slice3A_966[0] : i32 from vector<1xi32>
      %shift_left3A_968 = arith.constant 7 : i32
      %shift_left3A_969 = arith.shli %squeeze3A_967, %shift_left3A_968 : i32
      %multiple_of3A_970 = tpu.assume_multiple %shift_left3A_969, 128 : i32
      %dma_start3A = arith.constant 0 : i32
      %dma_start3A_971 = arith.constant 1 : i32
      %dma_start3A_972 = arith.constant 0 : i32
      %dma_start3A_973 = arith.constant 0 : i32
      %dma_start3A_974 = tpu.memref_slice %arg6[%dma_start3A, %dma_start3A_971, %dma_start3A_972, %dma_start3A_973] : memref<2x32x8x128xf32, #tpu.memory_space<vmem>> -> memref<1x1x8x128xf32, #tpu.memory_space<vmem>>
      %dma_start3A_975 = tpu.memref_squeeze %dma_start3A_974 : memref<1x1x8x128xf32, #tpu.memory_space<vmem>> -> memref<8x128xf32, #tpu.memory_space<vmem>>
      %dma_start3A_976 = tpu.memref_slice %arg2[%multiple_of3A, %multiple_of3A_970] : memref<32768x2048xf32, #tpu.memory_space<hbm>> -> memref<8x128xf32, #tpu.memory_space<hbm>>
      %dma_start3A_977 = arith.constant 0 : i32
      %dma_start3A_978 = arith.constant 0 : i32
      %dma_start3A_979 = tpu.memref_slice %arg6[%dma_start3A, %dma_start3A_971, %dma_start3A_977, %dma_start3A_978] : memref<2x32x8x128xf32, #tpu.memory_space<vmem>> -> memref<1x1x8x128xf32, #tpu.memory_space<vmem>>
      %dma_start3A_980 = tpu.memref_squeeze %dma_start3A_979 : memref<1x1x8x128xf32, #tpu.memory_space<vmem>> -> memref<8x128xf32, #tpu.memory_space<vmem>>
      %dma_start3A_981 = tpu.memref_slice %arg2[%multiple_of3A, %multiple_of3A_970] : memref<32768x2048xf32, #tpu.memory_space<hbm>> -> memref<8x128xf32, #tpu.memory_space<hbm>>
      tpu.enqueue_dma source(%dma_start3A_981 : memref<8x128xf32, #tpu.memory_space<hbm>>) target(%dma_start3A_980 : memref<8x128xf32, #tpu.memory_space<vmem>>) target_semaphore(%arg8 : memref<!tpu.dma_semaphore, #tpu.memory_space<semaphore_mem>>)
    } else {
    }
    %slice3A_175 = vector.extract_strided_slice %select_n3A_157 {offsets = [2], sizes = [1], strides = [1]} : vector<16xi32> to vector<1xi32>
    %squeeze3A_176 = vector.extract %slice3A_175[0] : i32 from vector<1xi32>
    %eq3A_177 = arith.constant 0 : i32
    %eq3A_178 = arith.cmpi eq, %squeeze3A_176, %eq3A_177 : i32
    %convert_element_type3A_179 = arith.extui %eq3A_178 : i1 to i32
    %cond3A_180 = arith.constant 0 : i32
    %cond3A_181 = arith.cmpi ne, %convert_element_type3A_179, %cond3A_180 : i32
    scf.if %cond3A_181 {
      %add3A_959 = arith.constant 0 : i32
      %add3A_960 = arith.addi %mul3A_2, %add3A_959 : i32
      %add3A_961 = arith.constant 2 : i32
      %add3A_962 = arith.addi %add3A_960, %add3A_961 : i32
      %shift_right_arithmetic3A_963 = arith.constant 3 : i32
      %shift_right_arithmetic3A_964 = arith.shrsi %add3A_962, %shift_right_arithmetic3A_963 : i32
      %shift_left3A = arith.constant 3 : i32
      %shift_left3A_965 = arith.shli %shift_right_arithmetic3A_964, %shift_left3A : i32
      %multiple_of3A = tpu.assume_multiple %shift_left3A_965, 8 : i32
      %slice3A_966 = vector.extract_strided_slice %shift_right_arithmetic3A_12 {offsets = [2], sizes = [1], strides = [1]} : vector<16xi32> to vector<1xi32>
      %squeeze3A_967 = vector.extract %slice3A_966[0] : i32 from vector<1xi32>
      %shift_left3A_968 = arith.constant 7 : i32
      %shift_left3A_969 = arith.shli %squeeze3A_967, %shift_left3A_968 : i32
      %multiple_of3A_970 = tpu.assume_multiple %shift_left3A_969, 128 : i32
      %dma_start3A = arith.constant 0 : i32
      %dma_start3A_971 = arith.constant 2 : i32
      %dma_start3A_972 = arith.constant 0 : i32
      %dma_start3A_973 = arith.constant 0 : i32
      %dma_start3A_974 = tpu.memref_slice %arg6[%dma_start3A, %dma_start3A_971, %dma_start3A_972, %dma_start3A_973] : memref<2x32x8x128xf32, #tpu.memory_space<vmem>> -> memref<1x1x8x128xf32, #tpu.memory_space<vmem>>
      %dma_start3A_975 = tpu.memref_squeeze %dma_start3A_974 : memref<1x1x8x128xf32, #tpu.memory_space<vmem>> -> memref<8x128xf32, #tpu.memory_space<vmem>>
      %dma_start3A_976 = tpu.memref_slice %arg2[%multiple_of3A, %multiple_of3A_970] : memref<32768x2048xf32, #tpu.memory_space<hbm>> -> memref<8x128xf32, #tpu.memory_space<hbm>>
      %dma_start3A_977 = arith.constant 0 : i32
      %dma_start3A_978 = arith.constant 0 : i32
      %dma_start3A_979 = tpu.memref_slice %arg6[%dma_start3A, %dma_start3A_971, %dma_start3A_977, %dma_start3A_978] : memref<2x32x8x128xf32, #tpu.memory_space<vmem>> -> memref<1x1x8x128xf32, #tpu.memory_space<vmem>>
      %dma_start3A_980 = tpu.memref_squeeze %dma_start3A_979 : memref<1x1x8x128xf32, #tpu.memory_space<vmem>> -> memref<8x128xf32, #tpu.memory_space<vmem>>
      %dma_start3A_981 = tpu.memref_slice %arg2[%multiple_of3A, %multiple_of3A_970] : memref<32768x2048xf32, #tpu.memory_space<hbm>> -> memref<8x128xf32, #tpu.memory_space<hbm>>
      tpu.enqueue_dma source(%dma_start3A_981 : memref<8x128xf32, #tpu.memory_space<hbm>>) target(%dma_start3A_980 : memref<8x128xf32, #tpu.memory_space<vmem>>) target_semaphore(%arg8 : memref<!tpu.dma_semaphore, #tpu.memory_space<semaphore_mem>>)
    } else {
    }
    %slice3A_182 = vector.extract_strided_slice %select_n3A_157 {offsets = [3], sizes = [1], strides = [1]} : vector<16xi32> to vector<1xi32>
    %squeeze3A_183 = vector.extract %slice3A_182[0] : i32 from vector<1xi32>
    %eq3A_184 = arith.constant 0 : i32
    %eq3A_185 = arith.cmpi eq, %squeeze3A_183, %eq3A_184 : i32
    %convert_element_type3A_186 = arith.extui %eq3A_185 : i1 to i32
    %cond3A_187 = arith.constant 0 : i32
    %cond3A_188 = arith.cmpi ne, %convert_element_type3A_186, %cond3A_187 : i32
    scf.if %cond3A_188 {
      %add3A_959 = arith.constant 0 : i32
      %add3A_960 = arith.addi %mul3A_2, %add3A_959 : i32
      %add3A_961 = arith.constant 3 : i32
      %add3A_962 = arith.addi %add3A_960, %add3A_961 : i32
      %shift_right_arithmetic3A_963 = arith.constant 3 : i32
      %shift_right_arithmetic3A_964 = arith.shrsi %add3A_962, %shift_right_arithmetic3A_963 : i32
      %shift_left3A = arith.constant 3 : i32
      %shift_left3A_965 = arith.shli %shift_right_arithmetic3A_964, %shift_left3A : i32
      %multiple_of3A = tpu.assume_multiple %shift_left3A_965, 8 : i32
      %slice3A_966 = vector.extract_strided_slice %shift_right_arithmetic3A_12 {offsets = [3], sizes = [1], strides = [1]} : vector<16xi32> to vector<1xi32>
      %squeeze3A_967 = vector.extract %slice3A_966[0] : i32 from vector<1xi32>
      %shift_left3A_968 = arith.constant 7 : i32
      %shift_left3A_969 = arith.shli %squeeze3A_967, %shift_left3A_968 : i32
      %multiple_of3A_970 = tpu.assume_multiple %shift_left3A_969, 128 : i32
      %dma_start3A = arith.constant 0 : i32
      %dma_start3A_971 = arith.constant 3 : i32
      %dma_start3A_972 = arith.constant 0 : i32
      %dma_start3A_973 = arith.constant 0 : i32
      %dma_start3A_974 = tpu.memref_slice %arg6[%dma_start3A, %dma_start3A_971, %dma_start3A_972, %dma_start3A_973] : memref<2x32x8x128xf32, #tpu.memory_space<vmem>> -> memref<1x1x8x128xf32, #tpu.memory_space<vmem>>
      %dma_start3A_975 = tpu.memref_squeeze %dma_start3A_974 : memref<1x1x8x128xf32, #tpu.memory_space<vmem>> -> memref<8x128xf32, #tpu.memory_space<vmem>>
      %dma_start3A_976 = tpu.memref_slice %arg2[%multiple_of3A, %multiple_of3A_970] : memref<32768x2048xf32, #tpu.memory_space<hbm>> -> memref<8x128xf32, #tpu.memory_space<hbm>>
      %dma_start3A_977 = arith.constant 0 : i32
      %dma_start3A_978 = arith.constant 0 : i32
      %dma_start3A_979 = tpu.memref_slice %arg6[%dma_start3A, %dma_start3A_971, %dma_start3A_977, %dma_start3A_978] : memref<2x32x8x128xf32, #tpu.memory_space<vmem>> -> memref<1x1x8x128xf32, #tpu.memory_space<vmem>>
      %dma_start3A_980 = tpu.memref_squeeze %dma_start3A_979 : memref<1x1x8x128xf32, #tpu.memory_space<vmem>> -> memref<8x128xf32, #tpu.memory_space<vmem>>
      %dma_start3A_981 = tpu.memref_slice %arg2[%multiple_of3A, %multiple_of3A_970] : memref<32768x2048xf32, #tpu.memory_space<hbm>> -> memref<8x128xf32, #tpu.memory_space<hbm>>
      tpu.enqueue_dma source(%dma_start3A_981 : memref<8x128xf32, #tpu.memory_space<hbm>>) target(%dma_start3A_980 : memref<8x128xf32, #tpu.memory_space<vmem>>) target_semaphore(%arg8 : memref<!tpu.dma_semaphore, #tpu.memory_space<semaphore_mem>>)
    } else {
    }
    %slice3A_189 = vector.extract_strided_slice %select_n3A_157 {offsets = [4], sizes = [1], strides = [1]} : vector<16xi32> to vector<1xi32>
    %squeeze3A_190 = vector.extract %slice3A_189[0] : i32 from vector<1xi32>
    %eq3A_191 = arith.constant 0 : i32
    %eq3A_192 = arith.cmpi eq, %squeeze3A_190, %eq3A_191 : i32
    %convert_element_type3A_193 = arith.extui %eq3A_192 : i1 to i32
    %cond3A_194 = arith.constant 0 : i32
    %cond3A_195 = arith.cmpi ne, %convert_element_type3A_193, %cond3A_194 : i32
    scf.if %cond3A_195 {
      %add3A_959 = arith.constant 0 : i32
      %add3A_960 = arith.addi %mul3A_2, %add3A_959 : i32
      %add3A_961 = arith.constant 4 : i32
      %add3A_962 = arith.addi %add3A_960, %add3A_961 : i32
      %shift_right_arithmetic3A_963 = arith.constant 3 : i32
      %shift_right_arithmetic3A_964 = arith.shrsi %add3A_962, %shift_right_arithmetic3A_963 : i32
      %shift_left3A = arith.constant 3 : i32
      %shift_left3A_965 = arith.shli %shift_right_arithmetic3A_964, %shift_left3A : i32
      %multiple_of3A = tpu.assume_multiple %shift_left3A_965, 8 : i32
      %slice3A_966 = vector.extract_strided_slice %shift_right_arithmetic3A_12 {offsets = [4], sizes = [1], strides = [1]} : vector<16xi32> to vector<1xi32>
      %squeeze3A_967 = vector.extract %slice3A_966[0] : i32 from vector<1xi32>
      %shift_left3A_968 = arith.constant 7 : i32
      %shift_left3A_969 = arith.shli %squeeze3A_967, %shift_left3A_968 : i32
      %multiple_of3A_970 = tpu.assume_multiple %shift_left3A_969, 128 : i32
      %dma_start3A = arith.constant 0 : i32
      %dma_start3A_971 = arith.constant 4 : i32
      %dma_start3A_972 = arith.constant 0 : i32
      %dma_start3A_973 = arith.constant 0 : i32
      %dma_start3A_974 = tpu.memref_slice %arg6[%dma_start3A, %dma_start3A_971, %dma_start3A_972, %dma_start3A_973] : memref<2x32x8x128xf32, #tpu.memory_space<vmem>> -> memref<1x1x8x128xf32, #tpu.memory_space<vmem>>
      %dma_start3A_975 = tpu.memref_squeeze %dma_start3A_974 : memref<1x1x8x128xf32, #tpu.memory_space<vmem>> -> memref<8x128xf32, #tpu.memory_space<vmem>>
      %dma_start3A_976 = tpu.memref_slice %arg2[%multiple_of3A, %multiple_of3A_970] : memref<32768x2048xf32, #tpu.memory_space<hbm>> -> memref<8x128xf32, #tpu.memory_space<hbm>>
      %dma_start3A_977 = arith.constant 0 : i32
      %dma_start3A_978 = arith.constant 0 : i32
      %dma_start3A_979 = tpu.memref_slice %arg6[%dma_start3A, %dma_start3A_971, %dma_start3A_977, %dma_start3A_978] : memref<2x32x8x128xf32, #tpu.memory_space<vmem>> -> memref<1x1x8x128xf32, #tpu.memory_space<vmem>>
      %dma_start3A_980 = tpu.memref_squeeze %dma_start3A_979 : memref<1x1x8x128xf32, #tpu.memory_space<vmem>> -> memref<8x128xf32, #tpu.memory_space<vmem>>
      %dma_start3A_981 = tpu.memref_slice %arg2[%multiple_of3A, %multiple_of3A_970] : memref<32768x2048xf32, #tpu.memory_space<hbm>> -> memref<8x128xf32, #tpu.memory_space<hbm>>
      tpu.enqueue_dma source(%dma_start3A_981 : memref<8x128xf32, #tpu.memory_space<hbm>>) target(%dma_start3A_980 : memref<8x128xf32, #tpu.memory_space<vmem>>) target_semaphore(%arg8 : memref<!tpu.dma_semaphore, #tpu.memory_space<semaphore_mem>>)
    } else {
    }
    %slice3A_196 = vector.extract_strided_slice %select_n3A_157 {offsets = [5], sizes = [1], strides = [1]} : vector<16xi32> to vector<1xi32>
    %squeeze3A_197 = vector.extract %slice3A_196[0] : i32 from vector<1xi32>
    %eq3A_198 = arith.constant 0 : i32
    %eq3A_199 = arith.cmpi eq, %squeeze3A_197, %eq3A_198 : i32
    %convert_element_type3A_200 = arith.extui %eq3A_199 : i1 to i32
    %cond3A_201 = arith.constant 0 : i32
    %cond3A_202 = arith.cmpi ne, %convert_element_type3A_200, %cond3A_201 : i32
    scf.if %cond3A_202 {
      %add3A_959 = arith.constant 0 : i32
      %add3A_960 = arith.addi %mul3A_2, %add3A_959 : i32
      %add3A_961 = arith.constant 5 : i32
      %add3A_962 = arith.addi %add3A_960, %add3A_961 : i32
      %shift_right_arithmetic3A_963 = arith.constant 3 : i32
      %shift_right_arithmetic3A_964 = arith.shrsi %add3A_962, %shift_right_arithmetic3A_963 : i32
      %shift_left3A = arith.constant 3 : i32
      %shift_left3A_965 = arith.shli %shift_right_arithmetic3A_964, %shift_left3A : i32
      %multiple_of3A = tpu.assume_multiple %shift_left3A_965, 8 : i32
      %slice3A_966 = vector.extract_strided_slice %shift_right_arithmetic3A_12 {offsets = [5], sizes = [1], strides = [1]} : vector<16xi32> to vector<1xi32>
      %squeeze3A_967 = vector.extract %slice3A_966[0] : i32 from vector<1xi32>
      %shift_left3A_968 = arith.constant 7 : i32
      %shift_left3A_969 = arith.shli %squeeze3A_967, %shift_left3A_968 : i32
      %multiple_of3A_970 = tpu.assume_multiple %shift_left3A_969, 128 : i32
      %dma_start3A = arith.constant 0 : i32
      %dma_start3A_971 = arith.constant 5 : i32
      %dma_start3A_972 = arith.constant 0 : i32
      %dma_start3A_973 = arith.constant 0 : i32
      %dma_start3A_974 = tpu.memref_slice %arg6[%dma_start3A, %dma_start3A_971, %dma_start3A_972, %dma_start3A_973] : memref<2x32x8x128xf32, #tpu.memory_space<vmem>> -> memref<1x1x8x128xf32, #tpu.memory_space<vmem>>
      %dma_start3A_975 = tpu.memref_squeeze %dma_start3A_974 : memref<1x1x8x128xf32, #tpu.memory_space<vmem>> -> memref<8x128xf32, #tpu.memory_space<vmem>>
      %dma_start3A_976 = tpu.memref_slice %arg2[%multiple_of3A, %multiple_of3A_970] : memref<32768x2048xf32, #tpu.memory_space<hbm>> -> memref<8x128xf32, #tpu.memory_space<hbm>>
      %dma_start3A_977 = arith.constant 0 : i32
      %dma_start3A_978 = arith.constant 0 : i32
      %dma_start3A_979 = tpu.memref_slice %arg6[%dma_start3A, %dma_start3A_971, %dma_start3A_977, %dma_start3A_978] : memref<2x32x8x128xf32, #tpu.memory_space<vmem>> -> memref<1x1x8x128xf32, #tpu.memory_space<vmem>>
      %dma_start3A_980 = tpu.memref_squeeze %dma_start3A_979 : memref<1x1x8x128xf32, #tpu.memory_space<vmem>> -> memref<8x128xf32, #tpu.memory_space<vmem>>
      %dma_start3A_981 = tpu.memref_slice %arg2[%multiple_of3A, %multiple_of3A_970] : memref<32768x2048xf32, #tpu.memory_space<hbm>> -> memref<8x128xf32, #tpu.memory_space<hbm>>
      tpu.enqueue_dma source(%dma_start3A_981 : memref<8x128xf32, #tpu.memory_space<hbm>>) target(%dma_start3A_980 : memref<8x128xf32, #tpu.memory_space<vmem>>) target_semaphore(%arg8 : memref<!tpu.dma_semaphore, #tpu.memory_space<semaphore_mem>>)
    } else {
    }
    %slice3A_203 = vector.extract_strided_slice %select_n3A_157 {offsets = [6], sizes = [1], strides = [1]} : vector<16xi32> to vector<1xi32>
    %squeeze3A_204 = vector.extract %slice3A_203[0] : i32 from vector<1xi32>
    %eq3A_205 = arith.constant 0 : i32
    %eq3A_206 = arith.cmpi eq, %squeeze3A_204, %eq3A_205 : i32
    %convert_element_type3A_207 = arith.extui %eq3A_206 : i1 to i32
    %cond3A_208 = arith.constant 0 : i32
    %cond3A_209 = arith.cmpi ne, %convert_element_type3A_207, %cond3A_208 : i32
    scf.if %cond3A_209 {
      %add3A_959 = arith.constant 0 : i32
      %add3A_960 = arith.addi %mul3A_2, %add3A_959 : i32
      %add3A_961 = arith.constant 6 : i32
      %add3A_962 = arith.addi %add3A_960, %add3A_961 : i32
      %shift_right_arithmetic3A_963 = arith.constant 3 : i32
      %shift_right_arithmetic3A_964 = arith.shrsi %add3A_962, %shift_right_arithmetic3A_963 : i32
      %shift_left3A = arith.constant 3 : i32
      %shift_left3A_965 = arith.shli %shift_right_arithmetic3A_964, %shift_left3A : i32
      %multiple_of3A = tpu.assume_multiple %shift_left3A_965, 8 : i32
      %slice3A_966 = vector.extract_strided_slice %shift_right_arithmetic3A_12 {offsets = [6], sizes = [1], strides = [1]} : vector<16xi32> to vector<1xi32>
      %squeeze3A_967 = vector.extract %slice3A_966[0] : i32 from vector<1xi32>
      %shift_left3A_968 = arith.constant 7 : i32
      %shift_left3A_969 = arith.shli %squeeze3A_967, %shift_left3A_968 : i32
      %multiple_of3A_970 = tpu.assume_multiple %shift_left3A_969, 128 : i32
      %dma_start3A = arith.constant 0 : i32
      %dma_start3A_971 = arith.constant 6 : i32
      %dma_start3A_972 = arith.constant 0 : i32
      %dma_start3A_973 = arith.constant 0 : i32
      %dma_start3A_974 = tpu.memref_slice %arg6[%dma_start3A, %dma_start3A_971, %dma_start3A_972, %dma_start3A_973] : memref<2x32x8x128xf32, #tpu.memory_space<vmem>> -> memref<1x1x8x128xf32, #tpu.memory_space<vmem>>
      %dma_start3A_975 = tpu.memref_squeeze %dma_start3A_974 : memref<1x1x8x128xf32, #tpu.memory_space<vmem>> -> memref<8x128xf32, #tpu.memory_space<vmem>>
      %dma_start3A_976 = tpu.memref_slice %arg2[%multiple_of3A, %multiple_of3A_970] : memref<32768x2048xf32, #tpu.memory_space<hbm>> -> memref<8x128xf32, #tpu.memory_space<hbm>>
      %dma_start3A_977 = arith.constant 0 : i32
      %dma_start3A_978 = arith.constant 0 : i32
      %dma_start3A_979 = tpu.memref_slice %arg6[%dma_start3A, %dma_start3A_971, %dma_start3A_977, %dma_start3A_978] : memref<2x32x8x128xf32, #tpu.memory_space<vmem>> -> memref<1x1x8x128xf32, #tpu.memory_space<vmem>>
      %dma_start3A_980 = tpu.memref_squeeze %dma_start3A_979 : memref<1x1x8x128xf32, #tpu.memory_space<vmem>> -> memref<8x128xf32, #tpu.memory_space<vmem>>
      %dma_start3A_981 = tpu.memref_slice %arg2[%multiple_of3A, %multiple_of3A_970] : memref<32768x2048xf32, #tpu.memory_space<hbm>> -> memref<8x128xf32, #tpu.memory_space<hbm>>
      tpu.enqueue_dma source(%dma_start3A_981 : memref<8x128xf32, #tpu.memory_space<hbm>>) target(%dma_start3A_980 : memref<8x128xf32, #tpu.memory_space<vmem>>) target_semaphore(%arg8 : memref<!tpu.dma_semaphore, #tpu.memory_space<semaphore_mem>>)
    } else {
    }
    %slice3A_210 = vector.extract_strided_slice %select_n3A_157 {offsets = [7], sizes = [1], strides = [1]} : vector<16xi32> to vector<1xi32>
    %squeeze3A_211 = vector.extract %slice3A_210[0] : i32 from vector<1xi32>
    %eq3A_212 = arith.constant 0 : i32
    %eq3A_213 = arith.cmpi eq, %squeeze3A_211, %eq3A_212 : i32
    %convert_element_type3A_214 = arith.extui %eq3A_213 : i1 to i32
    %cond3A_215 = arith.constant 0 : i32
    %cond3A_216 = arith.cmpi ne, %convert_element_type3A_214, %cond3A_215 : i32
    scf.if %cond3A_216 {
      %add3A_959 = arith.constant 0 : i32
      %add3A_960 = arith.addi %mul3A_2, %add3A_959 : i32
      %add3A_961 = arith.constant 7 : i32
      %add3A_962 = arith.addi %add3A_960, %add3A_961 : i32
      %shift_right_arithmetic3A_963 = arith.constant 3 : i32
      %shift_right_arithmetic3A_964 = arith.shrsi %add3A_962, %shift_right_arithmetic3A_963 : i32
      %shift_left3A = arith.constant 3 : i32
      %shift_left3A_965 = arith.shli %shift_right_arithmetic3A_964, %shift_left3A : i32
      %multiple_of3A = tpu.assume_multiple %shift_left3A_965, 8 : i32
      %slice3A_966 = vector.extract_strided_slice %shift_right_arithmetic3A_12 {offsets = [7], sizes = [1], strides = [1]} : vector<16xi32> to vector<1xi32>
      %squeeze3A_967 = vector.extract %slice3A_966[0] : i32 from vector<1xi32>
      %shift_left3A_968 = arith.constant 7 : i32
      %shift_left3A_969 = arith.shli %squeeze3A_967, %shift_left3A_968 : i32
      %multiple_of3A_970 = tpu.assume_multiple %shift_left3A_969, 128 : i32
      %dma_start3A = arith.constant 0 : i32
      %dma_start3A_971 = arith.constant 7 : i32
      %dma_start3A_972 = arith.constant 0 : i32
      %dma_start3A_973 = arith.constant 0 : i32
      %dma_start3A_974 = tpu.memref_slice %arg6[%dma_start3A, %dma_start3A_971, %dma_start3A_972, %dma_start3A_973] : memref<2x32x8x128xf32, #tpu.memory_space<vmem>> -> memref<1x1x8x128xf32, #tpu.memory_space<vmem>>
      %dma_start3A_975 = tpu.memref_squeeze %dma_start3A_974 : memref<1x1x8x128xf32, #tpu.memory_space<vmem>> -> memref<8x128xf32, #tpu.memory_space<vmem>>
      %dma_start3A_976 = tpu.memref_slice %arg2[%multiple_of3A, %multiple_of3A_970] : memref<32768x2048xf32, #tpu.memory_space<hbm>> -> memref<8x128xf32, #tpu.memory_space<hbm>>
      %dma_start3A_977 = arith.constant 0 : i32
      %dma_start3A_978 = arith.constant 0 : i32
      %dma_start3A_979 = tpu.memref_slice %arg6[%dma_start3A, %dma_start3A_971, %dma_start3A_977, %dma_start3A_978] : memref<2x32x8x128xf32, #tpu.memory_space<vmem>> -> memref<1x1x8x128xf32, #tpu.memory_space<vmem>>
      %dma_start3A_980 = tpu.memref_squeeze %dma_start3A_979 : memref<1x1x8x128xf32, #tpu.memory_space<vmem>> -> memref<8x128xf32, #tpu.memory_space<vmem>>
      %dma_start3A_981 = tpu.memref_slice %arg2[%multiple_of3A, %multiple_of3A_970] : memref<32768x2048xf32, #tpu.memory_space<hbm>> -> memref<8x128xf32, #tpu.memory_space<hbm>>
      tpu.enqueue_dma source(%dma_start3A_981 : memref<8x128xf32, #tpu.memory_space<hbm>>) target(%dma_start3A_980 : memref<8x128xf32, #tpu.memory_space<vmem>>) target_semaphore(%arg8 : memref<!tpu.dma_semaphore, #tpu.memory_space<semaphore_mem>>)
    } else {
    }
    %slice3A_217 = vector.extract_strided_slice %select_n3A_157 {offsets = [8], sizes = [1], strides = [1]} : vector<16xi32> to vector<1xi32>
    %squeeze3A_218 = vector.extract %slice3A_217[0] : i32 from vector<1xi32>
    %eq3A_219 = arith.constant 0 : i32
    %eq3A_220 = arith.cmpi eq, %squeeze3A_218, %eq3A_219 : i32
    %convert_element_type3A_221 = arith.extui %eq3A_220 : i1 to i32
    %cond3A_222 = arith.constant 0 : i32
    %cond3A_223 = arith.cmpi ne, %convert_element_type3A_221, %cond3A_222 : i32
    scf.if %cond3A_223 {
      %add3A_959 = arith.constant 0 : i32
      %add3A_960 = arith.addi %mul3A_2, %add3A_959 : i32
      %add3A_961 = arith.constant 8 : i32
      %add3A_962 = arith.addi %add3A_960, %add3A_961 : i32
      %shift_right_arithmetic3A_963 = arith.constant 3 : i32
      %shift_right_arithmetic3A_964 = arith.shrsi %add3A_962, %shift_right_arithmetic3A_963 : i32
      %shift_left3A = arith.constant 3 : i32
      %shift_left3A_965 = arith.shli %shift_right_arithmetic3A_964, %shift_left3A : i32
      %multiple_of3A = tpu.assume_multiple %shift_left3A_965, 8 : i32
      %slice3A_966 = vector.extract_strided_slice %shift_right_arithmetic3A_12 {offsets = [8], sizes = [1], strides = [1]} : vector<16xi32> to vector<1xi32>
      %squeeze3A_967 = vector.extract %slice3A_966[0] : i32 from vector<1xi32>
      %shift_left3A_968 = arith.constant 7 : i32
      %shift_left3A_969 = arith.shli %squeeze3A_967, %shift_left3A_968 : i32
      %multiple_of3A_970 = tpu.assume_multiple %shift_left3A_969, 128 : i32
      %dma_start3A = arith.constant 0 : i32
      %dma_start3A_971 = arith.constant 8 : i32
      %dma_start3A_972 = arith.constant 0 : i32
      %dma_start3A_973 = arith.constant 0 : i32
      %dma_start3A_974 = tpu.memref_slice %arg6[%dma_start3A, %dma_start3A_971, %dma_start3A_972, %dma_start3A_973] : memref<2x32x8x128xf32, #tpu.memory_space<vmem>> -> memref<1x1x8x128xf32, #tpu.memory_space<vmem>>
      %dma_start3A_975 = tpu.memref_squeeze %dma_start3A_974 : memref<1x1x8x128xf32, #tpu.memory_space<vmem>> -> memref<8x128xf32, #tpu.memory_space<vmem>>
      %dma_start3A_976 = tpu.memref_slice %arg2[%multiple_of3A, %multiple_of3A_970] : memref<32768x2048xf32, #tpu.memory_space<hbm>> -> memref<8x128xf32, #tpu.memory_space<hbm>>
      %dma_start3A_977 = arith.constant 0 : i32
      %dma_start3A_978 = arith.constant 0 : i32
      %dma_start3A_979 = tpu.memref_slice %arg6[%dma_start3A, %dma_start3A_971, %dma_start3A_977, %dma_start3A_978] : memref<2x32x8x128xf32, #tpu.memory_space<vmem>> -> memref<1x1x8x128xf32, #tpu.memory_space<vmem>>
      %dma_start3A_980 = tpu.memref_squeeze %dma_start3A_979 : memref<1x1x8x128xf32, #tpu.memory_space<vmem>> -> memref<8x128xf32, #tpu.memory_space<vmem>>
      %dma_start3A_981 = tpu.memref_slice %arg2[%multiple_of3A, %multiple_of3A_970] : memref<32768x2048xf32, #tpu.memory_space<hbm>> -> memref<8x128xf32, #tpu.memory_space<hbm>>
      tpu.enqueue_dma source(%dma_start3A_981 : memref<8x128xf32, #tpu.memory_space<hbm>>) target(%dma_start3A_980 : memref<8x128xf32, #tpu.memory_space<vmem>>) target_semaphore(%arg8 : memref<!tpu.dma_semaphore, #tpu.memory_space<semaphore_mem>>)
    } else {
    }
    %slice3A_224 = vector.extract_strided_slice %select_n3A_157 {offsets = [9], sizes = [1], strides = [1]} : vector<16xi32> to vector<1xi32>
    %squeeze3A_225 = vector.extract %slice3A_224[0] : i32 from vector<1xi32>
    %eq3A_226 = arith.constant 0 : i32
    %eq3A_227 = arith.cmpi eq, %squeeze3A_225, %eq3A_226 : i32
    %convert_element_type3A_228 = arith.extui %eq3A_227 : i1 to i32
    %cond3A_229 = arith.constant 0 : i32
    %cond3A_230 = arith.cmpi ne, %convert_element_type3A_228, %cond3A_229 : i32
    scf.if %cond3A_230 {
      %add3A_959 = arith.constant 0 : i32
      %add3A_960 = arith.addi %mul3A_2, %add3A_959 : i32
      %add3A_961 = arith.constant 9 : i32
      %add3A_962 = arith.addi %add3A_960, %add3A_961 : i32
      %shift_right_arithmetic3A_963 = arith.constant 3 : i32
      %shift_right_arithmetic3A_964 = arith.shrsi %add3A_962, %shift_right_arithmetic3A_963 : i32
      %shift_left3A = arith.constant 3 : i32
      %shift_left3A_965 = arith.shli %shift_right_arithmetic3A_964, %shift_left3A : i32
      %multiple_of3A = tpu.assume_multiple %shift_left3A_965, 8 : i32
      %slice3A_966 = vector.extract_strided_slice %shift_right_arithmetic3A_12 {offsets = [9], sizes = [1], strides = [1]} : vector<16xi32> to vector<1xi32>
      %squeeze3A_967 = vector.extract %slice3A_966[0] : i32 from vector<1xi32>
      %shift_left3A_968 = arith.constant 7 : i32
      %shift_left3A_969 = arith.shli %squeeze3A_967, %shift_left3A_968 : i32
      %multiple_of3A_970 = tpu.assume_multiple %shift_left3A_969, 128 : i32
      %dma_start3A = arith.constant 0 : i32
      %dma_start3A_971 = arith.constant 9 : i32
      %dma_start3A_972 = arith.constant 0 : i32
      %dma_start3A_973 = arith.constant 0 : i32
      %dma_start3A_974 = tpu.memref_slice %arg6[%dma_start3A, %dma_start3A_971, %dma_start3A_972, %dma_start3A_973] : memref<2x32x8x128xf32, #tpu.memory_space<vmem>> -> memref<1x1x8x128xf32, #tpu.memory_space<vmem>>
      %dma_start3A_975 = tpu.memref_squeeze %dma_start3A_974 : memref<1x1x8x128xf32, #tpu.memory_space<vmem>> -> memref<8x128xf32, #tpu.memory_space<vmem>>
      %dma_start3A_976 = tpu.memref_slice %arg2[%multiple_of3A, %multiple_of3A_970] : memref<32768x2048xf32, #tpu.memory_space<hbm>> -> memref<8x128xf32, #tpu.memory_space<hbm>>
      %dma_start3A_977 = arith.constant 0 : i32
      %dma_start3A_978 = arith.constant 0 : i32
      %dma_start3A_979 = tpu.memref_slice %arg6[%dma_start3A, %dma_start3A_971, %dma_start3A_977, %dma_start3A_978] : memref<2x32x8x128xf32, #tpu.memory_space<vmem>> -> memref<1x1x8x128xf32, #tpu.memory_space<vmem>>
      %dma_start3A_980 = tpu.memref_squeeze %dma_start3A_979 : memref<1x1x8x128xf32, #tpu.memory_space<vmem>> -> memref<8x128xf32, #tpu.memory_space<vmem>>
      %dma_start3A_981 = tpu.memref_slice %arg2[%multiple_of3A, %multiple_of3A_970] : memref<32768x2048xf32, #tpu.memory_space<hbm>> -> memref<8x128xf32, #tpu.memory_space<hbm>>
      tpu.enqueue_dma source(%dma_start3A_981 : memref<8x128xf32, #tpu.memory_space<hbm>>) target(%dma_start3A_980 : memref<8x128xf32, #tpu.memory_space<vmem>>) target_semaphore(%arg8 : memref<!tpu.dma_semaphore, #tpu.memory_space<semaphore_mem>>)
    } else {
    }
    %slice3A_231 = vector.extract_strided_slice %select_n3A_157 {offsets = [10], sizes = [1], strides = [1]} : vector<16xi32> to vector<1xi32>
    %squeeze3A_232 = vector.extract %slice3A_231[0] : i32 from vector<1xi32>
    %eq3A_233 = arith.constant 0 : i32
    %eq3A_234 = arith.cmpi eq, %squeeze3A_232, %eq3A_233 : i32
    %convert_element_type3A_235 = arith.extui %eq3A_234 : i1 to i32
    %cond3A_236 = arith.constant 0 : i32
    %cond3A_237 = arith.cmpi ne, %convert_element_type3A_235, %cond3A_236 : i32
    scf.if %cond3A_237 {
      %add3A_959 = arith.constant 0 : i32
      %add3A_960 = arith.addi %mul3A_2, %add3A_959 : i32
      %add3A_961 = arith.constant 10 : i32
      %add3A_962 = arith.addi %add3A_960, %add3A_961 : i32
      %shift_right_arithmetic3A_963 = arith.constant 3 : i32
      %shift_right_arithmetic3A_964 = arith.shrsi %add3A_962, %shift_right_arithmetic3A_963 : i32
      %shift_left3A = arith.constant 3 : i32
      %shift_left3A_965 = arith.shli %shift_right_arithmetic3A_964, %shift_left3A : i32
      %multiple_of3A = tpu.assume_multiple %shift_left3A_965, 8 : i32
      %slice3A_966 = vector.extract_strided_slice %shift_right_arithmetic3A_12 {offsets = [10], sizes = [1], strides = [1]} : vector<16xi32> to vector<1xi32>
      %squeeze3A_967 = vector.extract %slice3A_966[0] : i32 from vector<1xi32>
      %shift_left3A_968 = arith.constant 7 : i32
      %shift_left3A_969 = arith.shli %squeeze3A_967, %shift_left3A_968 : i32
      %multiple_of3A_970 = tpu.assume_multiple %shift_left3A_969, 128 : i32
      %dma_start3A = arith.constant 0 : i32
      %dma_start3A_971 = arith.constant 10 : i32
      %dma_start3A_972 = arith.constant 0 : i32
      %dma_start3A_973 = arith.constant 0 : i32
      %dma_start3A_974 = tpu.memref_slice %arg6[%dma_start3A, %dma_start3A_971, %dma_start3A_972, %dma_start3A_973] : memref<2x32x8x128xf32, #tpu.memory_space<vmem>> -> memref<1x1x8x128xf32, #tpu.memory_space<vmem>>
      %dma_start3A_975 = tpu.memref_squeeze %dma_start3A_974 : memref<1x1x8x128xf32, #tpu.memory_space<vmem>> -> memref<8x128xf32, #tpu.memory_space<vmem>>
      %dma_start3A_976 = tpu.memref_slice %arg2[%multiple_of3A, %multiple_of3A_970] : memref<32768x2048xf32, #tpu.memory_space<hbm>> -> memref<8x128xf32, #tpu.memory_space<hbm>>
      %dma_start3A_977 = arith.constant 0 : i32
      %dma_start3A_978 = arith.constant 0 : i32
      %dma_start3A_979 = tpu.memref_slice %arg6[%dma_start3A, %dma_start3A_971, %dma_start3A_977, %dma_start3A_978] : memref<2x32x8x128xf32, #tpu.memory_space<vmem>> -> memref<1x1x8x128xf32, #tpu.memory_space<vmem>>
      %dma_start3A_980 = tpu.memref_squeeze %dma_start3A_979 : memref<1x1x8x128xf32, #tpu.memory_space<vmem>> -> memref<8x128xf32, #tpu.memory_space<vmem>>
      %dma_start3A_981 = tpu.memref_slice %arg2[%multiple_of3A, %multiple_of3A_970] : memref<32768x2048xf32, #tpu.memory_space<hbm>> -> memref<8x128xf32, #tpu.memory_space<hbm>>
      tpu.enqueue_dma source(%dma_start3A_981 : memref<8x128xf32, #tpu.memory_space<hbm>>) target(%dma_start3A_980 : memref<8x128xf32, #tpu.memory_space<vmem>>) target_semaphore(%arg8 : memref<!tpu.dma_semaphore, #tpu.memory_space<semaphore_mem>>)
    } else {
    }
    %slice3A_238 = vector.extract_strided_slice %select_n3A_157 {offsets = [11], sizes = [1], strides = [1]} : vector<16xi32> to vector<1xi32>
    %squeeze3A_239 = vector.extract %slice3A_238[0] : i32 from vector<1xi32>
    %eq3A_240 = arith.constant 0 : i32
    %eq3A_241 = arith.cmpi eq, %squeeze3A_239, %eq3A_240 : i32
    %convert_element_type3A_242 = arith.extui %eq3A_241 : i1 to i32
    %cond3A_243 = arith.constant 0 : i32
    %cond3A_244 = arith.cmpi ne, %convert_element_type3A_242, %cond3A_243 : i32
    scf.if %cond3A_244 {
      %add3A_959 = arith.constant 0 : i32
      %add3A_960 = arith.addi %mul3A_2, %add3A_959 : i32
      %add3A_961 = arith.constant 11 : i32
      %add3A_962 = arith.addi %add3A_960, %add3A_961 : i32
      %shift_right_arithmetic3A_963 = arith.constant 3 : i32
      %shift_right_arithmetic3A_964 = arith.shrsi %add3A_962, %shift_right_arithmetic3A_963 : i32
      %shift_left3A = arith.constant 3 : i32
      %shift_left3A_965 = arith.shli %shift_right_arithmetic3A_964, %shift_left3A : i32
      %multiple_of3A = tpu.assume_multiple %shift_left3A_965, 8 : i32
      %slice3A_966 = vector.extract_strided_slice %shift_right_arithmetic3A_12 {offsets = [11], sizes = [1], strides = [1]} : vector<16xi32> to vector<1xi32>
      %squeeze3A_967 = vector.extract %slice3A_966[0] : i32 from vector<1xi32>
      %shift_left3A_968 = arith.constant 7 : i32
      %shift_left3A_969 = arith.shli %squeeze3A_967, %shift_left3A_968 : i32
      %multiple_of3A_970 = tpu.assume_multiple %shift_left3A_969, 128 : i32
      %dma_start3A = arith.constant 0 : i32
      %dma_start3A_971 = arith.constant 11 : i32
      %dma_start3A_972 = arith.constant 0 : i32
      %dma_start3A_973 = arith.constant 0 : i32
      %dma_start3A_974 = tpu.memref_slice %arg6[%dma_start3A, %dma_start3A_971, %dma_start3A_972, %dma_start3A_973] : memref<2x32x8x128xf32, #tpu.memory_space<vmem>> -> memref<1x1x8x128xf32, #tpu.memory_space<vmem>>
      %dma_start3A_975 = tpu.memref_squeeze %dma_start3A_974 : memref<1x1x8x128xf32, #tpu.memory_space<vmem>> -> memref<8x128xf32, #tpu.memory_space<vmem>>
      %dma_start3A_976 = tpu.memref_slice %arg2[%multiple_of3A, %multiple_of3A_970] : memref<32768x2048xf32, #tpu.memory_space<hbm>> -> memref<8x128xf32, #tpu.memory_space<hbm>>
      %dma_start3A_977 = arith.constant 0 : i32
      %dma_start3A_978 = arith.constant 0 : i32
      %dma_start3A_979 = tpu.memref_slice %arg6[%dma_start3A, %dma_start3A_971, %dma_start3A_977, %dma_start3A_978] : memref<2x32x8x128xf32, #tpu.memory_space<vmem>> -> memref<1x1x8x128xf32, #tpu.memory_space<vmem>>
      %dma_start3A_980 = tpu.memref_squeeze %dma_start3A_979 : memref<1x1x8x128xf32, #tpu.memory_space<vmem>> -> memref<8x128xf32, #tpu.memory_space<vmem>>
      %dma_start3A_981 = tpu.memref_slice %arg2[%multiple_of3A, %multiple_of3A_970] : memref<32768x2048xf32, #tpu.memory_space<hbm>> -> memref<8x128xf32, #tpu.memory_space<hbm>>
      tpu.enqueue_dma source(%dma_start3A_981 : memref<8x128xf32, #tpu.memory_space<hbm>>) target(%dma_start3A_980 : memref<8x128xf32, #tpu.memory_space<vmem>>) target_semaphore(%arg8 : memref<!tpu.dma_semaphore, #tpu.memory_space<semaphore_mem>>)
    } else {
    }
    %slice3A_245 = vector.extract_strided_slice %select_n3A_157 {offsets = [12], sizes = [1], strides = [1]} : vector<16xi32> to vector<1xi32>
    %squeeze3A_246 = vector.extract %slice3A_245[0] : i32 from vector<1xi32>
    %eq3A_247 = arith.constant 0 : i32
    %eq3A_248 = arith.cmpi eq, %squeeze3A_246, %eq3A_247 : i32
    %convert_element_type3A_249 = arith.extui %eq3A_248 : i1 to i32
    %cond3A_250 = arith.constant 0 : i32
    %cond3A_251 = arith.cmpi ne, %convert_element_type3A_249, %cond3A_250 : i32
    scf.if %cond3A_251 {
      %add3A_959 = arith.constant 0 : i32
      %add3A_960 = arith.addi %mul3A_2, %add3A_959 : i32
      %add3A_961 = arith.constant 12 : i32
      %add3A_962 = arith.addi %add3A_960, %add3A_961 : i32
      %shift_right_arithmetic3A_963 = arith.constant 3 : i32
      %shift_right_arithmetic3A_964 = arith.shrsi %add3A_962, %shift_right_arithmetic3A_963 : i32
      %shift_left3A = arith.constant 3 : i32
      %shift_left3A_965 = arith.shli %shift_right_arithmetic3A_964, %shift_left3A : i32
      %multiple_of3A = tpu.assume_multiple %shift_left3A_965, 8 : i32
      %slice3A_966 = vector.extract_strided_slice %shift_right_arithmetic3A_12 {offsets = [12], sizes = [1], strides = [1]} : vector<16xi32> to vector<1xi32>
      %squeeze3A_967 = vector.extract %slice3A_966[0] : i32 from vector<1xi32>
      %shift_left3A_968 = arith.constant 7 : i32
      %shift_left3A_969 = arith.shli %squeeze3A_967, %shift_left3A_968 : i32
      %multiple_of3A_970 = tpu.assume_multiple %shift_left3A_969, 128 : i32
      %dma_start3A = arith.constant 0 : i32
      %dma_start3A_971 = arith.constant 12 : i32
      %dma_start3A_972 = arith.constant 0 : i32
      %dma_start3A_973 = arith.constant 0 : i32
      %dma_start3A_974 = tpu.memref_slice %arg6[%dma_start3A, %dma_start3A_971, %dma_start3A_972, %dma_start3A_973] : memref<2x32x8x128xf32, #tpu.memory_space<vmem>> -> memref<1x1x8x128xf32, #tpu.memory_space<vmem>>
      %dma_start3A_975 = tpu.memref_squeeze %dma_start3A_974 : memref<1x1x8x128xf32, #tpu.memory_space<vmem>> -> memref<8x128xf32, #tpu.memory_space<vmem>>
      %dma_start3A_976 = tpu.memref_slice %arg2[%multiple_of3A, %multiple_of3A_970] : memref<32768x2048xf32, #tpu.memory_space<hbm>> -> memref<8x128xf32, #tpu.memory_space<hbm>>
      %dma_start3A_977 = arith.constant 0 : i32
      %dma_start3A_978 = arith.constant 0 : i32
      %dma_start3A_979 = tpu.memref_slice %arg6[%dma_start3A, %dma_start3A_971, %dma_start3A_977, %dma_start3A_978] : memref<2x32x8x128xf32, #tpu.memory_space<vmem>> -> memref<1x1x8x128xf32, #tpu.memory_space<vmem>>
      %dma_start3A_980 = tpu.memref_squeeze %dma_start3A_979 : memref<1x1x8x128xf32, #tpu.memory_space<vmem>> -> memref<8x128xf32, #tpu.memory_space<vmem>>
      %dma_start3A_981 = tpu.memref_slice %arg2[%multiple_of3A, %multiple_of3A_970] : memref<32768x2048xf32, #tpu.memory_space<hbm>> -> memref<8x128xf32, #tpu.memory_space<hbm>>
      tpu.enqueue_dma source(%dma_start3A_981 : memref<8x128xf32, #tpu.memory_space<hbm>>) target(%dma_start3A_980 : memref<8x128xf32, #tpu.memory_space<vmem>>) target_semaphore(%arg8 : memref<!tpu.dma_semaphore, #tpu.memory_space<semaphore_mem>>)
    } else {
    }
    %slice3A_252 = vector.extract_strided_slice %select_n3A_157 {offsets = [13], sizes = [1], strides = [1]} : vector<16xi32> to vector<1xi32>
    %squeeze3A_253 = vector.extract %slice3A_252[0] : i32 from vector<1xi32>
    %eq3A_254 = arith.constant 0 : i32
    %eq3A_255 = arith.cmpi eq, %squeeze3A_253, %eq3A_254 : i32
    %convert_element_type3A_256 = arith.extui %eq3A_255 : i1 to i32
    %cond3A_257 = arith.constant 0 : i32
    %cond3A_258 = arith.cmpi ne, %convert_element_type3A_256, %cond3A_257 : i32
    scf.if %cond3A_258 {
      %add3A_959 = arith.constant 0 : i32
      %add3A_960 = arith.addi %mul3A_2, %add3A_959 : i32
      %add3A_961 = arith.constant 13 : i32
      %add3A_962 = arith.addi %add3A_960, %add3A_961 : i32
      %shift_right_arithmetic3A_963 = arith.constant 3 : i32
      %shift_right_arithmetic3A_964 = arith.shrsi %add3A_962, %shift_right_arithmetic3A_963 : i32
      %shift_left3A = arith.constant 3 : i32
      %shift_left3A_965 = arith.shli %shift_right_arithmetic3A_964, %shift_left3A : i32
      %multiple_of3A = tpu.assume_multiple %shift_left3A_965, 8 : i32
      %slice3A_966 = vector.extract_strided_slice %shift_right_arithmetic3A_12 {offsets = [13], sizes = [1], strides = [1]} : vector<16xi32> to vector<1xi32>
      %squeeze3A_967 = vector.extract %slice3A_966[0] : i32 from vector<1xi32>
      %shift_left3A_968 = arith.constant 7 : i32
      %shift_left3A_969 = arith.shli %squeeze3A_967, %shift_left3A_968 : i32
      %multiple_of3A_970 = tpu.assume_multiple %shift_left3A_969, 128 : i32
      %dma_start3A = arith.constant 0 : i32
      %dma_start3A_971 = arith.constant 13 : i32
      %dma_start3A_972 = arith.constant 0 : i32
      %dma_start3A_973 = arith.constant 0 : i32
      %dma_start3A_974 = tpu.memref_slice %arg6[%dma_start3A, %dma_start3A_971, %dma_start3A_972, %dma_start3A_973] : memref<2x32x8x128xf32, #tpu.memory_space<vmem>> -> memref<1x1x8x128xf32, #tpu.memory_space<vmem>>
      %dma_start3A_975 = tpu.memref_squeeze %dma_start3A_974 : memref<1x1x8x128xf32, #tpu.memory_space<vmem>> -> memref<8x128xf32, #tpu.memory_space<vmem>>
      %dma_start3A_976 = tpu.memref_slice %arg2[%multiple_of3A, %multiple_of3A_970] : memref<32768x2048xf32, #tpu.memory_space<hbm>> -> memref<8x128xf32, #tpu.memory_space<hbm>>
      %dma_start3A_977 = arith.constant 0 : i32
      %dma_start3A_978 = arith.constant 0 : i32
      %dma_start3A_979 = tpu.memref_slice %arg6[%dma_start3A, %dma_start3A_971, %dma_start3A_977, %dma_start3A_978] : memref<2x32x8x128xf32, #tpu.memory_space<vmem>> -> memref<1x1x8x128xf32, #tpu.memory_space<vmem>>
      %dma_start3A_980 = tpu.memref_squeeze %dma_start3A_979 : memref<1x1x8x128xf32, #tpu.memory_space<vmem>> -> memref<8x128xf32, #tpu.memory_space<vmem>>
      %dma_start3A_981 = tpu.memref_slice %arg2[%multiple_of3A, %multiple_of3A_970] : memref<32768x2048xf32, #tpu.memory_space<hbm>> -> memref<8x128xf32, #tpu.memory_space<hbm>>
      tpu.enqueue_dma source(%dma_start3A_981 : memref<8x128xf32, #tpu.memory_space<hbm>>) target(%dma_start3A_980 : memref<8x128xf32, #tpu.memory_space<vmem>>) target_semaphore(%arg8 : memref<!tpu.dma_semaphore, #tpu.memory_space<semaphore_mem>>)
    } else {
    }
    %slice3A_259 = vector.extract_strided_slice %select_n3A_157 {offsets = [14], sizes = [1], strides = [1]} : vector<16xi32> to vector<1xi32>
    %squeeze3A_260 = vector.extract %slice3A_259[0] : i32 from vector<1xi32>
    %eq3A_261 = arith.constant 0 : i32
    %eq3A_262 = arith.cmpi eq, %squeeze3A_260, %eq3A_261 : i32
    %convert_element_type3A_263 = arith.extui %eq3A_262 : i1 to i32
    %cond3A_264 = arith.constant 0 : i32
    %cond3A_265 = arith.cmpi ne, %convert_element_type3A_263, %cond3A_264 : i32
    scf.if %cond3A_265 {
      %add3A_959 = arith.constant 0 : i32
      %add3A_960 = arith.addi %mul3A_2, %add3A_959 : i32
      %add3A_961 = arith.constant 14 : i32
      %add3A_962 = arith.addi %add3A_960, %add3A_961 : i32
      %shift_right_arithmetic3A_963 = arith.constant 3 : i32
      %shift_right_arithmetic3A_964 = arith.shrsi %add3A_962, %shift_right_arithmetic3A_963 : i32
      %shift_left3A = arith.constant 3 : i32
      %shift_left3A_965 = arith.shli %shift_right_arithmetic3A_964, %shift_left3A : i32
      %multiple_of3A = tpu.assume_multiple %shift_left3A_965, 8 : i32
      %slice3A_966 = vector.extract_strided_slice %shift_right_arithmetic3A_12 {offsets = [14], sizes = [1], strides = [1]} : vector<16xi32> to vector<1xi32>
      %squeeze3A_967 = vector.extract %slice3A_966[0] : i32 from vector<1xi32>
      %shift_left3A_968 = arith.constant 7 : i32
      %shift_left3A_969 = arith.shli %squeeze3A_967, %shift_left3A_968 : i32
      %multiple_of3A_970 = tpu.assume_multiple %shift_left3A_969, 128 : i32
      %dma_start3A = arith.constant 0 : i32
      %dma_start3A_971 = arith.constant 14 : i32
      %dma_start3A_972 = arith.constant 0 : i32
      %dma_start3A_973 = arith.constant 0 : i32
      %dma_start3A_974 = tpu.memref_slice %arg6[%dma_start3A, %dma_start3A_971, %dma_start3A_972, %dma_start3A_973] : memref<2x32x8x128xf32, #tpu.memory_space<vmem>> -> memref<1x1x8x128xf32, #tpu.memory_space<vmem>>
      %dma_start3A_975 = tpu.memref_squeeze %dma_start3A_974 : memref<1x1x8x128xf32, #tpu.memory_space<vmem>> -> memref<8x128xf32, #tpu.memory_space<vmem>>
      %dma_start3A_976 = tpu.memref_slice %arg2[%multiple_of3A, %multiple_of3A_970] : memref<32768x2048xf32, #tpu.memory_space<hbm>> -> memref<8x128xf32, #tpu.memory_space<hbm>>
      %dma_start3A_977 = arith.constant 0 : i32
      %dma_start3A_978 = arith.constant 0 : i32
      %dma_start3A_979 = tpu.memref_slice %arg6[%dma_start3A, %dma_start3A_971, %dma_start3A_977, %dma_start3A_978] : memref<2x32x8x128xf32, #tpu.memory_space<vmem>> -> memref<1x1x8x128xf32, #tpu.memory_space<vmem>>
      %dma_start3A_980 = tpu.memref_squeeze %dma_start3A_979 : memref<1x1x8x128xf32, #tpu.memory_space<vmem>> -> memref<8x128xf32, #tpu.memory_space<vmem>>
      %dma_start3A_981 = tpu.memref_slice %arg2[%multiple_of3A, %multiple_of3A_970] : memref<32768x2048xf32, #tpu.memory_space<hbm>> -> memref<8x128xf32, #tpu.memory_space<hbm>>
      tpu.enqueue_dma source(%dma_start3A_981 : memref<8x128xf32, #tpu.memory_space<hbm>>) target(%dma_start3A_980 : memref<8x128xf32, #tpu.memory_space<vmem>>) target_semaphore(%arg8 : memref<!tpu.dma_semaphore, #tpu.memory_space<semaphore_mem>>)
    } else {
    }
    %slice3A_266 = vector.extract_strided_slice %select_n3A_157 {offsets = [15], sizes = [1], strides = [1]} : vector<16xi32> to vector<1xi32>
    %squeeze3A_267 = vector.extract %slice3A_266[0] : i32 from vector<1xi32>
    %eq3A_268 = arith.constant 0 : i32
    %eq3A_269 = arith.cmpi eq, %squeeze3A_267, %eq3A_268 : i32
    %convert_element_type3A_270 = arith.extui %eq3A_269 : i1 to i32
    %cond3A_271 = arith.constant 0 : i32
    %cond3A_272 = arith.cmpi ne, %convert_element_type3A_270, %cond3A_271 : i32
    scf.if %cond3A_272 {
      %add3A_959 = arith.constant 0 : i32
      %add3A_960 = arith.addi %mul3A_2, %add3A_959 : i32
      %add3A_961 = arith.constant 15 : i32
      %add3A_962 = arith.addi %add3A_960, %add3A_961 : i32
      %shift_right_arithmetic3A_963 = arith.constant 3 : i32
      %shift_right_arithmetic3A_964 = arith.shrsi %add3A_962, %shift_right_arithmetic3A_963 : i32
      %shift_left3A = arith.constant 3 : i32
      %shift_left3A_965 = arith.shli %shift_right_arithmetic3A_964, %shift_left3A : i32
      %multiple_of3A = tpu.assume_multiple %shift_left3A_965, 8 : i32
      %slice3A_966 = vector.extract_strided_slice %shift_right_arithmetic3A_12 {offsets = [15], sizes = [1], strides = [1]} : vector<16xi32> to vector<1xi32>
      %squeeze3A_967 = vector.extract %slice3A_966[0] : i32 from vector<1xi32>
      %shift_left3A_968 = arith.constant 7 : i32
      %shift_left3A_969 = arith.shli %squeeze3A_967, %shift_left3A_968 : i32
      %multiple_of3A_970 = tpu.assume_multiple %shift_left3A_969, 128 : i32
      %dma_start3A = arith.constant 0 : i32
      %dma_start3A_971 = arith.constant 15 : i32
      %dma_start3A_972 = arith.constant 0 : i32
      %dma_start3A_973 = arith.constant 0 : i32
      %dma_start3A_974 = tpu.memref_slice %arg6[%dma_start3A, %dma_start3A_971, %dma_start3A_972, %dma_start3A_973] : memref<2x32x8x128xf32, #tpu.memory_space<vmem>> -> memref<1x1x8x128xf32, #tpu.memory_space<vmem>>
      %dma_start3A_975 = tpu.memref_squeeze %dma_start3A_974 : memref<1x1x8x128xf32, #tpu.memory_space<vmem>> -> memref<8x128xf32, #tpu.memory_space<vmem>>
      %dma_start3A_976 = tpu.memref_slice %arg2[%multiple_of3A, %multiple_of3A_970] : memref<32768x2048xf32, #tpu.memory_space<hbm>> -> memref<8x128xf32, #tpu.memory_space<hbm>>
      %dma_start3A_977 = arith.constant 0 : i32
      %dma_start3A_978 = arith.constant 0 : i32
      %dma_start3A_979 = tpu.memref_slice %arg6[%dma_start3A, %dma_start3A_971, %dma_start3A_977, %dma_start3A_978] : memref<2x32x8x128xf32, #tpu.memory_space<vmem>> -> memref<1x1x8x128xf32, #tpu.memory_space<vmem>>
      %dma_start3A_980 = tpu.memref_squeeze %dma_start3A_979 : memref<1x1x8x128xf32, #tpu.memory_space<vmem>> -> memref<8x128xf32, #tpu.memory_space<vmem>>
      %dma_start3A_981 = tpu.memref_slice %arg2[%multiple_of3A, %multiple_of3A_970] : memref<32768x2048xf32, #tpu.memory_space<hbm>> -> memref<8x128xf32, #tpu.memory_space<hbm>>
      tpu.enqueue_dma source(%dma_start3A_981 : memref<8x128xf32, #tpu.memory_space<hbm>>) target(%dma_start3A_980 : memref<8x128xf32, #tpu.memory_space<vmem>>) target_semaphore(%arg8 : memref<!tpu.dma_semaphore, #tpu.memory_space<semaphore_mem>>)
    } else {
    }
    %get3A_273 = arith.constant 24 : index
    %get3A_274 = tpu.vector_load %arg5[%get3A_273] {strides = array<i32>} : memref<1032xi32, #tpu.memory_space<vmem>>, vector<16xi32>,
    %ge3A_275 = arith.constant 0 : i32
    %ge3A_276 = vector.broadcast %ge3A_275 : i32 to vector<16xi32>
    %ge3A_277 = arith.cmpi sge, %get3A_274, %ge3A_276 : vector<16xi32>
    %jit3A_278 = arith.constant 0 : i32
    %broadcast_in_dim3A_279 = vector.broadcast %jit3A_278 : i32 to vector<16xi32>
    %select_n3A_280 = arith.select %ge3A_277, %get3A_274, %broadcast_in_dim3A_279 : vector<16xi1>, vector<16xi32>
    %shift_right_arithmetic3A_281 = arith.constant 7 : i32
    %shift_right_arithmetic3A_282 = vector.broadcast %shift_right_arithmetic3A_281 : i32 to vector<16xi32>
    %shift_right_arithmetic3A_283 = arith.shrsi %select_n3A_280, %shift_right_arithmetic3A_282 : vector<16xi32>
    %get3A_284 = arith.constant 24 : index
    %get3A_285 = tpu.vector_load %arg5[%get3A_284] {strides = array<i32>} : memref<1032xi32, #tpu.memory_space<vmem>>, vector<16xi32>,
    %ge3A_286 = arith.constant 0 : i32
    %ge3A_287 = vector.broadcast %ge3A_286 : i32 to vector<16xi32>
    %ge3A_288 = arith.cmpi sge, %get3A_285, %ge3A_287 : vector<16xi32>
    %jit3A_289 = arith.constant 0 : i32
    %broadcast_in_dim3A_290 = vector.broadcast %jit3A_289 : i32 to vector<16xi32>
    %select_n3A_291 = arith.select %ge3A_288, %get3A_285, %broadcast_in_dim3A_290 : vector<16xi1>, vector<16xi32>
    %shift_right_arithmetic3A_292 = arith.constant 7 : i32
    %shift_right_arithmetic3A_293 = vector.broadcast %shift_right_arithmetic3A_292 : i32 to vector<16xi32>
    %shift_right_arithmetic3A_294 = arith.shrsi %select_n3A_291, %shift_right_arithmetic3A_293 : vector<16xi32>
    %broadcast_in_dim3A_295 = arith.constant 0 : i32
    %broadcast_in_dim3A_296 = vector.broadcast %broadcast_in_dim3A_295 : i32 to vector<16xi32>
    %get3A_297 = arith.constant 23 : index
    %get3A_298 = tpu.vector_load %arg5[%get3A_297] {strides = array<i32>} : memref<1032xi32, #tpu.memory_space<vmem>>, vector<16xi32>,
    %ge3A_299 = arith.constant 0 : i32
    %ge3A_300 = vector.broadcast %ge3A_299 : i32 to vector<16xi32>
    %ge3A_301 = arith.cmpi sge, %get3A_298, %ge3A_300 : vector<16xi32>
    %jit3A_302 = arith.constant 0 : i32
    %broadcast_in_dim3A_303 = vector.broadcast %jit3A_302 : i32 to vector<16xi32>
    %select_n3A_304 = arith.select %ge3A_301, %get3A_298, %broadcast_in_dim3A_303 : vector<16xi1>, vector<16xi32>
    %shift_right_arithmetic3A_305 = arith.constant 7 : i32
    %shift_right_arithmetic3A_306 = vector.broadcast %shift_right_arithmetic3A_305 : i32 to vector<16xi32>
    %shift_right_arithmetic3A_307 = arith.shrsi %select_n3A_304, %shift_right_arithmetic3A_306 : vector<16xi32>
    %eq3A_308 = arith.cmpi eq, %shift_right_arithmetic3A_294, %shift_right_arithmetic3A_307 : vector<16xi32>
    %ge3A_309 = arith.constant 1 : i32
    %ge3A_310 = vector.broadcast %ge3A_309 : i32 to vector<16xi32>
    %ge3A_311 = arith.cmpi sge, %and3A_6, %ge3A_310 : vector<16xi32>
    %and3A_312 = arith.andi %eq3A_308, %ge3A_311 : vector<16xi1>
    %jit3A_313 = arith.constant 1 : i32
    %broadcast_in_dim3A_314 = vector.broadcast %jit3A_313 : i32 to vector<16xi32>
    %select_n3A_315 = arith.select %and3A_312, %broadcast_in_dim3A_314, %broadcast_in_dim3A_296 : vector<16xi1>, vector<16xi32>
    %get3A_316 = arith.constant 22 : index
    %get3A_317 = tpu.vector_load %arg5[%get3A_316] {strides = array<i32>} : memref<1032xi32, #tpu.memory_space<vmem>>, vector<16xi32>,
    %ge3A_318 = arith.constant 0 : i32
    %ge3A_319 = vector.broadcast %ge3A_318 : i32 to vector<16xi32>
    %ge3A_320 = arith.cmpi sge, %get3A_317, %ge3A_319 : vector<16xi32>
    %jit3A_321 = arith.constant 0 : i32
    %broadcast_in_dim3A_322 = vector.broadcast %jit3A_321 : i32 to vector<16xi32>
    %select_n3A_323 = arith.select %ge3A_320, %get3A_317, %broadcast_in_dim3A_322 : vector<16xi1>, vector<16xi32>
    %shift_right_arithmetic3A_324 = arith.constant 7 : i32
    %shift_right_arithmetic3A_325 = vector.broadcast %shift_right_arithmetic3A_324 : i32 to vector<16xi32>
    %shift_right_arithmetic3A_326 = arith.shrsi %select_n3A_323, %shift_right_arithmetic3A_325 : vector<16xi32>
    %eq3A_327 = arith.cmpi eq, %shift_right_arithmetic3A_294, %shift_right_arithmetic3A_326 : vector<16xi32>
    %ge3A_328 = arith.constant 2 : i32
    %ge3A_329 = vector.broadcast %ge3A_328 : i32 to vector<16xi32>
    %ge3A_330 = arith.cmpi sge, %and3A_6, %ge3A_329 : vector<16xi32>
    %and3A_331 = arith.andi %eq3A_327, %ge3A_330 : vector<16xi1>
    %jit3A_332 = arith.constant 2 : i32
    %broadcast_in_dim3A_333 = vector.broadcast %jit3A_332 : i32 to vector<16xi32>
    %select_n3A_334 = arith.select %and3A_331, %broadcast_in_dim3A_333, %select_n3A_315 : vector<16xi1>, vector<16xi32>
    %get3A_335 = arith.constant 21 : index
    %get3A_336 = tpu.vector_load %arg5[%get3A_335] {strides = array<i32>} : memref<1032xi32, #tpu.memory_space<vmem>>, vector<16xi32>,
    %ge3A_337 = arith.constant 0 : i32
    %ge3A_338 = vector.broadcast %ge3A_337 : i32 to vector<16xi32>
    %ge3A_339 = arith.cmpi sge, %get3A_336, %ge3A_338 : vector<16xi32>
    %jit3A_340 = arith.constant 0 : i32
    %broadcast_in_dim3A_341 = vector.broadcast %jit3A_340 : i32 to vector<16xi32>
    %select_n3A_342 = arith.select %ge3A_339, %get3A_336, %broadcast_in_dim3A_341 : vector<16xi1>, vector<16xi32>
    %shift_right_arithmetic3A_343 = arith.constant 7 : i32
    %shift_right_arithmetic3A_344 = vector.broadcast %shift_right_arithmetic3A_343 : i32 to vector<16xi32>
    %shift_right_arithmetic3A_345 = arith.shrsi %select_n3A_342, %shift_right_arithmetic3A_344 : vector<16xi32>
    %eq3A_346 = arith.cmpi eq, %shift_right_arithmetic3A_294, %shift_right_arithmetic3A_345 : vector<16xi32>
    %ge3A_347 = arith.constant 3 : i32
    %ge3A_348 = vector.broadcast %ge3A_347 : i32 to vector<16xi32>
    %ge3A_349 = arith.cmpi sge, %and3A_6, %ge3A_348 : vector<16xi32>
    %and3A_350 = arith.andi %eq3A_346, %ge3A_349 : vector<16xi1>
    %jit3A_351 = arith.constant 3 : i32
    %broadcast_in_dim3A_352 = vector.broadcast %jit3A_351 : i32 to vector<16xi32>
    %select_n3A_353 = arith.select %and3A_350, %broadcast_in_dim3A_352, %select_n3A_334 : vector<16xi1>, vector<16xi32>
    %get3A_354 = arith.constant 20 : index
    %get3A_355 = tpu.vector_load %arg5[%get3A_354] {strides = array<i32>} : memref<1032xi32, #tpu.memory_space<vmem>>, vector<16xi32>,
    %ge3A_356 = arith.constant 0 : i32
    %ge3A_357 = vector.broadcast %ge3A_356 : i32 to vector<16xi32>
    %ge3A_358 = arith.cmpi sge, %get3A_355, %ge3A_357 : vector<16xi32>
    %jit3A_359 = arith.constant 0 : i32
    %broadcast_in_dim3A_360 = vector.broadcast %jit3A_359 : i32 to vector<16xi32>
    %select_n3A_361 = arith.select %ge3A_358, %get3A_355, %broadcast_in_dim3A_360 : vector<16xi1>, vector<16xi32>
    %shift_right_arithmetic3A_362 = arith.constant 7 : i32
    %shift_right_arithmetic3A_363 = vector.broadcast %shift_right_arithmetic3A_362 : i32 to vector<16xi32>
    %shift_right_arithmetic3A_364 = arith.shrsi %select_n3A_361, %shift_right_arithmetic3A_363 : vector<16xi32>
    %eq3A_365 = arith.cmpi eq, %shift_right_arithmetic3A_294, %shift_right_arithmetic3A_364 : vector<16xi32>
    %ge3A_366 = arith.constant 4 : i32
    %ge3A_367 = vector.broadcast %ge3A_366 : i32 to vector<16xi32>
    %ge3A_368 = arith.cmpi sge, %and3A_6, %ge3A_367 : vector<16xi32>
    %and3A_369 = arith.andi %eq3A_365, %ge3A_368 : vector<16xi1>
    %jit3A_370 = arith.constant 4 : i32
    %broadcast_in_dim3A_371 = vector.broadcast %jit3A_370 : i32 to vector<16xi32>
    %select_n3A_372 = arith.select %and3A_369, %broadcast_in_dim3A_371, %select_n3A_353 : vector<16xi1>, vector<16xi32>
    %get3A_373 = arith.constant 19 : index
    %get3A_374 = tpu.vector_load %arg5[%get3A_373] {strides = array<i32>} : memref<1032xi32, #tpu.memory_space<vmem>>, vector<16xi32>,
    %ge3A_375 = arith.constant 0 : i32
    %ge3A_376 = vector.broadcast %ge3A_375 : i32 to vector<16xi32>
    %ge3A_377 = arith.cmpi sge, %get3A_374, %ge3A_376 : vector<16xi32>
    %jit3A_378 = arith.constant 0 : i32
    %broadcast_in_dim3A_379 = vector.broadcast %jit3A_378 : i32 to vector<16xi32>
    %select_n3A_380 = arith.select %ge3A_377, %get3A_374, %broadcast_in_dim3A_379 : vector<16xi1>, vector<16xi32>
    %shift_right_arithmetic3A_381 = arith.constant 7 : i32
    %shift_right_arithmetic3A_382 = vector.broadcast %shift_right_arithmetic3A_381 : i32 to vector<16xi32>
    %shift_right_arithmetic3A_383 = arith.shrsi %select_n3A_380, %shift_right_arithmetic3A_382 : vector<16xi32>
    %eq3A_384 = arith.cmpi eq, %shift_right_arithmetic3A_294, %shift_right_arithmetic3A_383 : vector<16xi32>
    %ge3A_385 = arith.constant 5 : i32
    %ge3A_386 = vector.broadcast %ge3A_385 : i32 to vector<16xi32>
    %ge3A_387 = arith.cmpi sge, %and3A_6, %ge3A_386 : vector<16xi32>
    %and3A_388 = arith.andi %eq3A_384, %ge3A_387 : vector<16xi1>
    %jit3A_389 = arith.constant 5 : i32
    %broadcast_in_dim3A_390 = vector.broadcast %jit3A_389 : i32 to vector<16xi32>
    %select_n3A_391 = arith.select %and3A_388, %broadcast_in_dim3A_390, %select_n3A_372 : vector<16xi1>, vector<16xi32>
    %get3A_392 = arith.constant 18 : index
    %get3A_393 = tpu.vector_load %arg5[%get3A_392] {strides = array<i32>} : memref<1032xi32, #tpu.memory_space<vmem>>, vector<16xi32>,
    %ge3A_394 = arith.constant 0 : i32
    %ge3A_395 = vector.broadcast %ge3A_394 : i32 to vector<16xi32>
    %ge3A_396 = arith.cmpi sge, %get3A_393, %ge3A_395 : vector<16xi32>
    %jit3A_397 = arith.constant 0 : i32
    %broadcast_in_dim3A_398 = vector.broadcast %jit3A_397 : i32 to vector<16xi32>
    %select_n3A_399 = arith.select %ge3A_396, %get3A_393, %broadcast_in_dim3A_398 : vector<16xi1>, vector<16xi32>
    %shift_right_arithmetic3A_400 = arith.constant 7 : i32
    %shift_right_arithmetic3A_401 = vector.broadcast %shift_right_arithmetic3A_400 : i32 to vector<16xi32>
    %shift_right_arithmetic3A_402 = arith.shrsi %select_n3A_399, %shift_right_arithmetic3A_401 : vector<16xi32>
    %eq3A_403 = arith.cmpi eq, %shift_right_arithmetic3A_294, %shift_right_arithmetic3A_402 : vector<16xi32>
    %ge3A_404 = arith.constant 6 : i32
    %ge3A_405 = vector.broadcast %ge3A_404 : i32 to vector<16xi32>
    %ge3A_406 = arith.cmpi sge, %and3A_6, %ge3A_405 : vector<16xi32>
    %and3A_407 = arith.andi %eq3A_403, %ge3A_406 : vector<16xi1>
    %jit3A_408 = arith.constant 6 : i32
    %broadcast_in_dim3A_409 = vector.broadcast %jit3A_408 : i32 to vector<16xi32>
    %select_n3A_410 = arith.select %and3A_407, %broadcast_in_dim3A_409, %select_n3A_391 : vector<16xi1>, vector<16xi32>
    %get3A_411 = arith.constant 17 : index
    %get3A_412 = tpu.vector_load %arg5[%get3A_411] {strides = array<i32>} : memref<1032xi32, #tpu.memory_space<vmem>>, vector<16xi32>,
    %ge3A_413 = arith.constant 0 : i32
    %ge3A_414 = vector.broadcast %ge3A_413 : i32 to vector<16xi32>
    %ge3A_415 = arith.cmpi sge, %get3A_412, %ge3A_414 : vector<16xi32>
    %jit3A_416 = arith.constant 0 : i32
    %broadcast_in_dim3A_417 = vector.broadcast %jit3A_416 : i32 to vector<16xi32>
    %select_n3A_418 = arith.select %ge3A_415, %get3A_412, %broadcast_in_dim3A_417 : vector<16xi1>, vector<16xi32>
    %shift_right_arithmetic3A_419 = arith.constant 7 : i32
    %shift_right_arithmetic3A_420 = vector.broadcast %shift_right_arithmetic3A_419 : i32 to vector<16xi32>
    %shift_right_arithmetic3A_421 = arith.shrsi %select_n3A_418, %shift_right_arithmetic3A_420 : vector<16xi32>
    %eq3A_422 = arith.cmpi eq, %shift_right_arithmetic3A_294, %shift_right_arithmetic3A_421 : vector<16xi32>
    %ge3A_423 = arith.constant 7 : i32
    %ge3A_424 = vector.broadcast %ge3A_423 : i32 to vector<16xi32>
    %ge3A_425 = arith.cmpi sge, %and3A_6, %ge3A_424 : vector<16xi32>
    %and3A_426 = arith.andi %eq3A_422, %ge3A_425 : vector<16xi1>
    %jit3A_427 = arith.constant 7 : i32
    %broadcast_in_dim3A_428 = vector.broadcast %jit3A_427 : i32 to vector<16xi32>
    %select_n3A_429 = arith.select %and3A_426, %broadcast_in_dim3A_428, %select_n3A_410 : vector<16xi1>, vector<16xi32>
    %eq3A_430 = arith.constant 0 : i32
    %eq3A_431 = vector.broadcast %eq3A_430 : i32 to vector<16xi32>
    %eq3A_432 = arith.cmpi eq, %select_n3A_429, %eq3A_431 : vector<16xi32>
    %all_reduce_population_count3A_433 = tpu.all_reduce %eq3A_432 {dim = 0 : i64, kind = #tpu.reduction_kind<sum>} : vector<16xi1> -> vector<16xi32>
    %slice3A_434 = vector.extract_strided_slice %all_reduce_population_count3A_433 {offsets = [0], sizes = [1], strides = [1]} : vector<16xi32> to vector<1xi32>
    %squeeze3A_435 = vector.extract %slice3A_434[0] : i32 from vector<1xi32>
    %add3A_436 = arith.addi %add3A_162, %squeeze3A_435 : i32
    %slice3A_437 = vector.extract_strided_slice %select_n3A_429 {offsets = [0], sizes = [1], strides = [1]} : vector<16xi32> to vector<1xi32>
    %squeeze3A_438 = vector.extract %slice3A_437[0] : i32 from vector<1xi32>
    %eq3A_439 = arith.constant 0 : i32
    %eq3A_440 = arith.cmpi eq, %squeeze3A_438, %eq3A_439 : i32
    %convert_element_type3A_441 = arith.extui %eq3A_440 : i1 to i32
    %cond3A_442 = arith.constant 0 : i32
    %cond3A_443 = arith.cmpi ne, %convert_element_type3A_441, %cond3A_442 : i32
    scf.if %cond3A_443 {
      %add3A_959 = arith.constant 0 : i32
      %add3A_960 = arith.addi %mul3A_2, %add3A_959 : i32
      %add3A_961 = arith.constant 16 : i32
      %add3A_962 = arith.addi %add3A_960, %add3A_961 : i32
      %shift_right_arithmetic3A_963 = arith.constant 3 : i32
      %shift_right_arithmetic3A_964 = arith.shrsi %add3A_962, %shift_right_arithmetic3A_963 : i32
      %shift_left3A = arith.constant 3 : i32
      %shift_left3A_965 = arith.shli %shift_right_arithmetic3A_964, %shift_left3A : i32
      %multiple_of3A = tpu.assume_multiple %shift_left3A_965, 8 : i32
      %slice3A_966 = vector.extract_strided_slice %shift_right_arithmetic3A_283 {offsets = [0], sizes = [1], strides = [1]} : vector<16xi32> to vector<1xi32>
      %squeeze3A_967 = vector.extract %slice3A_966[0] : i32 from vector<1xi32>
      %shift_left3A_968 = arith.constant 7 : i32
      %shift_left3A_969 = arith.shli %squeeze3A_967, %shift_left3A_968 : i32
      %multiple_of3A_970 = tpu.assume_multiple %shift_left3A_969, 128 : i32
      %dma_start3A = arith.constant 0 : i32
      %dma_start3A_971 = arith.constant 16 : i32
      %dma_start3A_972 = arith.constant 0 : i32
      %dma_start3A_973 = arith.constant 0 : i32
      %dma_start3A_974 = tpu.memref_slice %arg6[%dma_start3A, %dma_start3A_971, %dma_start3A_972, %dma_start3A_973] : memref<2x32x8x128xf32, #tpu.memory_space<vmem>> -> memref<1x1x8x128xf32, #tpu.memory_space<vmem>>
      %dma_start3A_975 = tpu.memref_squeeze %dma_start3A_974 : memref<1x1x8x128xf32, #tpu.memory_space<vmem>> -> memref<8x128xf32, #tpu.memory_space<vmem>>
      %dma_start3A_976 = tpu.memref_slice %arg2[%multiple_of3A, %multiple_of3A_970] : memref<32768x2048xf32, #tpu.memory_space<hbm>> -> memref<8x128xf32, #tpu.memory_space<hbm>>
      %dma_start3A_977 = arith.constant 0 : i32
      %dma_start3A_978 = arith.constant 0 : i32
      %dma_start3A_979 = tpu.memref_slice %arg6[%dma_start3A, %dma_start3A_971, %dma_start3A_977, %dma_start3A_978] : memref<2x32x8x128xf32, #tpu.memory_space<vmem>> -> memref<1x1x8x128xf32, #tpu.memory_space<vmem>>
      %dma_start3A_980 = tpu.memref_squeeze %dma_start3A_979 : memref<1x1x8x128xf32, #tpu.memory_space<vmem>> -> memref<8x128xf32, #tpu.memory_space<vmem>>
      %dma_start3A_981 = tpu.memref_slice %arg2[%multiple_of3A, %multiple_of3A_970] : memref<32768x2048xf32, #tpu.memory_space<hbm>> -> memref<8x128xf32, #tpu.memory_space<hbm>>
      tpu.enqueue_dma source(%dma_start3A_981 : memref<8x128xf32, #tpu.memory_space<hbm>>) target(%dma_start3A_980 : memref<8x128xf32, #tpu.memory_space<vmem>>) target_semaphore(%arg8 : memref<!tpu.dma_semaphore, #tpu.memory_space<semaphore_mem>>)
    } else {
    }
    %slice3A_444 = vector.extract_strided_slice %select_n3A_429 {offsets = [1], sizes = [1], strides = [1]} : vector<16xi32> to vector<1xi32>
    %squeeze3A_445 = vector.extract %slice3A_444[0] : i32 from vector<1xi32>
    %eq3A_446 = arith.constant 0 : i32
    %eq3A_447 = arith.cmpi eq, %squeeze3A_445, %eq3A_446 : i32
    %convert_element_type3A_448 = arith.extui %eq3A_447 : i1 to i32
    %cond3A_449 = arith.constant 0 : i32
    %cond3A_450 = arith.cmpi ne, %convert_element_type3A_448, %cond3A_449 : i32
    scf.if %cond3A_450 {
      %add3A_959 = arith.constant 0 : i32
      %add3A_960 = arith.addi %mul3A_2, %add3A_959 : i32
      %add3A_961 = arith.constant 17 : i32
      %add3A_962 = arith.addi %add3A_960, %add3A_961 : i32
      %shift_right_arithmetic3A_963 = arith.constant 3 : i32
      %shift_right_arithmetic3A_964 = arith.shrsi %add3A_962, %shift_right_arithmetic3A_963 : i32
      %shift_left3A = arith.constant 3 : i32
      %shift_left3A_965 = arith.shli %shift_right_arithmetic3A_964, %shift_left3A : i32
      %multiple_of3A = tpu.assume_multiple %shift_left3A_965, 8 : i32
      %slice3A_966 = vector.extract_strided_slice %shift_right_arithmetic3A_283 {offsets = [1], sizes = [1], strides = [1]} : vector<16xi32> to vector<1xi32>
      %squeeze3A_967 = vector.extract %slice3A_966[0] : i32 from vector<1xi32>
      %shift_left3A_968 = arith.constant 7 : i32
      %shift_left3A_969 = arith.shli %squeeze3A_967, %shift_left3A_968 : i32
      %multiple_of3A_970 = tpu.assume_multiple %shift_left3A_969, 128 : i32
      %dma_start3A = arith.constant 0 : i32
      %dma_start3A_971 = arith.constant 17 : i32
      %dma_start3A_972 = arith.constant 0 : i32
      %dma_start3A_973 = arith.constant 0 : i32
      %dma_start3A_974 = tpu.memref_slice %arg6[%dma_start3A, %dma_start3A_971, %dma_start3A_972, %dma_start3A_973] : memref<2x32x8x128xf32, #tpu.memory_space<vmem>> -> memref<1x1x8x128xf32, #tpu.memory_space<vmem>>
      %dma_start3A_975 = tpu.memref_squeeze %dma_start3A_974 : memref<1x1x8x128xf32, #tpu.memory_space<vmem>> -> memref<8x128xf32, #tpu.memory_space<vmem>>
      %dma_start3A_976 = tpu.memref_slice %arg2[%multiple_of3A, %multiple_of3A_970] : memref<32768x2048xf32, #tpu.memory_space<hbm>> -> memref<8x128xf32, #tpu.memory_space<hbm>>
      %dma_start3A_977 = arith.constant 0 : i32
      %dma_start3A_978 = arith.constant 0 : i32
      %dma_start3A_979 = tpu.memref_slice %arg6[%dma_start3A, %dma_start3A_971, %dma_start3A_977, %dma_start3A_978] : memref<2x32x8x128xf32, #tpu.memory_space<vmem>> -> memref<1x1x8x128xf32, #tpu.memory_space<vmem>>
      %dma_start3A_980 = tpu.memref_squeeze %dma_start3A_979 : memref<1x1x8x128xf32, #tpu.memory_space<vmem>> -> memref<8x128xf32, #tpu.memory_space<vmem>>
      %dma_start3A_981 = tpu.memref_slice %arg2[%multiple_of3A, %multiple_of3A_970] : memref<32768x2048xf32, #tpu.memory_space<hbm>> -> memref<8x128xf32, #tpu.memory_space<hbm>>
      tpu.enqueue_dma source(%dma_start3A_981 : memref<8x128xf32, #tpu.memory_space<hbm>>) target(%dma_start3A_980 : memref<8x128xf32, #tpu.memory_space<vmem>>) target_semaphore(%arg8 : memref<!tpu.dma_semaphore, #tpu.memory_space<semaphore_mem>>)
    } else {
    }
    %slice3A_451 = vector.extract_strided_slice %select_n3A_429 {offsets = [2], sizes = [1], strides = [1]} : vector<16xi32> to vector<1xi32>
    %squeeze3A_452 = vector.extract %slice3A_451[0] : i32 from vector<1xi32>
    %eq3A_453 = arith.constant 0 : i32
    %eq3A_454 = arith.cmpi eq, %squeeze3A_452, %eq3A_453 : i32
    %convert_element_type3A_455 = arith.extui %eq3A_454 : i1 to i32
    %cond3A_456 = arith.constant 0 : i32
    %cond3A_457 = arith.cmpi ne, %convert_element_type3A_455, %cond3A_456 : i32
    scf.if %cond3A_457 {
      %add3A_959 = arith.constant 0 : i32
      %add3A_960 = arith.addi %mul3A_2, %add3A_959 : i32
      %add3A_961 = arith.constant 18 : i32
      %add3A_962 = arith.addi %add3A_960, %add3A_961 : i32
      %shift_right_arithmetic3A_963 = arith.constant 3 : i32
      %shift_right_arithmetic3A_964 = arith.shrsi %add3A_962, %shift_right_arithmetic3A_963 : i32
      %shift_left3A = arith.constant 3 : i32
      %shift_left3A_965 = arith.shli %shift_right_arithmetic3A_964, %shift_left3A : i32
      %multiple_of3A = tpu.assume_multiple %shift_left3A_965, 8 : i32
      %slice3A_966 = vector.extract_strided_slice %shift_right_arithmetic3A_283 {offsets = [2], sizes = [1], strides = [1]} : vector<16xi32> to vector<1xi32>
      %squeeze3A_967 = vector.extract %slice3A_966[0] : i32 from vector<1xi32>
      %shift_left3A_968 = arith.constant 7 : i32
      %shift_left3A_969 = arith.shli %squeeze3A_967, %shift_left3A_968 : i32
      %multiple_of3A_970 = tpu.assume_multiple %shift_left3A_969, 128 : i32
      %dma_start3A = arith.constant 0 : i32
      %dma_start3A_971 = arith.constant 18 : i32
      %dma_start3A_972 = arith.constant 0 : i32
      %dma_start3A_973 = arith.constant 0 : i32
      %dma_start3A_974 = tpu.memref_slice %arg6[%dma_start3A, %dma_start3A_971, %dma_start3A_972, %dma_start3A_973] : memref<2x32x8x128xf32, #tpu.memory_space<vmem>> -> memref<1x1x8x128xf32, #tpu.memory_space<vmem>>
      %dma_start3A_975 = tpu.memref_squeeze %dma_start3A_974 : memref<1x1x8x128xf32, #tpu.memory_space<vmem>> -> memref<8x128xf32, #tpu.memory_space<vmem>>
      %dma_start3A_976 = tpu.memref_slice %arg2[%multiple_of3A, %multiple_of3A_970] : memref<32768x2048xf32, #tpu.memory_space<hbm>> -> memref<8x128xf32, #tpu.memory_space<hbm>>
      %dma_start3A_977 = arith.constant 0 : i32
      %dma_start3A_978 = arith.constant 0 : i32
      %dma_start3A_979 = tpu.memref_slice %arg6[%dma_start3A, %dma_start3A_971, %dma_start3A_977, %dma_start3A_978] : memref<2x32x8x128xf32, #tpu.memory_space<vmem>> -> memref<1x1x8x128xf32, #tpu.memory_space<vmem>>
      %dma_start3A_980 = tpu.memref_squeeze %dma_start3A_979 : memref<1x1x8x128xf32, #tpu.memory_space<vmem>> -> memref<8x128xf32, #tpu.memory_space<vmem>>
      %dma_start3A_981 = tpu.memref_slice %arg2[%multiple_of3A, %multiple_of3A_970] : memref<32768x2048xf32, #tpu.memory_space<hbm>> -> memref<8x128xf32, #tpu.memory_space<hbm>>
      tpu.enqueue_dma source(%dma_start3A_981 : memref<8x128xf32, #tpu.memory_space<hbm>>) target(%dma_start3A_980 : memref<8x128xf32, #tpu.memory_space<vmem>>) target_semaphore(%arg8 : memref<!tpu.dma_semaphore, #tpu.memory_space<semaphore_mem>>)
    } else {
    }
    %slice3A_458 = vector.extract_strided_slice %select_n3A_429 {offsets = [3], sizes = [1], strides = [1]} : vector<16xi32> to vector<1xi32>
    %squeeze3A_459 = vector.extract %slice3A_458[0] : i32 from vector<1xi32>
    %eq3A_460 = arith.constant 0 : i32
    %eq3A_461 = arith.cmpi eq, %squeeze3A_459, %eq3A_460 : i32
    %convert_element_type3A_462 = arith.extui %eq3A_461 : i1 to i32
    %cond3A_463 = arith.constant 0 : i32
    %cond3A_464 = arith.cmpi ne, %convert_element_type3A_462, %cond3A_463 : i32
    scf.if %cond3A_464 {
      %add3A_959 = arith.constant 0 : i32
      %add3A_960 = arith.addi %mul3A_2, %add3A_959 : i32
      %add3A_961 = arith.constant 19 : i32
      %add3A_962 = arith.addi %add3A_960, %add3A_961 : i32
      %shift_right_arithmetic3A_963 = arith.constant 3 : i32
      %shift_right_arithmetic3A_964 = arith.shrsi %add3A_962, %shift_right_arithmetic3A_963 : i32
      %shift_left3A = arith.constant 3 : i32
      %shift_left3A_965 = arith.shli %shift_right_arithmetic3A_964, %shift_left3A : i32
      %multiple_of3A = tpu.assume_multiple %shift_left3A_965, 8 : i32
      %slice3A_966 = vector.extract_strided_slice %shift_right_arithmetic3A_283 {offsets = [3], sizes = [1], strides = [1]} : vector<16xi32> to vector<1xi32>
      %squeeze3A_967 = vector.extract %slice3A_966[0] : i32 from vector<1xi32>
      %shift_left3A_968 = arith.constant 7 : i32
      %shift_left3A_969 = arith.shli %squeeze3A_967, %shift_left3A_968 : i32
      %multiple_of3A_970 = tpu.assume_multiple %shift_left3A_969, 128 : i32
      %dma_start3A = arith.constant 0 : i32
      %dma_start3A_971 = arith.constant 19 : i32
      %dma_start3A_972 = arith.constant 0 : i32
      %dma_start3A_973 = arith.constant 0 : i32
      %dma_start3A_974 = tpu.memref_slice %arg6[%dma_start3A, %dma_start3A_971, %dma_start3A_972, %dma_start3A_973] : memref<2x32x8x128xf32, #tpu.memory_space<vmem>> -> memref<1x1x8x128xf32, #tpu.memory_space<vmem>>
      %dma_start3A_975 = tpu.memref_squeeze %dma_start3A_974 : memref<1x1x8x128xf32, #tpu.memory_space<vmem>> -> memref<8x128xf32, #tpu.memory_space<vmem>>
      %dma_start3A_976 = tpu.memref_slice %arg2[%multiple_of3A, %multiple_of3A_970] : memref<32768x2048xf32, #tpu.memory_space<hbm>> -> memref<8x128xf32, #tpu.memory_space<hbm>>
      %dma_start3A_977 = arith.constant 0 : i32
      %dma_start3A_978 = arith.constant 0 : i32
      %dma_start3A_979 = tpu.memref_slice %arg6[%dma_start3A, %dma_start3A_971, %dma_start3A_977, %dma_start3A_978] : memref<2x32x8x128xf32, #tpu.memory_space<vmem>> -> memref<1x1x8x128xf32, #tpu.memory_space<vmem>>
      %dma_start3A_980 = tpu.memref_squeeze %dma_start3A_979 : memref<1x1x8x128xf32, #tpu.memory_space<vmem>> -> memref<8x128xf32, #tpu.memory_space<vmem>>
      %dma_start3A_981 = tpu.memref_slice %arg2[%multiple_of3A, %multiple_of3A_970] : memref<32768x2048xf32, #tpu.memory_space<hbm>> -> memref<8x128xf32, #tpu.memory_space<hbm>>
      tpu.enqueue_dma source(%dma_start3A_981 : memref<8x128xf32, #tpu.memory_space<hbm>>) target(%dma_start3A_980 : memref<8x128xf32, #tpu.memory_space<vmem>>) target_semaphore(%arg8 : memref<!tpu.dma_semaphore, #tpu.memory_space<semaphore_mem>>)
    } else {
    }
    %slice3A_465 = vector.extract_strided_slice %select_n3A_429 {offsets = [4], sizes = [1], strides = [1]} : vector<16xi32> to vector<1xi32>
    %squeeze3A_466 = vector.extract %slice3A_465[0] : i32 from vector<1xi32>
    %eq3A_467 = arith.constant 0 : i32
    %eq3A_468 = arith.cmpi eq, %squeeze3A_466, %eq3A_467 : i32
    %convert_element_type3A_469 = arith.extui %eq3A_468 : i1 to i32
    %cond3A_470 = arith.constant 0 : i32
    %cond3A_471 = arith.cmpi ne, %convert_element_type3A_469, %cond3A_470 : i32
    scf.if %cond3A_471 {
      %add3A_959 = arith.constant 0 : i32
      %add3A_960 = arith.addi %mul3A_2, %add3A_959 : i32
      %add3A_961 = arith.constant 20 : i32
      %add3A_962 = arith.addi %add3A_960, %add3A_961 : i32
      %shift_right_arithmetic3A_963 = arith.constant 3 : i32
      %shift_right_arithmetic3A_964 = arith.shrsi %add3A_962, %shift_right_arithmetic3A_963 : i32
      %shift_left3A = arith.constant 3 : i32
      %shift_left3A_965 = arith.shli %shift_right_arithmetic3A_964, %shift_left3A : i32
      %multiple_of3A = tpu.assume_multiple %shift_left3A_965, 8 : i32
      %slice3A_966 = vector.extract_strided_slice %shift_right_arithmetic3A_283 {offsets = [4], sizes = [1], strides = [1]} : vector<16xi32> to vector<1xi32>
      %squeeze3A_967 = vector.extract %slice3A_966[0] : i32 from vector<1xi32>
      %shift_left3A_968 = arith.constant 7 : i32
      %shift_left3A_969 = arith.shli %squeeze3A_967, %shift_left3A_968 : i32
      %multiple_of3A_970 = tpu.assume_multiple %shift_left3A_969, 128 : i32
      %dma_start3A = arith.constant 0 : i32
      %dma_start3A_971 = arith.constant 20 : i32
      %dma_start3A_972 = arith.constant 0 : i32
      %dma_start3A_973 = arith.constant 0 : i32
      %dma_start3A_974 = tpu.memref_slice %arg6[%dma_start3A, %dma_start3A_971, %dma_start3A_972, %dma_start3A_973] : memref<2x32x8x128xf32, #tpu.memory_space<vmem>> -> memref<1x1x8x128xf32, #tpu.memory_space<vmem>>
      %dma_start3A_975 = tpu.memref_squeeze %dma_start3A_974 : memref<1x1x8x128xf32, #tpu.memory_space<vmem>> -> memref<8x128xf32, #tpu.memory_space<vmem>>
      %dma_start3A_976 = tpu.memref_slice %arg2[%multiple_of3A, %multiple_of3A_970] : memref<32768x2048xf32, #tpu.memory_space<hbm>> -> memref<8x128xf32, #tpu.memory_space<hbm>>
      %dma_start3A_977 = arith.constant 0 : i32
      %dma_start3A_978 = arith.constant 0 : i32
      %dma_start3A_979 = tpu.memref_slice %arg6[%dma_start3A, %dma_start3A_971, %dma_start3A_977, %dma_start3A_978] : memref<2x32x8x128xf32, #tpu.memory_space<vmem>> -> memref<1x1x8x128xf32, #tpu.memory_space<vmem>>
      %dma_start3A_980 = tpu.memref_squeeze %dma_start3A_979 : memref<1x1x8x128xf32, #tpu.memory_space<vmem>> -> memref<8x128xf32, #tpu.memory_space<vmem>>
      %dma_start3A_981 = tpu.memref_slice %arg2[%multiple_of3A, %multiple_of3A_970] : memref<32768x2048xf32, #tpu.memory_space<hbm>> -> memref<8x128xf32, #tpu.memory_space<hbm>>
      tpu.enqueue_dma source(%dma_start3A_981 : memref<8x128xf32, #tpu.memory_space<hbm>>) target(%dma_start3A_980 : memref<8x128xf32, #tpu.memory_space<vmem>>) target_semaphore(%arg8 : memref<!tpu.dma_semaphore, #tpu.memory_space<semaphore_mem>>)
    } else {
    }
    %slice3A_472 = vector.extract_strided_slice %select_n3A_429 {offsets = [5], sizes = [1], strides = [1]} : vector<16xi32> to vector<1xi32>
    %squeeze3A_473 = vector.extract %slice3A_472[0] : i32 from vector<1xi32>
    %eq3A_474 = arith.constant 0 : i32
    %eq3A_475 = arith.cmpi eq, %squeeze3A_473, %eq3A_474 : i32
    %convert_element_type3A_476 = arith.extui %eq3A_475 : i1 to i32
    %cond3A_477 = arith.constant 0 : i32
    %cond3A_478 = arith.cmpi ne, %convert_element_type3A_476, %cond3A_477 : i32
    scf.if %cond3A_478 {
      %add3A_959 = arith.constant 0 : i32
      %add3A_960 = arith.addi %mul3A_2, %add3A_959 : i32
      %add3A_961 = arith.constant 21 : i32
      %add3A_962 = arith.addi %add3A_960, %add3A_961 : i32
      %shift_right_arithmetic3A_963 = arith.constant 3 : i32
      %shift_right_arithmetic3A_964 = arith.shrsi %add3A_962, %shift_right_arithmetic3A_963 : i32
      %shift_left3A = arith.constant 3 : i32
      %shift_left3A_965 = arith.shli %shift_right_arithmetic3A_964, %shift_left3A : i32
      %multiple_of3A = tpu.assume_multiple %shift_left3A_965, 8 : i32
      %slice3A_966 = vector.extract_strided_slice %shift_right_arithmetic3A_283 {offsets = [5], sizes = [1], strides = [1]} : vector<16xi32> to vector<1xi32>
      %squeeze3A_967 = vector.extract %slice3A_966[0] : i32 from vector<1xi32>
      %shift_left3A_968 = arith.constant 7 : i32
      %shift_left3A_969 = arith.shli %squeeze3A_967, %shift_left3A_968 : i32
      %multiple_of3A_970 = tpu.assume_multiple %shift_left3A_969, 128 : i32
      %dma_start3A = arith.constant 0 : i32
      %dma_start3A_971 = arith.constant 21 : i32
      %dma_start3A_972 = arith.constant 0 : i32
      %dma_start3A_973 = arith.constant 0 : i32
      %dma_start3A_974 = tpu.memref_slice %arg6[%dma_start3A, %dma_start3A_971, %dma_start3A_972, %dma_start3A_973] : memref<2x32x8x128xf32, #tpu.memory_space<vmem>> -> memref<1x1x8x128xf32, #tpu.memory_space<vmem>>
      %dma_start3A_975 = tpu.memref_squeeze %dma_start3A_974 : memref<1x1x8x128xf32, #tpu.memory_space<vmem>> -> memref<8x128xf32, #tpu.memory_space<vmem>>
      %dma_start3A_976 = tpu.memref_slice %arg2[%multiple_of3A, %multiple_of3A_970] : memref<32768x2048xf32, #tpu.memory_space<hbm>> -> memref<8x128xf32, #tpu.memory_space<hbm>>
      %dma_start3A_977 = arith.constant 0 : i32
      %dma_start3A_978 = arith.constant 0 : i32
      %dma_start3A_979 = tpu.memref_slice %arg6[%dma_start3A, %dma_start3A_971, %dma_start3A_977, %dma_start3A_978] : memref<2x32x8x128xf32, #tpu.memory_space<vmem>> -> memref<1x1x8x128xf32, #tpu.memory_space<vmem>>
      %dma_start3A_980 = tpu.memref_squeeze %dma_start3A_979 : memref<1x1x8x128xf32, #tpu.memory_space<vmem>> -> memref<8x128xf32, #tpu.memory_space<vmem>>
      %dma_start3A_981 = tpu.memref_slice %arg2[%multiple_of3A, %multiple_of3A_970] : memref<32768x2048xf32, #tpu.memory_space<hbm>> -> memref<8x128xf32, #tpu.memory_space<hbm>>
      tpu.enqueue_dma source(%dma_start3A_981 : memref<8x128xf32, #tpu.memory_space<hbm>>) target(%dma_start3A_980 : memref<8x128xf32, #tpu.memory_space<vmem>>) target_semaphore(%arg8 : memref<!tpu.dma_semaphore, #tpu.memory_space<semaphore_mem>>)
    } else {
    }
    %slice3A_479 = vector.extract_strided_slice %select_n3A_429 {offsets = [6], sizes = [1], strides = [1]} : vector<16xi32> to vector<1xi32>
    %squeeze3A_480 = vector.extract %slice3A_479[0] : i32 from vector<1xi32>
    %eq3A_481 = arith.constant 0 : i32
    %eq3A_482 = arith.cmpi eq, %squeeze3A_480, %eq3A_481 : i32
    %convert_element_type3A_483 = arith.extui %eq3A_482 : i1 to i32
    %cond3A_484 = arith.constant 0 : i32
    %cond3A_485 = arith.cmpi ne, %convert_element_type3A_483, %cond3A_484 : i32
    scf.if %cond3A_485 {
      %add3A_959 = arith.constant 0 : i32
      %add3A_960 = arith.addi %mul3A_2, %add3A_959 : i32
      %add3A_961 = arith.constant 22 : i32
      %add3A_962 = arith.addi %add3A_960, %add3A_961 : i32
      %shift_right_arithmetic3A_963 = arith.constant 3 : i32
      %shift_right_arithmetic3A_964 = arith.shrsi %add3A_962, %shift_right_arithmetic3A_963 : i32
      %shift_left3A = arith.constant 3 : i32
      %shift_left3A_965 = arith.shli %shift_right_arithmetic3A_964, %shift_left3A : i32
      %multiple_of3A = tpu.assume_multiple %shift_left3A_965, 8 : i32
      %slice3A_966 = vector.extract_strided_slice %shift_right_arithmetic3A_283 {offsets = [6], sizes = [1], strides = [1]} : vector<16xi32> to vector<1xi32>
      %squeeze3A_967 = vector.extract %slice3A_966[0] : i32 from vector<1xi32>
      %shift_left3A_968 = arith.constant 7 : i32
      %shift_left3A_969 = arith.shli %squeeze3A_967, %shift_left3A_968 : i32
      %multiple_of3A_970 = tpu.assume_multiple %shift_left3A_969, 128 : i32
      %dma_start3A = arith.constant 0 : i32
      %dma_start3A_971 = arith.constant 22 : i32
      %dma_start3A_972 = arith.constant 0 : i32
      %dma_start3A_973 = arith.constant 0 : i32
      %dma_start3A_974 = tpu.memref_slice %arg6[%dma_start3A, %dma_start3A_971, %dma_start3A_972, %dma_start3A_973] : memref<2x32x8x128xf32, #tpu.memory_space<vmem>> -> memref<1x1x8x128xf32, #tpu.memory_space<vmem>>
      %dma_start3A_975 = tpu.memref_squeeze %dma_start3A_974 : memref<1x1x8x128xf32, #tpu.memory_space<vmem>> -> memref<8x128xf32, #tpu.memory_space<vmem>>
      %dma_start3A_976 = tpu.memref_slice %arg2[%multiple_of3A, %multiple_of3A_970] : memref<32768x2048xf32, #tpu.memory_space<hbm>> -> memref<8x128xf32, #tpu.memory_space<hbm>>
      %dma_start3A_977 = arith.constant 0 : i32
      %dma_start3A_978 = arith.constant 0 : i32
      %dma_start3A_979 = tpu.memref_slice %arg6[%dma_start3A, %dma_start3A_971, %dma_start3A_977, %dma_start3A_978] : memref<2x32x8x128xf32, #tpu.memory_space<vmem>> -> memref<1x1x8x128xf32, #tpu.memory_space<vmem>>
      %dma_start3A_980 = tpu.memref_squeeze %dma_start3A_979 : memref<1x1x8x128xf32, #tpu.memory_space<vmem>> -> memref<8x128xf32, #tpu.memory_space<vmem>>
      %dma_start3A_981 = tpu.memref_slice %arg2[%multiple_of3A, %multiple_of3A_970] : memref<32768x2048xf32, #tpu.memory_space<hbm>> -> memref<8x128xf32, #tpu.memory_space<hbm>>
      tpu.enqueue_dma source(%dma_start3A_981 : memref<8x128xf32, #tpu.memory_space<hbm>>) target(%dma_start3A_980 : memref<8x128xf32, #tpu.memory_space<vmem>>) target_semaphore(%arg8 : memref<!tpu.dma_semaphore, #tpu.memory_space<semaphore_mem>>)
    } else {
    }
    %slice3A_486 = vector.extract_strided_slice %select_n3A_429 {offsets = [7], sizes = [1], strides = [1]} : vector<16xi32> to vector<1xi32>
    %squeeze3A_487 = vector.extract %slice3A_486[0] : i32 from vector<1xi32>
    %eq3A_488 = arith.constant 0 : i32
    %eq3A_489 = arith.cmpi eq, %squeeze3A_487, %eq3A_488 : i32
    %convert_element_type3A_490 = arith.extui %eq3A_489 : i1 to i32
    %cond3A_491 = arith.constant 0 : i32
    %cond3A_492 = arith.cmpi ne, %convert_element_type3A_490, %cond3A_491 : i32
    scf.if %cond3A_492 {
      %add3A_959 = arith.constant 0 : i32
      %add3A_960 = arith.addi %mul3A_2, %add3A_959 : i32
      %add3A_961 = arith.constant 23 : i32
      %add3A_962 = arith.addi %add3A_960, %add3A_961 : i32
      %shift_right_arithmetic3A_963 = arith.constant 3 : i32
      %shift_right_arithmetic3A_964 = arith.shrsi %add3A_962, %shift_right_arithmetic3A_963 : i32
      %shift_left3A = arith.constant 3 : i32
      %shift_left3A_965 = arith.shli %shift_right_arithmetic3A_964, %shift_left3A : i32
      %multiple_of3A = tpu.assume_multiple %shift_left3A_965, 8 : i32
      %slice3A_966 = vector.extract_strided_slice %shift_right_arithmetic3A_283 {offsets = [7], sizes = [1], strides = [1]} : vector<16xi32> to vector<1xi32>
      %squeeze3A_967 = vector.extract %slice3A_966[0] : i32 from vector<1xi32>
      %shift_left3A_968 = arith.constant 7 : i32
      %shift_left3A_969 = arith.shli %squeeze3A_967, %shift_left3A_968 : i32
      %multiple_of3A_970 = tpu.assume_multiple %shift_left3A_969, 128 : i32
      %dma_start3A = arith.constant 0 : i32
      %dma_start3A_971 = arith.constant 23 : i32
      %dma_start3A_972 = arith.constant 0 : i32
      %dma_start3A_973 = arith.constant 0 : i32
      %dma_start3A_974 = tpu.memref_slice %arg6[%dma_start3A, %dma_start3A_971, %dma_start3A_972, %dma_start3A_973] : memref<2x32x8x128xf32, #tpu.memory_space<vmem>> -> memref<1x1x8x128xf32, #tpu.memory_space<vmem>>
      %dma_start3A_975 = tpu.memref_squeeze %dma_start3A_974 : memref<1x1x8x128xf32, #tpu.memory_space<vmem>> -> memref<8x128xf32, #tpu.memory_space<vmem>>
      %dma_start3A_976 = tpu.memref_slice %arg2[%multiple_of3A, %multiple_of3A_970] : memref<32768x2048xf32, #tpu.memory_space<hbm>> -> memref<8x128xf32, #tpu.memory_space<hbm>>
      %dma_start3A_977 = arith.constant 0 : i32
      %dma_start3A_978 = arith.constant 0 : i32
      %dma_start3A_979 = tpu.memref_slice %arg6[%dma_start3A, %dma_start3A_971, %dma_start3A_977, %dma_start3A_978] : memref<2x32x8x128xf32, #tpu.memory_space<vmem>> -> memref<1x1x8x128xf32, #tpu.memory_space<vmem>>
      %dma_start3A_980 = tpu.memref_squeeze %dma_start3A_979 : memref<1x1x8x128xf32, #tpu.memory_space<vmem>> -> memref<8x128xf32, #tpu.memory_space<vmem>>
      %dma_start3A_981 = tpu.memref_slice %arg2[%multiple_of3A, %multiple_of3A_970] : memref<32768x2048xf32, #tpu.memory_space<hbm>> -> memref<8x128xf32, #tpu.memory_space<hbm>>
      tpu.enqueue_dma source(%dma_start3A_981 : memref<8x128xf32, #tpu.memory_space<hbm>>) target(%dma_start3A_980 : memref<8x128xf32, #tpu.memory_space<vmem>>) target_semaphore(%arg8 : memref<!tpu.dma_semaphore, #tpu.memory_space<semaphore_mem>>)
    } else {
    }
    %slice3A_493 = vector.extract_strided_slice %select_n3A_429 {offsets = [8], sizes = [1], strides = [1]} : vector<16xi32> to vector<1xi32>
    %squeeze3A_494 = vector.extract %slice3A_493[0] : i32 from vector<1xi32>
    %eq3A_495 = arith.constant 0 : i32
    %eq3A_496 = arith.cmpi eq, %squeeze3A_494, %eq3A_495 : i32
    %convert_element_type3A_497 = arith.extui %eq3A_496 : i1 to i32
    %cond3A_498 = arith.constant 0 : i32
    %cond3A_499 = arith.cmpi ne, %convert_element_type3A_497, %cond3A_498 : i32
    scf.if %cond3A_499 {
      %add3A_959 = arith.constant 0 : i32
      %add3A_960 = arith.addi %mul3A_2, %add3A_959 : i32
      %add3A_961 = arith.constant 24 : i32
      %add3A_962 = arith.addi %add3A_960, %add3A_961 : i32
      %shift_right_arithmetic3A_963 = arith.constant 3 : i32
      %shift_right_arithmetic3A_964 = arith.shrsi %add3A_962, %shift_right_arithmetic3A_963 : i32
      %shift_left3A = arith.constant 3 : i32
      %shift_left3A_965 = arith.shli %shift_right_arithmetic3A_964, %shift_left3A : i32
      %multiple_of3A = tpu.assume_multiple %shift_left3A_965, 8 : i32
      %slice3A_966 = vector.extract_strided_slice %shift_right_arithmetic3A_283 {offsets = [8], sizes = [1], strides = [1]} : vector<16xi32> to vector<1xi32>
      %squeeze3A_967 = vector.extract %slice3A_966[0] : i32 from vector<1xi32>
      %shift_left3A_968 = arith.constant 7 : i32
      %shift_left3A_969 = arith.shli %squeeze3A_967, %shift_left3A_968 : i32
      %multiple_of3A_970 = tpu.assume_multiple %shift_left3A_969, 128 : i32
      %dma_start3A = arith.constant 0 : i32
      %dma_start3A_971 = arith.constant 24 : i32
      %dma_start3A_972 = arith.constant 0 : i32
      %dma_start3A_973 = arith.constant 0 : i32
      %dma_start3A_974 = tpu.memref_slice %arg6[%dma_start3A, %dma_start3A_971, %dma_start3A_972, %dma_start3A_973] : memref<2x32x8x128xf32, #tpu.memory_space<vmem>> -> memref<1x1x8x128xf32, #tpu.memory_space<vmem>>
      %dma_start3A_975 = tpu.memref_squeeze %dma_start3A_974 : memref<1x1x8x128xf32, #tpu.memory_space<vmem>> -> memref<8x128xf32, #tpu.memory_space<vmem>>
      %dma_start3A_976 = tpu.memref_slice %arg2[%multiple_of3A, %multiple_of3A_970] : memref<32768x2048xf32, #tpu.memory_space<hbm>> -> memref<8x128xf32, #tpu.memory_space<hbm>>
      %dma_start3A_977 = arith.constant 0 : i32
      %dma_start3A_978 = arith.constant 0 : i32
      %dma_start3A_979 = tpu.memref_slice %arg6[%dma_start3A, %dma_start3A_971, %dma_start3A_977, %dma_start3A_978] : memref<2x32x8x128xf32, #tpu.memory_space<vmem>> -> memref<1x1x8x128xf32, #tpu.memory_space<vmem>>
      %dma_start3A_980 = tpu.memref_squeeze %dma_start3A_979 : memref<1x1x8x128xf32, #tpu.memory_space<vmem>> -> memref<8x128xf32, #tpu.memory_space<vmem>>
      %dma_start3A_981 = tpu.memref_slice %arg2[%multiple_of3A, %multiple_of3A_970] : memref<32768x2048xf32, #tpu.memory_space<hbm>> -> memref<8x128xf32, #tpu.memory_space<hbm>>
      tpu.enqueue_dma source(%dma_start3A_981 : memref<8x128xf32, #tpu.memory_space<hbm>>) target(%dma_start3A_980 : memref<8x128xf32, #tpu.memory_space<vmem>>) target_semaphore(%arg8 : memref<!tpu.dma_semaphore, #tpu.memory_space<semaphore_mem>>)
    } else {
    }
    %slice3A_500 = vector.extract_strided_slice %select_n3A_429 {offsets = [9], sizes = [1], strides = [1]} : vector<16xi32> to vector<1xi32>
    %squeeze3A_501 = vector.extract %slice3A_500[0] : i32 from vector<1xi32>
    %eq3A_502 = arith.constant 0 : i32
    %eq3A_503 = arith.cmpi eq, %squeeze3A_501, %eq3A_502 : i32
    %convert_element_type3A_504 = arith.extui %eq3A_503 : i1 to i32
    %cond3A_505 = arith.constant 0 : i32
    %cond3A_506 = arith.cmpi ne, %convert_element_type3A_504, %cond3A_505 : i32
    scf.if %cond3A_506 {
      %add3A_959 = arith.constant 0 : i32
      %add3A_960 = arith.addi %mul3A_2, %add3A_959 : i32
      %add3A_961 = arith.constant 25 : i32
      %add3A_962 = arith.addi %add3A_960, %add3A_961 : i32
      %shift_right_arithmetic3A_963 = arith.constant 3 : i32
      %shift_right_arithmetic3A_964 = arith.shrsi %add3A_962, %shift_right_arithmetic3A_963 : i32
      %shift_left3A = arith.constant 3 : i32
      %shift_left3A_965 = arith.shli %shift_right_arithmetic3A_964, %shift_left3A : i32
      %multiple_of3A = tpu.assume_multiple %shift_left3A_965, 8 : i32
      %slice3A_966 = vector.extract_strided_slice %shift_right_arithmetic3A_283 {offsets = [9], sizes = [1], strides = [1]} : vector<16xi32> to vector<1xi32>
      %squeeze3A_967 = vector.extract %slice3A_966[0] : i32 from vector<1xi32>
      %shift_left3A_968 = arith.constant 7 : i32
      %shift_left3A_969 = arith.shli %squeeze3A_967, %shift_left3A_968 : i32
      %multiple_of3A_970 = tpu.assume_multiple %shift_left3A_969, 128 : i32
      %dma_start3A = arith.constant 0 : i32
      %dma_start3A_971 = arith.constant 25 : i32
      %dma_start3A_972 = arith.constant 0 : i32
      %dma_start3A_973 = arith.constant 0 : i32
      %dma_start3A_974 = tpu.memref_slice %arg6[%dma_start3A, %dma_start3A_971, %dma_start3A_972, %dma_start3A_973] : memref<2x32x8x128xf32, #tpu.memory_space<vmem>> -> memref<1x1x8x128xf32, #tpu.memory_space<vmem>>
      %dma_start3A_975 = tpu.memref_squeeze %dma_start3A_974 : memref<1x1x8x128xf32, #tpu.memory_space<vmem>> -> memref<8x128xf32, #tpu.memory_space<vmem>>
      %dma_start3A_976 = tpu.memref_slice %arg2[%multiple_of3A, %multiple_of3A_970] : memref<32768x2048xf32, #tpu.memory_space<hbm>> -> memref<8x128xf32, #tpu.memory_space<hbm>>
      %dma_start3A_977 = arith.constant 0 : i32
      %dma_start3A_978 = arith.constant 0 : i32
      %dma_start3A_979 = tpu.memref_slice %arg6[%dma_start3A, %dma_start3A_971, %dma_start3A_977, %dma_start3A_978] : memref<2x32x8x128xf32, #tpu.memory_space<vmem>> -> memref<1x1x8x128xf32, #tpu.memory_space<vmem>>
      %dma_start3A_980 = tpu.memref_squeeze %dma_start3A_979 : memref<1x1x8x128xf32, #tpu.memory_space<vmem>> -> memref<8x128xf32, #tpu.memory_space<vmem>>
      %dma_start3A_981 = tpu.memref_slice %arg2[%multiple_of3A, %multiple_of3A_970] : memref<32768x2048xf32, #tpu.memory_space<hbm>> -> memref<8x128xf32, #tpu.memory_space<hbm>>
      tpu.enqueue_dma source(%dma_start3A_981 : memref<8x128xf32, #tpu.memory_space<hbm>>) target(%dma_start3A_980 : memref<8x128xf32, #tpu.memory_space<vmem>>) target_semaphore(%arg8 : memref<!tpu.dma_semaphore, #tpu.memory_space<semaphore_mem>>)
    } else {
    }
    %slice3A_507 = vector.extract_strided_slice %select_n3A_429 {offsets = [10], sizes = [1], strides = [1]} : vector<16xi32> to vector<1xi32>
    %squeeze3A_508 = vector.extract %slice3A_507[0] : i32 from vector<1xi32>
    %eq3A_509 = arith.constant 0 : i32
    %eq3A_510 = arith.cmpi eq, %squeeze3A_508, %eq3A_509 : i32
    %convert_element_type3A_511 = arith.extui %eq3A_510 : i1 to i32
    %cond3A_512 = arith.constant 0 : i32
    %cond3A_513 = arith.cmpi ne, %convert_element_type3A_511, %cond3A_512 : i32
    scf.if %cond3A_513 {
      %add3A_959 = arith.constant 0 : i32
      %add3A_960 = arith.addi %mul3A_2, %add3A_959 : i32
      %add3A_961 = arith.constant 26 : i32
      %add3A_962 = arith.addi %add3A_960, %add3A_961 : i32
      %shift_right_arithmetic3A_963 = arith.constant 3 : i32
      %shift_right_arithmetic3A_964 = arith.shrsi %add3A_962, %shift_right_arithmetic3A_963 : i32
      %shift_left3A = arith.constant 3 : i32
      %shift_left3A_965 = arith.shli %shift_right_arithmetic3A_964, %shift_left3A : i32
      %multiple_of3A = tpu.assume_multiple %shift_left3A_965, 8 : i32
      %slice3A_966 = vector.extract_strided_slice %shift_right_arithmetic3A_283 {offsets = [10], sizes = [1], strides = [1]} : vector<16xi32> to vector<1xi32>
      %squeeze3A_967 = vector.extract %slice3A_966[0] : i32 from vector<1xi32>
      %shift_left3A_968 = arith.constant 7 : i32
      %shift_left3A_969 = arith.shli %squeeze3A_967, %shift_left3A_968 : i32
      %multiple_of3A_970 = tpu.assume_multiple %shift_left3A_969, 128 : i32
      %dma_start3A = arith.constant 0 : i32
      %dma_start3A_971 = arith.constant 26 : i32
      %dma_start3A_972 = arith.constant 0 : i32
      %dma_start3A_973 = arith.constant 0 : i32
      %dma_start3A_974 = tpu.memref_slice %arg6[%dma_start3A, %dma_start3A_971, %dma_start3A_972, %dma_start3A_973] : memref<2x32x8x128xf32, #tpu.memory_space<vmem>> -> memref<1x1x8x128xf32, #tpu.memory_space<vmem>>
      %dma_start3A_975 = tpu.memref_squeeze %dma_start3A_974 : memref<1x1x8x128xf32, #tpu.memory_space<vmem>> -> memref<8x128xf32, #tpu.memory_space<vmem>>
      %dma_start3A_976 = tpu.memref_slice %arg2[%multiple_of3A, %multiple_of3A_970] : memref<32768x2048xf32, #tpu.memory_space<hbm>> -> memref<8x128xf32, #tpu.memory_space<hbm>>
      %dma_start3A_977 = arith.constant 0 : i32
      %dma_start3A_978 = arith.constant 0 : i32
      %dma_start3A_979 = tpu.memref_slice %arg6[%dma_start3A, %dma_start3A_971, %dma_start3A_977, %dma_start3A_978] : memref<2x32x8x128xf32, #tpu.memory_space<vmem>> -> memref<1x1x8x128xf32, #tpu.memory_space<vmem>>
      %dma_start3A_980 = tpu.memref_squeeze %dma_start3A_979 : memref<1x1x8x128xf32, #tpu.memory_space<vmem>> -> memref<8x128xf32, #tpu.memory_space<vmem>>
      %dma_start3A_981 = tpu.memref_slice %arg2[%multiple_of3A, %multiple_of3A_970] : memref<32768x2048xf32, #tpu.memory_space<hbm>> -> memref<8x128xf32, #tpu.memory_space<hbm>>
      tpu.enqueue_dma source(%dma_start3A_981 : memref<8x128xf32, #tpu.memory_space<hbm>>) target(%dma_start3A_980 : memref<8x128xf32, #tpu.memory_space<vmem>>) target_semaphore(%arg8 : memref<!tpu.dma_semaphore, #tpu.memory_space<semaphore_mem>>)
    } else {
    }
    %slice3A_514 = vector.extract_strided_slice %select_n3A_429 {offsets = [11], sizes = [1], strides = [1]} : vector<16xi32> to vector<1xi32>
    %squeeze3A_515 = vector.extract %slice3A_514[0] : i32 from vector<1xi32>
    %eq3A_516 = arith.constant 0 : i32
    %eq3A_517 = arith.cmpi eq, %squeeze3A_515, %eq3A_516 : i32
    %convert_element_type3A_518 = arith.extui %eq3A_517 : i1 to i32
    %cond3A_519 = arith.constant 0 : i32
    %cond3A_520 = arith.cmpi ne, %convert_element_type3A_518, %cond3A_519 : i32
    scf.if %cond3A_520 {
      %add3A_959 = arith.constant 0 : i32
      %add3A_960 = arith.addi %mul3A_2, %add3A_959 : i32
      %add3A_961 = arith.constant 27 : i32
      %add3A_962 = arith.addi %add3A_960, %add3A_961 : i32
      %shift_right_arithmetic3A_963 = arith.constant 3 : i32
      %shift_right_arithmetic3A_964 = arith.shrsi %add3A_962, %shift_right_arithmetic3A_963 : i32
      %shift_left3A = arith.constant 3 : i32
      %shift_left3A_965 = arith.shli %shift_right_arithmetic3A_964, %shift_left3A : i32
      %multiple_of3A = tpu.assume_multiple %shift_left3A_965, 8 : i32
      %slice3A_966 = vector.extract_strided_slice %shift_right_arithmetic3A_283 {offsets = [11], sizes = [1], strides = [1]} : vector<16xi32> to vector<1xi32>
      %squeeze3A_967 = vector.extract %slice3A_966[0] : i32 from vector<1xi32>
      %shift_left3A_968 = arith.constant 7 : i32
      %shift_left3A_969 = arith.shli %squeeze3A_967, %shift_left3A_968 : i32
      %multiple_of3A_970 = tpu.assume_multiple %shift_left3A_969, 128 : i32
      %dma_start3A = arith.constant 0 : i32
      %dma_start3A_971 = arith.constant 27 : i32
      %dma_start3A_972 = arith.constant 0 : i32
      %dma_start3A_973 = arith.constant 0 : i32
      %dma_start3A_974 = tpu.memref_slice %arg6[%dma_start3A, %dma_start3A_971, %dma_start3A_972, %dma_start3A_973] : memref<2x32x8x128xf32, #tpu.memory_space<vmem>> -> memref<1x1x8x128xf32, #tpu.memory_space<vmem>>
      %dma_start3A_975 = tpu.memref_squeeze %dma_start3A_974 : memref<1x1x8x128xf32, #tpu.memory_space<vmem>> -> memref<8x128xf32, #tpu.memory_space<vmem>>
      %dma_start3A_976 = tpu.memref_slice %arg2[%multiple_of3A, %multiple_of3A_970] : memref<32768x2048xf32, #tpu.memory_space<hbm>> -> memref<8x128xf32, #tpu.memory_space<hbm>>
      %dma_start3A_977 = arith.constant 0 : i32
      %dma_start3A_978 = arith.constant 0 : i32
      %dma_start3A_979 = tpu.memref_slice %arg6[%dma_start3A, %dma_start3A_971, %dma_start3A_977, %dma_start3A_978] : memref<2x32x8x128xf32, #tpu.memory_space<vmem>> -> memref<1x1x8x128xf32, #tpu.memory_space<vmem>>
      %dma_start3A_980 = tpu.memref_squeeze %dma_start3A_979 : memref<1x1x8x128xf32, #tpu.memory_space<vmem>> -> memref<8x128xf32, #tpu.memory_space<vmem>>
      %dma_start3A_981 = tpu.memref_slice %arg2[%multiple_of3A, %multiple_of3A_970] : memref<32768x2048xf32, #tpu.memory_space<hbm>> -> memref<8x128xf32, #tpu.memory_space<hbm>>
      tpu.enqueue_dma source(%dma_start3A_981 : memref<8x128xf32, #tpu.memory_space<hbm>>) target(%dma_start3A_980 : memref<8x128xf32, #tpu.memory_space<vmem>>) target_semaphore(%arg8 : memref<!tpu.dma_semaphore, #tpu.memory_space<semaphore_mem>>)
    } else {
    }
    %slice3A_521 = vector.extract_strided_slice %select_n3A_429 {offsets = [12], sizes = [1], strides = [1]} : vector<16xi32> to vector<1xi32>
    %squeeze3A_522 = vector.extract %slice3A_521[0] : i32 from vector<1xi32>
    %eq3A_523 = arith.constant 0 : i32
    %eq3A_524 = arith.cmpi eq, %squeeze3A_522, %eq3A_523 : i32
    %convert_element_type3A_525 = arith.extui %eq3A_524 : i1 to i32
    %cond3A_526 = arith.constant 0 : i32
    %cond3A_527 = arith.cmpi ne, %convert_element_type3A_525, %cond3A_526 : i32
    scf.if %cond3A_527 {
      %add3A_959 = arith.constant 0 : i32
      %add3A_960 = arith.addi %mul3A_2, %add3A_959 : i32
      %add3A_961 = arith.constant 28 : i32
      %add3A_962 = arith.addi %add3A_960, %add3A_961 : i32
      %shift_right_arithmetic3A_963 = arith.constant 3 : i32
      %shift_right_arithmetic3A_964 = arith.shrsi %add3A_962, %shift_right_arithmetic3A_963 : i32
      %shift_left3A = arith.constant 3 : i32
      %shift_left3A_965 = arith.shli %shift_right_arithmetic3A_964, %shift_left3A : i32
      %multiple_of3A = tpu.assume_multiple %shift_left3A_965, 8 : i32
      %slice3A_966 = vector.extract_strided_slice %shift_right_arithmetic3A_283 {offsets = [12], sizes = [1], strides = [1]} : vector<16xi32> to vector<1xi32>
      %squeeze3A_967 = vector.extract %slice3A_966[0] : i32 from vector<1xi32>
      %shift_left3A_968 = arith.constant 7 : i32
      %shift_left3A_969 = arith.shli %squeeze3A_967, %shift_left3A_968 : i32
      %multiple_of3A_970 = tpu.assume_multiple %shift_left3A_969, 128 : i32
      %dma_start3A = arith.constant 0 : i32
      %dma_start3A_971 = arith.constant 28 : i32
      %dma_start3A_972 = arith.constant 0 : i32
      %dma_start3A_973 = arith.constant 0 : i32
      %dma_start3A_974 = tpu.memref_slice %arg6[%dma_start3A, %dma_start3A_971, %dma_start3A_972, %dma_start3A_973] : memref<2x32x8x128xf32, #tpu.memory_space<vmem>> -> memref<1x1x8x128xf32, #tpu.memory_space<vmem>>
      %dma_start3A_975 = tpu.memref_squeeze %dma_start3A_974 : memref<1x1x8x128xf32, #tpu.memory_space<vmem>> -> memref<8x128xf32, #tpu.memory_space<vmem>>
      %dma_start3A_976 = tpu.memref_slice %arg2[%multiple_of3A, %multiple_of3A_970] : memref<32768x2048xf32, #tpu.memory_space<hbm>> -> memref<8x128xf32, #tpu.memory_space<hbm>>
      %dma_start3A_977 = arith.constant 0 : i32
      %dma_start3A_978 = arith.constant 0 : i32
      %dma_start3A_979 = tpu.memref_slice %arg6[%dma_start3A, %dma_start3A_971, %dma_start3A_977, %dma_start3A_978] : memref<2x32x8x128xf32, #tpu.memory_space<vmem>> -> memref<1x1x8x128xf32, #tpu.memory_space<vmem>>
      %dma_start3A_980 = tpu.memref_squeeze %dma_start3A_979 : memref<1x1x8x128xf32, #tpu.memory_space<vmem>> -> memref<8x128xf32, #tpu.memory_space<vmem>>
      %dma_start3A_981 = tpu.memref_slice %arg2[%multiple_of3A, %multiple_of3A_970] : memref<32768x2048xf32, #tpu.memory_space<hbm>> -> memref<8x128xf32, #tpu.memory_space<hbm>>
      tpu.enqueue_dma source(%dma_start3A_981 : memref<8x128xf32, #tpu.memory_space<hbm>>) target(%dma_start3A_980 : memref<8x128xf32, #tpu.memory_space<vmem>>) target_semaphore(%arg8 : memref<!tpu.dma_semaphore, #tpu.memory_space<semaphore_mem>>)
    } else {
    }
    %slice3A_528 = vector.extract_strided_slice %select_n3A_429 {offsets = [13], sizes = [1], strides = [1]} : vector<16xi32> to vector<1xi32>
    %squeeze3A_529 = vector.extract %slice3A_528[0] : i32 from vector<1xi32>
    %eq3A_530 = arith.constant 0 : i32
    %eq3A_531 = arith.cmpi eq, %squeeze3A_529, %eq3A_530 : i32
    %convert_element_type3A_532 = arith.extui %eq3A_531 : i1 to i32
    %cond3A_533 = arith.constant 0 : i32
    %cond3A_534 = arith.cmpi ne, %convert_element_type3A_532, %cond3A_533 : i32
    scf.if %cond3A_534 {
      %add3A_959 = arith.constant 0 : i32
      %add3A_960 = arith.addi %mul3A_2, %add3A_959 : i32
      %add3A_961 = arith.constant 29 : i32
      %add3A_962 = arith.addi %add3A_960, %add3A_961 : i32
      %shift_right_arithmetic3A_963 = arith.constant 3 : i32
      %shift_right_arithmetic3A_964 = arith.shrsi %add3A_962, %shift_right_arithmetic3A_963 : i32
      %shift_left3A = arith.constant 3 : i32
      %shift_left3A_965 = arith.shli %shift_right_arithmetic3A_964, %shift_left3A : i32
      %multiple_of3A = tpu.assume_multiple %shift_left3A_965, 8 : i32
      %slice3A_966 = vector.extract_strided_slice %shift_right_arithmetic3A_283 {offsets = [13], sizes = [1], strides = [1]} : vector<16xi32> to vector<1xi32>
      %squeeze3A_967 = vector.extract %slice3A_966[0] : i32 from vector<1xi32>
      %shift_left3A_968 = arith.constant 7 : i32
      %shift_left3A_969 = arith.shli %squeeze3A_967, %shift_left3A_968 : i32
      %multiple_of3A_970 = tpu.assume_multiple %shift_left3A_969, 128 : i32
      %dma_start3A = arith.constant 0 : i32
      %dma_start3A_971 = arith.constant 29 : i32
      %dma_start3A_972 = arith.constant 0 : i32
      %dma_start3A_973 = arith.constant 0 : i32
      %dma_start3A_974 = tpu.memref_slice %arg6[%dma_start3A, %dma_start3A_971, %dma_start3A_972, %dma_start3A_973] : memref<2x32x8x128xf32, #tpu.memory_space<vmem>> -> memref<1x1x8x128xf32, #tpu.memory_space<vmem>>
      %dma_start3A_975 = tpu.memref_squeeze %dma_start3A_974 : memref<1x1x8x128xf32, #tpu.memory_space<vmem>> -> memref<8x128xf32, #tpu.memory_space<vmem>>
      %dma_start3A_976 = tpu.memref_slice %arg2[%multiple_of3A, %multiple_of3A_970] : memref<32768x2048xf32, #tpu.memory_space<hbm>> -> memref<8x128xf32, #tpu.memory_space<hbm>>
      %dma_start3A_977 = arith.constant 0 : i32
      %dma_start3A_978 = arith.constant 0 : i32
      %dma_start3A_979 = tpu.memref_slice %arg6[%dma_start3A, %dma_start3A_971, %dma_start3A_977, %dma_start3A_978] : memref<2x32x8x128xf32, #tpu.memory_space<vmem>> -> memref<1x1x8x128xf32, #tpu.memory_space<vmem>>
      %dma_start3A_980 = tpu.memref_squeeze %dma_start3A_979 : memref<1x1x8x128xf32, #tpu.memory_space<vmem>> -> memref<8x128xf32, #tpu.memory_space<vmem>>
      %dma_start3A_981 = tpu.memref_slice %arg2[%multiple_of3A, %multiple_of3A_970] : memref<32768x2048xf32, #tpu.memory_space<hbm>> -> memref<8x128xf32, #tpu.memory_space<hbm>>
      tpu.enqueue_dma source(%dma_start3A_981 : memref<8x128xf32, #tpu.memory_space<hbm>>) target(%dma_start3A_980 : memref<8x128xf32, #tpu.memory_space<vmem>>) target_semaphore(%arg8 : memref<!tpu.dma_semaphore, #tpu.memory_space<semaphore_mem>>)
    } else {
    }
    %slice3A_535 = vector.extract_strided_slice %select_n3A_429 {offsets = [14], sizes = [1], strides = [1]} : vector<16xi32> to vector<1xi32>
    %squeeze3A_536 = vector.extract %slice3A_535[0] : i32 from vector<1xi32>
    %eq3A_537 = arith.constant 0 : i32
    %eq3A_538 = arith.cmpi eq, %squeeze3A_536, %eq3A_537 : i32
    %convert_element_type3A_539 = arith.extui %eq3A_538 : i1 to i32
    %cond3A_540 = arith.constant 0 : i32
    %cond3A_541 = arith.cmpi ne, %convert_element_type3A_539, %cond3A_540 : i32
    scf.if %cond3A_541 {
      %add3A_959 = arith.constant 0 : i32
      %add3A_960 = arith.addi %mul3A_2, %add3A_959 : i32
      %add3A_961 = arith.constant 30 : i32
      %add3A_962 = arith.addi %add3A_960, %add3A_961 : i32
      %shift_right_arithmetic3A_963 = arith.constant 3 : i32
      %shift_right_arithmetic3A_964 = arith.shrsi %add3A_962, %shift_right_arithmetic3A_963 : i32
      %shift_left3A = arith.constant 3 : i32
      %shift_left3A_965 = arith.shli %shift_right_arithmetic3A_964, %shift_left3A : i32
      %multiple_of3A = tpu.assume_multiple %shift_left3A_965, 8 : i32
      %slice3A_966 = vector.extract_strided_slice %shift_right_arithmetic3A_283 {offsets = [14], sizes = [1], strides = [1]} : vector<16xi32> to vector<1xi32>
      %squeeze3A_967 = vector.extract %slice3A_966[0] : i32 from vector<1xi32>
      %shift_left3A_968 = arith.constant 7 : i32
      %shift_left3A_969 = arith.shli %squeeze3A_967, %shift_left3A_968 : i32
      %multiple_of3A_970 = tpu.assume_multiple %shift_left3A_969, 128 : i32
      %dma_start3A = arith.constant 0 : i32
      %dma_start3A_971 = arith.constant 30 : i32
      %dma_start3A_972 = arith.constant 0 : i32
      %dma_start3A_973 = arith.constant 0 : i32
      %dma_start3A_974 = tpu.memref_slice %arg6[%dma_start3A, %dma_start3A_971, %dma_start3A_972, %dma_start3A_973] : memref<2x32x8x128xf32, #tpu.memory_space<vmem>> -> memref<1x1x8x128xf32, #tpu.memory_space<vmem>>
      %dma_start3A_975 = tpu.memref_squeeze %dma_start3A_974 : memref<1x1x8x128xf32, #tpu.memory_space<vmem>> -> memref<8x128xf32, #tpu.memory_space<vmem>>
      %dma_start3A_976 = tpu.memref_slice %arg2[%multiple_of3A, %multiple_of3A_970] : memref<32768x2048xf32, #tpu.memory_space<hbm>> -> memref<8x128xf32, #tpu.memory_space<hbm>>
      %dma_start3A_977 = arith.constant 0 : i32
      %dma_start3A_978 = arith.constant 0 : i32
      %dma_start3A_979 = tpu.memref_slice %arg6[%dma_start3A, %dma_start3A_971, %dma_start3A_977, %dma_start3A_978] : memref<2x32x8x128xf32, #tpu.memory_space<vmem>> -> memref<1x1x8x128xf32, #tpu.memory_space<vmem>>
      %dma_start3A_980 = tpu.memref_squeeze %dma_start3A_979 : memref<1x1x8x128xf32, #tpu.memory_space<vmem>> -> memref<8x128xf32, #tpu.memory_space<vmem>>
      %dma_start3A_981 = tpu.memref_slice %arg2[%multiple_of3A, %multiple_of3A_970] : memref<32768x2048xf32, #tpu.memory_space<hbm>> -> memref<8x128xf32, #tpu.memory_space<hbm>>
      tpu.enqueue_dma source(%dma_start3A_981 : memref<8x128xf32, #tpu.memory_space<hbm>>) target(%dma_start3A_980 : memref<8x128xf32, #tpu.memory_space<vmem>>) target_semaphore(%arg8 : memref<!tpu.dma_semaphore, #tpu.memory_space<semaphore_mem>>)
    } else {
    }
    %slice3A_542 = vector.extract_strided_slice %select_n3A_429 {offsets = [15], sizes = [1], strides = [1]} : vector<16xi32> to vector<1xi32>
    %squeeze3A_543 = vector.extract %slice3A_542[0] : i32 from vector<1xi32>
    %eq3A_544 = arith.constant 0 : i32
    %eq3A_545 = arith.cmpi eq, %squeeze3A_543, %eq3A_544 : i32
    %convert_element_type3A_546 = arith.extui %eq3A_545 : i1 to i32
    %cond3A_547 = arith.constant 0 : i32
    %cond3A_548 = arith.cmpi ne, %convert_element_type3A_546, %cond3A_547 : i32
    scf.if %cond3A_548 {
      %add3A_959 = arith.constant 0 : i32
      %add3A_960 = arith.addi %mul3A_2, %add3A_959 : i32
      %add3A_961 = arith.constant 31 : i32
      %add3A_962 = arith.addi %add3A_960, %add3A_961 : i32
      %shift_right_arithmetic3A_963 = arith.constant 3 : i32
      %shift_right_arithmetic3A_964 = arith.shrsi %add3A_962, %shift_right_arithmetic3A_963 : i32
      %shift_left3A = arith.constant 3 : i32
      %shift_left3A_965 = arith.shli %shift_right_arithmetic3A_964, %shift_left3A : i32
      %multiple_of3A = tpu.assume_multiple %shift_left3A_965, 8 : i32
      %slice3A_966 = vector.extract_strided_slice %shift_right_arithmetic3A_283 {offsets = [15], sizes = [1], strides = [1]} : vector<16xi32> to vector<1xi32>
      %squeeze3A_967 = vector.extract %slice3A_966[0] : i32 from vector<1xi32>
      %shift_left3A_968 = arith.constant 7 : i32
      %shift_left3A_969 = arith.shli %squeeze3A_967, %shift_left3A_968 : i32
      %multiple_of3A_970 = tpu.assume_multiple %shift_left3A_969, 128 : i32
      %dma_start3A = arith.constant 0 : i32
      %dma_start3A_971 = arith.constant 31 : i32
      %dma_start3A_972 = arith.constant 0 : i32
      %dma_start3A_973 = arith.constant 0 : i32
      %dma_start3A_974 = tpu.memref_slice %arg6[%dma_start3A, %dma_start3A_971, %dma_start3A_972, %dma_start3A_973] : memref<2x32x8x128xf32, #tpu.memory_space<vmem>> -> memref<1x1x8x128xf32, #tpu.memory_space<vmem>>
      %dma_start3A_975 = tpu.memref_squeeze %dma_start3A_974 : memref<1x1x8x128xf32, #tpu.memory_space<vmem>> -> memref<8x128xf32, #tpu.memory_space<vmem>>
      %dma_start3A_976 = tpu.memref_slice %arg2[%multiple_of3A, %multiple_of3A_970] : memref<32768x2048xf32, #tpu.memory_space<hbm>> -> memref<8x128xf32, #tpu.memory_space<hbm>>
      %dma_start3A_977 = arith.constant 0 : i32
      %dma_start3A_978 = arith.constant 0 : i32
      %dma_start3A_979 = tpu.memref_slice %arg6[%dma_start3A, %dma_start3A_971, %dma_start3A_977, %dma_start3A_978] : memref<2x32x8x128xf32, #tpu.memory_space<vmem>> -> memref<1x1x8x128xf32, #tpu.memory_space<vmem>>
      %dma_start3A_980 = tpu.memref_squeeze %dma_start3A_979 : memref<1x1x8x128xf32, #tpu.memory_space<vmem>> -> memref<8x128xf32, #tpu.memory_space<vmem>>
      %dma_start3A_981 = tpu.memref_slice %arg2[%multiple_of3A, %multiple_of3A_970] : memref<32768x2048xf32, #tpu.memory_space<hbm>> -> memref<8x128xf32, #tpu.memory_space<hbm>>
      tpu.enqueue_dma source(%dma_start3A_981 : memref<8x128xf32, #tpu.memory_space<hbm>>) target(%dma_start3A_980 : memref<8x128xf32, #tpu.memory_space<vmem>>) target_semaphore(%arg8 : memref<!tpu.dma_semaphore, #tpu.memory_space<semaphore_mem>>)
    } else {
    }
    %broadcast_in_dim3A_549 = arith.constant 0.000000e+00 : f32
    %broadcast_in_dim3A_550 = vector.broadcast %broadcast_in_dim3A_549 : f32 to vector<16xf32>
    %broadcast_in_dim3A_551 = arith.constant 0.000000e+00 : f32
    %broadcast_in_dim3A_552 = vector.broadcast %broadcast_in_dim3A_551 : f32 to vector<16xf32>
    %scan3A = arith.constant 0 : i32
    %scan3A_553 = arith.constant 31 : i32
    %scan3A_554 = arith.addi %scan3A, %scan3A_553 : i32
    %scan3A_555 = arith.constant 1 : i32
    %scan3A_556:3 = scf.for %scan3A_959 = %scan3A to %scan3A_554 step %scan3A_555 iter_args(%scan3A_960 = %broadcast_in_dim3A_550, %scan3A_961 = %broadcast_in_dim3A_552, %scan3A_962 = %add3A_436) -> (vector<16xf32>, vector<16xf32>, i32)  : i32 {
      %add3A_963 = arith.constant 1 : i32
      %add3A_964 = arith.addi %scan3A_959, %add3A_963 : i32
      %and3A_965 = arith.constant 1 : i32
      %and3A_966 = arith.andi %add3A_964, %and3A_965 : i32
      %mul3A_967 = arith.constant 32 : i32
      %mul3A_968 = arith.muli %add3A_964, %mul3A_967 : i32
      %add3A_969 = arith.constant 8 : i32
      %add3A_970 = arith.addi %add3A_969, %mul3A_968 : i32
      %add3A_971 = arith.constant 0 : i32
      %add3A_972 = arith.addi %add3A_970, %add3A_971 : i32
      %get3A_973 = arith.index_cast %add3A_972 : i32 to index
      %get3A_974 = tpu.vector_load %arg5[%get3A_973] {strides = array<i32>} : memref<1032xi32, #tpu.memory_space<vmem>>, vector<16xi32>,
      %ge3A_975 = arith.constant 0 : i32
      %ge3A_976 = vector.broadcast %ge3A_975 : i32 to vector<16xi32>
      %ge3A_977 = arith.cmpi sge, %get3A_974, %ge3A_976 : vector<16xi32>
      %jit3A_978 = arith.constant 0 : i32
      %broadcast_in_dim3A_979 = vector.broadcast %jit3A_978 : i32 to vector<16xi32>
      %select_n3A_980 = arith.select %ge3A_977, %get3A_974, %broadcast_in_dim3A_979 : vector<16xi1>, vector<16xi32>
      %shift_right_arithmetic3A_981 = arith.constant 7 : i32
      %shift_right_arithmetic3A_982 = vector.broadcast %shift_right_arithmetic3A_981 : i32 to vector<16xi32>
      %shift_right_arithmetic3A_983 = arith.shrsi %select_n3A_980, %shift_right_arithmetic3A_982 : vector<16xi32>
      %mul3A_984 = arith.constant 32 : i32
      %mul3A_985 = arith.muli %add3A_964, %mul3A_984 : i32
      %add3A_986 = arith.constant 8 : i32
      %add3A_987 = arith.addi %add3A_986, %mul3A_985 : i32
      %add3A_988 = arith.constant 0 : i32
      %add3A_989 = arith.addi %add3A_987, %add3A_988 : i32
      %get3A_990 = arith.index_cast %add3A_989 : i32 to index
      %get3A_991 = tpu.vector_load %arg5[%get3A_990] {strides = array<i32>} : memref<1032xi32, #tpu.memory_space<vmem>>, vector<16xi32>,
      %ge3A_992 = arith.constant 0 : i32
      %ge3A_993 = vector.broadcast %ge3A_992 : i32 to vector<16xi32>
      %ge3A_994 = arith.cmpi sge, %get3A_991, %ge3A_993 : vector<16xi32>
      %jit3A_995 = arith.constant 0 : i32
      %broadcast_in_dim3A_996 = vector.broadcast %jit3A_995 : i32 to vector<16xi32>
      %select_n3A_997 = arith.select %ge3A_994, %get3A_991, %broadcast_in_dim3A_996 : vector<16xi1>, vector<16xi32>
      %shift_right_arithmetic3A_998 = arith.constant 7 : i32
      %shift_right_arithmetic3A_999 = vector.broadcast %shift_right_arithmetic3A_998 : i32 to vector<16xi32>
      %shift_right_arithmetic3A_1000 = arith.shrsi %select_n3A_997, %shift_right_arithmetic3A_999 : vector<16xi32>
      %broadcast_in_dim3A_1001 = arith.constant 0 : i32
      %broadcast_in_dim3A_1002 = vector.broadcast %broadcast_in_dim3A_1001 : i32 to vector<16xi32>
      %sub3A_1003 = arith.constant 1 : i32
      %sub3A_1004 = arith.subi %add3A_989, %sub3A_1003 : i32
      %get3A_1005 = arith.index_cast %sub3A_1004 : i32 to index
      %get3A_1006 = tpu.vector_load %arg5[%get3A_1005] {strides = array<i32>} : memref<1032xi32, #tpu.memory_space<vmem>>, vector<16xi32>,
      %ge3A_1007 = arith.constant 0 : i32
      %ge3A_1008 = vector.broadcast %ge3A_1007 : i32 to vector<16xi32>
      %ge3A_1009 = arith.cmpi sge, %get3A_1006, %ge3A_1008 : vector<16xi32>
      %jit3A_1010 = arith.constant 0 : i32
      %broadcast_in_dim3A_1011 = vector.broadcast %jit3A_1010 : i32 to vector<16xi32>
      %select_n3A_1012 = arith.select %ge3A_1009, %get3A_1006, %broadcast_in_dim3A_1011 : vector<16xi1>, vector<16xi32>
      %shift_right_arithmetic3A_1013 = arith.constant 7 : i32
      %shift_right_arithmetic3A_1014 = vector.broadcast %shift_right_arithmetic3A_1013 : i32 to vector<16xi32>
      %shift_right_arithmetic3A_1015 = arith.shrsi %select_n3A_1012, %shift_right_arithmetic3A_1014 : vector<16xi32>
      %eq3A_1016 = arith.cmpi eq, %shift_right_arithmetic3A_1000, %shift_right_arithmetic3A_1015 : vector<16xi32>
      %ge3A_1017 = arith.constant 1 : i32
      %ge3A_1018 = vector.broadcast %ge3A_1017 : i32 to vector<16xi32>
      %ge3A_1019 = arith.cmpi sge, %and3A_6, %ge3A_1018 : vector<16xi32>
      %and3A_1020 = arith.andi %eq3A_1016, %ge3A_1019 : vector<16xi1>
      %jit3A_1021 = arith.constant 1 : i32
      %broadcast_in_dim3A_1022 = vector.broadcast %jit3A_1021 : i32 to vector<16xi32>
      %select_n3A_1023 = arith.select %and3A_1020, %broadcast_in_dim3A_1022, %broadcast_in_dim3A_1002 : vector<16xi1>, vector<16xi32>
      %sub3A_1024 = arith.constant 2 : i32
      %sub3A_1025 = arith.subi %add3A_989, %sub3A_1024 : i32
      %get3A_1026 = arith.index_cast %sub3A_1025 : i32 to index
      %get3A_1027 = tpu.vector_load %arg5[%get3A_1026] {strides = array<i32>} : memref<1032xi32, #tpu.memory_space<vmem>>, vector<16xi32>,
      %ge3A_1028 = arith.constant 0 : i32
      %ge3A_1029 = vector.broadcast %ge3A_1028 : i32 to vector<16xi32>
      %ge3A_1030 = arith.cmpi sge, %get3A_1027, %ge3A_1029 : vector<16xi32>
      %jit3A_1031 = arith.constant 0 : i32
      %broadcast_in_dim3A_1032 = vector.broadcast %jit3A_1031 : i32 to vector<16xi32>
      %select_n3A_1033 = arith.select %ge3A_1030, %get3A_1027, %broadcast_in_dim3A_1032 : vector<16xi1>, vector<16xi32>
      %shift_right_arithmetic3A_1034 = arith.constant 7 : i32
      %shift_right_arithmetic3A_1035 = vector.broadcast %shift_right_arithmetic3A_1034 : i32 to vector<16xi32>
      %shift_right_arithmetic3A_1036 = arith.shrsi %select_n3A_1033, %shift_right_arithmetic3A_1035 : vector<16xi32>
      %eq3A_1037 = arith.cmpi eq, %shift_right_arithmetic3A_1000, %shift_right_arithmetic3A_1036 : vector<16xi32>
      %ge3A_1038 = arith.constant 2 : i32
      %ge3A_1039 = vector.broadcast %ge3A_1038 : i32 to vector<16xi32>
      %ge3A_1040 = arith.cmpi sge, %and3A_6, %ge3A_1039 : vector<16xi32>
      %and3A_1041 = arith.andi %eq3A_1037, %ge3A_1040 : vector<16xi1>
      %jit3A_1042 = arith.constant 2 : i32
      %broadcast_in_dim3A_1043 = vector.broadcast %jit3A_1042 : i32 to vector<16xi32>
      %select_n3A_1044 = arith.select %and3A_1041, %broadcast_in_dim3A_1043, %select_n3A_1023 : vector<16xi1>, vector<16xi32>
      %sub3A_1045 = arith.constant 3 : i32
      %sub3A_1046 = arith.subi %add3A_989, %sub3A_1045 : i32
      %get3A_1047 = arith.index_cast %sub3A_1046 : i32 to index
      %get3A_1048 = tpu.vector_load %arg5[%get3A_1047] {strides = array<i32>} : memref<1032xi32, #tpu.memory_space<vmem>>, vector<16xi32>,
      %ge3A_1049 = arith.constant 0 : i32
      %ge3A_1050 = vector.broadcast %ge3A_1049 : i32 to vector<16xi32>
      %ge3A_1051 = arith.cmpi sge, %get3A_1048, %ge3A_1050 : vector<16xi32>
      %jit3A_1052 = arith.constant 0 : i32
      %broadcast_in_dim3A_1053 = vector.broadcast %jit3A_1052 : i32 to vector<16xi32>
      %select_n3A_1054 = arith.select %ge3A_1051, %get3A_1048, %broadcast_in_dim3A_1053 : vector<16xi1>, vector<16xi32>
      %shift_right_arithmetic3A_1055 = arith.constant 7 : i32
      %shift_right_arithmetic3A_1056 = vector.broadcast %shift_right_arithmetic3A_1055 : i32 to vector<16xi32>
      %shift_right_arithmetic3A_1057 = arith.shrsi %select_n3A_1054, %shift_right_arithmetic3A_1056 : vector<16xi32>
      %eq3A_1058 = arith.cmpi eq, %shift_right_arithmetic3A_1000, %shift_right_arithmetic3A_1057 : vector<16xi32>
      %ge3A_1059 = arith.constant 3 : i32
      %ge3A_1060 = vector.broadcast %ge3A_1059 : i32 to vector<16xi32>
      %ge3A_1061 = arith.cmpi sge, %and3A_6, %ge3A_1060 : vector<16xi32>
      %and3A_1062 = arith.andi %eq3A_1058, %ge3A_1061 : vector<16xi1>
      %jit3A_1063 = arith.constant 3 : i32
      %broadcast_in_dim3A_1064 = vector.broadcast %jit3A_1063 : i32 to vector<16xi32>
      %select_n3A_1065 = arith.select %and3A_1062, %broadcast_in_dim3A_1064, %select_n3A_1044 : vector<16xi1>, vector<16xi32>
      %sub3A_1066 = arith.constant 4 : i32
      %sub3A_1067 = arith.subi %add3A_989, %sub3A_1066 : i32
      %get3A_1068 = arith.index_cast %sub3A_1067 : i32 to index
      %get3A_1069 = tpu.vector_load %arg5[%get3A_1068] {strides = array<i32>} : memref<1032xi32, #tpu.memory_space<vmem>>, vector<16xi32>,
      %ge3A_1070 = arith.constant 0 : i32
      %ge3A_1071 = vector.broadcast %ge3A_1070 : i32 to vector<16xi32>
      %ge3A_1072 = arith.cmpi sge, %get3A_1069, %ge3A_1071 : vector<16xi32>
      %jit3A_1073 = arith.constant 0 : i32
      %broadcast_in_dim3A_1074 = vector.broadcast %jit3A_1073 : i32 to vector<16xi32>
      %select_n3A_1075 = arith.select %ge3A_1072, %get3A_1069, %broadcast_in_dim3A_1074 : vector<16xi1>, vector<16xi32>
      %shift_right_arithmetic3A_1076 = arith.constant 7 : i32
      %shift_right_arithmetic3A_1077 = vector.broadcast %shift_right_arithmetic3A_1076 : i32 to vector<16xi32>
      %shift_right_arithmetic3A_1078 = arith.shrsi %select_n3A_1075, %shift_right_arithmetic3A_1077 : vector<16xi32>
      %eq3A_1079 = arith.cmpi eq, %shift_right_arithmetic3A_1000, %shift_right_arithmetic3A_1078 : vector<16xi32>
      %ge3A_1080 = arith.constant 4 : i32
      %ge3A_1081 = vector.broadcast %ge3A_1080 : i32 to vector<16xi32>
      %ge3A_1082 = arith.cmpi sge, %and3A_6, %ge3A_1081 : vector<16xi32>
      %and3A_1083 = arith.andi %eq3A_1079, %ge3A_1082 : vector<16xi1>
      %jit3A_1084 = arith.constant 4 : i32
      %broadcast_in_dim3A_1085 = vector.broadcast %jit3A_1084 : i32 to vector<16xi32>
      %select_n3A_1086 = arith.select %and3A_1083, %broadcast_in_dim3A_1085, %select_n3A_1065 : vector<16xi1>, vector<16xi32>
      %sub3A_1087 = arith.constant 5 : i32
      %sub3A_1088 = arith.subi %add3A_989, %sub3A_1087 : i32
      %get3A_1089 = arith.index_cast %sub3A_1088 : i32 to index
      %get3A_1090 = tpu.vector_load %arg5[%get3A_1089] {strides = array<i32>} : memref<1032xi32, #tpu.memory_space<vmem>>, vector<16xi32>,
      %ge3A_1091 = arith.constant 0 : i32
      %ge3A_1092 = vector.broadcast %ge3A_1091 : i32 to vector<16xi32>
      %ge3A_1093 = arith.cmpi sge, %get3A_1090, %ge3A_1092 : vector<16xi32>
      %jit3A_1094 = arith.constant 0 : i32
      %broadcast_in_dim3A_1095 = vector.broadcast %jit3A_1094 : i32 to vector<16xi32>
      %select_n3A_1096 = arith.select %ge3A_1093, %get3A_1090, %broadcast_in_dim3A_1095 : vector<16xi1>, vector<16xi32>
      %shift_right_arithmetic3A_1097 = arith.constant 7 : i32
      %shift_right_arithmetic3A_1098 = vector.broadcast %shift_right_arithmetic3A_1097 : i32 to vector<16xi32>
      %shift_right_arithmetic3A_1099 = arith.shrsi %select_n3A_1096, %shift_right_arithmetic3A_1098 : vector<16xi32>
      %eq3A_1100 = arith.cmpi eq, %shift_right_arithmetic3A_1000, %shift_right_arithmetic3A_1099 : vector<16xi32>
      %ge3A_1101 = arith.constant 5 : i32
      %ge3A_1102 = vector.broadcast %ge3A_1101 : i32 to vector<16xi32>
      %ge3A_1103 = arith.cmpi sge, %and3A_6, %ge3A_1102 : vector<16xi32>
      %and3A_1104 = arith.andi %eq3A_1100, %ge3A_1103 : vector<16xi1>
      %jit3A_1105 = arith.constant 5 : i32
      %broadcast_in_dim3A_1106 = vector.broadcast %jit3A_1105 : i32 to vector<16xi32>
      %select_n3A_1107 = arith.select %and3A_1104, %broadcast_in_dim3A_1106, %select_n3A_1086 : vector<16xi1>, vector<16xi32>
      %sub3A_1108 = arith.constant 6 : i32
      %sub3A_1109 = arith.subi %add3A_989, %sub3A_1108 : i32
      %get3A_1110 = arith.index_cast %sub3A_1109 : i32 to index
      %get3A_1111 = tpu.vector_load %arg5[%get3A_1110] {strides = array<i32>} : memref<1032xi32, #tpu.memory_space<vmem>>, vector<16xi32>,
      %ge3A_1112 = arith.constant 0 : i32
      %ge3A_1113 = vector.broadcast %ge3A_1112 : i32 to vector<16xi32>
      %ge3A_1114 = arith.cmpi sge, %get3A_1111, %ge3A_1113 : vector<16xi32>
      %jit3A_1115 = arith.constant 0 : i32
      %broadcast_in_dim3A_1116 = vector.broadcast %jit3A_1115 : i32 to vector<16xi32>
      %select_n3A_1117 = arith.select %ge3A_1114, %get3A_1111, %broadcast_in_dim3A_1116 : vector<16xi1>, vector<16xi32>
      %shift_right_arithmetic3A_1118 = arith.constant 7 : i32
      %shift_right_arithmetic3A_1119 = vector.broadcast %shift_right_arithmetic3A_1118 : i32 to vector<16xi32>
      %shift_right_arithmetic3A_1120 = arith.shrsi %select_n3A_1117, %shift_right_arithmetic3A_1119 : vector<16xi32>
      %eq3A_1121 = arith.cmpi eq, %shift_right_arithmetic3A_1000, %shift_right_arithmetic3A_1120 : vector<16xi32>
      %ge3A_1122 = arith.constant 6 : i32
      %ge3A_1123 = vector.broadcast %ge3A_1122 : i32 to vector<16xi32>
      %ge3A_1124 = arith.cmpi sge, %and3A_6, %ge3A_1123 : vector<16xi32>
      %and3A_1125 = arith.andi %eq3A_1121, %ge3A_1124 : vector<16xi1>
      %jit3A_1126 = arith.constant 6 : i32
      %broadcast_in_dim3A_1127 = vector.broadcast %jit3A_1126 : i32 to vector<16xi32>
      %select_n3A_1128 = arith.select %and3A_1125, %broadcast_in_dim3A_1127, %select_n3A_1107 : vector<16xi1>, vector<16xi32>
      %sub3A_1129 = arith.constant 7 : i32
      %sub3A_1130 = arith.subi %add3A_989, %sub3A_1129 : i32
      %get3A_1131 = arith.index_cast %sub3A_1130 : i32 to index
      %get3A_1132 = tpu.vector_load %arg5[%get3A_1131] {strides = array<i32>} : memref<1032xi32, #tpu.memory_space<vmem>>, vector<16xi32>,
      %ge3A_1133 = arith.constant 0 : i32
      %ge3A_1134 = vector.broadcast %ge3A_1133 : i32 to vector<16xi32>
      %ge3A_1135 = arith.cmpi sge, %get3A_1132, %ge3A_1134 : vector<16xi32>
      %jit3A_1136 = arith.constant 0 : i32
      %broadcast_in_dim3A_1137 = vector.broadcast %jit3A_1136 : i32 to vector<16xi32>
      %select_n3A_1138 = arith.select %ge3A_1135, %get3A_1132, %broadcast_in_dim3A_1137 : vector<16xi1>, vector<16xi32>
      %shift_right_arithmetic3A_1139 = arith.constant 7 : i32
      %shift_right_arithmetic3A_1140 = vector.broadcast %shift_right_arithmetic3A_1139 : i32 to vector<16xi32>
      %shift_right_arithmetic3A_1141 = arith.shrsi %select_n3A_1138, %shift_right_arithmetic3A_1140 : vector<16xi32>
      %eq3A_1142 = arith.cmpi eq, %shift_right_arithmetic3A_1000, %shift_right_arithmetic3A_1141 : vector<16xi32>
      %ge3A_1143 = arith.constant 7 : i32
      %ge3A_1144 = vector.broadcast %ge3A_1143 : i32 to vector<16xi32>
      %ge3A_1145 = arith.cmpi sge, %and3A_6, %ge3A_1144 : vector<16xi32>
      %and3A_1146 = arith.andi %eq3A_1142, %ge3A_1145 : vector<16xi1>
      %jit3A_1147 = arith.constant 7 : i32
      %broadcast_in_dim3A_1148 = vector.broadcast %jit3A_1147 : i32 to vector<16xi32>
      %select_n3A_1149 = arith.select %and3A_1146, %broadcast_in_dim3A_1148, %select_n3A_1128 : vector<16xi1>, vector<16xi32>
      %eq3A_1150 = arith.constant 0 : i32
      %eq3A_1151 = vector.broadcast %eq3A_1150 : i32 to vector<16xi32>
      %eq3A_1152 = arith.cmpi eq, %select_n3A_1149, %eq3A_1151 : vector<16xi32>
      %all_reduce_population_count3A_1153 = tpu.all_reduce %eq3A_1152 {dim = 0 : i64, kind = #tpu.reduction_kind<sum>} : vector<16xi1> -> vector<16xi32>
      %slice3A_1154 = vector.extract_strided_slice %all_reduce_population_count3A_1153 {offsets = [0], sizes = [1], strides = [1]} : vector<16xi32> to vector<1xi32>
      %squeeze3A_1155 = vector.extract %slice3A_1154[0] : i32 from vector<1xi32>
      %add3A_1156 = arith.constant 0 : i32
      %add3A_1157 = arith.addi %add3A_1156, %squeeze3A_1155 : i32
      %slice3A_1158 = vector.extract_strided_slice %select_n3A_1149 {offsets = [0], sizes = [1], strides = [1]} : vector<16xi32> to vector<1xi32>
      %squeeze3A_1159 = vector.extract %slice3A_1158[0] : i32 from vector<1xi32>
      %eq3A_1160 = arith.constant 0 : i32
      %eq3A_1161 = arith.cmpi eq, %squeeze3A_1159, %eq3A_1160 : i32
      %convert_element_type3A_1162 = arith.extui %eq3A_1161 : i1 to i32
      %cond3A_1163 = arith.constant 0 : i32
      %cond3A_1164 = arith.cmpi ne, %convert_element_type3A_1162, %cond3A_1163 : i32
      scf.if %cond3A_1164 {
        %mul3A_2020 = arith.constant 32 : i32
        %mul3A_2021 = arith.muli %add3A_964, %mul3A_2020 : i32
        %add3A_2022 = arith.addi %mul3A_2, %mul3A_2021 : i32
        %add3A_2023 = arith.constant 0 : i32
        %add3A_2024 = arith.addi %add3A_2022, %add3A_2023 : i32
        %shift_right_arithmetic3A_2025 = arith.constant 3 : i32
        %shift_right_arithmetic3A_2026 = arith.shrsi %add3A_2024, %shift_right_arithmetic3A_2025 : i32
        %shift_left3A = arith.constant 3 : i32
        %shift_left3A_2027 = arith.shli %shift_right_arithmetic3A_2026, %shift_left3A : i32
        %multiple_of3A = tpu.assume_multiple %shift_left3A_2027, 8 : i32
        %slice3A_2028 = vector.extract_strided_slice %shift_right_arithmetic3A_983 {offsets = [0], sizes = [1], strides = [1]} : vector<16xi32> to vector<1xi32>
        %squeeze3A_2029 = vector.extract %slice3A_2028[0] : i32 from vector<1xi32>
        %shift_left3A_2030 = arith.constant 7 : i32
        %shift_left3A_2031 = arith.shli %squeeze3A_2029, %shift_left3A_2030 : i32
        %multiple_of3A_2032 = tpu.assume_multiple %shift_left3A_2031, 128 : i32
        %dma_start3A = arith.constant 0 : i32
        %dma_start3A_2033 = arith.constant 0 : i32
        %dma_start3A_2034 = arith.constant 0 : i32
        %dma_start3A_2035 = tpu.memref_slice %arg6[%and3A_966, %dma_start3A, %dma_start3A_2033, %dma_start3A_2034] : memref<2x32x8x128xf32, #tpu.memory_space<vmem>> -> memref<1x1x8x128xf32, #tpu.memory_space<vmem>>
        %dma_start3A_2036 = tpu.memref_squeeze %dma_start3A_2035 : memref<1x1x8x128xf32, #tpu.memory_space<vmem>> -> memref<8x128xf32, #tpu.memory_space<vmem>>
        %dma_start3A_2037 = tpu.memref_slice %arg2[%multiple_of3A, %multiple_of3A_2032] : memref<32768x2048xf32, #tpu.memory_space<hbm>> -> memref<8x128xf32, #tpu.memory_space<hbm>>
        %dma_start3A_2038 = arith.constant 0 : i32
        %dma_start3A_2039 = arith.constant 0 : i32
        %dma_start3A_2040 = tpu.memref_slice %arg6[%and3A_966, %dma_start3A, %dma_start3A_2038, %dma_start3A_2039] : memref<2x32x8x128xf32, #tpu.memory_space<vmem>> -> memref<1x1x8x128xf32, #tpu.memory_space<vmem>>
        %dma_start3A_2041 = tpu.memref_squeeze %dma_start3A_2040 : memref<1x1x8x128xf32, #tpu.memory_space<vmem>> -> memref<8x128xf32, #tpu.memory_space<vmem>>
        %dma_start3A_2042 = tpu.memref_slice %arg2[%multiple_of3A, %multiple_of3A_2032] : memref<32768x2048xf32, #tpu.memory_space<hbm>> -> memref<8x128xf32, #tpu.memory_space<hbm>>
        tpu.enqueue_dma source(%dma_start3A_2042 : memref<8x128xf32, #tpu.memory_space<hbm>>) target(%dma_start3A_2041 : memref<8x128xf32, #tpu.memory_space<vmem>>) target_semaphore(%arg8 : memref<!tpu.dma_semaphore, #tpu.memory_space<semaphore_mem>>)
      } else {
      }
      %slice3A_1165 = vector.extract_strided_slice %select_n3A_1149 {offsets = [1], sizes = [1], strides = [1]} : vector<16xi32> to vector<1xi32>
      %squeeze3A_1166 = vector.extract %slice3A_1165[0] : i32 from vector<1xi32>
      %eq3A_1167 = arith.constant 0 : i32
      %eq3A_1168 = arith.cmpi eq, %squeeze3A_1166, %eq3A_1167 : i32
      %convert_element_type3A_1169 = arith.extui %eq3A_1168 : i1 to i32
      %cond3A_1170 = arith.constant 0 : i32
      %cond3A_1171 = arith.cmpi ne, %convert_element_type3A_1169, %cond3A_1170 : i32
      scf.if %cond3A_1171 {
        %mul3A_2020 = arith.constant 32 : i32
        %mul3A_2021 = arith.muli %add3A_964, %mul3A_2020 : i32
        %add3A_2022 = arith.addi %mul3A_2, %mul3A_2021 : i32
        %add3A_2023 = arith.constant 1 : i32
        %add3A_2024 = arith.addi %add3A_2022, %add3A_2023 : i32
        %shift_right_arithmetic3A_2025 = arith.constant 3 : i32
        %shift_right_arithmetic3A_2026 = arith.shrsi %add3A_2024, %shift_right_arithmetic3A_2025 : i32
        %shift_left3A = arith.constant 3 : i32
        %shift_left3A_2027 = arith.shli %shift_right_arithmetic3A_2026, %shift_left3A : i32
        %multiple_of3A = tpu.assume_multiple %shift_left3A_2027, 8 : i32
        %slice3A_2028 = vector.extract_strided_slice %shift_right_arithmetic3A_983 {offsets = [1], sizes = [1], strides = [1]} : vector<16xi32> to vector<1xi32>
        %squeeze3A_2029 = vector.extract %slice3A_2028[0] : i32 from vector<1xi32>
        %shift_left3A_2030 = arith.constant 7 : i32
        %shift_left3A_2031 = arith.shli %squeeze3A_2029, %shift_left3A_2030 : i32
        %multiple_of3A_2032 = tpu.assume_multiple %shift_left3A_2031, 128 : i32
        %dma_start3A = arith.constant 1 : i32
        %dma_start3A_2033 = arith.constant 0 : i32
        %dma_start3A_2034 = arith.constant 0 : i32
        %dma_start3A_2035 = tpu.memref_slice %arg6[%and3A_966, %dma_start3A, %dma_start3A_2033, %dma_start3A_2034] : memref<2x32x8x128xf32, #tpu.memory_space<vmem>> -> memref<1x1x8x128xf32, #tpu.memory_space<vmem>>
        %dma_start3A_2036 = tpu.memref_squeeze %dma_start3A_2035 : memref<1x1x8x128xf32, #tpu.memory_space<vmem>> -> memref<8x128xf32, #tpu.memory_space<vmem>>
        %dma_start3A_2037 = tpu.memref_slice %arg2[%multiple_of3A, %multiple_of3A_2032] : memref<32768x2048xf32, #tpu.memory_space<hbm>> -> memref<8x128xf32, #tpu.memory_space<hbm>>
        %dma_start3A_2038 = arith.constant 0 : i32
        %dma_start3A_2039 = arith.constant 0 : i32
        %dma_start3A_2040 = tpu.memref_slice %arg6[%and3A_966, %dma_start3A, %dma_start3A_2038, %dma_start3A_2039] : memref<2x32x8x128xf32, #tpu.memory_space<vmem>> -> memref<1x1x8x128xf32, #tpu.memory_space<vmem>>
        %dma_start3A_2041 = tpu.memref_squeeze %dma_start3A_2040 : memref<1x1x8x128xf32, #tpu.memory_space<vmem>> -> memref<8x128xf32, #tpu.memory_space<vmem>>
        %dma_start3A_2042 = tpu.memref_slice %arg2[%multiple_of3A, %multiple_of3A_2032] : memref<32768x2048xf32, #tpu.memory_space<hbm>> -> memref<8x128xf32, #tpu.memory_space<hbm>>
        tpu.enqueue_dma source(%dma_start3A_2042 : memref<8x128xf32, #tpu.memory_space<hbm>>) target(%dma_start3A_2041 : memref<8x128xf32, #tpu.memory_space<vmem>>) target_semaphore(%arg8 : memref<!tpu.dma_semaphore, #tpu.memory_space<semaphore_mem>>)
      } else {
      }
      %slice3A_1172 = vector.extract_strided_slice %select_n3A_1149 {offsets = [2], sizes = [1], strides = [1]} : vector<16xi32> to vector<1xi32>
      %squeeze3A_1173 = vector.extract %slice3A_1172[0] : i32 from vector<1xi32>
      %eq3A_1174 = arith.constant 0 : i32
      %eq3A_1175 = arith.cmpi eq, %squeeze3A_1173, %eq3A_1174 : i32
      %convert_element_type3A_1176 = arith.extui %eq3A_1175 : i1 to i32
      %cond3A_1177 = arith.constant 0 : i32
      %cond3A_1178 = arith.cmpi ne, %convert_element_type3A_1176, %cond3A_1177 : i32
      scf.if %cond3A_1178 {
        %mul3A_2020 = arith.constant 32 : i32
        %mul3A_2021 = arith.muli %add3A_964, %mul3A_2020 : i32
        %add3A_2022 = arith.addi %mul3A_2, %mul3A_2021 : i32
        %add3A_2023 = arith.constant 2 : i32
        %add3A_2024 = arith.addi %add3A_2022, %add3A_2023 : i32
        %shift_right_arithmetic3A_2025 = arith.constant 3 : i32
        %shift_right_arithmetic3A_2026 = arith.shrsi %add3A_2024, %shift_right_arithmetic3A_2025 : i32
        %shift_left3A = arith.constant 3 : i32
        %shift_left3A_2027 = arith.shli %shift_right_arithmetic3A_2026, %shift_left3A : i32
        %multiple_of3A = tpu.assume_multiple %shift_left3A_2027, 8 : i32
        %slice3A_2028 = vector.extract_strided_slice %shift_right_arithmetic3A_983 {offsets = [2], sizes = [1], strides = [1]} : vector<16xi32> to vector<1xi32>
        %squeeze3A_2029 = vector.extract %slice3A_2028[0] : i32 from vector<1xi32>
        %shift_left3A_2030 = arith.constant 7 : i32
        %shift_left3A_2031 = arith.shli %squeeze3A_2029, %shift_left3A_2030 : i32
        %multiple_of3A_2032 = tpu.assume_multiple %shift_left3A_2031, 128 : i32
        %dma_start3A = arith.constant 2 : i32
        %dma_start3A_2033 = arith.constant 0 : i32
        %dma_start3A_2034 = arith.constant 0 : i32
        %dma_start3A_2035 = tpu.memref_slice %arg6[%and3A_966, %dma_start3A, %dma_start3A_2033, %dma_start3A_2034] : memref<2x32x8x128xf32, #tpu.memory_space<vmem>> -> memref<1x1x8x128xf32, #tpu.memory_space<vmem>>
        %dma_start3A_2036 = tpu.memref_squeeze %dma_start3A_2035 : memref<1x1x8x128xf32, #tpu.memory_space<vmem>> -> memref<8x128xf32, #tpu.memory_space<vmem>>
        %dma_start3A_2037 = tpu.memref_slice %arg2[%multiple_of3A, %multiple_of3A_2032] : memref<32768x2048xf32, #tpu.memory_space<hbm>> -> memref<8x128xf32, #tpu.memory_space<hbm>>
        %dma_start3A_2038 = arith.constant 0 : i32
        %dma_start3A_2039 = arith.constant 0 : i32
        %dma_start3A_2040 = tpu.memref_slice %arg6[%and3A_966, %dma_start3A, %dma_start3A_2038, %dma_start3A_2039] : memref<2x32x8x128xf32, #tpu.memory_space<vmem>> -> memref<1x1x8x128xf32, #tpu.memory_space<vmem>>
        %dma_start3A_2041 = tpu.memref_squeeze %dma_start3A_2040 : memref<1x1x8x128xf32, #tpu.memory_space<vmem>> -> memref<8x128xf32, #tpu.memory_space<vmem>>
        %dma_start3A_2042 = tpu.memref_slice %arg2[%multiple_of3A, %multiple_of3A_2032] : memref<32768x2048xf32, #tpu.memory_space<hbm>> -> memref<8x128xf32, #tpu.memory_space<hbm>>
        tpu.enqueue_dma source(%dma_start3A_2042 : memref<8x128xf32, #tpu.memory_space<hbm>>) target(%dma_start3A_2041 : memref<8x128xf32, #tpu.memory_space<vmem>>) target_semaphore(%arg8 : memref<!tpu.dma_semaphore, #tpu.memory_space<semaphore_mem>>)
      } else {
      }
      %slice3A_1179 = vector.extract_strided_slice %select_n3A_1149 {offsets = [3], sizes = [1], strides = [1]} : vector<16xi32> to vector<1xi32>
      %squeeze3A_1180 = vector.extract %slice3A_1179[0] : i32 from vector<1xi32>
      %eq3A_1181 = arith.constant 0 : i32
      %eq3A_1182 = arith.cmpi eq, %squeeze3A_1180, %eq3A_1181 : i32
      %convert_element_type3A_1183 = arith.extui %eq3A_1182 : i1 to i32
      %cond3A_1184 = arith.constant 0 : i32
      %cond3A_1185 = arith.cmpi ne, %convert_element_type3A_1183, %cond3A_1184 : i32
      scf.if %cond3A_1185 {
        %mul3A_2020 = arith.constant 32 : i32
        %mul3A_2021 = arith.muli %add3A_964, %mul3A_2020 : i32
        %add3A_2022 = arith.addi %mul3A_2, %mul3A_2021 : i32
        %add3A_2023 = arith.constant 3 : i32
        %add3A_2024 = arith.addi %add3A_2022, %add3A_2023 : i32
        %shift_right_arithmetic3A_2025 = arith.constant 3 : i32
        %shift_right_arithmetic3A_2026 = arith.shrsi %add3A_2024, %shift_right_arithmetic3A_2025 : i32
        %shift_left3A = arith.constant 3 : i32
        %shift_left3A_2027 = arith.shli %shift_right_arithmetic3A_2026, %shift_left3A : i32
        %multiple_of3A = tpu.assume_multiple %shift_left3A_2027, 8 : i32
        %slice3A_2028 = vector.extract_strided_slice %shift_right_arithmetic3A_983 {offsets = [3], sizes = [1], strides = [1]} : vector<16xi32> to vector<1xi32>
        %squeeze3A_2029 = vector.extract %slice3A_2028[0] : i32 from vector<1xi32>
        %shift_left3A_2030 = arith.constant 7 : i32
        %shift_left3A_2031 = arith.shli %squeeze3A_2029, %shift_left3A_2030 : i32
        %multiple_of3A_2032 = tpu.assume_multiple %shift_left3A_2031, 128 : i32
        %dma_start3A = arith.constant 3 : i32
        %dma_start3A_2033 = arith.constant 0 : i32
        %dma_start3A_2034 = arith.constant 0 : i32
        %dma_start3A_2035 = tpu.memref_slice %arg6[%and3A_966, %dma_start3A, %dma_start3A_2033, %dma_start3A_2034] : memref<2x32x8x128xf32, #tpu.memory_space<vmem>> -> memref<1x1x8x128xf32, #tpu.memory_space<vmem>>
        %dma_start3A_2036 = tpu.memref_squeeze %dma_start3A_2035 : memref<1x1x8x128xf32, #tpu.memory_space<vmem>> -> memref<8x128xf32, #tpu.memory_space<vmem>>
        %dma_start3A_2037 = tpu.memref_slice %arg2[%multiple_of3A, %multiple_of3A_2032] : memref<32768x2048xf32, #tpu.memory_space<hbm>> -> memref<8x128xf32, #tpu.memory_space<hbm>>
        %dma_start3A_2038 = arith.constant 0 : i32
        %dma_start3A_2039 = arith.constant 0 : i32
        %dma_start3A_2040 = tpu.memref_slice %arg6[%and3A_966, %dma_start3A, %dma_start3A_2038, %dma_start3A_2039] : memref<2x32x8x128xf32, #tpu.memory_space<vmem>> -> memref<1x1x8x128xf32, #tpu.memory_space<vmem>>
        %dma_start3A_2041 = tpu.memref_squeeze %dma_start3A_2040 : memref<1x1x8x128xf32, #tpu.memory_space<vmem>> -> memref<8x128xf32, #tpu.memory_space<vmem>>
        %dma_start3A_2042 = tpu.memref_slice %arg2[%multiple_of3A, %multiple_of3A_2032] : memref<32768x2048xf32, #tpu.memory_space<hbm>> -> memref<8x128xf32, #tpu.memory_space<hbm>>
        tpu.enqueue_dma source(%dma_start3A_2042 : memref<8x128xf32, #tpu.memory_space<hbm>>) target(%dma_start3A_2041 : memref<8x128xf32, #tpu.memory_space<vmem>>) target_semaphore(%arg8 : memref<!tpu.dma_semaphore, #tpu.memory_space<semaphore_mem>>)
      } else {
      }
      %slice3A_1186 = vector.extract_strided_slice %select_n3A_1149 {offsets = [4], sizes = [1], strides = [1]} : vector<16xi32> to vector<1xi32>
      %squeeze3A_1187 = vector.extract %slice3A_1186[0] : i32 from vector<1xi32>
      %eq3A_1188 = arith.constant 0 : i32
      %eq3A_1189 = arith.cmpi eq, %squeeze3A_1187, %eq3A_1188 : i32
      %convert_element_type3A_1190 = arith.extui %eq3A_1189 : i1 to i32
      %cond3A_1191 = arith.constant 0 : i32
      %cond3A_1192 = arith.cmpi ne, %convert_element_type3A_1190, %cond3A_1191 : i32
      scf.if %cond3A_1192 {
        %mul3A_2020 = arith.constant 32 : i32
        %mul3A_2021 = arith.muli %add3A_964, %mul3A_2020 : i32
        %add3A_2022 = arith.addi %mul3A_2, %mul3A_2021 : i32
        %add3A_2023 = arith.constant 4 : i32
        %add3A_2024 = arith.addi %add3A_2022, %add3A_2023 : i32
        %shift_right_arithmetic3A_2025 = arith.constant 3 : i32
        %shift_right_arithmetic3A_2026 = arith.shrsi %add3A_2024, %shift_right_arithmetic3A_2025 : i32
        %shift_left3A = arith.constant 3 : i32
        %shift_left3A_2027 = arith.shli %shift_right_arithmetic3A_2026, %shift_left3A : i32
        %multiple_of3A = tpu.assume_multiple %shift_left3A_2027, 8 : i32
        %slice3A_2028 = vector.extract_strided_slice %shift_right_arithmetic3A_983 {offsets = [4], sizes = [1], strides = [1]} : vector<16xi32> to vector<1xi32>
        %squeeze3A_2029 = vector.extract %slice3A_2028[0] : i32 from vector<1xi32>
        %shift_left3A_2030 = arith.constant 7 : i32
        %shift_left3A_2031 = arith.shli %squeeze3A_2029, %shift_left3A_2030 : i32
        %multiple_of3A_2032 = tpu.assume_multiple %shift_left3A_2031, 128 : i32
        %dma_start3A = arith.constant 4 : i32
        %dma_start3A_2033 = arith.constant 0 : i32
        %dma_start3A_2034 = arith.constant 0 : i32
        %dma_start3A_2035 = tpu.memref_slice %arg6[%and3A_966, %dma_start3A, %dma_start3A_2033, %dma_start3A_2034] : memref<2x32x8x128xf32, #tpu.memory_space<vmem>> -> memref<1x1x8x128xf32, #tpu.memory_space<vmem>>
        %dma_start3A_2036 = tpu.memref_squeeze %dma_start3A_2035 : memref<1x1x8x128xf32, #tpu.memory_space<vmem>> -> memref<8x128xf32, #tpu.memory_space<vmem>>
        %dma_start3A_2037 = tpu.memref_slice %arg2[%multiple_of3A, %multiple_of3A_2032] : memref<32768x2048xf32, #tpu.memory_space<hbm>> -> memref<8x128xf32, #tpu.memory_space<hbm>>
        %dma_start3A_2038 = arith.constant 0 : i32
        %dma_start3A_2039 = arith.constant 0 : i32
        %dma_start3A_2040 = tpu.memref_slice %arg6[%and3A_966, %dma_start3A, %dma_start3A_2038, %dma_start3A_2039] : memref<2x32x8x128xf32, #tpu.memory_space<vmem>> -> memref<1x1x8x128xf32, #tpu.memory_space<vmem>>
        %dma_start3A_2041 = tpu.memref_squeeze %dma_start3A_2040 : memref<1x1x8x128xf32, #tpu.memory_space<vmem>> -> memref<8x128xf32, #tpu.memory_space<vmem>>
        %dma_start3A_2042 = tpu.memref_slice %arg2[%multiple_of3A, %multiple_of3A_2032] : memref<32768x2048xf32, #tpu.memory_space<hbm>> -> memref<8x128xf32, #tpu.memory_space<hbm>>
        tpu.enqueue_dma source(%dma_start3A_2042 : memref<8x128xf32, #tpu.memory_space<hbm>>) target(%dma_start3A_2041 : memref<8x128xf32, #tpu.memory_space<vmem>>) target_semaphore(%arg8 : memref<!tpu.dma_semaphore, #tpu.memory_space<semaphore_mem>>)
      } else {
      }
      %slice3A_1193 = vector.extract_strided_slice %select_n3A_1149 {offsets = [5], sizes = [1], strides = [1]} : vector<16xi32> to vector<1xi32>
      %squeeze3A_1194 = vector.extract %slice3A_1193[0] : i32 from vector<1xi32>
      %eq3A_1195 = arith.constant 0 : i32
      %eq3A_1196 = arith.cmpi eq, %squeeze3A_1194, %eq3A_1195 : i32
      %convert_element_type3A_1197 = arith.extui %eq3A_1196 : i1 to i32
      %cond3A_1198 = arith.constant 0 : i32
      %cond3A_1199 = arith.cmpi ne, %convert_element_type3A_1197, %cond3A_1198 : i32
      scf.if %cond3A_1199 {
        %mul3A_2020 = arith.constant 32 : i32
        %mul3A_2021 = arith.muli %add3A_964, %mul3A_2020 : i32
        %add3A_2022 = arith.addi %mul3A_2, %mul3A_2021 : i32
        %add3A_2023 = arith.constant 5 : i32
        %add3A_2024 = arith.addi %add3A_2022, %add3A_2023 : i32
        %shift_right_arithmetic3A_2025 = arith.constant 3 : i32
        %shift_right_arithmetic3A_2026 = arith.shrsi %add3A_2024, %shift_right_arithmetic3A_2025 : i32
        %shift_left3A = arith.constant 3 : i32
        %shift_left3A_2027 = arith.shli %shift_right_arithmetic3A_2026, %shift_left3A : i32
        %multiple_of3A = tpu.assume_multiple %shift_left3A_2027, 8 : i32
        %slice3A_2028 = vector.extract_strided_slice %shift_right_arithmetic3A_983 {offsets = [5], sizes = [1], strides = [1]} : vector<16xi32> to vector<1xi32>
        %squeeze3A_2029 = vector.extract %slice3A_2028[0] : i32 from vector<1xi32>
        %shift_left3A_2030 = arith.constant 7 : i32
        %shift_left3A_2031 = arith.shli %squeeze3A_2029, %shift_left3A_2030 : i32
        %multiple_of3A_2032 = tpu.assume_multiple %shift_left3A_2031, 128 : i32
        %dma_start3A = arith.constant 5 : i32
        %dma_start3A_2033 = arith.constant 0 : i32
        %dma_start3A_2034 = arith.constant 0 : i32
        %dma_start3A_2035 = tpu.memref_slice %arg6[%and3A_966, %dma_start3A, %dma_start3A_2033, %dma_start3A_2034] : memref<2x32x8x128xf32, #tpu.memory_space<vmem>> -> memref<1x1x8x128xf32, #tpu.memory_space<vmem>>
        %dma_start3A_2036 = tpu.memref_squeeze %dma_start3A_2035 : memref<1x1x8x128xf32, #tpu.memory_space<vmem>> -> memref<8x128xf32, #tpu.memory_space<vmem>>
        %dma_start3A_2037 = tpu.memref_slice %arg2[%multiple_of3A, %multiple_of3A_2032] : memref<32768x2048xf32, #tpu.memory_space<hbm>> -> memref<8x128xf32, #tpu.memory_space<hbm>>
        %dma_start3A_2038 = arith.constant 0 : i32
        %dma_start3A_2039 = arith.constant 0 : i32
        %dma_start3A_2040 = tpu.memref_slice %arg6[%and3A_966, %dma_start3A, %dma_start3A_2038, %dma_start3A_2039] : memref<2x32x8x128xf32, #tpu.memory_space<vmem>> -> memref<1x1x8x128xf32, #tpu.memory_space<vmem>>
        %dma_start3A_2041 = tpu.memref_squeeze %dma_start3A_2040 : memref<1x1x8x128xf32, #tpu.memory_space<vmem>> -> memref<8x128xf32, #tpu.memory_space<vmem>>
        %dma_start3A_2042 = tpu.memref_slice %arg2[%multiple_of3A, %multiple_of3A_2032] : memref<32768x2048xf32, #tpu.memory_space<hbm>> -> memref<8x128xf32, #tpu.memory_space<hbm>>
        tpu.enqueue_dma source(%dma_start3A_2042 : memref<8x128xf32, #tpu.memory_space<hbm>>) target(%dma_start3A_2041 : memref<8x128xf32, #tpu.memory_space<vmem>>) target_semaphore(%arg8 : memref<!tpu.dma_semaphore, #tpu.memory_space<semaphore_mem>>)
      } else {
      }
      %slice3A_1200 = vector.extract_strided_slice %select_n3A_1149 {offsets = [6], sizes = [1], strides = [1]} : vector<16xi32> to vector<1xi32>
      %squeeze3A_1201 = vector.extract %slice3A_1200[0] : i32 from vector<1xi32>
      %eq3A_1202 = arith.constant 0 : i32
      %eq3A_1203 = arith.cmpi eq, %squeeze3A_1201, %eq3A_1202 : i32
      %convert_element_type3A_1204 = arith.extui %eq3A_1203 : i1 to i32
      %cond3A_1205 = arith.constant 0 : i32
      %cond3A_1206 = arith.cmpi ne, %convert_element_type3A_1204, %cond3A_1205 : i32
      scf.if %cond3A_1206 {
        %mul3A_2020 = arith.constant 32 : i32
        %mul3A_2021 = arith.muli %add3A_964, %mul3A_2020 : i32
        %add3A_2022 = arith.addi %mul3A_2, %mul3A_2021 : i32
        %add3A_2023 = arith.constant 6 : i32
        %add3A_2024 = arith.addi %add3A_2022, %add3A_2023 : i32
        %shift_right_arithmetic3A_2025 = arith.constant 3 : i32
        %shift_right_arithmetic3A_2026 = arith.shrsi %add3A_2024, %shift_right_arithmetic3A_2025 : i32
        %shift_left3A = arith.constant 3 : i32
        %shift_left3A_2027 = arith.shli %shift_right_arithmetic3A_2026, %shift_left3A : i32
        %multiple_of3A = tpu.assume_multiple %shift_left3A_2027, 8 : i32
        %slice3A_2028 = vector.extract_strided_slice %shift_right_arithmetic3A_983 {offsets = [6], sizes = [1], strides = [1]} : vector<16xi32> to vector<1xi32>
        %squeeze3A_2029 = vector.extract %slice3A_2028[0] : i32 from vector<1xi32>
        %shift_left3A_2030 = arith.constant 7 : i32
        %shift_left3A_2031 = arith.shli %squeeze3A_2029, %shift_left3A_2030 : i32
        %multiple_of3A_2032 = tpu.assume_multiple %shift_left3A_2031, 128 : i32
        %dma_start3A = arith.constant 6 : i32
        %dma_start3A_2033 = arith.constant 0 : i32
        %dma_start3A_2034 = arith.constant 0 : i32
        %dma_start3A_2035 = tpu.memref_slice %arg6[%and3A_966, %dma_start3A, %dma_start3A_2033, %dma_start3A_2034] : memref<2x32x8x128xf32, #tpu.memory_space<vmem>> -> memref<1x1x8x128xf32, #tpu.memory_space<vmem>>
        %dma_start3A_2036 = tpu.memref_squeeze %dma_start3A_2035 : memref<1x1x8x128xf32, #tpu.memory_space<vmem>> -> memref<8x128xf32, #tpu.memory_space<vmem>>
        %dma_start3A_2037 = tpu.memref_slice %arg2[%multiple_of3A, %multiple_of3A_2032] : memref<32768x2048xf32, #tpu.memory_space<hbm>> -> memref<8x128xf32, #tpu.memory_space<hbm>>
        %dma_start3A_2038 = arith.constant 0 : i32
        %dma_start3A_2039 = arith.constant 0 : i32
        %dma_start3A_2040 = tpu.memref_slice %arg6[%and3A_966, %dma_start3A, %dma_start3A_2038, %dma_start3A_2039] : memref<2x32x8x128xf32, #tpu.memory_space<vmem>> -> memref<1x1x8x128xf32, #tpu.memory_space<vmem>>
        %dma_start3A_2041 = tpu.memref_squeeze %dma_start3A_2040 : memref<1x1x8x128xf32, #tpu.memory_space<vmem>> -> memref<8x128xf32, #tpu.memory_space<vmem>>
        %dma_start3A_2042 = tpu.memref_slice %arg2[%multiple_of3A, %multiple_of3A_2032] : memref<32768x2048xf32, #tpu.memory_space<hbm>> -> memref<8x128xf32, #tpu.memory_space<hbm>>
        tpu.enqueue_dma source(%dma_start3A_2042 : memref<8x128xf32, #tpu.memory_space<hbm>>) target(%dma_start3A_2041 : memref<8x128xf32, #tpu.memory_space<vmem>>) target_semaphore(%arg8 : memref<!tpu.dma_semaphore, #tpu.memory_space<semaphore_mem>>)
      } else {
      }
      %slice3A_1207 = vector.extract_strided_slice %select_n3A_1149 {offsets = [7], sizes = [1], strides = [1]} : vector<16xi32> to vector<1xi32>
      %squeeze3A_1208 = vector.extract %slice3A_1207[0] : i32 from vector<1xi32>
      %eq3A_1209 = arith.constant 0 : i32
      %eq3A_1210 = arith.cmpi eq, %squeeze3A_1208, %eq3A_1209 : i32
      %convert_element_type3A_1211 = arith.extui %eq3A_1210 : i1 to i32
      %cond3A_1212 = arith.constant 0 : i32
      %cond3A_1213 = arith.cmpi ne, %convert_element_type3A_1211, %cond3A_1212 : i32
      scf.if %cond3A_1213 {
        %mul3A_2020 = arith.constant 32 : i32
        %mul3A_2021 = arith.muli %add3A_964, %mul3A_2020 : i32
        %add3A_2022 = arith.addi %mul3A_2, %mul3A_2021 : i32
        %add3A_2023 = arith.constant 7 : i32
        %add3A_2024 = arith.addi %add3A_2022, %add3A_2023 : i32
        %shift_right_arithmetic3A_2025 = arith.constant 3 : i32
        %shift_right_arithmetic3A_2026 = arith.shrsi %add3A_2024, %shift_right_arithmetic3A_2025 : i32
        %shift_left3A = arith.constant 3 : i32
        %shift_left3A_2027 = arith.shli %shift_right_arithmetic3A_2026, %shift_left3A : i32
        %multiple_of3A = tpu.assume_multiple %shift_left3A_2027, 8 : i32
        %slice3A_2028 = vector.extract_strided_slice %shift_right_arithmetic3A_983 {offsets = [7], sizes = [1], strides = [1]} : vector<16xi32> to vector<1xi32>
        %squeeze3A_2029 = vector.extract %slice3A_2028[0] : i32 from vector<1xi32>
        %shift_left3A_2030 = arith.constant 7 : i32
        %shift_left3A_2031 = arith.shli %squeeze3A_2029, %shift_left3A_2030 : i32
        %multiple_of3A_2032 = tpu.assume_multiple %shift_left3A_2031, 128 : i32
        %dma_start3A = arith.constant 7 : i32
        %dma_start3A_2033 = arith.constant 0 : i32
        %dma_start3A_2034 = arith.constant 0 : i32
        %dma_start3A_2035 = tpu.memref_slice %arg6[%and3A_966, %dma_start3A, %dma_start3A_2033, %dma_start3A_2034] : memref<2x32x8x128xf32, #tpu.memory_space<vmem>> -> memref<1x1x8x128xf32, #tpu.memory_space<vmem>>
        %dma_start3A_2036 = tpu.memref_squeeze %dma_start3A_2035 : memref<1x1x8x128xf32, #tpu.memory_space<vmem>> -> memref<8x128xf32, #tpu.memory_space<vmem>>
        %dma_start3A_2037 = tpu.memref_slice %arg2[%multiple_of3A, %multiple_of3A_2032] : memref<32768x2048xf32, #tpu.memory_space<hbm>> -> memref<8x128xf32, #tpu.memory_space<hbm>>
        %dma_start3A_2038 = arith.constant 0 : i32
        %dma_start3A_2039 = arith.constant 0 : i32
        %dma_start3A_2040 = tpu.memref_slice %arg6[%and3A_966, %dma_start3A, %dma_start3A_2038, %dma_start3A_2039] : memref<2x32x8x128xf32, #tpu.memory_space<vmem>> -> memref<1x1x8x128xf32, #tpu.memory_space<vmem>>
        %dma_start3A_2041 = tpu.memref_squeeze %dma_start3A_2040 : memref<1x1x8x128xf32, #tpu.memory_space<vmem>> -> memref<8x128xf32, #tpu.memory_space<vmem>>
        %dma_start3A_2042 = tpu.memref_slice %arg2[%multiple_of3A, %multiple_of3A_2032] : memref<32768x2048xf32, #tpu.memory_space<hbm>> -> memref<8x128xf32, #tpu.memory_space<hbm>>
        tpu.enqueue_dma source(%dma_start3A_2042 : memref<8x128xf32, #tpu.memory_space<hbm>>) target(%dma_start3A_2041 : memref<8x128xf32, #tpu.memory_space<vmem>>) target_semaphore(%arg8 : memref<!tpu.dma_semaphore, #tpu.memory_space<semaphore_mem>>)
      } else {
      }
      %slice3A_1214 = vector.extract_strided_slice %select_n3A_1149 {offsets = [8], sizes = [1], strides = [1]} : vector<16xi32> to vector<1xi32>
      %squeeze3A_1215 = vector.extract %slice3A_1214[0] : i32 from vector<1xi32>
      %eq3A_1216 = arith.constant 0 : i32
      %eq3A_1217 = arith.cmpi eq, %squeeze3A_1215, %eq3A_1216 : i32
      %convert_element_type3A_1218 = arith.extui %eq3A_1217 : i1 to i32
      %cond3A_1219 = arith.constant 0 : i32
      %cond3A_1220 = arith.cmpi ne, %convert_element_type3A_1218, %cond3A_1219 : i32
      scf.if %cond3A_1220 {
        %mul3A_2020 = arith.constant 32 : i32
        %mul3A_2021 = arith.muli %add3A_964, %mul3A_2020 : i32
        %add3A_2022 = arith.addi %mul3A_2, %mul3A_2021 : i32
        %add3A_2023 = arith.constant 8 : i32
        %add3A_2024 = arith.addi %add3A_2022, %add3A_2023 : i32
        %shift_right_arithmetic3A_2025 = arith.constant 3 : i32
        %shift_right_arithmetic3A_2026 = arith.shrsi %add3A_2024, %shift_right_arithmetic3A_2025 : i32
        %shift_left3A = arith.constant 3 : i32
        %shift_left3A_2027 = arith.shli %shift_right_arithmetic3A_2026, %shift_left3A : i32
        %multiple_of3A = tpu.assume_multiple %shift_left3A_2027, 8 : i32
        %slice3A_2028 = vector.extract_strided_slice %shift_right_arithmetic3A_983 {offsets = [8], sizes = [1], strides = [1]} : vector<16xi32> to vector<1xi32>
        %squeeze3A_2029 = vector.extract %slice3A_2028[0] : i32 from vector<1xi32>
        %shift_left3A_2030 = arith.constant 7 : i32
        %shift_left3A_2031 = arith.shli %squeeze3A_2029, %shift_left3A_2030 : i32
        %multiple_of3A_2032 = tpu.assume_multiple %shift_left3A_2031, 128 : i32
        %dma_start3A = arith.constant 8 : i32
        %dma_start3A_2033 = arith.constant 0 : i32
        %dma_start3A_2034 = arith.constant 0 : i32
        %dma_start3A_2035 = tpu.memref_slice %arg6[%and3A_966, %dma_start3A, %dma_start3A_2033, %dma_start3A_2034] : memref<2x32x8x128xf32, #tpu.memory_space<vmem>> -> memref<1x1x8x128xf32, #tpu.memory_space<vmem>>
        %dma_start3A_2036 = tpu.memref_squeeze %dma_start3A_2035 : memref<1x1x8x128xf32, #tpu.memory_space<vmem>> -> memref<8x128xf32, #tpu.memory_space<vmem>>
        %dma_start3A_2037 = tpu.memref_slice %arg2[%multiple_of3A, %multiple_of3A_2032] : memref<32768x2048xf32, #tpu.memory_space<hbm>> -> memref<8x128xf32, #tpu.memory_space<hbm>>
        %dma_start3A_2038 = arith.constant 0 : i32
        %dma_start3A_2039 = arith.constant 0 : i32
        %dma_start3A_2040 = tpu.memref_slice %arg6[%and3A_966, %dma_start3A, %dma_start3A_2038, %dma_start3A_2039] : memref<2x32x8x128xf32, #tpu.memory_space<vmem>> -> memref<1x1x8x128xf32, #tpu.memory_space<vmem>>
        %dma_start3A_2041 = tpu.memref_squeeze %dma_start3A_2040 : memref<1x1x8x128xf32, #tpu.memory_space<vmem>> -> memref<8x128xf32, #tpu.memory_space<vmem>>
        %dma_start3A_2042 = tpu.memref_slice %arg2[%multiple_of3A, %multiple_of3A_2032] : memref<32768x2048xf32, #tpu.memory_space<hbm>> -> memref<8x128xf32, #tpu.memory_space<hbm>>
        tpu.enqueue_dma source(%dma_start3A_2042 : memref<8x128xf32, #tpu.memory_space<hbm>>) target(%dma_start3A_2041 : memref<8x128xf32, #tpu.memory_space<vmem>>) target_semaphore(%arg8 : memref<!tpu.dma_semaphore, #tpu.memory_space<semaphore_mem>>)
      } else {
      }
      %slice3A_1221 = vector.extract_strided_slice %select_n3A_1149 {offsets = [9], sizes = [1], strides = [1]} : vector<16xi32> to vector<1xi32>
      %squeeze3A_1222 = vector.extract %slice3A_1221[0] : i32 from vector<1xi32>
      %eq3A_1223 = arith.constant 0 : i32
      %eq3A_1224 = arith.cmpi eq, %squeeze3A_1222, %eq3A_1223 : i32
      %convert_element_type3A_1225 = arith.extui %eq3A_1224 : i1 to i32
      %cond3A_1226 = arith.constant 0 : i32
      %cond3A_1227 = arith.cmpi ne, %convert_element_type3A_1225, %cond3A_1226 : i32
      scf.if %cond3A_1227 {
        %mul3A_2020 = arith.constant 32 : i32
        %mul3A_2021 = arith.muli %add3A_964, %mul3A_2020 : i32
        %add3A_2022 = arith.addi %mul3A_2, %mul3A_2021 : i32
        %add3A_2023 = arith.constant 9 : i32
        %add3A_2024 = arith.addi %add3A_2022, %add3A_2023 : i32
        %shift_right_arithmetic3A_2025 = arith.constant 3 : i32
        %shift_right_arithmetic3A_2026 = arith.shrsi %add3A_2024, %shift_right_arithmetic3A_2025 : i32
        %shift_left3A = arith.constant 3 : i32
        %shift_left3A_2027 = arith.shli %shift_right_arithmetic3A_2026, %shift_left3A : i32
        %multiple_of3A = tpu.assume_multiple %shift_left3A_2027, 8 : i32
        %slice3A_2028 = vector.extract_strided_slice %shift_right_arithmetic3A_983 {offsets = [9], sizes = [1], strides = [1]} : vector<16xi32> to vector<1xi32>
        %squeeze3A_2029 = vector.extract %slice3A_2028[0] : i32 from vector<1xi32>
        %shift_left3A_2030 = arith.constant 7 : i32
        %shift_left3A_2031 = arith.shli %squeeze3A_2029, %shift_left3A_2030 : i32
        %multiple_of3A_2032 = tpu.assume_multiple %shift_left3A_2031, 128 : i32
        %dma_start3A = arith.constant 9 : i32
        %dma_start3A_2033 = arith.constant 0 : i32
        %dma_start3A_2034 = arith.constant 0 : i32
        %dma_start3A_2035 = tpu.memref_slice %arg6[%and3A_966, %dma_start3A, %dma_start3A_2033, %dma_start3A_2034] : memref<2x32x8x128xf32, #tpu.memory_space<vmem>> -> memref<1x1x8x128xf32, #tpu.memory_space<vmem>>
        %dma_start3A_2036 = tpu.memref_squeeze %dma_start3A_2035 : memref<1x1x8x128xf32, #tpu.memory_space<vmem>> -> memref<8x128xf32, #tpu.memory_space<vmem>>
        %dma_start3A_2037 = tpu.memref_slice %arg2[%multiple_of3A, %multiple_of3A_2032] : memref<32768x2048xf32, #tpu.memory_space<hbm>> -> memref<8x128xf32, #tpu.memory_space<hbm>>
        %dma_start3A_2038 = arith.constant 0 : i32
        %dma_start3A_2039 = arith.constant 0 : i32
        %dma_start3A_2040 = tpu.memref_slice %arg6[%and3A_966, %dma_start3A, %dma_start3A_2038, %dma_start3A_2039] : memref<2x32x8x128xf32, #tpu.memory_space<vmem>> -> memref<1x1x8x128xf32, #tpu.memory_space<vmem>>
        %dma_start3A_2041 = tpu.memref_squeeze %dma_start3A_2040 : memref<1x1x8x128xf32, #tpu.memory_space<vmem>> -> memref<8x128xf32, #tpu.memory_space<vmem>>
        %dma_start3A_2042 = tpu.memref_slice %arg2[%multiple_of3A, %multiple_of3A_2032] : memref<32768x2048xf32, #tpu.memory_space<hbm>> -> memref<8x128xf32, #tpu.memory_space<hbm>>
        tpu.enqueue_dma source(%dma_start3A_2042 : memref<8x128xf32, #tpu.memory_space<hbm>>) target(%dma_start3A_2041 : memref<8x128xf32, #tpu.memory_space<vmem>>) target_semaphore(%arg8 : memref<!tpu.dma_semaphore, #tpu.memory_space<semaphore_mem>>)
      } else {
      }
      %slice3A_1228 = vector.extract_strided_slice %select_n3A_1149 {offsets = [10], sizes = [1], strides = [1]} : vector<16xi32> to vector<1xi32>
      %squeeze3A_1229 = vector.extract %slice3A_1228[0] : i32 from vector<1xi32>
      %eq3A_1230 = arith.constant 0 : i32
      %eq3A_1231 = arith.cmpi eq, %squeeze3A_1229, %eq3A_1230 : i32
      %convert_element_type3A_1232 = arith.extui %eq3A_1231 : i1 to i32
      %cond3A_1233 = arith.constant 0 : i32
      %cond3A_1234 = arith.cmpi ne, %convert_element_type3A_1232, %cond3A_1233 : i32
      scf.if %cond3A_1234 {
        %mul3A_2020 = arith.constant 32 : i32
        %mul3A_2021 = arith.muli %add3A_964, %mul3A_2020 : i32
        %add3A_2022 = arith.addi %mul3A_2, %mul3A_2021 : i32
        %add3A_2023 = arith.constant 10 : i32
        %add3A_2024 = arith.addi %add3A_2022, %add3A_2023 : i32
        %shift_right_arithmetic3A_2025 = arith.constant 3 : i32
        %shift_right_arithmetic3A_2026 = arith.shrsi %add3A_2024, %shift_right_arithmetic3A_2025 : i32
        %shift_left3A = arith.constant 3 : i32
        %shift_left3A_2027 = arith.shli %shift_right_arithmetic3A_2026, %shift_left3A : i32
        %multiple_of3A = tpu.assume_multiple %shift_left3A_2027, 8 : i32
        %slice3A_2028 = vector.extract_strided_slice %shift_right_arithmetic3A_983 {offsets = [10], sizes = [1], strides = [1]} : vector<16xi32> to vector<1xi32>
        %squeeze3A_2029 = vector.extract %slice3A_2028[0] : i32 from vector<1xi32>
        %shift_left3A_2030 = arith.constant 7 : i32
        %shift_left3A_2031 = arith.shli %squeeze3A_2029, %shift_left3A_2030 : i32
        %multiple_of3A_2032 = tpu.assume_multiple %shift_left3A_2031, 128 : i32
        %dma_start3A = arith.constant 10 : i32
        %dma_start3A_2033 = arith.constant 0 : i32
        %dma_start3A_2034 = arith.constant 0 : i32
        %dma_start3A_2035 = tpu.memref_slice %arg6[%and3A_966, %dma_start3A, %dma_start3A_2033, %dma_start3A_2034] : memref<2x32x8x128xf32, #tpu.memory_space<vmem>> -> memref<1x1x8x128xf32, #tpu.memory_space<vmem>>
        %dma_start3A_2036 = tpu.memref_squeeze %dma_start3A_2035 : memref<1x1x8x128xf32, #tpu.memory_space<vmem>> -> memref<8x128xf32, #tpu.memory_space<vmem>>
        %dma_start3A_2037 = tpu.memref_slice %arg2[%multiple_of3A, %multiple_of3A_2032] : memref<32768x2048xf32, #tpu.memory_space<hbm>> -> memref<8x128xf32, #tpu.memory_space<hbm>>
        %dma_start3A_2038 = arith.constant 0 : i32
        %dma_start3A_2039 = arith.constant 0 : i32
        %dma_start3A_2040 = tpu.memref_slice %arg6[%and3A_966, %dma_start3A, %dma_start3A_2038, %dma_start3A_2039] : memref<2x32x8x128xf32, #tpu.memory_space<vmem>> -> memref<1x1x8x128xf32, #tpu.memory_space<vmem>>
        %dma_start3A_2041 = tpu.memref_squeeze %dma_start3A_2040 : memref<1x1x8x128xf32, #tpu.memory_space<vmem>> -> memref<8x128xf32, #tpu.memory_space<vmem>>
        %dma_start3A_2042 = tpu.memref_slice %arg2[%multiple_of3A, %multiple_of3A_2032] : memref<32768x2048xf32, #tpu.memory_space<hbm>> -> memref<8x128xf32, #tpu.memory_space<hbm>>
        tpu.enqueue_dma source(%dma_start3A_2042 : memref<8x128xf32, #tpu.memory_space<hbm>>) target(%dma_start3A_2041 : memref<8x128xf32, #tpu.memory_space<vmem>>) target_semaphore(%arg8 : memref<!tpu.dma_semaphore, #tpu.memory_space<semaphore_mem>>)
      } else {
      }
      %slice3A_1235 = vector.extract_strided_slice %select_n3A_1149 {offsets = [11], sizes = [1], strides = [1]} : vector<16xi32> to vector<1xi32>
      %squeeze3A_1236 = vector.extract %slice3A_1235[0] : i32 from vector<1xi32>
      %eq3A_1237 = arith.constant 0 : i32
      %eq3A_1238 = arith.cmpi eq, %squeeze3A_1236, %eq3A_1237 : i32
      %convert_element_type3A_1239 = arith.extui %eq3A_1238 : i1 to i32
      %cond3A_1240 = arith.constant 0 : i32
      %cond3A_1241 = arith.cmpi ne, %convert_element_type3A_1239, %cond3A_1240 : i32
      scf.if %cond3A_1241 {
        %mul3A_2020 = arith.constant 32 : i32
        %mul3A_2021 = arith.muli %add3A_964, %mul3A_2020 : i32
        %add3A_2022 = arith.addi %mul3A_2, %mul3A_2021 : i32
        %add3A_2023 = arith.constant 11 : i32
        %add3A_2024 = arith.addi %add3A_2022, %add3A_2023 : i32
        %shift_right_arithmetic3A_2025 = arith.constant 3 : i32
        %shift_right_arithmetic3A_2026 = arith.shrsi %add3A_2024, %shift_right_arithmetic3A_2025 : i32
        %shift_left3A = arith.constant 3 : i32
        %shift_left3A_2027 = arith.shli %shift_right_arithmetic3A_2026, %shift_left3A : i32
        %multiple_of3A = tpu.assume_multiple %shift_left3A_2027, 8 : i32
        %slice3A_2028 = vector.extract_strided_slice %shift_right_arithmetic3A_983 {offsets = [11], sizes = [1], strides = [1]} : vector<16xi32> to vector<1xi32>
        %squeeze3A_2029 = vector.extract %slice3A_2028[0] : i32 from vector<1xi32>
        %shift_left3A_2030 = arith.constant 7 : i32
        %shift_left3A_2031 = arith.shli %squeeze3A_2029, %shift_left3A_2030 : i32
        %multiple_of3A_2032 = tpu.assume_multiple %shift_left3A_2031, 128 : i32
        %dma_start3A = arith.constant 11 : i32
        %dma_start3A_2033 = arith.constant 0 : i32
        %dma_start3A_2034 = arith.constant 0 : i32
        %dma_start3A_2035 = tpu.memref_slice %arg6[%and3A_966, %dma_start3A, %dma_start3A_2033, %dma_start3A_2034] : memref<2x32x8x128xf32, #tpu.memory_space<vmem>> -> memref<1x1x8x128xf32, #tpu.memory_space<vmem>>
        %dma_start3A_2036 = tpu.memref_squeeze %dma_start3A_2035 : memref<1x1x8x128xf32, #tpu.memory_space<vmem>> -> memref<8x128xf32, #tpu.memory_space<vmem>>
        %dma_start3A_2037 = tpu.memref_slice %arg2[%multiple_of3A, %multiple_of3A_2032] : memref<32768x2048xf32, #tpu.memory_space<hbm>> -> memref<8x128xf32, #tpu.memory_space<hbm>>
        %dma_start3A_2038 = arith.constant 0 : i32
        %dma_start3A_2039 = arith.constant 0 : i32
        %dma_start3A_2040 = tpu.memref_slice %arg6[%and3A_966, %dma_start3A, %dma_start3A_2038, %dma_start3A_2039] : memref<2x32x8x128xf32, #tpu.memory_space<vmem>> -> memref<1x1x8x128xf32, #tpu.memory_space<vmem>>
        %dma_start3A_2041 = tpu.memref_squeeze %dma_start3A_2040 : memref<1x1x8x128xf32, #tpu.memory_space<vmem>> -> memref<8x128xf32, #tpu.memory_space<vmem>>
        %dma_start3A_2042 = tpu.memref_slice %arg2[%multiple_of3A, %multiple_of3A_2032] : memref<32768x2048xf32, #tpu.memory_space<hbm>> -> memref<8x128xf32, #tpu.memory_space<hbm>>
        tpu.enqueue_dma source(%dma_start3A_2042 : memref<8x128xf32, #tpu.memory_space<hbm>>) target(%dma_start3A_2041 : memref<8x128xf32, #tpu.memory_space<vmem>>) target_semaphore(%arg8 : memref<!tpu.dma_semaphore, #tpu.memory_space<semaphore_mem>>)
      } else {
      }
      %slice3A_1242 = vector.extract_strided_slice %select_n3A_1149 {offsets = [12], sizes = [1], strides = [1]} : vector<16xi32> to vector<1xi32>
      %squeeze3A_1243 = vector.extract %slice3A_1242[0] : i32 from vector<1xi32>
      %eq3A_1244 = arith.constant 0 : i32
      %eq3A_1245 = arith.cmpi eq, %squeeze3A_1243, %eq3A_1244 : i32
      %convert_element_type3A_1246 = arith.extui %eq3A_1245 : i1 to i32
      %cond3A_1247 = arith.constant 0 : i32
      %cond3A_1248 = arith.cmpi ne, %convert_element_type3A_1246, %cond3A_1247 : i32
      scf.if %cond3A_1248 {
        %mul3A_2020 = arith.constant 32 : i32
        %mul3A_2021 = arith.muli %add3A_964, %mul3A_2020 : i32
        %add3A_2022 = arith.addi %mul3A_2, %mul3A_2021 : i32
        %add3A_2023 = arith.constant 12 : i32
        %add3A_2024 = arith.addi %add3A_2022, %add3A_2023 : i32
        %shift_right_arithmetic3A_2025 = arith.constant 3 : i32
        %shift_right_arithmetic3A_2026 = arith.shrsi %add3A_2024, %shift_right_arithmetic3A_2025 : i32
        %shift_left3A = arith.constant 3 : i32
        %shift_left3A_2027 = arith.shli %shift_right_arithmetic3A_2026, %shift_left3A : i32
        %multiple_of3A = tpu.assume_multiple %shift_left3A_2027, 8 : i32
        %slice3A_2028 = vector.extract_strided_slice %shift_right_arithmetic3A_983 {offsets = [12], sizes = [1], strides = [1]} : vector<16xi32> to vector<1xi32>
        %squeeze3A_2029 = vector.extract %slice3A_2028[0] : i32 from vector<1xi32>
        %shift_left3A_2030 = arith.constant 7 : i32
        %shift_left3A_2031 = arith.shli %squeeze3A_2029, %shift_left3A_2030 : i32
        %multiple_of3A_2032 = tpu.assume_multiple %shift_left3A_2031, 128 : i32
        %dma_start3A = arith.constant 12 : i32
        %dma_start3A_2033 = arith.constant 0 : i32
        %dma_start3A_2034 = arith.constant 0 : i32
        %dma_start3A_2035 = tpu.memref_slice %arg6[%and3A_966, %dma_start3A, %dma_start3A_2033, %dma_start3A_2034] : memref<2x32x8x128xf32, #tpu.memory_space<vmem>> -> memref<1x1x8x128xf32, #tpu.memory_space<vmem>>
        %dma_start3A_2036 = tpu.memref_squeeze %dma_start3A_2035 : memref<1x1x8x128xf32, #tpu.memory_space<vmem>> -> memref<8x128xf32, #tpu.memory_space<vmem>>
        %dma_start3A_2037 = tpu.memref_slice %arg2[%multiple_of3A, %multiple_of3A_2032] : memref<32768x2048xf32, #tpu.memory_space<hbm>> -> memref<8x128xf32, #tpu.memory_space<hbm>>
        %dma_start3A_2038 = arith.constant 0 : i32
        %dma_start3A_2039 = arith.constant 0 : i32
        %dma_start3A_2040 = tpu.memref_slice %arg6[%and3A_966, %dma_start3A, %dma_start3A_2038, %dma_start3A_2039] : memref<2x32x8x128xf32, #tpu.memory_space<vmem>> -> memref<1x1x8x128xf32, #tpu.memory_space<vmem>>
        %dma_start3A_2041 = tpu.memref_squeeze %dma_start3A_2040 : memref<1x1x8x128xf32, #tpu.memory_space<vmem>> -> memref<8x128xf32, #tpu.memory_space<vmem>>
        %dma_start3A_2042 = tpu.memref_slice %arg2[%multiple_of3A, %multiple_of3A_2032] : memref<32768x2048xf32, #tpu.memory_space<hbm>> -> memref<8x128xf32, #tpu.memory_space<hbm>>
        tpu.enqueue_dma source(%dma_start3A_2042 : memref<8x128xf32, #tpu.memory_space<hbm>>) target(%dma_start3A_2041 : memref<8x128xf32, #tpu.memory_space<vmem>>) target_semaphore(%arg8 : memref<!tpu.dma_semaphore, #tpu.memory_space<semaphore_mem>>)
      } else {
      }
      %slice3A_1249 = vector.extract_strided_slice %select_n3A_1149 {offsets = [13], sizes = [1], strides = [1]} : vector<16xi32> to vector<1xi32>
      %squeeze3A_1250 = vector.extract %slice3A_1249[0] : i32 from vector<1xi32>
      %eq3A_1251 = arith.constant 0 : i32
      %eq3A_1252 = arith.cmpi eq, %squeeze3A_1250, %eq3A_1251 : i32
      %convert_element_type3A_1253 = arith.extui %eq3A_1252 : i1 to i32
      %cond3A_1254 = arith.constant 0 : i32
      %cond3A_1255 = arith.cmpi ne, %convert_element_type3A_1253, %cond3A_1254 : i32
      scf.if %cond3A_1255 {
        %mul3A_2020 = arith.constant 32 : i32
        %mul3A_2021 = arith.muli %add3A_964, %mul3A_2020 : i32
        %add3A_2022 = arith.addi %mul3A_2, %mul3A_2021 : i32
        %add3A_2023 = arith.constant 13 : i32
        %add3A_2024 = arith.addi %add3A_2022, %add3A_2023 : i32
        %shift_right_arithmetic3A_2025 = arith.constant 3 : i32
        %shift_right_arithmetic3A_2026 = arith.shrsi %add3A_2024, %shift_right_arithmetic3A_2025 : i32
        %shift_left3A = arith.constant 3 : i32
        %shift_left3A_2027 = arith.shli %shift_right_arithmetic3A_2026, %shift_left3A : i32
        %multiple_of3A = tpu.assume_multiple %shift_left3A_2027, 8 : i32
        %slice3A_2028 = vector.extract_strided_slice %shift_right_arithmetic3A_983 {offsets = [13], sizes = [1], strides = [1]} : vector<16xi32> to vector<1xi32>
        %squeeze3A_2029 = vector.extract %slice3A_2028[0] : i32 from vector<1xi32>
        %shift_left3A_2030 = arith.constant 7 : i32
        %shift_left3A_2031 = arith.shli %squeeze3A_2029, %shift_left3A_2030 : i32
        %multiple_of3A_2032 = tpu.assume_multiple %shift_left3A_2031, 128 : i32
        %dma_start3A = arith.constant 13 : i32
        %dma_start3A_2033 = arith.constant 0 : i32
        %dma_start3A_2034 = arith.constant 0 : i32
        %dma_start3A_2035 = tpu.memref_slice %arg6[%and3A_966, %dma_start3A, %dma_start3A_2033, %dma_start3A_2034] : memref<2x32x8x128xf32, #tpu.memory_space<vmem>> -> memref<1x1x8x128xf32, #tpu.memory_space<vmem>>
        %dma_start3A_2036 = tpu.memref_squeeze %dma_start3A_2035 : memref<1x1x8x128xf32, #tpu.memory_space<vmem>> -> memref<8x128xf32, #tpu.memory_space<vmem>>
        %dma_start3A_2037 = tpu.memref_slice %arg2[%multiple_of3A, %multiple_of3A_2032] : memref<32768x2048xf32, #tpu.memory_space<hbm>> -> memref<8x128xf32, #tpu.memory_space<hbm>>
        %dma_start3A_2038 = arith.constant 0 : i32
        %dma_start3A_2039 = arith.constant 0 : i32
        %dma_start3A_2040 = tpu.memref_slice %arg6[%and3A_966, %dma_start3A, %dma_start3A_2038, %dma_start3A_2039] : memref<2x32x8x128xf32, #tpu.memory_space<vmem>> -> memref<1x1x8x128xf32, #tpu.memory_space<vmem>>
        %dma_start3A_2041 = tpu.memref_squeeze %dma_start3A_2040 : memref<1x1x8x128xf32, #tpu.memory_space<vmem>> -> memref<8x128xf32, #tpu.memory_space<vmem>>
        %dma_start3A_2042 = tpu.memref_slice %arg2[%multiple_of3A, %multiple_of3A_2032] : memref<32768x2048xf32, #tpu.memory_space<hbm>> -> memref<8x128xf32, #tpu.memory_space<hbm>>
        tpu.enqueue_dma source(%dma_start3A_2042 : memref<8x128xf32, #tpu.memory_space<hbm>>) target(%dma_start3A_2041 : memref<8x128xf32, #tpu.memory_space<vmem>>) target_semaphore(%arg8 : memref<!tpu.dma_semaphore, #tpu.memory_space<semaphore_mem>>)
      } else {
      }
      %slice3A_1256 = vector.extract_strided_slice %select_n3A_1149 {offsets = [14], sizes = [1], strides = [1]} : vector<16xi32> to vector<1xi32>
      %squeeze3A_1257 = vector.extract %slice3A_1256[0] : i32 from vector<1xi32>
      %eq3A_1258 = arith.constant 0 : i32
      %eq3A_1259 = arith.cmpi eq, %squeeze3A_1257, %eq3A_1258 : i32
      %convert_element_type3A_1260 = arith.extui %eq3A_1259 : i1 to i32
      %cond3A_1261 = arith.constant 0 : i32
      %cond3A_1262 = arith.cmpi ne, %convert_element_type3A_1260, %cond3A_1261 : i32
      scf.if %cond3A_1262 {
        %mul3A_2020 = arith.constant 32 : i32
        %mul3A_2021 = arith.muli %add3A_964, %mul3A_2020 : i32
        %add3A_2022 = arith.addi %mul3A_2, %mul3A_2021 : i32
        %add3A_2023 = arith.constant 14 : i32
        %add3A_2024 = arith.addi %add3A_2022, %add3A_2023 : i32
        %shift_right_arithmetic3A_2025 = arith.constant 3 : i32
        %shift_right_arithmetic3A_2026 = arith.shrsi %add3A_2024, %shift_right_arithmetic3A_2025 : i32
        %shift_left3A = arith.constant 3 : i32
        %shift_left3A_2027 = arith.shli %shift_right_arithmetic3A_2026, %shift_left3A : i32
        %multiple_of3A = tpu.assume_multiple %shift_left3A_2027, 8 : i32
        %slice3A_2028 = vector.extract_strided_slice %shift_right_arithmetic3A_983 {offsets = [14], sizes = [1], strides = [1]} : vector<16xi32> to vector<1xi32>
        %squeeze3A_2029 = vector.extract %slice3A_2028[0] : i32 from vector<1xi32>
        %shift_left3A_2030 = arith.constant 7 : i32
        %shift_left3A_2031 = arith.shli %squeeze3A_2029, %shift_left3A_2030 : i32
        %multiple_of3A_2032 = tpu.assume_multiple %shift_left3A_2031, 128 : i32
        %dma_start3A = arith.constant 14 : i32
        %dma_start3A_2033 = arith.constant 0 : i32
        %dma_start3A_2034 = arith.constant 0 : i32
        %dma_start3A_2035 = tpu.memref_slice %arg6[%and3A_966, %dma_start3A, %dma_start3A_2033, %dma_start3A_2034] : memref<2x32x8x128xf32, #tpu.memory_space<vmem>> -> memref<1x1x8x128xf32, #tpu.memory_space<vmem>>
        %dma_start3A_2036 = tpu.memref_squeeze %dma_start3A_2035 : memref<1x1x8x128xf32, #tpu.memory_space<vmem>> -> memref<8x128xf32, #tpu.memory_space<vmem>>
        %dma_start3A_2037 = tpu.memref_slice %arg2[%multiple_of3A, %multiple_of3A_2032] : memref<32768x2048xf32, #tpu.memory_space<hbm>> -> memref<8x128xf32, #tpu.memory_space<hbm>>
        %dma_start3A_2038 = arith.constant 0 : i32
        %dma_start3A_2039 = arith.constant 0 : i32
        %dma_start3A_2040 = tpu.memref_slice %arg6[%and3A_966, %dma_start3A, %dma_start3A_2038, %dma_start3A_2039] : memref<2x32x8x128xf32, #tpu.memory_space<vmem>> -> memref<1x1x8x128xf32, #tpu.memory_space<vmem>>
        %dma_start3A_2041 = tpu.memref_squeeze %dma_start3A_2040 : memref<1x1x8x128xf32, #tpu.memory_space<vmem>> -> memref<8x128xf32, #tpu.memory_space<vmem>>
        %dma_start3A_2042 = tpu.memref_slice %arg2[%multiple_of3A, %multiple_of3A_2032] : memref<32768x2048xf32, #tpu.memory_space<hbm>> -> memref<8x128xf32, #tpu.memory_space<hbm>>
        tpu.enqueue_dma source(%dma_start3A_2042 : memref<8x128xf32, #tpu.memory_space<hbm>>) target(%dma_start3A_2041 : memref<8x128xf32, #tpu.memory_space<vmem>>) target_semaphore(%arg8 : memref<!tpu.dma_semaphore, #tpu.memory_space<semaphore_mem>>)
      } else {
      }
      %slice3A_1263 = vector.extract_strided_slice %select_n3A_1149 {offsets = [15], sizes = [1], strides = [1]} : vector<16xi32> to vector<1xi32>
      %squeeze3A_1264 = vector.extract %slice3A_1263[0] : i32 from vector<1xi32>
      %eq3A_1265 = arith.constant 0 : i32
      %eq3A_1266 = arith.cmpi eq, %squeeze3A_1264, %eq3A_1265 : i32
      %convert_element_type3A_1267 = arith.extui %eq3A_1266 : i1 to i32
      %cond3A_1268 = arith.constant 0 : i32
      %cond3A_1269 = arith.cmpi ne, %convert_element_type3A_1267, %cond3A_1268 : i32
      scf.if %cond3A_1269 {
        %mul3A_2020 = arith.constant 32 : i32
        %mul3A_2021 = arith.muli %add3A_964, %mul3A_2020 : i32
        %add3A_2022 = arith.addi %mul3A_2, %mul3A_2021 : i32
        %add3A_2023 = arith.constant 15 : i32
        %add3A_2024 = arith.addi %add3A_2022, %add3A_2023 : i32
        %shift_right_arithmetic3A_2025 = arith.constant 3 : i32
        %shift_right_arithmetic3A_2026 = arith.shrsi %add3A_2024, %shift_right_arithmetic3A_2025 : i32
        %shift_left3A = arith.constant 3 : i32
        %shift_left3A_2027 = arith.shli %shift_right_arithmetic3A_2026, %shift_left3A : i32
        %multiple_of3A = tpu.assume_multiple %shift_left3A_2027, 8 : i32
        %slice3A_2028 = vector.extract_strided_slice %shift_right_arithmetic3A_983 {offsets = [15], sizes = [1], strides = [1]} : vector<16xi32> to vector<1xi32>
        %squeeze3A_2029 = vector.extract %slice3A_2028[0] : i32 from vector<1xi32>
        %shift_left3A_2030 = arith.constant 7 : i32
        %shift_left3A_2031 = arith.shli %squeeze3A_2029, %shift_left3A_2030 : i32
        %multiple_of3A_2032 = tpu.assume_multiple %shift_left3A_2031, 128 : i32
        %dma_start3A = arith.constant 15 : i32
        %dma_start3A_2033 = arith.constant 0 : i32
        %dma_start3A_2034 = arith.constant 0 : i32
        %dma_start3A_2035 = tpu.memref_slice %arg6[%and3A_966, %dma_start3A, %dma_start3A_2033, %dma_start3A_2034] : memref<2x32x8x128xf32, #tpu.memory_space<vmem>> -> memref<1x1x8x128xf32, #tpu.memory_space<vmem>>
        %dma_start3A_2036 = tpu.memref_squeeze %dma_start3A_2035 : memref<1x1x8x128xf32, #tpu.memory_space<vmem>> -> memref<8x128xf32, #tpu.memory_space<vmem>>
        %dma_start3A_2037 = tpu.memref_slice %arg2[%multiple_of3A, %multiple_of3A_2032] : memref<32768x2048xf32, #tpu.memory_space<hbm>> -> memref<8x128xf32, #tpu.memory_space<hbm>>
        %dma_start3A_2038 = arith.constant 0 : i32
        %dma_start3A_2039 = arith.constant 0 : i32
        %dma_start3A_2040 = tpu.memref_slice %arg6[%and3A_966, %dma_start3A, %dma_start3A_2038, %dma_start3A_2039] : memref<2x32x8x128xf32, #tpu.memory_space<vmem>> -> memref<1x1x8x128xf32, #tpu.memory_space<vmem>>
        %dma_start3A_2041 = tpu.memref_squeeze %dma_start3A_2040 : memref<1x1x8x128xf32, #tpu.memory_space<vmem>> -> memref<8x128xf32, #tpu.memory_space<vmem>>
        %dma_start3A_2042 = tpu.memref_slice %arg2[%multiple_of3A, %multiple_of3A_2032] : memref<32768x2048xf32, #tpu.memory_space<hbm>> -> memref<8x128xf32, #tpu.memory_space<hbm>>
        tpu.enqueue_dma source(%dma_start3A_2042 : memref<8x128xf32, #tpu.memory_space<hbm>>) target(%dma_start3A_2041 : memref<8x128xf32, #tpu.memory_space<vmem>>) target_semaphore(%arg8 : memref<!tpu.dma_semaphore, #tpu.memory_space<semaphore_mem>>)
      } else {
      }
      %mul3A_1270 = arith.constant 32 : i32
      %mul3A_1271 = arith.muli %add3A_964, %mul3A_1270 : i32
      %add3A_1272 = arith.constant 8 : i32
      %add3A_1273 = arith.addi %add3A_1272, %mul3A_1271 : i32
      %add3A_1274 = arith.constant 16 : i32
      %add3A_1275 = arith.addi %add3A_1273, %add3A_1274 : i32
      %get3A_1276 = arith.index_cast %add3A_1275 : i32 to index
      %get3A_1277 = tpu.vector_load %arg5[%get3A_1276] {strides = array<i32>} : memref<1032xi32, #tpu.memory_space<vmem>>, vector<16xi32>,
      %ge3A_1278 = arith.constant 0 : i32
      %ge3A_1279 = vector.broadcast %ge3A_1278 : i32 to vector<16xi32>
      %ge3A_1280 = arith.cmpi sge, %get3A_1277, %ge3A_1279 : vector<16xi32>
      %jit3A_1281 = arith.constant 0 : i32
      %broadcast_in_dim3A_1282 = vector.broadcast %jit3A_1281 : i32 to vector<16xi32>
      %select_n3A_1283 = arith.select %ge3A_1280, %get3A_1277, %broadcast_in_dim3A_1282 : vector<16xi1>, vector<16xi32>
      %shift_right_arithmetic3A_1284 = arith.constant 7 : i32
      %shift_right_arithmetic3A_1285 = vector.broadcast %shift_right_arithmetic3A_1284 : i32 to vector<16xi32>
      %shift_right_arithmetic3A_1286 = arith.shrsi %select_n3A_1283, %shift_right_arithmetic3A_1285 : vector<16xi32>
      %mul3A_1287 = arith.constant 32 : i32
      %mul3A_1288 = arith.muli %add3A_964, %mul3A_1287 : i32
      %add3A_1289 = arith.constant 8 : i32
      %add3A_1290 = arith.addi %add3A_1289, %mul3A_1288 : i32
      %add3A_1291 = arith.constant 16 : i32
      %add3A_1292 = arith.addi %add3A_1290, %add3A_1291 : i32
      %get3A_1293 = arith.index_cast %add3A_1292 : i32 to index
      %get3A_1294 = tpu.vector_load %arg5[%get3A_1293] {strides = array<i32>} : memref<1032xi32, #tpu.memory_space<vmem>>, vector<16xi32>,
      %ge3A_1295 = arith.constant 0 : i32
      %ge3A_1296 = vector.broadcast %ge3A_1295 : i32 to vector<16xi32>
      %ge3A_1297 = arith.cmpi sge, %get3A_1294, %ge3A_1296 : vector<16xi32>
      %jit3A_1298 = arith.constant 0 : i32
      %broadcast_in_dim3A_1299 = vector.broadcast %jit3A_1298 : i32 to vector<16xi32>
      %select_n3A_1300 = arith.select %ge3A_1297, %get3A_1294, %broadcast_in_dim3A_1299 : vector<16xi1>, vector<16xi32>
      %shift_right_arithmetic3A_1301 = arith.constant 7 : i32
      %shift_right_arithmetic3A_1302 = vector.broadcast %shift_right_arithmetic3A_1301 : i32 to vector<16xi32>
      %shift_right_arithmetic3A_1303 = arith.shrsi %select_n3A_1300, %shift_right_arithmetic3A_1302 : vector<16xi32>
      %broadcast_in_dim3A_1304 = arith.constant 0 : i32
      %broadcast_in_dim3A_1305 = vector.broadcast %broadcast_in_dim3A_1304 : i32 to vector<16xi32>
      %sub3A_1306 = arith.constant 1 : i32
      %sub3A_1307 = arith.subi %add3A_1292, %sub3A_1306 : i32
      %get3A_1308 = arith.index_cast %sub3A_1307 : i32 to index
      %get3A_1309 = tpu.vector_load %arg5[%get3A_1308] {strides = array<i32>} : memref<1032xi32, #tpu.memory_space<vmem>>, vector<16xi32>,
      %ge3A_1310 = arith.constant 0 : i32
      %ge3A_1311 = vector.broadcast %ge3A_1310 : i32 to vector<16xi32>
      %ge3A_1312 = arith.cmpi sge, %get3A_1309, %ge3A_1311 : vector<16xi32>
      %jit3A_1313 = arith.constant 0 : i32
      %broadcast_in_dim3A_1314 = vector.broadcast %jit3A_1313 : i32 to vector<16xi32>
      %select_n3A_1315 = arith.select %ge3A_1312, %get3A_1309, %broadcast_in_dim3A_1314 : vector<16xi1>, vector<16xi32>
      %shift_right_arithmetic3A_1316 = arith.constant 7 : i32
      %shift_right_arithmetic3A_1317 = vector.broadcast %shift_right_arithmetic3A_1316 : i32 to vector<16xi32>
      %shift_right_arithmetic3A_1318 = arith.shrsi %select_n3A_1315, %shift_right_arithmetic3A_1317 : vector<16xi32>
      %eq3A_1319 = arith.cmpi eq, %shift_right_arithmetic3A_1303, %shift_right_arithmetic3A_1318 : vector<16xi32>
      %ge3A_1320 = arith.constant 1 : i32
      %ge3A_1321 = vector.broadcast %ge3A_1320 : i32 to vector<16xi32>
      %ge3A_1322 = arith.cmpi sge, %and3A_6, %ge3A_1321 : vector<16xi32>
      %and3A_1323 = arith.andi %eq3A_1319, %ge3A_1322 : vector<16xi1>
      %jit3A_1324 = arith.constant 1 : i32
      %broadcast_in_dim3A_1325 = vector.broadcast %jit3A_1324 : i32 to vector<16xi32>
      %select_n3A_1326 = arith.select %and3A_1323, %broadcast_in_dim3A_1325, %broadcast_in_dim3A_1305 : vector<16xi1>, vector<16xi32>
      %sub3A_1327 = arith.constant 2 : i32
      %sub3A_1328 = arith.subi %add3A_1292, %sub3A_1327 : i32
      %get3A_1329 = arith.index_cast %sub3A_1328 : i32 to index
      %get3A_1330 = tpu.vector_load %arg5[%get3A_1329] {strides = array<i32>} : memref<1032xi32, #tpu.memory_space<vmem>>, vector<16xi32>,
      %ge3A_1331 = arith.constant 0 : i32
      %ge3A_1332 = vector.broadcast %ge3A_1331 : i32 to vector<16xi32>
      %ge3A_1333 = arith.cmpi sge, %get3A_1330, %ge3A_1332 : vector<16xi32>
      %jit3A_1334 = arith.constant 0 : i32
      %broadcast_in_dim3A_1335 = vector.broadcast %jit3A_1334 : i32 to vector<16xi32>
      %select_n3A_1336 = arith.select %ge3A_1333, %get3A_1330, %broadcast_in_dim3A_1335 : vector<16xi1>, vector<16xi32>
      %shift_right_arithmetic3A_1337 = arith.constant 7 : i32
      %shift_right_arithmetic3A_1338 = vector.broadcast %shift_right_arithmetic3A_1337 : i32 to vector<16xi32>
      %shift_right_arithmetic3A_1339 = arith.shrsi %select_n3A_1336, %shift_right_arithmetic3A_1338 : vector<16xi32>
      %eq3A_1340 = arith.cmpi eq, %shift_right_arithmetic3A_1303, %shift_right_arithmetic3A_1339 : vector<16xi32>
      %ge3A_1341 = arith.constant 2 : i32
      %ge3A_1342 = vector.broadcast %ge3A_1341 : i32 to vector<16xi32>
      %ge3A_1343 = arith.cmpi sge, %and3A_6, %ge3A_1342 : vector<16xi32>
      %and3A_1344 = arith.andi %eq3A_1340, %ge3A_1343 : vector<16xi1>
      %jit3A_1345 = arith.constant 2 : i32
      %broadcast_in_dim3A_1346 = vector.broadcast %jit3A_1345 : i32 to vector<16xi32>
      %select_n3A_1347 = arith.select %and3A_1344, %broadcast_in_dim3A_1346, %select_n3A_1326 : vector<16xi1>, vector<16xi32>
      %sub3A_1348 = arith.constant 3 : i32
      %sub3A_1349 = arith.subi %add3A_1292, %sub3A_1348 : i32
      %get3A_1350 = arith.index_cast %sub3A_1349 : i32 to index
      %get3A_1351 = tpu.vector_load %arg5[%get3A_1350] {strides = array<i32>} : memref<1032xi32, #tpu.memory_space<vmem>>, vector<16xi32>,
      %ge3A_1352 = arith.constant 0 : i32
      %ge3A_1353 = vector.broadcast %ge3A_1352 : i32 to vector<16xi32>
      %ge3A_1354 = arith.cmpi sge, %get3A_1351, %ge3A_1353 : vector<16xi32>
      %jit3A_1355 = arith.constant 0 : i32
      %broadcast_in_dim3A_1356 = vector.broadcast %jit3A_1355 : i32 to vector<16xi32>
      %select_n3A_1357 = arith.select %ge3A_1354, %get3A_1351, %broadcast_in_dim3A_1356 : vector<16xi1>, vector<16xi32>
      %shift_right_arithmetic3A_1358 = arith.constant 7 : i32
      %shift_right_arithmetic3A_1359 = vector.broadcast %shift_right_arithmetic3A_1358 : i32 to vector<16xi32>
      %shift_right_arithmetic3A_1360 = arith.shrsi %select_n3A_1357, %shift_right_arithmetic3A_1359 : vector<16xi32>
      %eq3A_1361 = arith.cmpi eq, %shift_right_arithmetic3A_1303, %shift_right_arithmetic3A_1360 : vector<16xi32>
      %ge3A_1362 = arith.constant 3 : i32
      %ge3A_1363 = vector.broadcast %ge3A_1362 : i32 to vector<16xi32>
      %ge3A_1364 = arith.cmpi sge, %and3A_6, %ge3A_1363 : vector<16xi32>
      %and3A_1365 = arith.andi %eq3A_1361, %ge3A_1364 : vector<16xi1>
      %jit3A_1366 = arith.constant 3 : i32
      %broadcast_in_dim3A_1367 = vector.broadcast %jit3A_1366 : i32 to vector<16xi32>
      %select_n3A_1368 = arith.select %and3A_1365, %broadcast_in_dim3A_1367, %select_n3A_1347 : vector<16xi1>, vector<16xi32>
      %sub3A_1369 = arith.constant 4 : i32
      %sub3A_1370 = arith.subi %add3A_1292, %sub3A_1369 : i32
      %get3A_1371 = arith.index_cast %sub3A_1370 : i32 to index
      %get3A_1372 = tpu.vector_load %arg5[%get3A_1371] {strides = array<i32>} : memref<1032xi32, #tpu.memory_space<vmem>>, vector<16xi32>,
      %ge3A_1373 = arith.constant 0 : i32
      %ge3A_1374 = vector.broadcast %ge3A_1373 : i32 to vector<16xi32>
      %ge3A_1375 = arith.cmpi sge, %get3A_1372, %ge3A_1374 : vector<16xi32>
      %jit3A_1376 = arith.constant 0 : i32
      %broadcast_in_dim3A_1377 = vector.broadcast %jit3A_1376 : i32 to vector<16xi32>
      %select_n3A_1378 = arith.select %ge3A_1375, %get3A_1372, %broadcast_in_dim3A_1377 : vector<16xi1>, vector<16xi32>
      %shift_right_arithmetic3A_1379 = arith.constant 7 : i32
      %shift_right_arithmetic3A_1380 = vector.broadcast %shift_right_arithmetic3A_1379 : i32 to vector<16xi32>
      %shift_right_arithmetic3A_1381 = arith.shrsi %select_n3A_1378, %shift_right_arithmetic3A_1380 : vector<16xi32>
      %eq3A_1382 = arith.cmpi eq, %shift_right_arithmetic3A_1303, %shift_right_arithmetic3A_1381 : vector<16xi32>
      %ge3A_1383 = arith.constant 4 : i32
      %ge3A_1384 = vector.broadcast %ge3A_1383 : i32 to vector<16xi32>
      %ge3A_1385 = arith.cmpi sge, %and3A_6, %ge3A_1384 : vector<16xi32>
      %and3A_1386 = arith.andi %eq3A_1382, %ge3A_1385 : vector<16xi1>
      %jit3A_1387 = arith.constant 4 : i32
      %broadcast_in_dim3A_1388 = vector.broadcast %jit3A_1387 : i32 to vector<16xi32>
      %select_n3A_1389 = arith.select %and3A_1386, %broadcast_in_dim3A_1388, %select_n3A_1368 : vector<16xi1>, vector<16xi32>
      %sub3A_1390 = arith.constant 5 : i32
      %sub3A_1391 = arith.subi %add3A_1292, %sub3A_1390 : i32
      %get3A_1392 = arith.index_cast %sub3A_1391 : i32 to index
      %get3A_1393 = tpu.vector_load %arg5[%get3A_1392] {strides = array<i32>} : memref<1032xi32, #tpu.memory_space<vmem>>, vector<16xi32>,
      %ge3A_1394 = arith.constant 0 : i32
      %ge3A_1395 = vector.broadcast %ge3A_1394 : i32 to vector<16xi32>
      %ge3A_1396 = arith.cmpi sge, %get3A_1393, %ge3A_1395 : vector<16xi32>
      %jit3A_1397 = arith.constant 0 : i32
      %broadcast_in_dim3A_1398 = vector.broadcast %jit3A_1397 : i32 to vector<16xi32>
      %select_n3A_1399 = arith.select %ge3A_1396, %get3A_1393, %broadcast_in_dim3A_1398 : vector<16xi1>, vector<16xi32>
      %shift_right_arithmetic3A_1400 = arith.constant 7 : i32
      %shift_right_arithmetic3A_1401 = vector.broadcast %shift_right_arithmetic3A_1400 : i32 to vector<16xi32>
      %shift_right_arithmetic3A_1402 = arith.shrsi %select_n3A_1399, %shift_right_arithmetic3A_1401 : vector<16xi32>
      %eq3A_1403 = arith.cmpi eq, %shift_right_arithmetic3A_1303, %shift_right_arithmetic3A_1402 : vector<16xi32>
      %ge3A_1404 = arith.constant 5 : i32
      %ge3A_1405 = vector.broadcast %ge3A_1404 : i32 to vector<16xi32>
      %ge3A_1406 = arith.cmpi sge, %and3A_6, %ge3A_1405 : vector<16xi32>
      %and3A_1407 = arith.andi %eq3A_1403, %ge3A_1406 : vector<16xi1>
      %jit3A_1408 = arith.constant 5 : i32
      %broadcast_in_dim3A_1409 = vector.broadcast %jit3A_1408 : i32 to vector<16xi32>
      %select_n3A_1410 = arith.select %and3A_1407, %broadcast_in_dim3A_1409, %select_n3A_1389 : vector<16xi1>, vector<16xi32>
      %sub3A_1411 = arith.constant 6 : i32
      %sub3A_1412 = arith.subi %add3A_1292, %sub3A_1411 : i32
      %get3A_1413 = arith.index_cast %sub3A_1412 : i32 to index
      %get3A_1414 = tpu.vector_load %arg5[%get3A_1413] {strides = array<i32>} : memref<1032xi32, #tpu.memory_space<vmem>>, vector<16xi32>,
      %ge3A_1415 = arith.constant 0 : i32
      %ge3A_1416 = vector.broadcast %ge3A_1415 : i32 to vector<16xi32>
      %ge3A_1417 = arith.cmpi sge, %get3A_1414, %ge3A_1416 : vector<16xi32>
      %jit3A_1418 = arith.constant 0 : i32
      %broadcast_in_dim3A_1419 = vector.broadcast %jit3A_1418 : i32 to vector<16xi32>
      %select_n3A_1420 = arith.select %ge3A_1417, %get3A_1414, %broadcast_in_dim3A_1419 : vector<16xi1>, vector<16xi32>
      %shift_right_arithmetic3A_1421 = arith.constant 7 : i32
      %shift_right_arithmetic3A_1422 = vector.broadcast %shift_right_arithmetic3A_1421 : i32 to vector<16xi32>
      %shift_right_arithmetic3A_1423 = arith.shrsi %select_n3A_1420, %shift_right_arithmetic3A_1422 : vector<16xi32>
      %eq3A_1424 = arith.cmpi eq, %shift_right_arithmetic3A_1303, %shift_right_arithmetic3A_1423 : vector<16xi32>
      %ge3A_1425 = arith.constant 6 : i32
      %ge3A_1426 = vector.broadcast %ge3A_1425 : i32 to vector<16xi32>
      %ge3A_1427 = arith.cmpi sge, %and3A_6, %ge3A_1426 : vector<16xi32>
      %and3A_1428 = arith.andi %eq3A_1424, %ge3A_1427 : vector<16xi1>
      %jit3A_1429 = arith.constant 6 : i32
      %broadcast_in_dim3A_1430 = vector.broadcast %jit3A_1429 : i32 to vector<16xi32>
      %select_n3A_1431 = arith.select %and3A_1428, %broadcast_in_dim3A_1430, %select_n3A_1410 : vector<16xi1>, vector<16xi32>
      %sub3A_1432 = arith.constant 7 : i32
      %sub3A_1433 = arith.subi %add3A_1292, %sub3A_1432 : i32
      %get3A_1434 = arith.index_cast %sub3A_1433 : i32 to index
      %get3A_1435 = tpu.vector_load %arg5[%get3A_1434] {strides = array<i32>} : memref<1032xi32, #tpu.memory_space<vmem>>, vector<16xi32>,
      %ge3A_1436 = arith.constant 0 : i32
      %ge3A_1437 = vector.broadcast %ge3A_1436 : i32 to vector<16xi32>
      %ge3A_1438 = arith.cmpi sge, %get3A_1435, %ge3A_1437 : vector<16xi32>
      %jit3A_1439 = arith.constant 0 : i32
      %broadcast_in_dim3A_1440 = vector.broadcast %jit3A_1439 : i32 to vector<16xi32>
      %select_n3A_1441 = arith.select %ge3A_1438, %get3A_1435, %broadcast_in_dim3A_1440 : vector<16xi1>, vector<16xi32>
      %shift_right_arithmetic3A_1442 = arith.constant 7 : i32
      %shift_right_arithmetic3A_1443 = vector.broadcast %shift_right_arithmetic3A_1442 : i32 to vector<16xi32>
      %shift_right_arithmetic3A_1444 = arith.shrsi %select_n3A_1441, %shift_right_arithmetic3A_1443 : vector<16xi32>
      %eq3A_1445 = arith.cmpi eq, %shift_right_arithmetic3A_1303, %shift_right_arithmetic3A_1444 : vector<16xi32>
      %ge3A_1446 = arith.constant 7 : i32
      %ge3A_1447 = vector.broadcast %ge3A_1446 : i32 to vector<16xi32>
      %ge3A_1448 = arith.cmpi sge, %and3A_6, %ge3A_1447 : vector<16xi32>
      %and3A_1449 = arith.andi %eq3A_1445, %ge3A_1448 : vector<16xi1>
      %jit3A_1450 = arith.constant 7 : i32
      %broadcast_in_dim3A_1451 = vector.broadcast %jit3A_1450 : i32 to vector<16xi32>
      %select_n3A_1452 = arith.select %and3A_1449, %broadcast_in_dim3A_1451, %select_n3A_1431 : vector<16xi1>, vector<16xi32>
      %eq3A_1453 = arith.constant 0 : i32
      %eq3A_1454 = vector.broadcast %eq3A_1453 : i32 to vector<16xi32>
      %eq3A_1455 = arith.cmpi eq, %select_n3A_1452, %eq3A_1454 : vector<16xi32>
      %all_reduce_population_count3A_1456 = tpu.all_reduce %eq3A_1455 {dim = 0 : i64, kind = #tpu.reduction_kind<sum>} : vector<16xi1> -> vector<16xi32>
      %slice3A_1457 = vector.extract_strided_slice %all_reduce_population_count3A_1456 {offsets = [0], sizes = [1], strides = [1]} : vector<16xi32> to vector<1xi32>
      %squeeze3A_1458 = vector.extract %slice3A_1457[0] : i32 from vector<1xi32>
      %add3A_1459 = arith.addi %add3A_1157, %squeeze3A_1458 : i32
      %slice3A_1460 = vector.extract_strided_slice %select_n3A_1452 {offsets = [0], sizes = [1], strides = [1]} : vector<16xi32> to vector<1xi32>
      %squeeze3A_1461 = vector.extract %slice3A_1460[0] : i32 from vector<1xi32>
      %eq3A_1462 = arith.constant 0 : i32
      %eq3A_1463 = arith.cmpi eq, %squeeze3A_1461, %eq3A_1462 : i32
      %convert_element_type3A_1464 = arith.extui %eq3A_1463 : i1 to i32
      %cond3A_1465 = arith.constant 0 : i32
      %cond3A_1466 = arith.cmpi ne, %convert_element_type3A_1464, %cond3A_1465 : i32
      scf.if %cond3A_1466 {
        %mul3A_2020 = arith.constant 32 : i32
        %mul3A_2021 = arith.muli %add3A_964, %mul3A_2020 : i32
        %add3A_2022 = arith.addi %mul3A_2, %mul3A_2021 : i32
        %add3A_2023 = arith.constant 16 : i32
        %add3A_2024 = arith.addi %add3A_2022, %add3A_2023 : i32
        %shift_right_arithmetic3A_2025 = arith.constant 3 : i32
        %shift_right_arithmetic3A_2026 = arith.shrsi %add3A_2024, %shift_right_arithmetic3A_2025 : i32
        %shift_left3A = arith.constant 3 : i32
        %shift_left3A_2027 = arith.shli %shift_right_arithmetic3A_2026, %shift_left3A : i32
        %multiple_of3A = tpu.assume_multiple %shift_left3A_2027, 8 : i32
        %slice3A_2028 = vector.extract_strided_slice %shift_right_arithmetic3A_1286 {offsets = [0], sizes = [1], strides = [1]} : vector<16xi32> to vector<1xi32>
        %squeeze3A_2029 = vector.extract %slice3A_2028[0] : i32 from vector<1xi32>
        %shift_left3A_2030 = arith.constant 7 : i32
        %shift_left3A_2031 = arith.shli %squeeze3A_2029, %shift_left3A_2030 : i32
        %multiple_of3A_2032 = tpu.assume_multiple %shift_left3A_2031, 128 : i32
        %dma_start3A = arith.constant 16 : i32
        %dma_start3A_2033 = arith.constant 0 : i32
        %dma_start3A_2034 = arith.constant 0 : i32
        %dma_start3A_2035 = tpu.memref_slice %arg6[%and3A_966, %dma_start3A, %dma_start3A_2033, %dma_start3A_2034] : memref<2x32x8x128xf32, #tpu.memory_space<vmem>> -> memref<1x1x8x128xf32, #tpu.memory_space<vmem>>
        %dma_start3A_2036 = tpu.memref_squeeze %dma_start3A_2035 : memref<1x1x8x128xf32, #tpu.memory_space<vmem>> -> memref<8x128xf32, #tpu.memory_space<vmem>>
        %dma_start3A_2037 = tpu.memref_slice %arg2[%multiple_of3A, %multiple_of3A_2032] : memref<32768x2048xf32, #tpu.memory_space<hbm>> -> memref<8x128xf32, #tpu.memory_space<hbm>>
        %dma_start3A_2038 = arith.constant 0 : i32
        %dma_start3A_2039 = arith.constant 0 : i32
        %dma_start3A_2040 = tpu.memref_slice %arg6[%and3A_966, %dma_start3A, %dma_start3A_2038, %dma_start3A_2039] : memref<2x32x8x128xf32, #tpu.memory_space<vmem>> -> memref<1x1x8x128xf32, #tpu.memory_space<vmem>>
        %dma_start3A_2041 = tpu.memref_squeeze %dma_start3A_2040 : memref<1x1x8x128xf32, #tpu.memory_space<vmem>> -> memref<8x128xf32, #tpu.memory_space<vmem>>
        %dma_start3A_2042 = tpu.memref_slice %arg2[%multiple_of3A, %multiple_of3A_2032] : memref<32768x2048xf32, #tpu.memory_space<hbm>> -> memref<8x128xf32, #tpu.memory_space<hbm>>
        tpu.enqueue_dma source(%dma_start3A_2042 : memref<8x128xf32, #tpu.memory_space<hbm>>) target(%dma_start3A_2041 : memref<8x128xf32, #tpu.memory_space<vmem>>) target_semaphore(%arg8 : memref<!tpu.dma_semaphore, #tpu.memory_space<semaphore_mem>>)
      } else {
      }
      %slice3A_1467 = vector.extract_strided_slice %select_n3A_1452 {offsets = [1], sizes = [1], strides = [1]} : vector<16xi32> to vector<1xi32>
      %squeeze3A_1468 = vector.extract %slice3A_1467[0] : i32 from vector<1xi32>
      %eq3A_1469 = arith.constant 0 : i32
      %eq3A_1470 = arith.cmpi eq, %squeeze3A_1468, %eq3A_1469 : i32
      %convert_element_type3A_1471 = arith.extui %eq3A_1470 : i1 to i32
      %cond3A_1472 = arith.constant 0 : i32
      %cond3A_1473 = arith.cmpi ne, %convert_element_type3A_1471, %cond3A_1472 : i32
      scf.if %cond3A_1473 {
        %mul3A_2020 = arith.constant 32 : i32
        %mul3A_2021 = arith.muli %add3A_964, %mul3A_2020 : i32
        %add3A_2022 = arith.addi %mul3A_2, %mul3A_2021 : i32
        %add3A_2023 = arith.constant 17 : i32
        %add3A_2024 = arith.addi %add3A_2022, %add3A_2023 : i32
        %shift_right_arithmetic3A_2025 = arith.constant 3 : i32
        %shift_right_arithmetic3A_2026 = arith.shrsi %add3A_2024, %shift_right_arithmetic3A_2025 : i32
        %shift_left3A = arith.constant 3 : i32
        %shift_left3A_2027 = arith.shli %shift_right_arithmetic3A_2026, %shift_left3A : i32
        %multiple_of3A = tpu.assume_multiple %shift_left3A_2027, 8 : i32
        %slice3A_2028 = vector.extract_strided_slice %shift_right_arithmetic3A_1286 {offsets = [1], sizes = [1], strides = [1]} : vector<16xi32> to vector<1xi32>
        %squeeze3A_2029 = vector.extract %slice3A_2028[0] : i32 from vector<1xi32>
        %shift_left3A_2030 = arith.constant 7 : i32
        %shift_left3A_2031 = arith.shli %squeeze3A_2029, %shift_left3A_2030 : i32
        %multiple_of3A_2032 = tpu.assume_multiple %shift_left3A_2031, 128 : i32
        %dma_start3A = arith.constant 17 : i32
        %dma_start3A_2033 = arith.constant 0 : i32
        %dma_start3A_2034 = arith.constant 0 : i32
        %dma_start3A_2035 = tpu.memref_slice %arg6[%and3A_966, %dma_start3A, %dma_start3A_2033, %dma_start3A_2034] : memref<2x32x8x128xf32, #tpu.memory_space<vmem>> -> memref<1x1x8x128xf32, #tpu.memory_space<vmem>>
        %dma_start3A_2036 = tpu.memref_squeeze %dma_start3A_2035 : memref<1x1x8x128xf32, #tpu.memory_space<vmem>> -> memref<8x128xf32, #tpu.memory_space<vmem>>
        %dma_start3A_2037 = tpu.memref_slice %arg2[%multiple_of3A, %multiple_of3A_2032] : memref<32768x2048xf32, #tpu.memory_space<hbm>> -> memref<8x128xf32, #tpu.memory_space<hbm>>
        %dma_start3A_2038 = arith.constant 0 : i32
        %dma_start3A_2039 = arith.constant 0 : i32
        %dma_start3A_2040 = tpu.memref_slice %arg6[%and3A_966, %dma_start3A, %dma_start3A_2038, %dma_start3A_2039] : memref<2x32x8x128xf32, #tpu.memory_space<vmem>> -> memref<1x1x8x128xf32, #tpu.memory_space<vmem>>
        %dma_start3A_2041 = tpu.memref_squeeze %dma_start3A_2040 : memref<1x1x8x128xf32, #tpu.memory_space<vmem>> -> memref<8x128xf32, #tpu.memory_space<vmem>>
        %dma_start3A_2042 = tpu.memref_slice %arg2[%multiple_of3A, %multiple_of3A_2032] : memref<32768x2048xf32, #tpu.memory_space<hbm>> -> memref<8x128xf32, #tpu.memory_space<hbm>>
        tpu.enqueue_dma source(%dma_start3A_2042 : memref<8x128xf32, #tpu.memory_space<hbm>>) target(%dma_start3A_2041 : memref<8x128xf32, #tpu.memory_space<vmem>>) target_semaphore(%arg8 : memref<!tpu.dma_semaphore, #tpu.memory_space<semaphore_mem>>)
      } else {
      }
      %slice3A_1474 = vector.extract_strided_slice %select_n3A_1452 {offsets = [2], sizes = [1], strides = [1]} : vector<16xi32> to vector<1xi32>
      %squeeze3A_1475 = vector.extract %slice3A_1474[0] : i32 from vector<1xi32>
      %eq3A_1476 = arith.constant 0 : i32
      %eq3A_1477 = arith.cmpi eq, %squeeze3A_1475, %eq3A_1476 : i32
      %convert_element_type3A_1478 = arith.extui %eq3A_1477 : i1 to i32
      %cond3A_1479 = arith.constant 0 : i32
      %cond3A_1480 = arith.cmpi ne, %convert_element_type3A_1478, %cond3A_1479 : i32
      scf.if %cond3A_1480 {
        %mul3A_2020 = arith.constant 32 : i32
        %mul3A_2021 = arith.muli %add3A_964, %mul3A_2020 : i32
        %add3A_2022 = arith.addi %mul3A_2, %mul3A_2021 : i32
        %add3A_2023 = arith.constant 18 : i32
        %add3A_2024 = arith.addi %add3A_2022, %add3A_2023 : i32
        %shift_right_arithmetic3A_2025 = arith.constant 3 : i32
        %shift_right_arithmetic3A_2026 = arith.shrsi %add3A_2024, %shift_right_arithmetic3A_2025 : i32
        %shift_left3A = arith.constant 3 : i32
        %shift_left3A_2027 = arith.shli %shift_right_arithmetic3A_2026, %shift_left3A : i32
        %multiple_of3A = tpu.assume_multiple %shift_left3A_2027, 8 : i32
        %slice3A_2028 = vector.extract_strided_slice %shift_right_arithmetic3A_1286 {offsets = [2], sizes = [1], strides = [1]} : vector<16xi32> to vector<1xi32>
        %squeeze3A_2029 = vector.extract %slice3A_2028[0] : i32 from vector<1xi32>
        %shift_left3A_2030 = arith.constant 7 : i32
        %shift_left3A_2031 = arith.shli %squeeze3A_2029, %shift_left3A_2030 : i32
        %multiple_of3A_2032 = tpu.assume_multiple %shift_left3A_2031, 128 : i32
        %dma_start3A = arith.constant 18 : i32
        %dma_start3A_2033 = arith.constant 0 : i32
        %dma_start3A_2034 = arith.constant 0 : i32
        %dma_start3A_2035 = tpu.memref_slice %arg6[%and3A_966, %dma_start3A, %dma_start3A_2033, %dma_start3A_2034] : memref<2x32x8x128xf32, #tpu.memory_space<vmem>> -> memref<1x1x8x128xf32, #tpu.memory_space<vmem>>
        %dma_start3A_2036 = tpu.memref_squeeze %dma_start3A_2035 : memref<1x1x8x128xf32, #tpu.memory_space<vmem>> -> memref<8x128xf32, #tpu.memory_space<vmem>>
        %dma_start3A_2037 = tpu.memref_slice %arg2[%multiple_of3A, %multiple_of3A_2032] : memref<32768x2048xf32, #tpu.memory_space<hbm>> -> memref<8x128xf32, #tpu.memory_space<hbm>>
        %dma_start3A_2038 = arith.constant 0 : i32
        %dma_start3A_2039 = arith.constant 0 : i32
        %dma_start3A_2040 = tpu.memref_slice %arg6[%and3A_966, %dma_start3A, %dma_start3A_2038, %dma_start3A_2039] : memref<2x32x8x128xf32, #tpu.memory_space<vmem>> -> memref<1x1x8x128xf32, #tpu.memory_space<vmem>>
        %dma_start3A_2041 = tpu.memref_squeeze %dma_start3A_2040 : memref<1x1x8x128xf32, #tpu.memory_space<vmem>> -> memref<8x128xf32, #tpu.memory_space<vmem>>
        %dma_start3A_2042 = tpu.memref_slice %arg2[%multiple_of3A, %multiple_of3A_2032] : memref<32768x2048xf32, #tpu.memory_space<hbm>> -> memref<8x128xf32, #tpu.memory_space<hbm>>
        tpu.enqueue_dma source(%dma_start3A_2042 : memref<8x128xf32, #tpu.memory_space<hbm>>) target(%dma_start3A_2041 : memref<8x128xf32, #tpu.memory_space<vmem>>) target_semaphore(%arg8 : memref<!tpu.dma_semaphore, #tpu.memory_space<semaphore_mem>>)
      } else {
      }
      %slice3A_1481 = vector.extract_strided_slice %select_n3A_1452 {offsets = [3], sizes = [1], strides = [1]} : vector<16xi32> to vector<1xi32>
      %squeeze3A_1482 = vector.extract %slice3A_1481[0] : i32 from vector<1xi32>
      %eq3A_1483 = arith.constant 0 : i32
      %eq3A_1484 = arith.cmpi eq, %squeeze3A_1482, %eq3A_1483 : i32
      %convert_element_type3A_1485 = arith.extui %eq3A_1484 : i1 to i32
      %cond3A_1486 = arith.constant 0 : i32
      %cond3A_1487 = arith.cmpi ne, %convert_element_type3A_1485, %cond3A_1486 : i32
      scf.if %cond3A_1487 {
        %mul3A_2020 = arith.constant 32 : i32
        %mul3A_2021 = arith.muli %add3A_964, %mul3A_2020 : i32
        %add3A_2022 = arith.addi %mul3A_2, %mul3A_2021 : i32
        %add3A_2023 = arith.constant 19 : i32
        %add3A_2024 = arith.addi %add3A_2022, %add3A_2023 : i32
        %shift_right_arithmetic3A_2025 = arith.constant 3 : i32
        %shift_right_arithmetic3A_2026 = arith.shrsi %add3A_2024, %shift_right_arithmetic3A_2025 : i32
        %shift_left3A = arith.constant 3 : i32
        %shift_left3A_2027 = arith.shli %shift_right_arithmetic3A_2026, %shift_left3A : i32
        %multiple_of3A = tpu.assume_multiple %shift_left3A_2027, 8 : i32
        %slice3A_2028 = vector.extract_strided_slice %shift_right_arithmetic3A_1286 {offsets = [3], sizes = [1], strides = [1]} : vector<16xi32> to vector<1xi32>
        %squeeze3A_2029 = vector.extract %slice3A_2028[0] : i32 from vector<1xi32>
        %shift_left3A_2030 = arith.constant 7 : i32
        %shift_left3A_2031 = arith.shli %squeeze3A_2029, %shift_left3A_2030 : i32
        %multiple_of3A_2032 = tpu.assume_multiple %shift_left3A_2031, 128 : i32
        %dma_start3A = arith.constant 19 : i32
        %dma_start3A_2033 = arith.constant 0 : i32
        %dma_start3A_2034 = arith.constant 0 : i32
        %dma_start3A_2035 = tpu.memref_slice %arg6[%and3A_966, %dma_start3A, %dma_start3A_2033, %dma_start3A_2034] : memref<2x32x8x128xf32, #tpu.memory_space<vmem>> -> memref<1x1x8x128xf32, #tpu.memory_space<vmem>>
        %dma_start3A_2036 = tpu.memref_squeeze %dma_start3A_2035 : memref<1x1x8x128xf32, #tpu.memory_space<vmem>> -> memref<8x128xf32, #tpu.memory_space<vmem>>
        %dma_start3A_2037 = tpu.memref_slice %arg2[%multiple_of3A, %multiple_of3A_2032] : memref<32768x2048xf32, #tpu.memory_space<hbm>> -> memref<8x128xf32, #tpu.memory_space<hbm>>
        %dma_start3A_2038 = arith.constant 0 : i32
        %dma_start3A_2039 = arith.constant 0 : i32
        %dma_start3A_2040 = tpu.memref_slice %arg6[%and3A_966, %dma_start3A, %dma_start3A_2038, %dma_start3A_2039] : memref<2x32x8x128xf32, #tpu.memory_space<vmem>> -> memref<1x1x8x128xf32, #tpu.memory_space<vmem>>
        %dma_start3A_2041 = tpu.memref_squeeze %dma_start3A_2040 : memref<1x1x8x128xf32, #tpu.memory_space<vmem>> -> memref<8x128xf32, #tpu.memory_space<vmem>>
        %dma_start3A_2042 = tpu.memref_slice %arg2[%multiple_of3A, %multiple_of3A_2032] : memref<32768x2048xf32, #tpu.memory_space<hbm>> -> memref<8x128xf32, #tpu.memory_space<hbm>>
        tpu.enqueue_dma source(%dma_start3A_2042 : memref<8x128xf32, #tpu.memory_space<hbm>>) target(%dma_start3A_2041 : memref<8x128xf32, #tpu.memory_space<vmem>>) target_semaphore(%arg8 : memref<!tpu.dma_semaphore, #tpu.memory_space<semaphore_mem>>)
      } else {
      }
      %slice3A_1488 = vector.extract_strided_slice %select_n3A_1452 {offsets = [4], sizes = [1], strides = [1]} : vector<16xi32> to vector<1xi32>
      %squeeze3A_1489 = vector.extract %slice3A_1488[0] : i32 from vector<1xi32>
      %eq3A_1490 = arith.constant 0 : i32
      %eq3A_1491 = arith.cmpi eq, %squeeze3A_1489, %eq3A_1490 : i32
      %convert_element_type3A_1492 = arith.extui %eq3A_1491 : i1 to i32
      %cond3A_1493 = arith.constant 0 : i32
      %cond3A_1494 = arith.cmpi ne, %convert_element_type3A_1492, %cond3A_1493 : i32
      scf.if %cond3A_1494 {
        %mul3A_2020 = arith.constant 32 : i32
        %mul3A_2021 = arith.muli %add3A_964, %mul3A_2020 : i32
        %add3A_2022 = arith.addi %mul3A_2, %mul3A_2021 : i32
        %add3A_2023 = arith.constant 20 : i32
        %add3A_2024 = arith.addi %add3A_2022, %add3A_2023 : i32
        %shift_right_arithmetic3A_2025 = arith.constant 3 : i32
        %shift_right_arithmetic3A_2026 = arith.shrsi %add3A_2024, %shift_right_arithmetic3A_2025 : i32
        %shift_left3A = arith.constant 3 : i32
        %shift_left3A_2027 = arith.shli %shift_right_arithmetic3A_2026, %shift_left3A : i32
        %multiple_of3A = tpu.assume_multiple %shift_left3A_2027, 8 : i32
        %slice3A_2028 = vector.extract_strided_slice %shift_right_arithmetic3A_1286 {offsets = [4], sizes = [1], strides = [1]} : vector<16xi32> to vector<1xi32>
        %squeeze3A_2029 = vector.extract %slice3A_2028[0] : i32 from vector<1xi32>
        %shift_left3A_2030 = arith.constant 7 : i32
        %shift_left3A_2031 = arith.shli %squeeze3A_2029, %shift_left3A_2030 : i32
        %multiple_of3A_2032 = tpu.assume_multiple %shift_left3A_2031, 128 : i32
        %dma_start3A = arith.constant 20 : i32
        %dma_start3A_2033 = arith.constant 0 : i32
        %dma_start3A_2034 = arith.constant 0 : i32
        %dma_start3A_2035 = tpu.memref_slice %arg6[%and3A_966, %dma_start3A, %dma_start3A_2033, %dma_start3A_2034] : memref<2x32x8x128xf32, #tpu.memory_space<vmem>> -> memref<1x1x8x128xf32, #tpu.memory_space<vmem>>
        %dma_start3A_2036 = tpu.memref_squeeze %dma_start3A_2035 : memref<1x1x8x128xf32, #tpu.memory_space<vmem>> -> memref<8x128xf32, #tpu.memory_space<vmem>>
        %dma_start3A_2037 = tpu.memref_slice %arg2[%multiple_of3A, %multiple_of3A_2032] : memref<32768x2048xf32, #tpu.memory_space<hbm>> -> memref<8x128xf32, #tpu.memory_space<hbm>>
        %dma_start3A_2038 = arith.constant 0 : i32
        %dma_start3A_2039 = arith.constant 0 : i32
        %dma_start3A_2040 = tpu.memref_slice %arg6[%and3A_966, %dma_start3A, %dma_start3A_2038, %dma_start3A_2039] : memref<2x32x8x128xf32, #tpu.memory_space<vmem>> -> memref<1x1x8x128xf32, #tpu.memory_space<vmem>>
        %dma_start3A_2041 = tpu.memref_squeeze %dma_start3A_2040 : memref<1x1x8x128xf32, #tpu.memory_space<vmem>> -> memref<8x128xf32, #tpu.memory_space<vmem>>
        %dma_start3A_2042 = tpu.memref_slice %arg2[%multiple_of3A, %multiple_of3A_2032] : memref<32768x2048xf32, #tpu.memory_space<hbm>> -> memref<8x128xf32, #tpu.memory_space<hbm>>
        tpu.enqueue_dma source(%dma_start3A_2042 : memref<8x128xf32, #tpu.memory_space<hbm>>) target(%dma_start3A_2041 : memref<8x128xf32, #tpu.memory_space<vmem>>) target_semaphore(%arg8 : memref<!tpu.dma_semaphore, #tpu.memory_space<semaphore_mem>>)
      } else {
      }
      %slice3A_1495 = vector.extract_strided_slice %select_n3A_1452 {offsets = [5], sizes = [1], strides = [1]} : vector<16xi32> to vector<1xi32>
      %squeeze3A_1496 = vector.extract %slice3A_1495[0] : i32 from vector<1xi32>
      %eq3A_1497 = arith.constant 0 : i32
      %eq3A_1498 = arith.cmpi eq, %squeeze3A_1496, %eq3A_1497 : i32
      %convert_element_type3A_1499 = arith.extui %eq3A_1498 : i1 to i32
      %cond3A_1500 = arith.constant 0 : i32
      %cond3A_1501 = arith.cmpi ne, %convert_element_type3A_1499, %cond3A_1500 : i32
      scf.if %cond3A_1501 {
        %mul3A_2020 = arith.constant 32 : i32
        %mul3A_2021 = arith.muli %add3A_964, %mul3A_2020 : i32
        %add3A_2022 = arith.addi %mul3A_2, %mul3A_2021 : i32
        %add3A_2023 = arith.constant 21 : i32
        %add3A_2024 = arith.addi %add3A_2022, %add3A_2023 : i32
        %shift_right_arithmetic3A_2025 = arith.constant 3 : i32
        %shift_right_arithmetic3A_2026 = arith.shrsi %add3A_2024, %shift_right_arithmetic3A_2025 : i32
        %shift_left3A = arith.constant 3 : i32
        %shift_left3A_2027 = arith.shli %shift_right_arithmetic3A_2026, %shift_left3A : i32
        %multiple_of3A = tpu.assume_multiple %shift_left3A_2027, 8 : i32
        %slice3A_2028 = vector.extract_strided_slice %shift_right_arithmetic3A_1286 {offsets = [5], sizes = [1], strides = [1]} : vector<16xi32> to vector<1xi32>
        %squeeze3A_2029 = vector.extract %slice3A_2028[0] : i32 from vector<1xi32>
        %shift_left3A_2030 = arith.constant 7 : i32
        %shift_left3A_2031 = arith.shli %squeeze3A_2029, %shift_left3A_2030 : i32
        %multiple_of3A_2032 = tpu.assume_multiple %shift_left3A_2031, 128 : i32
        %dma_start3A = arith.constant 21 : i32
        %dma_start3A_2033 = arith.constant 0 : i32
        %dma_start3A_2034 = arith.constant 0 : i32
        %dma_start3A_2035 = tpu.memref_slice %arg6[%and3A_966, %dma_start3A, %dma_start3A_2033, %dma_start3A_2034] : memref<2x32x8x128xf32, #tpu.memory_space<vmem>> -> memref<1x1x8x128xf32, #tpu.memory_space<vmem>>
        %dma_start3A_2036 = tpu.memref_squeeze %dma_start3A_2035 : memref<1x1x8x128xf32, #tpu.memory_space<vmem>> -> memref<8x128xf32, #tpu.memory_space<vmem>>
        %dma_start3A_2037 = tpu.memref_slice %arg2[%multiple_of3A, %multiple_of3A_2032] : memref<32768x2048xf32, #tpu.memory_space<hbm>> -> memref<8x128xf32, #tpu.memory_space<hbm>>
        %dma_start3A_2038 = arith.constant 0 : i32
        %dma_start3A_2039 = arith.constant 0 : i32
        %dma_start3A_2040 = tpu.memref_slice %arg6[%and3A_966, %dma_start3A, %dma_start3A_2038, %dma_start3A_2039] : memref<2x32x8x128xf32, #tpu.memory_space<vmem>> -> memref<1x1x8x128xf32, #tpu.memory_space<vmem>>
        %dma_start3A_2041 = tpu.memref_squeeze %dma_start3A_2040 : memref<1x1x8x128xf32, #tpu.memory_space<vmem>> -> memref<8x128xf32, #tpu.memory_space<vmem>>
        %dma_start3A_2042 = tpu.memref_slice %arg2[%multiple_of3A, %multiple_of3A_2032] : memref<32768x2048xf32, #tpu.memory_space<hbm>> -> memref<8x128xf32, #tpu.memory_space<hbm>>
        tpu.enqueue_dma source(%dma_start3A_2042 : memref<8x128xf32, #tpu.memory_space<hbm>>) target(%dma_start3A_2041 : memref<8x128xf32, #tpu.memory_space<vmem>>) target_semaphore(%arg8 : memref<!tpu.dma_semaphore, #tpu.memory_space<semaphore_mem>>)
      } else {
      }
      %slice3A_1502 = vector.extract_strided_slice %select_n3A_1452 {offsets = [6], sizes = [1], strides = [1]} : vector<16xi32> to vector<1xi32>
      %squeeze3A_1503 = vector.extract %slice3A_1502[0] : i32 from vector<1xi32>
      %eq3A_1504 = arith.constant 0 : i32
      %eq3A_1505 = arith.cmpi eq, %squeeze3A_1503, %eq3A_1504 : i32
      %convert_element_type3A_1506 = arith.extui %eq3A_1505 : i1 to i32
      %cond3A_1507 = arith.constant 0 : i32
      %cond3A_1508 = arith.cmpi ne, %convert_element_type3A_1506, %cond3A_1507 : i32
      scf.if %cond3A_1508 {
        %mul3A_2020 = arith.constant 32 : i32
        %mul3A_2021 = arith.muli %add3A_964, %mul3A_2020 : i32
        %add3A_2022 = arith.addi %mul3A_2, %mul3A_2021 : i32
        %add3A_2023 = arith.constant 22 : i32
        %add3A_2024 = arith.addi %add3A_2022, %add3A_2023 : i32
        %shift_right_arithmetic3A_2025 = arith.constant 3 : i32
        %shift_right_arithmetic3A_2026 = arith.shrsi %add3A_2024, %shift_right_arithmetic3A_2025 : i32
        %shift_left3A = arith.constant 3 : i32
        %shift_left3A_2027 = arith.shli %shift_right_arithmetic3A_2026, %shift_left3A : i32
        %multiple_of3A = tpu.assume_multiple %shift_left3A_2027, 8 : i32
        %slice3A_2028 = vector.extract_strided_slice %shift_right_arithmetic3A_1286 {offsets = [6], sizes = [1], strides = [1]} : vector<16xi32> to vector<1xi32>
        %squeeze3A_2029 = vector.extract %slice3A_2028[0] : i32 from vector<1xi32>
        %shift_left3A_2030 = arith.constant 7 : i32
        %shift_left3A_2031 = arith.shli %squeeze3A_2029, %shift_left3A_2030 : i32
        %multiple_of3A_2032 = tpu.assume_multiple %shift_left3A_2031, 128 : i32
        %dma_start3A = arith.constant 22 : i32
        %dma_start3A_2033 = arith.constant 0 : i32
        %dma_start3A_2034 = arith.constant 0 : i32
        %dma_start3A_2035 = tpu.memref_slice %arg6[%and3A_966, %dma_start3A, %dma_start3A_2033, %dma_start3A_2034] : memref<2x32x8x128xf32, #tpu.memory_space<vmem>> -> memref<1x1x8x128xf32, #tpu.memory_space<vmem>>
        %dma_start3A_2036 = tpu.memref_squeeze %dma_start3A_2035 : memref<1x1x8x128xf32, #tpu.memory_space<vmem>> -> memref<8x128xf32, #tpu.memory_space<vmem>>
        %dma_start3A_2037 = tpu.memref_slice %arg2[%multiple_of3A, %multiple_of3A_2032] : memref<32768x2048xf32, #tpu.memory_space<hbm>> -> memref<8x128xf32, #tpu.memory_space<hbm>>
        %dma_start3A_2038 = arith.constant 0 : i32
        %dma_start3A_2039 = arith.constant 0 : i32
        %dma_start3A_2040 = tpu.memref_slice %arg6[%and3A_966, %dma_start3A, %dma_start3A_2038, %dma_start3A_2039] : memref<2x32x8x128xf32, #tpu.memory_space<vmem>> -> memref<1x1x8x128xf32, #tpu.memory_space<vmem>>
        %dma_start3A_2041 = tpu.memref_squeeze %dma_start3A_2040 : memref<1x1x8x128xf32, #tpu.memory_space<vmem>> -> memref<8x128xf32, #tpu.memory_space<vmem>>
        %dma_start3A_2042 = tpu.memref_slice %arg2[%multiple_of3A, %multiple_of3A_2032] : memref<32768x2048xf32, #tpu.memory_space<hbm>> -> memref<8x128xf32, #tpu.memory_space<hbm>>
        tpu.enqueue_dma source(%dma_start3A_2042 : memref<8x128xf32, #tpu.memory_space<hbm>>) target(%dma_start3A_2041 : memref<8x128xf32, #tpu.memory_space<vmem>>) target_semaphore(%arg8 : memref<!tpu.dma_semaphore, #tpu.memory_space<semaphore_mem>>)
      } else {
      }
      %slice3A_1509 = vector.extract_strided_slice %select_n3A_1452 {offsets = [7], sizes = [1], strides = [1]} : vector<16xi32> to vector<1xi32>
      %squeeze3A_1510 = vector.extract %slice3A_1509[0] : i32 from vector<1xi32>
      %eq3A_1511 = arith.constant 0 : i32
      %eq3A_1512 = arith.cmpi eq, %squeeze3A_1510, %eq3A_1511 : i32
      %convert_element_type3A_1513 = arith.extui %eq3A_1512 : i1 to i32
      %cond3A_1514 = arith.constant 0 : i32
      %cond3A_1515 = arith.cmpi ne, %convert_element_type3A_1513, %cond3A_1514 : i32
      scf.if %cond3A_1515 {
        %mul3A_2020 = arith.constant 32 : i32
        %mul3A_2021 = arith.muli %add3A_964, %mul3A_2020 : i32
        %add3A_2022 = arith.addi %mul3A_2, %mul3A_2021 : i32
        %add3A_2023 = arith.constant 23 : i32
        %add3A_2024 = arith.addi %add3A_2022, %add3A_2023 : i32
        %shift_right_arithmetic3A_2025 = arith.constant 3 : i32
        %shift_right_arithmetic3A_2026 = arith.shrsi %add3A_2024, %shift_right_arithmetic3A_2025 : i32
        %shift_left3A = arith.constant 3 : i32
        %shift_left3A_2027 = arith.shli %shift_right_arithmetic3A_2026, %shift_left3A : i32
        %multiple_of3A = tpu.assume_multiple %shift_left3A_2027, 8 : i32
        %slice3A_2028 = vector.extract_strided_slice %shift_right_arithmetic3A_1286 {offsets = [7], sizes = [1], strides = [1]} : vector<16xi32> to vector<1xi32>
        %squeeze3A_2029 = vector.extract %slice3A_2028[0] : i32 from vector<1xi32>
        %shift_left3A_2030 = arith.constant 7 : i32
        %shift_left3A_2031 = arith.shli %squeeze3A_2029, %shift_left3A_2030 : i32
        %multiple_of3A_2032 = tpu.assume_multiple %shift_left3A_2031, 128 : i32
        %dma_start3A = arith.constant 23 : i32
        %dma_start3A_2033 = arith.constant 0 : i32
        %dma_start3A_2034 = arith.constant 0 : i32
        %dma_start3A_2035 = tpu.memref_slice %arg6[%and3A_966, %dma_start3A, %dma_start3A_2033, %dma_start3A_2034] : memref<2x32x8x128xf32, #tpu.memory_space<vmem>> -> memref<1x1x8x128xf32, #tpu.memory_space<vmem>>
        %dma_start3A_2036 = tpu.memref_squeeze %dma_start3A_2035 : memref<1x1x8x128xf32, #tpu.memory_space<vmem>> -> memref<8x128xf32, #tpu.memory_space<vmem>>
        %dma_start3A_2037 = tpu.memref_slice %arg2[%multiple_of3A, %multiple_of3A_2032] : memref<32768x2048xf32, #tpu.memory_space<hbm>> -> memref<8x128xf32, #tpu.memory_space<hbm>>
        %dma_start3A_2038 = arith.constant 0 : i32
        %dma_start3A_2039 = arith.constant 0 : i32
        %dma_start3A_2040 = tpu.memref_slice %arg6[%and3A_966, %dma_start3A, %dma_start3A_2038, %dma_start3A_2039] : memref<2x32x8x128xf32, #tpu.memory_space<vmem>> -> memref<1x1x8x128xf32, #tpu.memory_space<vmem>>
        %dma_start3A_2041 = tpu.memref_squeeze %dma_start3A_2040 : memref<1x1x8x128xf32, #tpu.memory_space<vmem>> -> memref<8x128xf32, #tpu.memory_space<vmem>>
        %dma_start3A_2042 = tpu.memref_slice %arg2[%multiple_of3A, %multiple_of3A_2032] : memref<32768x2048xf32, #tpu.memory_space<hbm>> -> memref<8x128xf32, #tpu.memory_space<hbm>>
        tpu.enqueue_dma source(%dma_start3A_2042 : memref<8x128xf32, #tpu.memory_space<hbm>>) target(%dma_start3A_2041 : memref<8x128xf32, #tpu.memory_space<vmem>>) target_semaphore(%arg8 : memref<!tpu.dma_semaphore, #tpu.memory_space<semaphore_mem>>)
      } else {
      }
      %slice3A_1516 = vector.extract_strided_slice %select_n3A_1452 {offsets = [8], sizes = [1], strides = [1]} : vector<16xi32> to vector<1xi32>
      %squeeze3A_1517 = vector.extract %slice3A_1516[0] : i32 from vector<1xi32>
      %eq3A_1518 = arith.constant 0 : i32
      %eq3A_1519 = arith.cmpi eq, %squeeze3A_1517, %eq3A_1518 : i32
      %convert_element_type3A_1520 = arith.extui %eq3A_1519 : i1 to i32
      %cond3A_1521 = arith.constant 0 : i32
      %cond3A_1522 = arith.cmpi ne, %convert_element_type3A_1520, %cond3A_1521 : i32
      scf.if %cond3A_1522 {
        %mul3A_2020 = arith.constant 32 : i32
        %mul3A_2021 = arith.muli %add3A_964, %mul3A_2020 : i32
        %add3A_2022 = arith.addi %mul3A_2, %mul3A_2021 : i32
        %add3A_2023 = arith.constant 24 : i32
        %add3A_2024 = arith.addi %add3A_2022, %add3A_2023 : i32
        %shift_right_arithmetic3A_2025 = arith.constant 3 : i32
        %shift_right_arithmetic3A_2026 = arith.shrsi %add3A_2024, %shift_right_arithmetic3A_2025 : i32
        %shift_left3A = arith.constant 3 : i32
        %shift_left3A_2027 = arith.shli %shift_right_arithmetic3A_2026, %shift_left3A : i32
        %multiple_of3A = tpu.assume_multiple %shift_left3A_2027, 8 : i32
        %slice3A_2028 = vector.extract_strided_slice %shift_right_arithmetic3A_1286 {offsets = [8], sizes = [1], strides = [1]} : vector<16xi32> to vector<1xi32>
        %squeeze3A_2029 = vector.extract %slice3A_2028[0] : i32 from vector<1xi32>
        %shift_left3A_2030 = arith.constant 7 : i32
        %shift_left3A_2031 = arith.shli %squeeze3A_2029, %shift_left3A_2030 : i32
        %multiple_of3A_2032 = tpu.assume_multiple %shift_left3A_2031, 128 : i32
        %dma_start3A = arith.constant 24 : i32
        %dma_start3A_2033 = arith.constant 0 : i32
        %dma_start3A_2034 = arith.constant 0 : i32
        %dma_start3A_2035 = tpu.memref_slice %arg6[%and3A_966, %dma_start3A, %dma_start3A_2033, %dma_start3A_2034] : memref<2x32x8x128xf32, #tpu.memory_space<vmem>> -> memref<1x1x8x128xf32, #tpu.memory_space<vmem>>
        %dma_start3A_2036 = tpu.memref_squeeze %dma_start3A_2035 : memref<1x1x8x128xf32, #tpu.memory_space<vmem>> -> memref<8x128xf32, #tpu.memory_space<vmem>>
        %dma_start3A_2037 = tpu.memref_slice %arg2[%multiple_of3A, %multiple_of3A_2032] : memref<32768x2048xf32, #tpu.memory_space<hbm>> -> memref<8x128xf32, #tpu.memory_space<hbm>>
        %dma_start3A_2038 = arith.constant 0 : i32
        %dma_start3A_2039 = arith.constant 0 : i32
        %dma_start3A_2040 = tpu.memref_slice %arg6[%and3A_966, %dma_start3A, %dma_start3A_2038, %dma_start3A_2039] : memref<2x32x8x128xf32, #tpu.memory_space<vmem>> -> memref<1x1x8x128xf32, #tpu.memory_space<vmem>>
        %dma_start3A_2041 = tpu.memref_squeeze %dma_start3A_2040 : memref<1x1x8x128xf32, #tpu.memory_space<vmem>> -> memref<8x128xf32, #tpu.memory_space<vmem>>
        %dma_start3A_2042 = tpu.memref_slice %arg2[%multiple_of3A, %multiple_of3A_2032] : memref<32768x2048xf32, #tpu.memory_space<hbm>> -> memref<8x128xf32, #tpu.memory_space<hbm>>
        tpu.enqueue_dma source(%dma_start3A_2042 : memref<8x128xf32, #tpu.memory_space<hbm>>) target(%dma_start3A_2041 : memref<8x128xf32, #tpu.memory_space<vmem>>) target_semaphore(%arg8 : memref<!tpu.dma_semaphore, #tpu.memory_space<semaphore_mem>>)
      } else {
      }
      %slice3A_1523 = vector.extract_strided_slice %select_n3A_1452 {offsets = [9], sizes = [1], strides = [1]} : vector<16xi32> to vector<1xi32>
      %squeeze3A_1524 = vector.extract %slice3A_1523[0] : i32 from vector<1xi32>
      %eq3A_1525 = arith.constant 0 : i32
      %eq3A_1526 = arith.cmpi eq, %squeeze3A_1524, %eq3A_1525 : i32
      %convert_element_type3A_1527 = arith.extui %eq3A_1526 : i1 to i32
      %cond3A_1528 = arith.constant 0 : i32
      %cond3A_1529 = arith.cmpi ne, %convert_element_type3A_1527, %cond3A_1528 : i32
      scf.if %cond3A_1529 {
        %mul3A_2020 = arith.constant 32 : i32
        %mul3A_2021 = arith.muli %add3A_964, %mul3A_2020 : i32
        %add3A_2022 = arith.addi %mul3A_2, %mul3A_2021 : i32
        %add3A_2023 = arith.constant 25 : i32
        %add3A_2024 = arith.addi %add3A_2022, %add3A_2023 : i32
        %shift_right_arithmetic3A_2025 = arith.constant 3 : i32
        %shift_right_arithmetic3A_2026 = arith.shrsi %add3A_2024, %shift_right_arithmetic3A_2025 : i32
        %shift_left3A = arith.constant 3 : i32
        %shift_left3A_2027 = arith.shli %shift_right_arithmetic3A_2026, %shift_left3A : i32
        %multiple_of3A = tpu.assume_multiple %shift_left3A_2027, 8 : i32
        %slice3A_2028 = vector.extract_strided_slice %shift_right_arithmetic3A_1286 {offsets = [9], sizes = [1], strides = [1]} : vector<16xi32> to vector<1xi32>
        %squeeze3A_2029 = vector.extract %slice3A_2028[0] : i32 from vector<1xi32>
        %shift_left3A_2030 = arith.constant 7 : i32
        %shift_left3A_2031 = arith.shli %squeeze3A_2029, %shift_left3A_2030 : i32
        %multiple_of3A_2032 = tpu.assume_multiple %shift_left3A_2031, 128 : i32
        %dma_start3A = arith.constant 25 : i32
        %dma_start3A_2033 = arith.constant 0 : i32
        %dma_start3A_2034 = arith.constant 0 : i32
        %dma_start3A_2035 = tpu.memref_slice %arg6[%and3A_966, %dma_start3A, %dma_start3A_2033, %dma_start3A_2034] : memref<2x32x8x128xf32, #tpu.memory_space<vmem>> -> memref<1x1x8x128xf32, #tpu.memory_space<vmem>>
        %dma_start3A_2036 = tpu.memref_squeeze %dma_start3A_2035 : memref<1x1x8x128xf32, #tpu.memory_space<vmem>> -> memref<8x128xf32, #tpu.memory_space<vmem>>
        %dma_start3A_2037 = tpu.memref_slice %arg2[%multiple_of3A, %multiple_of3A_2032] : memref<32768x2048xf32, #tpu.memory_space<hbm>> -> memref<8x128xf32, #tpu.memory_space<hbm>>
        %dma_start3A_2038 = arith.constant 0 : i32
        %dma_start3A_2039 = arith.constant 0 : i32
        %dma_start3A_2040 = tpu.memref_slice %arg6[%and3A_966, %dma_start3A, %dma_start3A_2038, %dma_start3A_2039] : memref<2x32x8x128xf32, #tpu.memory_space<vmem>> -> memref<1x1x8x128xf32, #tpu.memory_space<vmem>>
        %dma_start3A_2041 = tpu.memref_squeeze %dma_start3A_2040 : memref<1x1x8x128xf32, #tpu.memory_space<vmem>> -> memref<8x128xf32, #tpu.memory_space<vmem>>
        %dma_start3A_2042 = tpu.memref_slice %arg2[%multiple_of3A, %multiple_of3A_2032] : memref<32768x2048xf32, #tpu.memory_space<hbm>> -> memref<8x128xf32, #tpu.memory_space<hbm>>
        tpu.enqueue_dma source(%dma_start3A_2042 : memref<8x128xf32, #tpu.memory_space<hbm>>) target(%dma_start3A_2041 : memref<8x128xf32, #tpu.memory_space<vmem>>) target_semaphore(%arg8 : memref<!tpu.dma_semaphore, #tpu.memory_space<semaphore_mem>>)
      } else {
      }
      %slice3A_1530 = vector.extract_strided_slice %select_n3A_1452 {offsets = [10], sizes = [1], strides = [1]} : vector<16xi32> to vector<1xi32>
      %squeeze3A_1531 = vector.extract %slice3A_1530[0] : i32 from vector<1xi32>
      %eq3A_1532 = arith.constant 0 : i32
      %eq3A_1533 = arith.cmpi eq, %squeeze3A_1531, %eq3A_1532 : i32
      %convert_element_type3A_1534 = arith.extui %eq3A_1533 : i1 to i32
      %cond3A_1535 = arith.constant 0 : i32
      %cond3A_1536 = arith.cmpi ne, %convert_element_type3A_1534, %cond3A_1535 : i32
      scf.if %cond3A_1536 {
        %mul3A_2020 = arith.constant 32 : i32
        %mul3A_2021 = arith.muli %add3A_964, %mul3A_2020 : i32
        %add3A_2022 = arith.addi %mul3A_2, %mul3A_2021 : i32
        %add3A_2023 = arith.constant 26 : i32
        %add3A_2024 = arith.addi %add3A_2022, %add3A_2023 : i32
        %shift_right_arithmetic3A_2025 = arith.constant 3 : i32
        %shift_right_arithmetic3A_2026 = arith.shrsi %add3A_2024, %shift_right_arithmetic3A_2025 : i32
        %shift_left3A = arith.constant 3 : i32
        %shift_left3A_2027 = arith.shli %shift_right_arithmetic3A_2026, %shift_left3A : i32
        %multiple_of3A = tpu.assume_multiple %shift_left3A_2027, 8 : i32
        %slice3A_2028 = vector.extract_strided_slice %shift_right_arithmetic3A_1286 {offsets = [10], sizes = [1], strides = [1]} : vector<16xi32> to vector<1xi32>
        %squeeze3A_2029 = vector.extract %slice3A_2028[0] : i32 from vector<1xi32>
        %shift_left3A_2030 = arith.constant 7 : i32
        %shift_left3A_2031 = arith.shli %squeeze3A_2029, %shift_left3A_2030 : i32
        %multiple_of3A_2032 = tpu.assume_multiple %shift_left3A_2031, 128 : i32
        %dma_start3A = arith.constant 26 : i32
        %dma_start3A_2033 = arith.constant 0 : i32
        %dma_start3A_2034 = arith.constant 0 : i32
        %dma_start3A_2035 = tpu.memref_slice %arg6[%and3A_966, %dma_start3A, %dma_start3A_2033, %dma_start3A_2034] : memref<2x32x8x128xf32, #tpu.memory_space<vmem>> -> memref<1x1x8x128xf32, #tpu.memory_space<vmem>>
        %dma_start3A_2036 = tpu.memref_squeeze %dma_start3A_2035 : memref<1x1x8x128xf32, #tpu.memory_space<vmem>> -> memref<8x128xf32, #tpu.memory_space<vmem>>
        %dma_start3A_2037 = tpu.memref_slice %arg2[%multiple_of3A, %multiple_of3A_2032] : memref<32768x2048xf32, #tpu.memory_space<hbm>> -> memref<8x128xf32, #tpu.memory_space<hbm>>
        %dma_start3A_2038 = arith.constant 0 : i32
        %dma_start3A_2039 = arith.constant 0 : i32
        %dma_start3A_2040 = tpu.memref_slice %arg6[%and3A_966, %dma_start3A, %dma_start3A_2038, %dma_start3A_2039] : memref<2x32x8x128xf32, #tpu.memory_space<vmem>> -> memref<1x1x8x128xf32, #tpu.memory_space<vmem>>
        %dma_start3A_2041 = tpu.memref_squeeze %dma_start3A_2040 : memref<1x1x8x128xf32, #tpu.memory_space<vmem>> -> memref<8x128xf32, #tpu.memory_space<vmem>>
        %dma_start3A_2042 = tpu.memref_slice %arg2[%multiple_of3A, %multiple_of3A_2032] : memref<32768x2048xf32, #tpu.memory_space<hbm>> -> memref<8x128xf32, #tpu.memory_space<hbm>>
        tpu.enqueue_dma source(%dma_start3A_2042 : memref<8x128xf32, #tpu.memory_space<hbm>>) target(%dma_start3A_2041 : memref<8x128xf32, #tpu.memory_space<vmem>>) target_semaphore(%arg8 : memref<!tpu.dma_semaphore, #tpu.memory_space<semaphore_mem>>)
      } else {
      }
      %slice3A_1537 = vector.extract_strided_slice %select_n3A_1452 {offsets = [11], sizes = [1], strides = [1]} : vector<16xi32> to vector<1xi32>
      %squeeze3A_1538 = vector.extract %slice3A_1537[0] : i32 from vector<1xi32>
      %eq3A_1539 = arith.constant 0 : i32
      %eq3A_1540 = arith.cmpi eq, %squeeze3A_1538, %eq3A_1539 : i32
      %convert_element_type3A_1541 = arith.extui %eq3A_1540 : i1 to i32
      %cond3A_1542 = arith.constant 0 : i32
      %cond3A_1543 = arith.cmpi ne, %convert_element_type3A_1541, %cond3A_1542 : i32
      scf.if %cond3A_1543 {
        %mul3A_2020 = arith.constant 32 : i32
        %mul3A_2021 = arith.muli %add3A_964, %mul3A_2020 : i32
        %add3A_2022 = arith.addi %mul3A_2, %mul3A_2021 : i32
        %add3A_2023 = arith.constant 27 : i32
        %add3A_2024 = arith.addi %add3A_2022, %add3A_2023 : i32
        %shift_right_arithmetic3A_2025 = arith.constant 3 : i32
        %shift_right_arithmetic3A_2026 = arith.shrsi %add3A_2024, %shift_right_arithmetic3A_2025 : i32
        %shift_left3A = arith.constant 3 : i32
        %shift_left3A_2027 = arith.shli %shift_right_arithmetic3A_2026, %shift_left3A : i32
        %multiple_of3A = tpu.assume_multiple %shift_left3A_2027, 8 : i32
        %slice3A_2028 = vector.extract_strided_slice %shift_right_arithmetic3A_1286 {offsets = [11], sizes = [1], strides = [1]} : vector<16xi32> to vector<1xi32>
        %squeeze3A_2029 = vector.extract %slice3A_2028[0] : i32 from vector<1xi32>
        %shift_left3A_2030 = arith.constant 7 : i32
        %shift_left3A_2031 = arith.shli %squeeze3A_2029, %shift_left3A_2030 : i32
        %multiple_of3A_2032 = tpu.assume_multiple %shift_left3A_2031, 128 : i32
        %dma_start3A = arith.constant 27 : i32
        %dma_start3A_2033 = arith.constant 0 : i32
        %dma_start3A_2034 = arith.constant 0 : i32
        %dma_start3A_2035 = tpu.memref_slice %arg6[%and3A_966, %dma_start3A, %dma_start3A_2033, %dma_start3A_2034] : memref<2x32x8x128xf32, #tpu.memory_space<vmem>> -> memref<1x1x8x128xf32, #tpu.memory_space<vmem>>
        %dma_start3A_2036 = tpu.memref_squeeze %dma_start3A_2035 : memref<1x1x8x128xf32, #tpu.memory_space<vmem>> -> memref<8x128xf32, #tpu.memory_space<vmem>>
        %dma_start3A_2037 = tpu.memref_slice %arg2[%multiple_of3A, %multiple_of3A_2032] : memref<32768x2048xf32, #tpu.memory_space<hbm>> -> memref<8x128xf32, #tpu.memory_space<hbm>>
        %dma_start3A_2038 = arith.constant 0 : i32
        %dma_start3A_2039 = arith.constant 0 : i32
        %dma_start3A_2040 = tpu.memref_slice %arg6[%and3A_966, %dma_start3A, %dma_start3A_2038, %dma_start3A_2039] : memref<2x32x8x128xf32, #tpu.memory_space<vmem>> -> memref<1x1x8x128xf32, #tpu.memory_space<vmem>>
        %dma_start3A_2041 = tpu.memref_squeeze %dma_start3A_2040 : memref<1x1x8x128xf32, #tpu.memory_space<vmem>> -> memref<8x128xf32, #tpu.memory_space<vmem>>
        %dma_start3A_2042 = tpu.memref_slice %arg2[%multiple_of3A, %multiple_of3A_2032] : memref<32768x2048xf32, #tpu.memory_space<hbm>> -> memref<8x128xf32, #tpu.memory_space<hbm>>
        tpu.enqueue_dma source(%dma_start3A_2042 : memref<8x128xf32, #tpu.memory_space<hbm>>) target(%dma_start3A_2041 : memref<8x128xf32, #tpu.memory_space<vmem>>) target_semaphore(%arg8 : memref<!tpu.dma_semaphore, #tpu.memory_space<semaphore_mem>>)
      } else {
      }
      %slice3A_1544 = vector.extract_strided_slice %select_n3A_1452 {offsets = [12], sizes = [1], strides = [1]} : vector<16xi32> to vector<1xi32>
      %squeeze3A_1545 = vector.extract %slice3A_1544[0] : i32 from vector<1xi32>
      %eq3A_1546 = arith.constant 0 : i32
      %eq3A_1547 = arith.cmpi eq, %squeeze3A_1545, %eq3A_1546 : i32
      %convert_element_type3A_1548 = arith.extui %eq3A_1547 : i1 to i32
      %cond3A_1549 = arith.constant 0 : i32
      %cond3A_1550 = arith.cmpi ne, %convert_element_type3A_1548, %cond3A_1549 : i32
      scf.if %cond3A_1550 {
        %mul3A_2020 = arith.constant 32 : i32
        %mul3A_2021 = arith.muli %add3A_964, %mul3A_2020 : i32
        %add3A_2022 = arith.addi %mul3A_2, %mul3A_2021 : i32
        %add3A_2023 = arith.constant 28 : i32
        %add3A_2024 = arith.addi %add3A_2022, %add3A_2023 : i32
        %shift_right_arithmetic3A_2025 = arith.constant 3 : i32
        %shift_right_arithmetic3A_2026 = arith.shrsi %add3A_2024, %shift_right_arithmetic3A_2025 : i32
        %shift_left3A = arith.constant 3 : i32
        %shift_left3A_2027 = arith.shli %shift_right_arithmetic3A_2026, %shift_left3A : i32
        %multiple_of3A = tpu.assume_multiple %shift_left3A_2027, 8 : i32
        %slice3A_2028 = vector.extract_strided_slice %shift_right_arithmetic3A_1286 {offsets = [12], sizes = [1], strides = [1]} : vector<16xi32> to vector<1xi32>
        %squeeze3A_2029 = vector.extract %slice3A_2028[0] : i32 from vector<1xi32>
        %shift_left3A_2030 = arith.constant 7 : i32
        %shift_left3A_2031 = arith.shli %squeeze3A_2029, %shift_left3A_2030 : i32
        %multiple_of3A_2032 = tpu.assume_multiple %shift_left3A_2031, 128 : i32
        %dma_start3A = arith.constant 28 : i32
        %dma_start3A_2033 = arith.constant 0 : i32
        %dma_start3A_2034 = arith.constant 0 : i32
        %dma_start3A_2035 = tpu.memref_slice %arg6[%and3A_966, %dma_start3A, %dma_start3A_2033, %dma_start3A_2034] : memref<2x32x8x128xf32, #tpu.memory_space<vmem>> -> memref<1x1x8x128xf32, #tpu.memory_space<vmem>>
        %dma_start3A_2036 = tpu.memref_squeeze %dma_start3A_2035 : memref<1x1x8x128xf32, #tpu.memory_space<vmem>> -> memref<8x128xf32, #tpu.memory_space<vmem>>
        %dma_start3A_2037 = tpu.memref_slice %arg2[%multiple_of3A, %multiple_of3A_2032] : memref<32768x2048xf32, #tpu.memory_space<hbm>> -> memref<8x128xf32, #tpu.memory_space<hbm>>
        %dma_start3A_2038 = arith.constant 0 : i32
        %dma_start3A_2039 = arith.constant 0 : i32
        %dma_start3A_2040 = tpu.memref_slice %arg6[%and3A_966, %dma_start3A, %dma_start3A_2038, %dma_start3A_2039] : memref<2x32x8x128xf32, #tpu.memory_space<vmem>> -> memref<1x1x8x128xf32, #tpu.memory_space<vmem>>
        %dma_start3A_2041 = tpu.memref_squeeze %dma_start3A_2040 : memref<1x1x8x128xf32, #tpu.memory_space<vmem>> -> memref<8x128xf32, #tpu.memory_space<vmem>>
        %dma_start3A_2042 = tpu.memref_slice %arg2[%multiple_of3A, %multiple_of3A_2032] : memref<32768x2048xf32, #tpu.memory_space<hbm>> -> memref<8x128xf32, #tpu.memory_space<hbm>>
        tpu.enqueue_dma source(%dma_start3A_2042 : memref<8x128xf32, #tpu.memory_space<hbm>>) target(%dma_start3A_2041 : memref<8x128xf32, #tpu.memory_space<vmem>>) target_semaphore(%arg8 : memref<!tpu.dma_semaphore, #tpu.memory_space<semaphore_mem>>)
      } else {
      }
      %slice3A_1551 = vector.extract_strided_slice %select_n3A_1452 {offsets = [13], sizes = [1], strides = [1]} : vector<16xi32> to vector<1xi32>
      %squeeze3A_1552 = vector.extract %slice3A_1551[0] : i32 from vector<1xi32>
      %eq3A_1553 = arith.constant 0 : i32
      %eq3A_1554 = arith.cmpi eq, %squeeze3A_1552, %eq3A_1553 : i32
      %convert_element_type3A_1555 = arith.extui %eq3A_1554 : i1 to i32
      %cond3A_1556 = arith.constant 0 : i32
      %cond3A_1557 = arith.cmpi ne, %convert_element_type3A_1555, %cond3A_1556 : i32
      scf.if %cond3A_1557 {
        %mul3A_2020 = arith.constant 32 : i32
        %mul3A_2021 = arith.muli %add3A_964, %mul3A_2020 : i32
        %add3A_2022 = arith.addi %mul3A_2, %mul3A_2021 : i32
        %add3A_2023 = arith.constant 29 : i32
        %add3A_2024 = arith.addi %add3A_2022, %add3A_2023 : i32
        %shift_right_arithmetic3A_2025 = arith.constant 3 : i32
        %shift_right_arithmetic3A_2026 = arith.shrsi %add3A_2024, %shift_right_arithmetic3A_2025 : i32
        %shift_left3A = arith.constant 3 : i32
        %shift_left3A_2027 = arith.shli %shift_right_arithmetic3A_2026, %shift_left3A : i32
        %multiple_of3A = tpu.assume_multiple %shift_left3A_2027, 8 : i32
        %slice3A_2028 = vector.extract_strided_slice %shift_right_arithmetic3A_1286 {offsets = [13], sizes = [1], strides = [1]} : vector<16xi32> to vector<1xi32>
        %squeeze3A_2029 = vector.extract %slice3A_2028[0] : i32 from vector<1xi32>
        %shift_left3A_2030 = arith.constant 7 : i32
        %shift_left3A_2031 = arith.shli %squeeze3A_2029, %shift_left3A_2030 : i32
        %multiple_of3A_2032 = tpu.assume_multiple %shift_left3A_2031, 128 : i32
        %dma_start3A = arith.constant 29 : i32
        %dma_start3A_2033 = arith.constant 0 : i32
        %dma_start3A_2034 = arith.constant 0 : i32
        %dma_start3A_2035 = tpu.memref_slice %arg6[%and3A_966, %dma_start3A, %dma_start3A_2033, %dma_start3A_2034] : memref<2x32x8x128xf32, #tpu.memory_space<vmem>> -> memref<1x1x8x128xf32, #tpu.memory_space<vmem>>
        %dma_start3A_2036 = tpu.memref_squeeze %dma_start3A_2035 : memref<1x1x8x128xf32, #tpu.memory_space<vmem>> -> memref<8x128xf32, #tpu.memory_space<vmem>>
        %dma_start3A_2037 = tpu.memref_slice %arg2[%multiple_of3A, %multiple_of3A_2032] : memref<32768x2048xf32, #tpu.memory_space<hbm>> -> memref<8x128xf32, #tpu.memory_space<hbm>>
        %dma_start3A_2038 = arith.constant 0 : i32
        %dma_start3A_2039 = arith.constant 0 : i32
        %dma_start3A_2040 = tpu.memref_slice %arg6[%and3A_966, %dma_start3A, %dma_start3A_2038, %dma_start3A_2039] : memref<2x32x8x128xf32, #tpu.memory_space<vmem>> -> memref<1x1x8x128xf32, #tpu.memory_space<vmem>>
        %dma_start3A_2041 = tpu.memref_squeeze %dma_start3A_2040 : memref<1x1x8x128xf32, #tpu.memory_space<vmem>> -> memref<8x128xf32, #tpu.memory_space<vmem>>
        %dma_start3A_2042 = tpu.memref_slice %arg2[%multiple_of3A, %multiple_of3A_2032] : memref<32768x2048xf32, #tpu.memory_space<hbm>> -> memref<8x128xf32, #tpu.memory_space<hbm>>
        tpu.enqueue_dma source(%dma_start3A_2042 : memref<8x128xf32, #tpu.memory_space<hbm>>) target(%dma_start3A_2041 : memref<8x128xf32, #tpu.memory_space<vmem>>) target_semaphore(%arg8 : memref<!tpu.dma_semaphore, #tpu.memory_space<semaphore_mem>>)
      } else {
      }
      %slice3A_1558 = vector.extract_strided_slice %select_n3A_1452 {offsets = [14], sizes = [1], strides = [1]} : vector<16xi32> to vector<1xi32>
      %squeeze3A_1559 = vector.extract %slice3A_1558[0] : i32 from vector<1xi32>
      %eq3A_1560 = arith.constant 0 : i32
      %eq3A_1561 = arith.cmpi eq, %squeeze3A_1559, %eq3A_1560 : i32
      %convert_element_type3A_1562 = arith.extui %eq3A_1561 : i1 to i32
      %cond3A_1563 = arith.constant 0 : i32
      %cond3A_1564 = arith.cmpi ne, %convert_element_type3A_1562, %cond3A_1563 : i32
      scf.if %cond3A_1564 {
        %mul3A_2020 = arith.constant 32 : i32
        %mul3A_2021 = arith.muli %add3A_964, %mul3A_2020 : i32
        %add3A_2022 = arith.addi %mul3A_2, %mul3A_2021 : i32
        %add3A_2023 = arith.constant 30 : i32
        %add3A_2024 = arith.addi %add3A_2022, %add3A_2023 : i32
        %shift_right_arithmetic3A_2025 = arith.constant 3 : i32
        %shift_right_arithmetic3A_2026 = arith.shrsi %add3A_2024, %shift_right_arithmetic3A_2025 : i32
        %shift_left3A = arith.constant 3 : i32
        %shift_left3A_2027 = arith.shli %shift_right_arithmetic3A_2026, %shift_left3A : i32
        %multiple_of3A = tpu.assume_multiple %shift_left3A_2027, 8 : i32
        %slice3A_2028 = vector.extract_strided_slice %shift_right_arithmetic3A_1286 {offsets = [14], sizes = [1], strides = [1]} : vector<16xi32> to vector<1xi32>
        %squeeze3A_2029 = vector.extract %slice3A_2028[0] : i32 from vector<1xi32>
        %shift_left3A_2030 = arith.constant 7 : i32
        %shift_left3A_2031 = arith.shli %squeeze3A_2029, %shift_left3A_2030 : i32
        %multiple_of3A_2032 = tpu.assume_multiple %shift_left3A_2031, 128 : i32
        %dma_start3A = arith.constant 30 : i32
        %dma_start3A_2033 = arith.constant 0 : i32
        %dma_start3A_2034 = arith.constant 0 : i32
        %dma_start3A_2035 = tpu.memref_slice %arg6[%and3A_966, %dma_start3A, %dma_start3A_2033, %dma_start3A_2034] : memref<2x32x8x128xf32, #tpu.memory_space<vmem>> -> memref<1x1x8x128xf32, #tpu.memory_space<vmem>>
        %dma_start3A_2036 = tpu.memref_squeeze %dma_start3A_2035 : memref<1x1x8x128xf32, #tpu.memory_space<vmem>> -> memref<8x128xf32, #tpu.memory_space<vmem>>
        %dma_start3A_2037 = tpu.memref_slice %arg2[%multiple_of3A, %multiple_of3A_2032] : memref<32768x2048xf32, #tpu.memory_space<hbm>> -> memref<8x128xf32, #tpu.memory_space<hbm>>
        %dma_start3A_2038 = arith.constant 0 : i32
        %dma_start3A_2039 = arith.constant 0 : i32
        %dma_start3A_2040 = tpu.memref_slice %arg6[%and3A_966, %dma_start3A, %dma_start3A_2038, %dma_start3A_2039] : memref<2x32x8x128xf32, #tpu.memory_space<vmem>> -> memref<1x1x8x128xf32, #tpu.memory_space<vmem>>
        %dma_start3A_2041 = tpu.memref_squeeze %dma_start3A_2040 : memref<1x1x8x128xf32, #tpu.memory_space<vmem>> -> memref<8x128xf32, #tpu.memory_space<vmem>>
        %dma_start3A_2042 = tpu.memref_slice %arg2[%multiple_of3A, %multiple_of3A_2032] : memref<32768x2048xf32, #tpu.memory_space<hbm>> -> memref<8x128xf32, #tpu.memory_space<hbm>>
        tpu.enqueue_dma source(%dma_start3A_2042 : memref<8x128xf32, #tpu.memory_space<hbm>>) target(%dma_start3A_2041 : memref<8x128xf32, #tpu.memory_space<vmem>>) target_semaphore(%arg8 : memref<!tpu.dma_semaphore, #tpu.memory_space<semaphore_mem>>)
      } else {
      }
      %slice3A_1565 = vector.extract_strided_slice %select_n3A_1452 {offsets = [15], sizes = [1], strides = [1]} : vector<16xi32> to vector<1xi32>
      %squeeze3A_1566 = vector.extract %slice3A_1565[0] : i32 from vector<1xi32>
      %eq3A_1567 = arith.constant 0 : i32
      %eq3A_1568 = arith.cmpi eq, %squeeze3A_1566, %eq3A_1567 : i32
      %convert_element_type3A_1569 = arith.extui %eq3A_1568 : i1 to i32
      %cond3A_1570 = arith.constant 0 : i32
      %cond3A_1571 = arith.cmpi ne, %convert_element_type3A_1569, %cond3A_1570 : i32
      scf.if %cond3A_1571 {
        %mul3A_2020 = arith.constant 32 : i32
        %mul3A_2021 = arith.muli %add3A_964, %mul3A_2020 : i32
        %add3A_2022 = arith.addi %mul3A_2, %mul3A_2021 : i32
        %add3A_2023 = arith.constant 31 : i32
        %add3A_2024 = arith.addi %add3A_2022, %add3A_2023 : i32
        %shift_right_arithmetic3A_2025 = arith.constant 3 : i32
        %shift_right_arithmetic3A_2026 = arith.shrsi %add3A_2024, %shift_right_arithmetic3A_2025 : i32
        %shift_left3A = arith.constant 3 : i32
        %shift_left3A_2027 = arith.shli %shift_right_arithmetic3A_2026, %shift_left3A : i32
        %multiple_of3A = tpu.assume_multiple %shift_left3A_2027, 8 : i32
        %slice3A_2028 = vector.extract_strided_slice %shift_right_arithmetic3A_1286 {offsets = [15], sizes = [1], strides = [1]} : vector<16xi32> to vector<1xi32>
        %squeeze3A_2029 = vector.extract %slice3A_2028[0] : i32 from vector<1xi32>
        %shift_left3A_2030 = arith.constant 7 : i32
        %shift_left3A_2031 = arith.shli %squeeze3A_2029, %shift_left3A_2030 : i32
        %multiple_of3A_2032 = tpu.assume_multiple %shift_left3A_2031, 128 : i32
        %dma_start3A = arith.constant 31 : i32
        %dma_start3A_2033 = arith.constant 0 : i32
        %dma_start3A_2034 = arith.constant 0 : i32
        %dma_start3A_2035 = tpu.memref_slice %arg6[%and3A_966, %dma_start3A, %dma_start3A_2033, %dma_start3A_2034] : memref<2x32x8x128xf32, #tpu.memory_space<vmem>> -> memref<1x1x8x128xf32, #tpu.memory_space<vmem>>
        %dma_start3A_2036 = tpu.memref_squeeze %dma_start3A_2035 : memref<1x1x8x128xf32, #tpu.memory_space<vmem>> -> memref<8x128xf32, #tpu.memory_space<vmem>>
        %dma_start3A_2037 = tpu.memref_slice %arg2[%multiple_of3A, %multiple_of3A_2032] : memref<32768x2048xf32, #tpu.memory_space<hbm>> -> memref<8x128xf32, #tpu.memory_space<hbm>>
        %dma_start3A_2038 = arith.constant 0 : i32
        %dma_start3A_2039 = arith.constant 0 : i32
        %dma_start3A_2040 = tpu.memref_slice %arg6[%and3A_966, %dma_start3A, %dma_start3A_2038, %dma_start3A_2039] : memref<2x32x8x128xf32, #tpu.memory_space<vmem>> -> memref<1x1x8x128xf32, #tpu.memory_space<vmem>>
        %dma_start3A_2041 = tpu.memref_squeeze %dma_start3A_2040 : memref<1x1x8x128xf32, #tpu.memory_space<vmem>> -> memref<8x128xf32, #tpu.memory_space<vmem>>
        %dma_start3A_2042 = tpu.memref_slice %arg2[%multiple_of3A, %multiple_of3A_2032] : memref<32768x2048xf32, #tpu.memory_space<hbm>> -> memref<8x128xf32, #tpu.memory_space<hbm>>
        tpu.enqueue_dma source(%dma_start3A_2042 : memref<8x128xf32, #tpu.memory_space<hbm>>) target(%dma_start3A_2041 : memref<8x128xf32, #tpu.memory_space<vmem>>) target_semaphore(%arg8 : memref<!tpu.dma_semaphore, #tpu.memory_space<semaphore_mem>>)
      } else {
      }
      %while3A_1572 = arith.constant 0 : i32
      %while3A_1573 = arith.constant 0 : i32
      %while3A_1574 = arith.subi %scan3A_962, %while3A_1573 : i32
      %while3A_1575 = arith.addi %while3A_1573, %while3A_1574 : i32
      %while3A_1576 = arith.constant 1 : i32
      %while3A_1577 = arith.divsi %while3A_1574, %while3A_1576 : i32
      %while3A_1578 = arith.muli %while3A_1577, %while3A_1576 : i32
      %while3A_1579 = arith.addi %while3A_1573, %while3A_1578 : i32
      %while3A_1580 = arith.constant 1 : i32
      scf.for %while3A_2020 = %while3A_1573 to %while3A_1579 step %while3A_1580  : i32 {
        %dma_wait3A = arith.constant 0 : i32
        %dma_wait3A_2021 = arith.constant 0 : i32
        %dma_wait3A_2022 = arith.constant 0 : i32
        %dma_wait3A_2023 = arith.constant 0 : i32
        %dma_wait3A_2024 = tpu.memref_slice %arg6[%dma_wait3A, %dma_wait3A_2021, %dma_wait3A_2022, %dma_wait3A_2023] : memref<2x32x8x128xf32, #tpu.memory_space<vmem>> -> memref<1x1x8x128xf32, #tpu.memory_space<vmem>>
        %dma_wait3A_2025 = tpu.memref_squeeze %dma_wait3A_2024 : memref<1x1x8x128xf32, #tpu.memory_space<vmem>> -> memref<8x128xf32, #tpu.memory_space<vmem>>
        %dma_wait3A_2026 = arith.constant 0 : i32
        %dma_wait3A_2027 = arith.constant 0 : i32
        %dma_wait3A_2028 = tpu.memref_slice %arg2[%dma_wait3A_2026, %dma_wait3A_2027] : memref<32768x2048xf32, #tpu.memory_space<hbm>> -> memref<8x128xf32, #tpu.memory_space<hbm>>
        %dma_wait3A_2029 = arith.constant 0 : i32
        %dma_wait3A_2030 = arith.constant 0 : i32
        %dma_wait3A_2031 = tpu.memref_slice %arg6[%dma_wait3A, %dma_wait3A_2021, %dma_wait3A_2029, %dma_wait3A_2030] : memref<2x32x8x128xf32, #tpu.memory_space<vmem>> -> memref<1x1x8x128xf32, #tpu.memory_space<vmem>>
        %dma_wait3A_2032 = tpu.memref_squeeze %dma_wait3A_2031 : memref<1x1x8x128xf32, #tpu.memory_space<vmem>> -> memref<8x128xf32, #tpu.memory_space<vmem>>
        %dma_wait3A_2033 = arith.constant 0 : i32
        %dma_wait3A_2034 = arith.constant 0 : i32
        %dma_wait3A_2035 = tpu.memref_slice %arg2[%dma_wait3A_2033, %dma_wait3A_2034] : memref<32768x2048xf32, #tpu.memory_space<hbm>> -> memref<8x128xf32, #tpu.memory_space<hbm>>
        tpu.wait_dma2 semaphore(%arg8 : memref<!tpu.dma_semaphore, #tpu.memory_space<semaphore_mem>>) src(%dma_wait3A_2035 : memref<8x128xf32, #tpu.memory_space<hbm>>) dst(%dma_wait3A_2032 : memref<8x128xf32, #tpu.memory_space<vmem>>)
      }
      %while3A_1581 = arith.constant 1 : i32
      scf.for %while3A_2020 = %while3A_1579 to %while3A_1575 step %while3A_1581  : i32 {
        %dma_wait3A = arith.constant 0 : i32
        %dma_wait3A_2021 = arith.constant 0 : i32
        %dma_wait3A_2022 = arith.constant 0 : i32
        %dma_wait3A_2023 = arith.constant 0 : i32
        %dma_wait3A_2024 = tpu.memref_slice %arg6[%dma_wait3A, %dma_wait3A_2021, %dma_wait3A_2022, %dma_wait3A_2023] : memref<2x32x8x128xf32, #tpu.memory_space<vmem>> -> memref<1x1x8x128xf32, #tpu.memory_space<vmem>>
        %dma_wait3A_2025 = tpu.memref_squeeze %dma_wait3A_2024 : memref<1x1x8x128xf32, #tpu.memory_space<vmem>> -> memref<8x128xf32, #tpu.memory_space<vmem>>
        %dma_wait3A_2026 = arith.constant 0 : i32
        %dma_wait3A_2027 = arith.constant 0 : i32
        %dma_wait3A_2028 = tpu.memref_slice %arg2[%dma_wait3A_2026, %dma_wait3A_2027] : memref<32768x2048xf32, #tpu.memory_space<hbm>> -> memref<8x128xf32, #tpu.memory_space<hbm>>
        %dma_wait3A_2029 = arith.constant 0 : i32
        %dma_wait3A_2030 = arith.constant 0 : i32
        %dma_wait3A_2031 = tpu.memref_slice %arg6[%dma_wait3A, %dma_wait3A_2021, %dma_wait3A_2029, %dma_wait3A_2030] : memref<2x32x8x128xf32, #tpu.memory_space<vmem>> -> memref<1x1x8x128xf32, #tpu.memory_space<vmem>>
        %dma_wait3A_2032 = tpu.memref_squeeze %dma_wait3A_2031 : memref<1x1x8x128xf32, #tpu.memory_space<vmem>> -> memref<8x128xf32, #tpu.memory_space<vmem>>
        %dma_wait3A_2033 = arith.constant 0 : i32
        %dma_wait3A_2034 = arith.constant 0 : i32
        %dma_wait3A_2035 = tpu.memref_slice %arg2[%dma_wait3A_2033, %dma_wait3A_2034] : memref<32768x2048xf32, #tpu.memory_space<hbm>> -> memref<8x128xf32, #tpu.memory_space<hbm>>
        tpu.wait_dma2 semaphore(%arg8 : memref<!tpu.dma_semaphore, #tpu.memory_space<semaphore_mem>>) src(%dma_wait3A_2035 : memref<8x128xf32, #tpu.memory_space<hbm>>) dst(%dma_wait3A_2032 : memref<8x128xf32, #tpu.memory_space<vmem>>)
      }
      %and3A_1582 = arith.constant 1 : i32
      %and3A_1583 = arith.andi %scan3A_959, %and3A_1582 : i32
      %mul3A_1584 = arith.constant 32 : i32
      %mul3A_1585 = arith.muli %scan3A_959, %mul3A_1584 : i32
      %add3A_1586 = arith.constant 8 : i32
      %add3A_1587 = arith.addi %add3A_1586, %mul3A_1585 : i32
      %add3A_1588 = arith.constant 0 : i32
      %add3A_1589 = arith.addi %add3A_1587, %add3A_1588 : i32
      %get3A_1590 = arith.index_cast %add3A_1589 : i32 to index
      %get3A_1591 = tpu.vector_load %arg5[%get3A_1590] {strides = array<i32>} : memref<1032xi32, #tpu.memory_space<vmem>>, vector<16xi32>,
      %ge3A_1592 = arith.constant 0 : i32
      %ge3A_1593 = vector.broadcast %ge3A_1592 : i32 to vector<16xi32>
      %ge3A_1594 = arith.cmpi sge, %get3A_1591, %ge3A_1593 : vector<16xi32>
      %jit3A_1595 = arith.constant 0 : i32
      %broadcast_in_dim3A_1596 = vector.broadcast %jit3A_1595 : i32 to vector<16xi32>
      %select_n3A_1597 = arith.select %ge3A_1594, %get3A_1591, %broadcast_in_dim3A_1596 : vector<16xi1>, vector<16xi32>
      %ge3A_1598 = arith.constant 0 : i32
      %ge3A_1599 = vector.broadcast %ge3A_1598 : i32 to vector<16xi32>
      %ge3A_1600 = arith.cmpi sge, %get3A_1591, %ge3A_1599 : vector<16xi32>
      %jit3A_1601 = arith.constant 1.000000e+00 : f32
      %jit3A_1602 = arith.constant 0.000000e+00 : f32
      %broadcast_in_dim3A_1603 = vector.broadcast %jit3A_1601 : f32 to vector<16xf32>
      %broadcast_in_dim3A_1604 = vector.broadcast %jit3A_1602 : f32 to vector<16xf32>
      %select_n3A_1605 = arith.select %ge3A_1600, %broadcast_in_dim3A_1603, %broadcast_in_dim3A_1604 : vector<16xi1>, vector<16xf32>
      %mul3A_1606 = arith.constant 32 : i32
      %mul3A_1607 = arith.muli %scan3A_959, %mul3A_1606 : i32
      %add3A_1608 = arith.constant 8 : i32
      %add3A_1609 = arith.addi %add3A_1608, %mul3A_1607 : i32
      %add3A_1610 = arith.constant 0 : i32
      %add3A_1611 = arith.addi %add3A_1609, %add3A_1610 : i32
      %get3A_1612 = arith.index_cast %add3A_1611 : i32 to index
      %get3A_1613 = tpu.vector_load %arg5[%get3A_1612] {strides = array<i32>} : memref<1032xi32, #tpu.memory_space<vmem>>, vector<16xi32>,
      %ge3A_1614 = arith.constant 0 : i32
      %ge3A_1615 = vector.broadcast %ge3A_1614 : i32 to vector<16xi32>
      %ge3A_1616 = arith.cmpi sge, %get3A_1613, %ge3A_1615 : vector<16xi32>
      %jit3A_1617 = arith.constant 0 : i32
      %broadcast_in_dim3A_1618 = vector.broadcast %jit3A_1617 : i32 to vector<16xi32>
      %select_n3A_1619 = arith.select %ge3A_1616, %get3A_1613, %broadcast_in_dim3A_1618 : vector<16xi1>, vector<16xi32>
      %shift_right_arithmetic3A_1620 = arith.constant 7 : i32
      %shift_right_arithmetic3A_1621 = vector.broadcast %shift_right_arithmetic3A_1620 : i32 to vector<16xi32>
      %shift_right_arithmetic3A_1622 = arith.shrsi %select_n3A_1619, %shift_right_arithmetic3A_1621 : vector<16xi32>
      %broadcast_in_dim3A_1623 = arith.constant 0 : i32
      %broadcast_in_dim3A_1624 = vector.broadcast %broadcast_in_dim3A_1623 : i32 to vector<16xi32>
      %sub3A_1625 = arith.constant 1 : i32
      %sub3A_1626 = arith.subi %add3A_1611, %sub3A_1625 : i32
      %get3A_1627 = arith.index_cast %sub3A_1626 : i32 to index
      %get3A_1628 = tpu.vector_load %arg5[%get3A_1627] {strides = array<i32>} : memref<1032xi32, #tpu.memory_space<vmem>>, vector<16xi32>,
      %ge3A_1629 = arith.constant 0 : i32
      %ge3A_1630 = vector.broadcast %ge3A_1629 : i32 to vector<16xi32>
      %ge3A_1631 = arith.cmpi sge, %get3A_1628, %ge3A_1630 : vector<16xi32>
      %jit3A_1632 = arith.constant 0 : i32
      %broadcast_in_dim3A_1633 = vector.broadcast %jit3A_1632 : i32 to vector<16xi32>
      %select_n3A_1634 = arith.select %ge3A_1631, %get3A_1628, %broadcast_in_dim3A_1633 : vector<16xi1>, vector<16xi32>
      %shift_right_arithmetic3A_1635 = arith.constant 7 : i32
      %shift_right_arithmetic3A_1636 = vector.broadcast %shift_right_arithmetic3A_1635 : i32 to vector<16xi32>
      %shift_right_arithmetic3A_1637 = arith.shrsi %select_n3A_1634, %shift_right_arithmetic3A_1636 : vector<16xi32>
      %eq3A_1638 = arith.cmpi eq, %shift_right_arithmetic3A_1622, %shift_right_arithmetic3A_1637 : vector<16xi32>
      %ge3A_1639 = arith.constant 1 : i32
      %ge3A_1640 = vector.broadcast %ge3A_1639 : i32 to vector<16xi32>
      %ge3A_1641 = arith.cmpi sge, %and3A_6, %ge3A_1640 : vector<16xi32>
      %and3A_1642 = arith.andi %eq3A_1638, %ge3A_1641 : vector<16xi1>
      %jit3A_1643 = arith.constant 1 : i32
      %broadcast_in_dim3A_1644 = vector.broadcast %jit3A_1643 : i32 to vector<16xi32>
      %select_n3A_1645 = arith.select %and3A_1642, %broadcast_in_dim3A_1644, %broadcast_in_dim3A_1624 : vector<16xi1>, vector<16xi32>
      %sub3A_1646 = arith.constant 2 : i32
      %sub3A_1647 = arith.subi %add3A_1611, %sub3A_1646 : i32
      %get3A_1648 = arith.index_cast %sub3A_1647 : i32 to index
      %get3A_1649 = tpu.vector_load %arg5[%get3A_1648] {strides = array<i32>} : memref<1032xi32, #tpu.memory_space<vmem>>, vector<16xi32>,
      %ge3A_1650 = arith.constant 0 : i32
      %ge3A_1651 = vector.broadcast %ge3A_1650 : i32 to vector<16xi32>
      %ge3A_1652 = arith.cmpi sge, %get3A_1649, %ge3A_1651 : vector<16xi32>
      %jit3A_1653 = arith.constant 0 : i32
      %broadcast_in_dim3A_1654 = vector.broadcast %jit3A_1653 : i32 to vector<16xi32>
      %select_n3A_1655 = arith.select %ge3A_1652, %get3A_1649, %broadcast_in_dim3A_1654 : vector<16xi1>, vector<16xi32>
      %shift_right_arithmetic3A_1656 = arith.constant 7 : i32
      %shift_right_arithmetic3A_1657 = vector.broadcast %shift_right_arithmetic3A_1656 : i32 to vector<16xi32>
      %shift_right_arithmetic3A_1658 = arith.shrsi %select_n3A_1655, %shift_right_arithmetic3A_1657 : vector<16xi32>
      %eq3A_1659 = arith.cmpi eq, %shift_right_arithmetic3A_1622, %shift_right_arithmetic3A_1658 : vector<16xi32>
      %ge3A_1660 = arith.constant 2 : i32
      %ge3A_1661 = vector.broadcast %ge3A_1660 : i32 to vector<16xi32>
      %ge3A_1662 = arith.cmpi sge, %and3A_6, %ge3A_1661 : vector<16xi32>
      %and3A_1663 = arith.andi %eq3A_1659, %ge3A_1662 : vector<16xi1>
      %jit3A_1664 = arith.constant 2 : i32
      %broadcast_in_dim3A_1665 = vector.broadcast %jit3A_1664 : i32 to vector<16xi32>
      %select_n3A_1666 = arith.select %and3A_1663, %broadcast_in_dim3A_1665, %select_n3A_1645 : vector<16xi1>, vector<16xi32>
      %sub3A_1667 = arith.constant 3 : i32
      %sub3A_1668 = arith.subi %add3A_1611, %sub3A_1667 : i32
      %get3A_1669 = arith.index_cast %sub3A_1668 : i32 to index
      %get3A_1670 = tpu.vector_load %arg5[%get3A_1669] {strides = array<i32>} : memref<1032xi32, #tpu.memory_space<vmem>>, vector<16xi32>,
      %ge3A_1671 = arith.constant 0 : i32
      %ge3A_1672 = vector.broadcast %ge3A_1671 : i32 to vector<16xi32>
      %ge3A_1673 = arith.cmpi sge, %get3A_1670, %ge3A_1672 : vector<16xi32>
      %jit3A_1674 = arith.constant 0 : i32
      %broadcast_in_dim3A_1675 = vector.broadcast %jit3A_1674 : i32 to vector<16xi32>
      %select_n3A_1676 = arith.select %ge3A_1673, %get3A_1670, %broadcast_in_dim3A_1675 : vector<16xi1>, vector<16xi32>
      %shift_right_arithmetic3A_1677 = arith.constant 7 : i32
      %shift_right_arithmetic3A_1678 = vector.broadcast %shift_right_arithmetic3A_1677 : i32 to vector<16xi32>
      %shift_right_arithmetic3A_1679 = arith.shrsi %select_n3A_1676, %shift_right_arithmetic3A_1678 : vector<16xi32>
      %eq3A_1680 = arith.cmpi eq, %shift_right_arithmetic3A_1622, %shift_right_arithmetic3A_1679 : vector<16xi32>
      %ge3A_1681 = arith.constant 3 : i32
      %ge3A_1682 = vector.broadcast %ge3A_1681 : i32 to vector<16xi32>
      %ge3A_1683 = arith.cmpi sge, %and3A_6, %ge3A_1682 : vector<16xi32>
      %and3A_1684 = arith.andi %eq3A_1680, %ge3A_1683 : vector<16xi1>
      %jit3A_1685 = arith.constant 3 : i32
      %broadcast_in_dim3A_1686 = vector.broadcast %jit3A_1685 : i32 to vector<16xi32>
      %select_n3A_1687 = arith.select %and3A_1684, %broadcast_in_dim3A_1686, %select_n3A_1666 : vector<16xi1>, vector<16xi32>
      %sub3A_1688 = arith.constant 4 : i32
      %sub3A_1689 = arith.subi %add3A_1611, %sub3A_1688 : i32
      %get3A_1690 = arith.index_cast %sub3A_1689 : i32 to index
      %get3A_1691 = tpu.vector_load %arg5[%get3A_1690] {strides = array<i32>} : memref<1032xi32, #tpu.memory_space<vmem>>, vector<16xi32>,
      %ge3A_1692 = arith.constant 0 : i32
      %ge3A_1693 = vector.broadcast %ge3A_1692 : i32 to vector<16xi32>
      %ge3A_1694 = arith.cmpi sge, %get3A_1691, %ge3A_1693 : vector<16xi32>
      %jit3A_1695 = arith.constant 0 : i32
      %broadcast_in_dim3A_1696 = vector.broadcast %jit3A_1695 : i32 to vector<16xi32>
      %select_n3A_1697 = arith.select %ge3A_1694, %get3A_1691, %broadcast_in_dim3A_1696 : vector<16xi1>, vector<16xi32>
      %shift_right_arithmetic3A_1698 = arith.constant 7 : i32
      %shift_right_arithmetic3A_1699 = vector.broadcast %shift_right_arithmetic3A_1698 : i32 to vector<16xi32>
      %shift_right_arithmetic3A_1700 = arith.shrsi %select_n3A_1697, %shift_right_arithmetic3A_1699 : vector<16xi32>
      %eq3A_1701 = arith.cmpi eq, %shift_right_arithmetic3A_1622, %shift_right_arithmetic3A_1700 : vector<16xi32>
      %ge3A_1702 = arith.constant 4 : i32
      %ge3A_1703 = vector.broadcast %ge3A_1702 : i32 to vector<16xi32>
      %ge3A_1704 = arith.cmpi sge, %and3A_6, %ge3A_1703 : vector<16xi32>
      %and3A_1705 = arith.andi %eq3A_1701, %ge3A_1704 : vector<16xi1>
      %jit3A_1706 = arith.constant 4 : i32
      %broadcast_in_dim3A_1707 = vector.broadcast %jit3A_1706 : i32 to vector<16xi32>
      %select_n3A_1708 = arith.select %and3A_1705, %broadcast_in_dim3A_1707, %select_n3A_1687 : vector<16xi1>, vector<16xi32>
      %sub3A_1709 = arith.constant 5 : i32
      %sub3A_1710 = arith.subi %add3A_1611, %sub3A_1709 : i32
      %get3A_1711 = arith.index_cast %sub3A_1710 : i32 to index
      %get3A_1712 = tpu.vector_load %arg5[%get3A_1711] {strides = array<i32>} : memref<1032xi32, #tpu.memory_space<vmem>>, vector<16xi32>,
      %ge3A_1713 = arith.constant 0 : i32
      %ge3A_1714 = vector.broadcast %ge3A_1713 : i32 to vector<16xi32>
      %ge3A_1715 = arith.cmpi sge, %get3A_1712, %ge3A_1714 : vector<16xi32>
      %jit3A_1716 = arith.constant 0 : i32
      %broadcast_in_dim3A_1717 = vector.broadcast %jit3A_1716 : i32 to vector<16xi32>
      %select_n3A_1718 = arith.select %ge3A_1715, %get3A_1712, %broadcast_in_dim3A_1717 : vector<16xi1>, vector<16xi32>
      %shift_right_arithmetic3A_1719 = arith.constant 7 : i32
      %shift_right_arithmetic3A_1720 = vector.broadcast %shift_right_arithmetic3A_1719 : i32 to vector<16xi32>
      %shift_right_arithmetic3A_1721 = arith.shrsi %select_n3A_1718, %shift_right_arithmetic3A_1720 : vector<16xi32>
      %eq3A_1722 = arith.cmpi eq, %shift_right_arithmetic3A_1622, %shift_right_arithmetic3A_1721 : vector<16xi32>
      %ge3A_1723 = arith.constant 5 : i32
      %ge3A_1724 = vector.broadcast %ge3A_1723 : i32 to vector<16xi32>
      %ge3A_1725 = arith.cmpi sge, %and3A_6, %ge3A_1724 : vector<16xi32>
      %and3A_1726 = arith.andi %eq3A_1722, %ge3A_1725 : vector<16xi1>
      %jit3A_1727 = arith.constant 5 : i32
      %broadcast_in_dim3A_1728 = vector.broadcast %jit3A_1727 : i32 to vector<16xi32>
      %select_n3A_1729 = arith.select %and3A_1726, %broadcast_in_dim3A_1728, %select_n3A_1708 : vector<16xi1>, vector<16xi32>
      %sub3A_1730 = arith.constant 6 : i32
      %sub3A_1731 = arith.subi %add3A_1611, %sub3A_1730 : i32
      %get3A_1732 = arith.index_cast %sub3A_1731 : i32 to index
      %get3A_1733 = tpu.vector_load %arg5[%get3A_1732] {strides = array<i32>} : memref<1032xi32, #tpu.memory_space<vmem>>, vector<16xi32>,
      %ge3A_1734 = arith.constant 0 : i32
      %ge3A_1735 = vector.broadcast %ge3A_1734 : i32 to vector<16xi32>
      %ge3A_1736 = arith.cmpi sge, %get3A_1733, %ge3A_1735 : vector<16xi32>
      %jit3A_1737 = arith.constant 0 : i32
      %broadcast_in_dim3A_1738 = vector.broadcast %jit3A_1737 : i32 to vector<16xi32>
      %select_n3A_1739 = arith.select %ge3A_1736, %get3A_1733, %broadcast_in_dim3A_1738 : vector<16xi1>, vector<16xi32>
      %shift_right_arithmetic3A_1740 = arith.constant 7 : i32
      %shift_right_arithmetic3A_1741 = vector.broadcast %shift_right_arithmetic3A_1740 : i32 to vector<16xi32>
      %shift_right_arithmetic3A_1742 = arith.shrsi %select_n3A_1739, %shift_right_arithmetic3A_1741 : vector<16xi32>
      %eq3A_1743 = arith.cmpi eq, %shift_right_arithmetic3A_1622, %shift_right_arithmetic3A_1742 : vector<16xi32>
      %ge3A_1744 = arith.constant 6 : i32
      %ge3A_1745 = vector.broadcast %ge3A_1744 : i32 to vector<16xi32>
      %ge3A_1746 = arith.cmpi sge, %and3A_6, %ge3A_1745 : vector<16xi32>
      %and3A_1747 = arith.andi %eq3A_1743, %ge3A_1746 : vector<16xi1>
      %jit3A_1748 = arith.constant 6 : i32
      %broadcast_in_dim3A_1749 = vector.broadcast %jit3A_1748 : i32 to vector<16xi32>
      %select_n3A_1750 = arith.select %and3A_1747, %broadcast_in_dim3A_1749, %select_n3A_1729 : vector<16xi1>, vector<16xi32>
      %sub3A_1751 = arith.constant 7 : i32
      %sub3A_1752 = arith.subi %add3A_1611, %sub3A_1751 : i32
      %get3A_1753 = arith.index_cast %sub3A_1752 : i32 to index
      %get3A_1754 = tpu.vector_load %arg5[%get3A_1753] {strides = array<i32>} : memref<1032xi32, #tpu.memory_space<vmem>>, vector<16xi32>,
      %ge3A_1755 = arith.constant 0 : i32
      %ge3A_1756 = vector.broadcast %ge3A_1755 : i32 to vector<16xi32>
      %ge3A_1757 = arith.cmpi sge, %get3A_1754, %ge3A_1756 : vector<16xi32>
      %jit3A_1758 = arith.constant 0 : i32
      %broadcast_in_dim3A_1759 = vector.broadcast %jit3A_1758 : i32 to vector<16xi32>
      %select_n3A_1760 = arith.select %ge3A_1757, %get3A_1754, %broadcast_in_dim3A_1759 : vector<16xi1>, vector<16xi32>
      %shift_right_arithmetic3A_1761 = arith.constant 7 : i32
      %shift_right_arithmetic3A_1762 = vector.broadcast %shift_right_arithmetic3A_1761 : i32 to vector<16xi32>
      %shift_right_arithmetic3A_1763 = arith.shrsi %select_n3A_1760, %shift_right_arithmetic3A_1762 : vector<16xi32>
      %eq3A_1764 = arith.cmpi eq, %shift_right_arithmetic3A_1622, %shift_right_arithmetic3A_1763 : vector<16xi32>
      %ge3A_1765 = arith.constant 7 : i32
      %ge3A_1766 = vector.broadcast %ge3A_1765 : i32 to vector<16xi32>
      %ge3A_1767 = arith.cmpi sge, %and3A_6, %ge3A_1766 : vector<16xi32>
      %and3A_1768 = arith.andi %eq3A_1764, %ge3A_1767 : vector<16xi1>
      %jit3A_1769 = arith.constant 7 : i32
      %broadcast_in_dim3A_1770 = vector.broadcast %jit3A_1769 : i32 to vector<16xi32>
      %select_n3A_1771 = arith.select %and3A_1768, %broadcast_in_dim3A_1770, %select_n3A_1750 : vector<16xi1>, vector<16xi32>
      %add3A_1772 = arith.constant 0 : i32
      %add3A_1773 = vector.broadcast %add3A_1772 : i32 to vector<16xi32>
      %add3A_1774 = arith.addi %add3A_1773, %iota3A : vector<16xi32>
      %sub3A_1775 = arith.subi %add3A_1774, %select_n3A_1771 : vector<16xi32>
      %mul3A_1776 = arith.constant 32 : i32
      %mul3A_1777 = arith.muli %scan3A_959, %mul3A_1776 : i32
      %add3A_1778 = arith.addi %mul3A_2, %mul3A_1777 : i32
      %add3A_1779 = arith.constant 0 : i32
      %add3A_1780 = arith.addi %add3A_1778, %add3A_1779 : i32
      %add3A_1781 = vector.broadcast %add3A_1780 : i32 to vector<16xi32>
      %add3A_1782 = arith.addi %add3A_1781, %iota3A : vector<16xi32>
      %and3A_1783 = arith.constant 7 : i32
      %and3A_1784 = vector.broadcast %and3A_1783 : i32 to vector<16xi32>
      %and3A_1785 = arith.andi %add3A_1782, %and3A_1784 : vector<16xi32>
      %and3A_1786 = arith.constant 127 : i32
      %and3A_1787 = vector.broadcast %and3A_1786 : i32 to vector<16xi32>
      %and3A_1788 = arith.andi %select_n3A_1597, %and3A_1787 : vector<16xi32>
      %gather3A_1789 = arith.constant 0 : i32
      %gather3A_1790 = arith.constant 0 : i32
      %gather3A_1791 = arith.constant 0 : i32
      %gather3A_1792 = tpu.memref_slice %arg6[%and3A_1583, %gather3A_1789, %gather3A_1790, %gather3A_1791] : memref<2x32x8x128xf32, #tpu.memory_space<vmem>> -> memref<1x32x8x128xf32, #tpu.memory_space<vmem>>
      %gather3A_1793 = tpu.memref_squeeze %gather3A_1792 : memref<1x32x8x128xf32, #tpu.memory_space<vmem>> -> memref<32x8x128xf32, #tpu.memory_space<vmem>>
      %gather3A_1794 = tpu.vector_load_idx %gather3A_1793[%sub3A_1775, %and3A_1785, %and3A_1788] : memref<32x8x128xf32, #tpu.memory_space<vmem>>[vector<16xi32>, vector<16xi32>, vector<16xi32>], vector<16xf32>,
      %sub3A_1795 = arith.constant 1.000000e+00 : f32
      %sub3A_1796 = vector.broadcast %sub3A_1795 : f32 to vector<16xf32>
      %sub3A_1797 = arith.subf %sub3A_1796, %gather3A_1794 : vector<16xf32>
      %mul3A_1798 = arith.mulf %sub3A_1797, %sub3A_1797 : vector<16xf32>
      %mul3A_1799 = arith.mulf %mul3A_1798, %select_n3A_1605 : vector<16xf32>
      %add3A_1800 = arith.addf %scan3A_960, %mul3A_1799 : vector<16xf32>
      %add3A_1801 = arith.addf %scan3A_961, %select_n3A_1605 : vector<16xf32>
      %mul3A_1802 = arith.constant 32 : i32
      %mul3A_1803 = arith.muli %scan3A_959, %mul3A_1802 : i32
      %add3A_1804 = arith.constant 8 : i32
      %add3A_1805 = arith.addi %add3A_1804, %mul3A_1803 : i32
      %add3A_1806 = arith.constant 16 : i32
      %add3A_1807 = arith.addi %add3A_1805, %add3A_1806 : i32
      %get3A_1808 = arith.index_cast %add3A_1807 : i32 to index
      %get3A_1809 = tpu.vector_load %arg5[%get3A_1808] {strides = array<i32>} : memref<1032xi32, #tpu.memory_space<vmem>>, vector<16xi32>,
      %ge3A_1810 = arith.constant 0 : i32
      %ge3A_1811 = vector.broadcast %ge3A_1810 : i32 to vector<16xi32>
      %ge3A_1812 = arith.cmpi sge, %get3A_1809, %ge3A_1811 : vector<16xi32>
      %jit3A_1813 = arith.constant 0 : i32
      %broadcast_in_dim3A_1814 = vector.broadcast %jit3A_1813 : i32 to vector<16xi32>
      %select_n3A_1815 = arith.select %ge3A_1812, %get3A_1809, %broadcast_in_dim3A_1814 : vector<16xi1>, vector<16xi32>
      %ge3A_1816 = arith.constant 0 : i32
      %ge3A_1817 = vector.broadcast %ge3A_1816 : i32 to vector<16xi32>
      %ge3A_1818 = arith.cmpi sge, %get3A_1809, %ge3A_1817 : vector<16xi32>
      %jit3A_1819 = arith.constant 1.000000e+00 : f32
      %jit3A_1820 = arith.constant 0.000000e+00 : f32
      %broadcast_in_dim3A_1821 = vector.broadcast %jit3A_1819 : f32 to vector<16xf32>
      %broadcast_in_dim3A_1822 = vector.broadcast %jit3A_1820 : f32 to vector<16xf32>
      %select_n3A_1823 = arith.select %ge3A_1818, %broadcast_in_dim3A_1821, %broadcast_in_dim3A_1822 : vector<16xi1>, vector<16xf32>
      %mul3A_1824 = arith.constant 32 : i32
      %mul3A_1825 = arith.muli %scan3A_959, %mul3A_1824 : i32
      %add3A_1826 = arith.constant 8 : i32
      %add3A_1827 = arith.addi %add3A_1826, %mul3A_1825 : i32
      %add3A_1828 = arith.constant 16 : i32
      %add3A_1829 = arith.addi %add3A_1827, %add3A_1828 : i32
      %get3A_1830 = arith.index_cast %add3A_1829 : i32 to index
      %get3A_1831 = tpu.vector_load %arg5[%get3A_1830] {strides = array<i32>} : memref<1032xi32, #tpu.memory_space<vmem>>, vector<16xi32>,
      %ge3A_1832 = arith.constant 0 : i32
      %ge3A_1833 = vector.broadcast %ge3A_1832 : i32 to vector<16xi32>
      %ge3A_1834 = arith.cmpi sge, %get3A_1831, %ge3A_1833 : vector<16xi32>
      %jit3A_1835 = arith.constant 0 : i32
      %broadcast_in_dim3A_1836 = vector.broadcast %jit3A_1835 : i32 to vector<16xi32>
      %select_n3A_1837 = arith.select %ge3A_1834, %get3A_1831, %broadcast_in_dim3A_1836 : vector<16xi1>, vector<16xi32>
      %shift_right_arithmetic3A_1838 = arith.constant 7 : i32
      %shift_right_arithmetic3A_1839 = vector.broadcast %shift_right_arithmetic3A_1838 : i32 to vector<16xi32>
      %shift_right_arithmetic3A_1840 = arith.shrsi %select_n3A_1837, %shift_right_arithmetic3A_1839 : vector<16xi32>
      %broadcast_in_dim3A_1841 = arith.constant 0 : i32
      %broadcast_in_dim3A_1842 = vector.broadcast %broadcast_in_dim3A_1841 : i32 to vector<16xi32>
      %sub3A_1843 = arith.constant 1 : i32
      %sub3A_1844 = arith.subi %add3A_1829, %sub3A_1843 : i32
      %get3A_1845 = arith.index_cast %sub3A_1844 : i32 to index
      %get3A_1846 = tpu.vector_load %arg5[%get3A_1845] {strides = array<i32>} : memref<1032xi32, #tpu.memory_space<vmem>>, vector<16xi32>,
      %ge3A_1847 = arith.constant 0 : i32
      %ge3A_1848 = vector.broadcast %ge3A_1847 : i32 to vector<16xi32>
      %ge3A_1849 = arith.cmpi sge, %get3A_1846, %ge3A_1848 : vector<16xi32>
      %jit3A_1850 = arith.constant 0 : i32
      %broadcast_in_dim3A_1851 = vector.broadcast %jit3A_1850 : i32 to vector<16xi32>
      %select_n3A_1852 = arith.select %ge3A_1849, %get3A_1846, %broadcast_in_dim3A_1851 : vector<16xi1>, vector<16xi32>
      %shift_right_arithmetic3A_1853 = arith.constant 7 : i32
      %shift_right_arithmetic3A_1854 = vector.broadcast %shift_right_arithmetic3A_1853 : i32 to vector<16xi32>
      %shift_right_arithmetic3A_1855 = arith.shrsi %select_n3A_1852, %shift_right_arithmetic3A_1854 : vector<16xi32>
      %eq3A_1856 = arith.cmpi eq, %shift_right_arithmetic3A_1840, %shift_right_arithmetic3A_1855 : vector<16xi32>
      %ge3A_1857 = arith.constant 1 : i32
      %ge3A_1858 = vector.broadcast %ge3A_1857 : i32 to vector<16xi32>
      %ge3A_1859 = arith.cmpi sge, %and3A_6, %ge3A_1858 : vector<16xi32>
      %and3A_1860 = arith.andi %eq3A_1856, %ge3A_1859 : vector<16xi1>
      %jit3A_1861 = arith.constant 1 : i32
      %broadcast_in_dim3A_1862 = vector.broadcast %jit3A_1861 : i32 to vector<16xi32>
      %select_n3A_1863 = arith.select %and3A_1860, %broadcast_in_dim3A_1862, %broadcast_in_dim3A_1842 : vector<16xi1>, vector<16xi32>
      %sub3A_1864 = arith.constant 2 : i32
      %sub3A_1865 = arith.subi %add3A_1829, %sub3A_1864 : i32
      %get3A_1866 = arith.index_cast %sub3A_1865 : i32 to index
      %get3A_1867 = tpu.vector_load %arg5[%get3A_1866] {strides = array<i32>} : memref<1032xi32, #tpu.memory_space<vmem>>, vector<16xi32>,
      %ge3A_1868 = arith.constant 0 : i32
      %ge3A_1869 = vector.broadcast %ge3A_1868 : i32 to vector<16xi32>
      %ge3A_1870 = arith.cmpi sge, %get3A_1867, %ge3A_1869 : vector<16xi32>
      %jit3A_1871 = arith.constant 0 : i32
      %broadcast_in_dim3A_1872 = vector.broadcast %jit3A_1871 : i32 to vector<16xi32>
      %select_n3A_1873 = arith.select %ge3A_1870, %get3A_1867, %broadcast_in_dim3A_1872 : vector<16xi1>, vector<16xi32>
      %shift_right_arithmetic3A_1874 = arith.constant 7 : i32
      %shift_right_arithmetic3A_1875 = vector.broadcast %shift_right_arithmetic3A_1874 : i32 to vector<16xi32>
      %shift_right_arithmetic3A_1876 = arith.shrsi %select_n3A_1873, %shift_right_arithmetic3A_1875 : vector<16xi32>
      %eq3A_1877 = arith.cmpi eq, %shift_right_arithmetic3A_1840, %shift_right_arithmetic3A_1876 : vector<16xi32>
      %ge3A_1878 = arith.constant 2 : i32
      %ge3A_1879 = vector.broadcast %ge3A_1878 : i32 to vector<16xi32>
      %ge3A_1880 = arith.cmpi sge, %and3A_6, %ge3A_1879 : vector<16xi32>
      %and3A_1881 = arith.andi %eq3A_1877, %ge3A_1880 : vector<16xi1>
      %jit3A_1882 = arith.constant 2 : i32
      %broadcast_in_dim3A_1883 = vector.broadcast %jit3A_1882 : i32 to vector<16xi32>
      %select_n3A_1884 = arith.select %and3A_1881, %broadcast_in_dim3A_1883, %select_n3A_1863 : vector<16xi1>, vector<16xi32>
      %sub3A_1885 = arith.constant 3 : i32
      %sub3A_1886 = arith.subi %add3A_1829, %sub3A_1885 : i32
      %get3A_1887 = arith.index_cast %sub3A_1886 : i32 to index
      %get3A_1888 = tpu.vector_load %arg5[%get3A_1887] {strides = array<i32>} : memref<1032xi32, #tpu.memory_space<vmem>>, vector<16xi32>,
      %ge3A_1889 = arith.constant 0 : i32
      %ge3A_1890 = vector.broadcast %ge3A_1889 : i32 to vector<16xi32>
      %ge3A_1891 = arith.cmpi sge, %get3A_1888, %ge3A_1890 : vector<16xi32>
      %jit3A_1892 = arith.constant 0 : i32
      %broadcast_in_dim3A_1893 = vector.broadcast %jit3A_1892 : i32 to vector<16xi32>
      %select_n3A_1894 = arith.select %ge3A_1891, %get3A_1888, %broadcast_in_dim3A_1893 : vector<16xi1>, vector<16xi32>
      %shift_right_arithmetic3A_1895 = arith.constant 7 : i32
      %shift_right_arithmetic3A_1896 = vector.broadcast %shift_right_arithmetic3A_1895 : i32 to vector<16xi32>
      %shift_right_arithmetic3A_1897 = arith.shrsi %select_n3A_1894, %shift_right_arithmetic3A_1896 : vector<16xi32>
      %eq3A_1898 = arith.cmpi eq, %shift_right_arithmetic3A_1840, %shift_right_arithmetic3A_1897 : vector<16xi32>
      %ge3A_1899 = arith.constant 3 : i32
      %ge3A_1900 = vector.broadcast %ge3A_1899 : i32 to vector<16xi32>
      %ge3A_1901 = arith.cmpi sge, %and3A_6, %ge3A_1900 : vector<16xi32>
      %and3A_1902 = arith.andi %eq3A_1898, %ge3A_1901 : vector<16xi1>
      %jit3A_1903 = arith.constant 3 : i32
      %broadcast_in_dim3A_1904 = vector.broadcast %jit3A_1903 : i32 to vector<16xi32>
      %select_n3A_1905 = arith.select %and3A_1902, %broadcast_in_dim3A_1904, %select_n3A_1884 : vector<16xi1>, vector<16xi32>
      %sub3A_1906 = arith.constant 4 : i32
      %sub3A_1907 = arith.subi %add3A_1829, %sub3A_1906 : i32
      %get3A_1908 = arith.index_cast %sub3A_1907 : i32 to index
      %get3A_1909 = tpu.vector_load %arg5[%get3A_1908] {strides = array<i32>} : memref<1032xi32, #tpu.memory_space<vmem>>, vector<16xi32>,
      %ge3A_1910 = arith.constant 0 : i32
      %ge3A_1911 = vector.broadcast %ge3A_1910 : i32 to vector<16xi32>
      %ge3A_1912 = arith.cmpi sge, %get3A_1909, %ge3A_1911 : vector<16xi32>
      %jit3A_1913 = arith.constant 0 : i32
      %broadcast_in_dim3A_1914 = vector.broadcast %jit3A_1913 : i32 to vector<16xi32>
      %select_n3A_1915 = arith.select %ge3A_1912, %get3A_1909, %broadcast_in_dim3A_1914 : vector<16xi1>, vector<16xi32>
      %shift_right_arithmetic3A_1916 = arith.constant 7 : i32
      %shift_right_arithmetic3A_1917 = vector.broadcast %shift_right_arithmetic3A_1916 : i32 to vector<16xi32>
      %shift_right_arithmetic3A_1918 = arith.shrsi %select_n3A_1915, %shift_right_arithmetic3A_1917 : vector<16xi32>
      %eq3A_1919 = arith.cmpi eq, %shift_right_arithmetic3A_1840, %shift_right_arithmetic3A_1918 : vector<16xi32>
      %ge3A_1920 = arith.constant 4 : i32
      %ge3A_1921 = vector.broadcast %ge3A_1920 : i32 to vector<16xi32>
      %ge3A_1922 = arith.cmpi sge, %and3A_6, %ge3A_1921 : vector<16xi32>
      %and3A_1923 = arith.andi %eq3A_1919, %ge3A_1922 : vector<16xi1>
      %jit3A_1924 = arith.constant 4 : i32
      %broadcast_in_dim3A_1925 = vector.broadcast %jit3A_1924 : i32 to vector<16xi32>
      %select_n3A_1926 = arith.select %and3A_1923, %broadcast_in_dim3A_1925, %select_n3A_1905 : vector<16xi1>, vector<16xi32>
      %sub3A_1927 = arith.constant 5 : i32
      %sub3A_1928 = arith.subi %add3A_1829, %sub3A_1927 : i32
      %get3A_1929 = arith.index_cast %sub3A_1928 : i32 to index
      %get3A_1930 = tpu.vector_load %arg5[%get3A_1929] {strides = array<i32>} : memref<1032xi32, #tpu.memory_space<vmem>>, vector<16xi32>,
      %ge3A_1931 = arith.constant 0 : i32
      %ge3A_1932 = vector.broadcast %ge3A_1931 : i32 to vector<16xi32>
      %ge3A_1933 = arith.cmpi sge, %get3A_1930, %ge3A_1932 : vector<16xi32>
      %jit3A_1934 = arith.constant 0 : i32
      %broadcast_in_dim3A_1935 = vector.broadcast %jit3A_1934 : i32 to vector<16xi32>
      %select_n3A_1936 = arith.select %ge3A_1933, %get3A_1930, %broadcast_in_dim3A_1935 : vector<16xi1>, vector<16xi32>
      %shift_right_arithmetic3A_1937 = arith.constant 7 : i32
      %shift_right_arithmetic3A_1938 = vector.broadcast %shift_right_arithmetic3A_1937 : i32 to vector<16xi32>
      %shift_right_arithmetic3A_1939 = arith.shrsi %select_n3A_1936, %shift_right_arithmetic3A_1938 : vector<16xi32>
      %eq3A_1940 = arith.cmpi eq, %shift_right_arithmetic3A_1840, %shift_right_arithmetic3A_1939 : vector<16xi32>
      %ge3A_1941 = arith.constant 5 : i32
      %ge3A_1942 = vector.broadcast %ge3A_1941 : i32 to vector<16xi32>
      %ge3A_1943 = arith.cmpi sge, %and3A_6, %ge3A_1942 : vector<16xi32>
      %and3A_1944 = arith.andi %eq3A_1940, %ge3A_1943 : vector<16xi1>
      %jit3A_1945 = arith.constant 5 : i32
      %broadcast_in_dim3A_1946 = vector.broadcast %jit3A_1945 : i32 to vector<16xi32>
      %select_n3A_1947 = arith.select %and3A_1944, %broadcast_in_dim3A_1946, %select_n3A_1926 : vector<16xi1>, vector<16xi32>
      %sub3A_1948 = arith.constant 6 : i32
      %sub3A_1949 = arith.subi %add3A_1829, %sub3A_1948 : i32
      %get3A_1950 = arith.index_cast %sub3A_1949 : i32 to index
      %get3A_1951 = tpu.vector_load %arg5[%get3A_1950] {strides = array<i32>} : memref<1032xi32, #tpu.memory_space<vmem>>, vector<16xi32>,
      %ge3A_1952 = arith.constant 0 : i32
      %ge3A_1953 = vector.broadcast %ge3A_1952 : i32 to vector<16xi32>
      %ge3A_1954 = arith.cmpi sge, %get3A_1951, %ge3A_1953 : vector<16xi32>
      %jit3A_1955 = arith.constant 0 : i32
      %broadcast_in_dim3A_1956 = vector.broadcast %jit3A_1955 : i32 to vector<16xi32>
      %select_n3A_1957 = arith.select %ge3A_1954, %get3A_1951, %broadcast_in_dim3A_1956 : vector<16xi1>, vector<16xi32>
      %shift_right_arithmetic3A_1958 = arith.constant 7 : i32
      %shift_right_arithmetic3A_1959 = vector.broadcast %shift_right_arithmetic3A_1958 : i32 to vector<16xi32>
      %shift_right_arithmetic3A_1960 = arith.shrsi %select_n3A_1957, %shift_right_arithmetic3A_1959 : vector<16xi32>
      %eq3A_1961 = arith.cmpi eq, %shift_right_arithmetic3A_1840, %shift_right_arithmetic3A_1960 : vector<16xi32>
      %ge3A_1962 = arith.constant 6 : i32
      %ge3A_1963 = vector.broadcast %ge3A_1962 : i32 to vector<16xi32>
      %ge3A_1964 = arith.cmpi sge, %and3A_6, %ge3A_1963 : vector<16xi32>
      %and3A_1965 = arith.andi %eq3A_1961, %ge3A_1964 : vector<16xi1>
      %jit3A_1966 = arith.constant 6 : i32
      %broadcast_in_dim3A_1967 = vector.broadcast %jit3A_1966 : i32 to vector<16xi32>
      %select_n3A_1968 = arith.select %and3A_1965, %broadcast_in_dim3A_1967, %select_n3A_1947 : vector<16xi1>, vector<16xi32>
      %sub3A_1969 = arith.constant 7 : i32
      %sub3A_1970 = arith.subi %add3A_1829, %sub3A_1969 : i32
      %get3A_1971 = arith.index_cast %sub3A_1970 : i32 to index
      %get3A_1972 = tpu.vector_load %arg5[%get3A_1971] {strides = array<i32>} : memref<1032xi32, #tpu.memory_space<vmem>>, vector<16xi32>,
      %ge3A_1973 = arith.constant 0 : i32
      %ge3A_1974 = vector.broadcast %ge3A_1973 : i32 to vector<16xi32>
      %ge3A_1975 = arith.cmpi sge, %get3A_1972, %ge3A_1974 : vector<16xi32>
      %jit3A_1976 = arith.constant 0 : i32
      %broadcast_in_dim3A_1977 = vector.broadcast %jit3A_1976 : i32 to vector<16xi32>
      %select_n3A_1978 = arith.select %ge3A_1975, %get3A_1972, %broadcast_in_dim3A_1977 : vector<16xi1>, vector<16xi32>
      %shift_right_arithmetic3A_1979 = arith.constant 7 : i32
      %shift_right_arithmetic3A_1980 = vector.broadcast %shift_right_arithmetic3A_1979 : i32 to vector<16xi32>
      %shift_right_arithmetic3A_1981 = arith.shrsi %select_n3A_1978, %shift_right_arithmetic3A_1980 : vector<16xi32>
      %eq3A_1982 = arith.cmpi eq, %shift_right_arithmetic3A_1840, %shift_right_arithmetic3A_1981 : vector<16xi32>
      %ge3A_1983 = arith.constant 7 : i32
      %ge3A_1984 = vector.broadcast %ge3A_1983 : i32 to vector<16xi32>
      %ge3A_1985 = arith.cmpi sge, %and3A_6, %ge3A_1984 : vector<16xi32>
      %and3A_1986 = arith.andi %eq3A_1982, %ge3A_1985 : vector<16xi1>
      %jit3A_1987 = arith.constant 7 : i32
      %broadcast_in_dim3A_1988 = vector.broadcast %jit3A_1987 : i32 to vector<16xi32>
      %select_n3A_1989 = arith.select %and3A_1986, %broadcast_in_dim3A_1988, %select_n3A_1968 : vector<16xi1>, vector<16xi32>
      %add3A_1990 = arith.constant 16 : i32
      %add3A_1991 = vector.broadcast %add3A_1990 : i32 to vector<16xi32>
      %add3A_1992 = arith.addi %add3A_1991, %iota3A : vector<16xi32>
      %sub3A_1993 = arith.subi %add3A_1992, %select_n3A_1989 : vector<16xi32>
      %mul3A_1994 = arith.constant 32 : i32
      %mul3A_1995 = arith.muli %scan3A_959, %mul3A_1994 : i32
      %add3A_1996 = arith.addi %mul3A_2, %mul3A_1995 : i32
      %add3A_1997 = arith.constant 16 : i32
      %add3A_1998 = arith.addi %add3A_1996, %add3A_1997 : i32
      %add3A_1999 = vector.broadcast %add3A_1998 : i32 to vector<16xi32>
      %add3A_2000 = arith.addi %add3A_1999, %iota3A : vector<16xi32>
      %and3A_2001 = arith.constant 7 : i32
      %and3A_2002 = vector.broadcast %and3A_2001 : i32 to vector<16xi32>
      %and3A_2003 = arith.andi %add3A_2000, %and3A_2002 : vector<16xi32>
      %and3A_2004 = arith.constant 127 : i32
      %and3A_2005 = vector.broadcast %and3A_2004 : i32 to vector<16xi32>
      %and3A_2006 = arith.andi %select_n3A_1815, %and3A_2005 : vector<16xi32>
      %gather3A_2007 = arith.constant 0 : i32
      %gather3A_2008 = arith.constant 0 : i32
      %gather3A_2009 = arith.constant 0 : i32
      %gather3A_2010 = tpu.memref_slice %arg6[%and3A_1583, %gather3A_2007, %gather3A_2008, %gather3A_2009] : memref<2x32x8x128xf32, #tpu.memory_space<vmem>> -> memref<1x32x8x128xf32, #tpu.memory_space<vmem>>
      %gather3A_2011 = tpu.memref_squeeze %gather3A_2010 : memref<1x32x8x128xf32, #tpu.memory_space<vmem>> -> memref<32x8x128xf32, #tpu.memory_space<vmem>>
      %gather3A_2012 = tpu.vector_load_idx %gather3A_2011[%sub3A_1993, %and3A_2003, %and3A_2006] : memref<32x8x128xf32, #tpu.memory_space<vmem>>[vector<16xi32>, vector<16xi32>, vector<16xi32>], vector<16xf32>,
      %sub3A_2013 = arith.constant 1.000000e+00 : f32
      %sub3A_2014 = vector.broadcast %sub3A_2013 : f32 to vector<16xf32>
      %sub3A_2015 = arith.subf %sub3A_2014, %gather3A_2012 : vector<16xf32>
      %mul3A_2016 = arith.mulf %sub3A_2015, %sub3A_2015 : vector<16xf32>
      %mul3A_2017 = arith.mulf %mul3A_2016, %select_n3A_1823 : vector<16xf32>
      %add3A_2018 = arith.addf %add3A_1800, %mul3A_2017 : vector<16xf32>
      %add3A_2019 = arith.addf %add3A_1801, %select_n3A_1823 : vector<16xf32>
      scf.yield %add3A_2018, %add3A_2019, %add3A_1459 : vector<16xf32>, vector<16xf32>, i32
    }
    %scan3A_557 = arith.constant 31 : i32
    %while3A = arith.constant 0 : i32
    %while3A_558 = arith.constant 0 : i32
    %while3A_559 = arith.subi %scan3A_556#2, %while3A_558 : i32
    %while3A_560 = arith.addi %while3A_558, %while3A_559 : i32
    %while3A_561 = arith.constant 1 : i32
    %while3A_562 = arith.divsi %while3A_559, %while3A_561 : i32
    %while3A_563 = arith.muli %while3A_562, %while3A_561 : i32
    %while3A_564 = arith.addi %while3A_558, %while3A_563 : i32
    %while3A_565 = arith.constant 1 : i32
    scf.for %while3A_959 = %while3A_558 to %while3A_564 step %while3A_565  : i32 {
      %dma_wait3A = arith.constant 0 : i32
      %dma_wait3A_960 = arith.constant 0 : i32
      %dma_wait3A_961 = arith.constant 0 : i32
      %dma_wait3A_962 = arith.constant 0 : i32
      %dma_wait3A_963 = tpu.memref_slice %arg6[%dma_wait3A, %dma_wait3A_960, %dma_wait3A_961, %dma_wait3A_962] : memref<2x32x8x128xf32, #tpu.memory_space<vmem>> -> memref<1x1x8x128xf32, #tpu.memory_space<vmem>>
      %dma_wait3A_964 = tpu.memref_squeeze %dma_wait3A_963 : memref<1x1x8x128xf32, #tpu.memory_space<vmem>> -> memref<8x128xf32, #tpu.memory_space<vmem>>
      %dma_wait3A_965 = arith.constant 0 : i32
      %dma_wait3A_966 = arith.constant 0 : i32
      %dma_wait3A_967 = tpu.memref_slice %arg2[%dma_wait3A_965, %dma_wait3A_966] : memref<32768x2048xf32, #tpu.memory_space<hbm>> -> memref<8x128xf32, #tpu.memory_space<hbm>>
      %dma_wait3A_968 = arith.constant 0 : i32
      %dma_wait3A_969 = arith.constant 0 : i32
      %dma_wait3A_970 = tpu.memref_slice %arg6[%dma_wait3A, %dma_wait3A_960, %dma_wait3A_968, %dma_wait3A_969] : memref<2x32x8x128xf32, #tpu.memory_space<vmem>> -> memref<1x1x8x128xf32, #tpu.memory_space<vmem>>
      %dma_wait3A_971 = tpu.memref_squeeze %dma_wait3A_970 : memref<1x1x8x128xf32, #tpu.memory_space<vmem>> -> memref<8x128xf32, #tpu.memory_space<vmem>>
      %dma_wait3A_972 = arith.constant 0 : i32
      %dma_wait3A_973 = arith.constant 0 : i32
      %dma_wait3A_974 = tpu.memref_slice %arg2[%dma_wait3A_972, %dma_wait3A_973] : memref<32768x2048xf32, #tpu.memory_space<hbm>> -> memref<8x128xf32, #tpu.memory_space<hbm>>
      tpu.wait_dma2 semaphore(%arg8 : memref<!tpu.dma_semaphore, #tpu.memory_space<semaphore_mem>>) src(%dma_wait3A_974 : memref<8x128xf32, #tpu.memory_space<hbm>>) dst(%dma_wait3A_971 : memref<8x128xf32, #tpu.memory_space<vmem>>)
    }
    %while3A_566 = arith.constant 1 : i32
    scf.for %while3A_959 = %while3A_564 to %while3A_560 step %while3A_566  : i32 {
      %dma_wait3A = arith.constant 0 : i32
      %dma_wait3A_960 = arith.constant 0 : i32
      %dma_wait3A_961 = arith.constant 0 : i32
      %dma_wait3A_962 = arith.constant 0 : i32
      %dma_wait3A_963 = tpu.memref_slice %arg6[%dma_wait3A, %dma_wait3A_960, %dma_wait3A_961, %dma_wait3A_962] : memref<2x32x8x128xf32, #tpu.memory_space<vmem>> -> memref<1x1x8x128xf32, #tpu.memory_space<vmem>>
      %dma_wait3A_964 = tpu.memref_squeeze %dma_wait3A_963 : memref<1x1x8x128xf32, #tpu.memory_space<vmem>> -> memref<8x128xf32, #tpu.memory_space<vmem>>
      %dma_wait3A_965 = arith.constant 0 : i32
      %dma_wait3A_966 = arith.constant 0 : i32
      %dma_wait3A_967 = tpu.memref_slice %arg2[%dma_wait3A_965, %dma_wait3A_966] : memref<32768x2048xf32, #tpu.memory_space<hbm>> -> memref<8x128xf32, #tpu.memory_space<hbm>>
      %dma_wait3A_968 = arith.constant 0 : i32
      %dma_wait3A_969 = arith.constant 0 : i32
      %dma_wait3A_970 = tpu.memref_slice %arg6[%dma_wait3A, %dma_wait3A_960, %dma_wait3A_968, %dma_wait3A_969] : memref<2x32x8x128xf32, #tpu.memory_space<vmem>> -> memref<1x1x8x128xf32, #tpu.memory_space<vmem>>
      %dma_wait3A_971 = tpu.memref_squeeze %dma_wait3A_970 : memref<1x1x8x128xf32, #tpu.memory_space<vmem>> -> memref<8x128xf32, #tpu.memory_space<vmem>>
      %dma_wait3A_972 = arith.constant 0 : i32
      %dma_wait3A_973 = arith.constant 0 : i32
      %dma_wait3A_974 = tpu.memref_slice %arg2[%dma_wait3A_972, %dma_wait3A_973] : memref<32768x2048xf32, #tpu.memory_space<hbm>> -> memref<8x128xf32, #tpu.memory_space<hbm>>
      tpu.wait_dma2 semaphore(%arg8 : memref<!tpu.dma_semaphore, #tpu.memory_space<semaphore_mem>>) src(%dma_wait3A_974 : memref<8x128xf32, #tpu.memory_space<hbm>>) dst(%dma_wait3A_971 : memref<8x128xf32, #tpu.memory_space<vmem>>)
    }
    %get3A_567 = arith.constant 1000 : index
    %get3A_568 = tpu.vector_load %arg5[%get3A_567] {strides = array<i32>} : memref<1032xi32, #tpu.memory_space<vmem>>, vector<16xi32>,
    %ge3A_569 = arith.constant 0 : i32
    %ge3A_570 = vector.broadcast %ge3A_569 : i32 to vector<16xi32>
    %ge3A_571 = arith.cmpi sge, %get3A_568, %ge3A_570 : vector<16xi32>
    %jit3A_572 = arith.constant 0 : i32
    %broadcast_in_dim3A_573 = vector.broadcast %jit3A_572 : i32 to vector<16xi32>
    %select_n3A_574 = arith.select %ge3A_571, %get3A_568, %broadcast_in_dim3A_573 : vector<16xi1>, vector<16xi32>
    %ge3A_575 = arith.constant 0 : i32
    %ge3A_576 = vector.broadcast %ge3A_575 : i32 to vector<16xi32>
    %ge3A_577 = arith.cmpi sge, %get3A_568, %ge3A_576 : vector<16xi32>
    %jit3A_578 = arith.constant 1.000000e+00 : f32
    %jit3A_579 = arith.constant 0.000000e+00 : f32
    %broadcast_in_dim3A_580 = vector.broadcast %jit3A_578 : f32 to vector<16xf32>
    %broadcast_in_dim3A_581 = vector.broadcast %jit3A_579 : f32 to vector<16xf32>
    %select_n3A_582 = arith.select %ge3A_577, %broadcast_in_dim3A_580, %broadcast_in_dim3A_581 : vector<16xi1>, vector<16xf32>
    %get3A_583 = arith.constant 1000 : index
    %get3A_584 = tpu.vector_load %arg5[%get3A_583] {strides = array<i32>} : memref<1032xi32, #tpu.memory_space<vmem>>, vector<16xi32>,
    %ge3A_585 = arith.constant 0 : i32
    %ge3A_586 = vector.broadcast %ge3A_585 : i32 to vector<16xi32>
    %ge3A_587 = arith.cmpi sge, %get3A_584, %ge3A_586 : vector<16xi32>
    %jit3A_588 = arith.constant 0 : i32
    %broadcast_in_dim3A_589 = vector.broadcast %jit3A_588 : i32 to vector<16xi32>
    %select_n3A_590 = arith.select %ge3A_587, %get3A_584, %broadcast_in_dim3A_589 : vector<16xi1>, vector<16xi32>
    %shift_right_arithmetic3A_591 = arith.constant 7 : i32
    %shift_right_arithmetic3A_592 = vector.broadcast %shift_right_arithmetic3A_591 : i32 to vector<16xi32>
    %shift_right_arithmetic3A_593 = arith.shrsi %select_n3A_590, %shift_right_arithmetic3A_592 : vector<16xi32>
    %broadcast_in_dim3A_594 = arith.constant 0 : i32
    %broadcast_in_dim3A_595 = vector.broadcast %broadcast_in_dim3A_594 : i32 to vector<16xi32>
    %get3A_596 = arith.constant 999 : index
    %get3A_597 = tpu.vector_load %arg5[%get3A_596] {strides = array<i32>} : memref<1032xi32, #tpu.memory_space<vmem>>, vector<16xi32>,
    %ge3A_598 = arith.constant 0 : i32
    %ge3A_599 = vector.broadcast %ge3A_598 : i32 to vector<16xi32>
    %ge3A_600 = arith.cmpi sge, %get3A_597, %ge3A_599 : vector<16xi32>
    %jit3A_601 = arith.constant 0 : i32
    %broadcast_in_dim3A_602 = vector.broadcast %jit3A_601 : i32 to vector<16xi32>
    %select_n3A_603 = arith.select %ge3A_600, %get3A_597, %broadcast_in_dim3A_602 : vector<16xi1>, vector<16xi32>
    %shift_right_arithmetic3A_604 = arith.constant 7 : i32
    %shift_right_arithmetic3A_605 = vector.broadcast %shift_right_arithmetic3A_604 : i32 to vector<16xi32>
    %shift_right_arithmetic3A_606 = arith.shrsi %select_n3A_603, %shift_right_arithmetic3A_605 : vector<16xi32>
    %eq3A_607 = arith.cmpi eq, %shift_right_arithmetic3A_593, %shift_right_arithmetic3A_606 : vector<16xi32>
    %ge3A_608 = arith.constant 1 : i32
    %ge3A_609 = vector.broadcast %ge3A_608 : i32 to vector<16xi32>
    %ge3A_610 = arith.cmpi sge, %and3A_6, %ge3A_609 : vector<16xi32>
    %and3A_611 = arith.andi %eq3A_607, %ge3A_610 : vector<16xi1>
    %jit3A_612 = arith.constant 1 : i32
    %broadcast_in_dim3A_613 = vector.broadcast %jit3A_612 : i32 to vector<16xi32>
    %select_n3A_614 = arith.select %and3A_611, %broadcast_in_dim3A_613, %broadcast_in_dim3A_595 : vector<16xi1>, vector<16xi32>
    %get3A_615 = arith.constant 998 : index
    %get3A_616 = tpu.vector_load %arg5[%get3A_615] {strides = array<i32>} : memref<1032xi32, #tpu.memory_space<vmem>>, vector<16xi32>,
    %ge3A_617 = arith.constant 0 : i32
    %ge3A_618 = vector.broadcast %ge3A_617 : i32 to vector<16xi32>
    %ge3A_619 = arith.cmpi sge, %get3A_616, %ge3A_618 : vector<16xi32>
    %jit3A_620 = arith.constant 0 : i32
    %broadcast_in_dim3A_621 = vector.broadcast %jit3A_620 : i32 to vector<16xi32>
    %select_n3A_622 = arith.select %ge3A_619, %get3A_616, %broadcast_in_dim3A_621 : vector<16xi1>, vector<16xi32>
    %shift_right_arithmetic3A_623 = arith.constant 7 : i32
    %shift_right_arithmetic3A_624 = vector.broadcast %shift_right_arithmetic3A_623 : i32 to vector<16xi32>
    %shift_right_arithmetic3A_625 = arith.shrsi %select_n3A_622, %shift_right_arithmetic3A_624 : vector<16xi32>
    %eq3A_626 = arith.cmpi eq, %shift_right_arithmetic3A_593, %shift_right_arithmetic3A_625 : vector<16xi32>
    %ge3A_627 = arith.constant 2 : i32
    %ge3A_628 = vector.broadcast %ge3A_627 : i32 to vector<16xi32>
    %ge3A_629 = arith.cmpi sge, %and3A_6, %ge3A_628 : vector<16xi32>
    %and3A_630 = arith.andi %eq3A_626, %ge3A_629 : vector<16xi1>
    %jit3A_631 = arith.constant 2 : i32
    %broadcast_in_dim3A_632 = vector.broadcast %jit3A_631 : i32 to vector<16xi32>
    %select_n3A_633 = arith.select %and3A_630, %broadcast_in_dim3A_632, %select_n3A_614 : vector<16xi1>, vector<16xi32>
    %get3A_634 = arith.constant 997 : index
    %get3A_635 = tpu.vector_load %arg5[%get3A_634] {strides = array<i32>} : memref<1032xi32, #tpu.memory_space<vmem>>, vector<16xi32>,
    %ge3A_636 = arith.constant 0 : i32
    %ge3A_637 = vector.broadcast %ge3A_636 : i32 to vector<16xi32>
    %ge3A_638 = arith.cmpi sge, %get3A_635, %ge3A_637 : vector<16xi32>
    %jit3A_639 = arith.constant 0 : i32
    %broadcast_in_dim3A_640 = vector.broadcast %jit3A_639 : i32 to vector<16xi32>
    %select_n3A_641 = arith.select %ge3A_638, %get3A_635, %broadcast_in_dim3A_640 : vector<16xi1>, vector<16xi32>
    %shift_right_arithmetic3A_642 = arith.constant 7 : i32
    %shift_right_arithmetic3A_643 = vector.broadcast %shift_right_arithmetic3A_642 : i32 to vector<16xi32>
    %shift_right_arithmetic3A_644 = arith.shrsi %select_n3A_641, %shift_right_arithmetic3A_643 : vector<16xi32>
    %eq3A_645 = arith.cmpi eq, %shift_right_arithmetic3A_593, %shift_right_arithmetic3A_644 : vector<16xi32>
    %ge3A_646 = arith.constant 3 : i32
    %ge3A_647 = vector.broadcast %ge3A_646 : i32 to vector<16xi32>
    %ge3A_648 = arith.cmpi sge, %and3A_6, %ge3A_647 : vector<16xi32>
    %and3A_649 = arith.andi %eq3A_645, %ge3A_648 : vector<16xi1>
    %jit3A_650 = arith.constant 3 : i32
    %broadcast_in_dim3A_651 = vector.broadcast %jit3A_650 : i32 to vector<16xi32>
    %select_n3A_652 = arith.select %and3A_649, %broadcast_in_dim3A_651, %select_n3A_633 : vector<16xi1>, vector<16xi32>
    %get3A_653 = arith.constant 996 : index
    %get3A_654 = tpu.vector_load %arg5[%get3A_653] {strides = array<i32>} : memref<1032xi32, #tpu.memory_space<vmem>>, vector<16xi32>,
    %ge3A_655 = arith.constant 0 : i32
    %ge3A_656 = vector.broadcast %ge3A_655 : i32 to vector<16xi32>
    %ge3A_657 = arith.cmpi sge, %get3A_654, %ge3A_656 : vector<16xi32>
    %jit3A_658 = arith.constant 0 : i32
    %broadcast_in_dim3A_659 = vector.broadcast %jit3A_658 : i32 to vector<16xi32>
    %select_n3A_660 = arith.select %ge3A_657, %get3A_654, %broadcast_in_dim3A_659 : vector<16xi1>, vector<16xi32>
    %shift_right_arithmetic3A_661 = arith.constant 7 : i32
    %shift_right_arithmetic3A_662 = vector.broadcast %shift_right_arithmetic3A_661 : i32 to vector<16xi32>
    %shift_right_arithmetic3A_663 = arith.shrsi %select_n3A_660, %shift_right_arithmetic3A_662 : vector<16xi32>
    %eq3A_664 = arith.cmpi eq, %shift_right_arithmetic3A_593, %shift_right_arithmetic3A_663 : vector<16xi32>
    %ge3A_665 = arith.constant 4 : i32
    %ge3A_666 = vector.broadcast %ge3A_665 : i32 to vector<16xi32>
    %ge3A_667 = arith.cmpi sge, %and3A_6, %ge3A_666 : vector<16xi32>
    %and3A_668 = arith.andi %eq3A_664, %ge3A_667 : vector<16xi1>
    %jit3A_669 = arith.constant 4 : i32
    %broadcast_in_dim3A_670 = vector.broadcast %jit3A_669 : i32 to vector<16xi32>
    %select_n3A_671 = arith.select %and3A_668, %broadcast_in_dim3A_670, %select_n3A_652 : vector<16xi1>, vector<16xi32>
    %get3A_672 = arith.constant 995 : index
    %get3A_673 = tpu.vector_load %arg5[%get3A_672] {strides = array<i32>} : memref<1032xi32, #tpu.memory_space<vmem>>, vector<16xi32>,
    %ge3A_674 = arith.constant 0 : i32
    %ge3A_675 = vector.broadcast %ge3A_674 : i32 to vector<16xi32>
    %ge3A_676 = arith.cmpi sge, %get3A_673, %ge3A_675 : vector<16xi32>
    %jit3A_677 = arith.constant 0 : i32
    %broadcast_in_dim3A_678 = vector.broadcast %jit3A_677 : i32 to vector<16xi32>
    %select_n3A_679 = arith.select %ge3A_676, %get3A_673, %broadcast_in_dim3A_678 : vector<16xi1>, vector<16xi32>
    %shift_right_arithmetic3A_680 = arith.constant 7 : i32
    %shift_right_arithmetic3A_681 = vector.broadcast %shift_right_arithmetic3A_680 : i32 to vector<16xi32>
    %shift_right_arithmetic3A_682 = arith.shrsi %select_n3A_679, %shift_right_arithmetic3A_681 : vector<16xi32>
    %eq3A_683 = arith.cmpi eq, %shift_right_arithmetic3A_593, %shift_right_arithmetic3A_682 : vector<16xi32>
    %ge3A_684 = arith.constant 5 : i32
    %ge3A_685 = vector.broadcast %ge3A_684 : i32 to vector<16xi32>
    %ge3A_686 = arith.cmpi sge, %and3A_6, %ge3A_685 : vector<16xi32>
    %and3A_687 = arith.andi %eq3A_683, %ge3A_686 : vector<16xi1>
    %jit3A_688 = arith.constant 5 : i32
    %broadcast_in_dim3A_689 = vector.broadcast %jit3A_688 : i32 to vector<16xi32>
    %select_n3A_690 = arith.select %and3A_687, %broadcast_in_dim3A_689, %select_n3A_671 : vector<16xi1>, vector<16xi32>
    %get3A_691 = arith.constant 994 : index
    %get3A_692 = tpu.vector_load %arg5[%get3A_691] {strides = array<i32>} : memref<1032xi32, #tpu.memory_space<vmem>>, vector<16xi32>,
    %ge3A_693 = arith.constant 0 : i32
    %ge3A_694 = vector.broadcast %ge3A_693 : i32 to vector<16xi32>
    %ge3A_695 = arith.cmpi sge, %get3A_692, %ge3A_694 : vector<16xi32>
    %jit3A_696 = arith.constant 0 : i32
    %broadcast_in_dim3A_697 = vector.broadcast %jit3A_696 : i32 to vector<16xi32>
    %select_n3A_698 = arith.select %ge3A_695, %get3A_692, %broadcast_in_dim3A_697 : vector<16xi1>, vector<16xi32>
    %shift_right_arithmetic3A_699 = arith.constant 7 : i32
    %shift_right_arithmetic3A_700 = vector.broadcast %shift_right_arithmetic3A_699 : i32 to vector<16xi32>
    %shift_right_arithmetic3A_701 = arith.shrsi %select_n3A_698, %shift_right_arithmetic3A_700 : vector<16xi32>
    %eq3A_702 = arith.cmpi eq, %shift_right_arithmetic3A_593, %shift_right_arithmetic3A_701 : vector<16xi32>
    %ge3A_703 = arith.constant 6 : i32
    %ge3A_704 = vector.broadcast %ge3A_703 : i32 to vector<16xi32>
    %ge3A_705 = arith.cmpi sge, %and3A_6, %ge3A_704 : vector<16xi32>
    %and3A_706 = arith.andi %eq3A_702, %ge3A_705 : vector<16xi1>
    %jit3A_707 = arith.constant 6 : i32
    %broadcast_in_dim3A_708 = vector.broadcast %jit3A_707 : i32 to vector<16xi32>
    %select_n3A_709 = arith.select %and3A_706, %broadcast_in_dim3A_708, %select_n3A_690 : vector<16xi1>, vector<16xi32>
    %get3A_710 = arith.constant 993 : index
    %get3A_711 = tpu.vector_load %arg5[%get3A_710] {strides = array<i32>} : memref<1032xi32, #tpu.memory_space<vmem>>, vector<16xi32>,
    %ge3A_712 = arith.constant 0 : i32
    %ge3A_713 = vector.broadcast %ge3A_712 : i32 to vector<16xi32>
    %ge3A_714 = arith.cmpi sge, %get3A_711, %ge3A_713 : vector<16xi32>
    %jit3A_715 = arith.constant 0 : i32
    %broadcast_in_dim3A_716 = vector.broadcast %jit3A_715 : i32 to vector<16xi32>
    %select_n3A_717 = arith.select %ge3A_714, %get3A_711, %broadcast_in_dim3A_716 : vector<16xi1>, vector<16xi32>
    %shift_right_arithmetic3A_718 = arith.constant 7 : i32
    %shift_right_arithmetic3A_719 = vector.broadcast %shift_right_arithmetic3A_718 : i32 to vector<16xi32>
    %shift_right_arithmetic3A_720 = arith.shrsi %select_n3A_717, %shift_right_arithmetic3A_719 : vector<16xi32>
    %eq3A_721 = arith.cmpi eq, %shift_right_arithmetic3A_593, %shift_right_arithmetic3A_720 : vector<16xi32>
    %ge3A_722 = arith.constant 7 : i32
    %ge3A_723 = vector.broadcast %ge3A_722 : i32 to vector<16xi32>
    %ge3A_724 = arith.cmpi sge, %and3A_6, %ge3A_723 : vector<16xi32>
    %and3A_725 = arith.andi %eq3A_721, %ge3A_724 : vector<16xi1>
    %jit3A_726 = arith.constant 7 : i32
    %broadcast_in_dim3A_727 = vector.broadcast %jit3A_726 : i32 to vector<16xi32>
    %select_n3A_728 = arith.select %and3A_725, %broadcast_in_dim3A_727, %select_n3A_709 : vector<16xi1>, vector<16xi32>
    %add3A_729 = arith.constant 0 : i32
    %add3A_730 = vector.broadcast %add3A_729 : i32 to vector<16xi32>
    %add3A_731 = arith.addi %add3A_730, %iota3A : vector<16xi32>
    %sub3A = arith.subi %add3A_731, %select_n3A_728 : vector<16xi32>
    %add3A_732 = arith.constant 992 : i32
    %add3A_733 = arith.addi %mul3A_2, %add3A_732 : i32
    %add3A_734 = arith.constant 0 : i32
    %add3A_735 = arith.addi %add3A_733, %add3A_734 : i32
    %add3A_736 = vector.broadcast %add3A_735 : i32 to vector<16xi32>
    %add3A_737 = arith.addi %add3A_736, %iota3A : vector<16xi32>
    %and3A_738 = arith.constant 7 : i32
    %and3A_739 = vector.broadcast %and3A_738 : i32 to vector<16xi32>
    %and3A_740 = arith.andi %add3A_737, %and3A_739 : vector<16xi32>
    %and3A_741 = arith.constant 127 : i32
    %and3A_742 = vector.broadcast %and3A_741 : i32 to vector<16xi32>
    %and3A_743 = arith.andi %select_n3A_574, %and3A_742 : vector<16xi32>
    %gather3A = arith.constant 1 : i32
    %gather3A_744 = arith.constant 0 : i32
    %gather3A_745 = arith.constant 0 : i32
    %gather3A_746 = arith.constant 0 : i32
    %gather3A_747 = tpu.memref_slice %arg6[%gather3A, %gather3A_744, %gather3A_745, %gather3A_746] : memref<2x32x8x128xf32, #tpu.memory_space<vmem>> -> memref<1x32x8x128xf32, #tpu.memory_space<vmem>>
    %gather3A_748 = tpu.memref_squeeze %gather3A_747 : memref<1x32x8x128xf32, #tpu.memory_space<vmem>> -> memref<32x8x128xf32, #tpu.memory_space<vmem>>
    %gather3A_749 = tpu.vector_load_idx %gather3A_748[%sub3A, %and3A_740, %and3A_743] : memref<32x8x128xf32, #tpu.memory_space<vmem>>[vector<16xi32>, vector<16xi32>, vector<16xi32>], vector<16xf32>,
    %sub3A_750 = arith.constant 1.000000e+00 : f32
    %sub3A_751 = vector.broadcast %sub3A_750 : f32 to vector<16xf32>
    %sub3A_752 = arith.subf %sub3A_751, %gather3A_749 : vector<16xf32>
    %mul3A_753 = arith.mulf %sub3A_752, %sub3A_752 : vector<16xf32>
    %mul3A_754 = arith.mulf %mul3A_753, %select_n3A_582 : vector<16xf32>
    %add3A_755 = arith.addf %scan3A_556#0, %mul3A_754 : vector<16xf32>
    %add3A_756 = arith.addf %scan3A_556#1, %select_n3A_582 : vector<16xf32>
    %get3A_757 = arith.constant 1016 : index
    %get3A_758 = tpu.vector_load %arg5[%get3A_757] {strides = array<i32>} : memref<1032xi32, #tpu.memory_space<vmem>>, vector<16xi32>,
    %ge3A_759 = arith.constant 0 : i32
    %ge3A_760 = vector.broadcast %ge3A_759 : i32 to vector<16xi32>
    %ge3A_761 = arith.cmpi sge, %get3A_758, %ge3A_760 : vector<16xi32>
    %jit3A_762 = arith.constant 0 : i32
    %broadcast_in_dim3A_763 = vector.broadcast %jit3A_762 : i32 to vector<16xi32>
    %select_n3A_764 = arith.select %ge3A_761, %get3A_758, %broadcast_in_dim3A_763 : vector<16xi1>, vector<16xi32>
    %ge3A_765 = arith.constant 0 : i32
    %ge3A_766 = vector.broadcast %ge3A_765 : i32 to vector<16xi32>
    %ge3A_767 = arith.cmpi sge, %get3A_758, %ge3A_766 : vector<16xi32>
    %jit3A_768 = arith.constant 1.000000e+00 : f32
    %jit3A_769 = arith.constant 0.000000e+00 : f32
    %broadcast_in_dim3A_770 = vector.broadcast %jit3A_768 : f32 to vector<16xf32>
    %broadcast_in_dim3A_771 = vector.broadcast %jit3A_769 : f32 to vector<16xf32>
    %select_n3A_772 = arith.select %ge3A_767, %broadcast_in_dim3A_770, %broadcast_in_dim3A_771 : vector<16xi1>, vector<16xf32>
    %get3A_773 = arith.constant 1016 : index
    %get3A_774 = tpu.vector_load %arg5[%get3A_773] {strides = array<i32>} : memref<1032xi32, #tpu.memory_space<vmem>>, vector<16xi32>,
    %ge3A_775 = arith.constant 0 : i32
    %ge3A_776 = vector.broadcast %ge3A_775 : i32 to vector<16xi32>
    %ge3A_777 = arith.cmpi sge, %get3A_774, %ge3A_776 : vector<16xi32>
    %jit3A_778 = arith.constant 0 : i32
    %broadcast_in_dim3A_779 = vector.broadcast %jit3A_778 : i32 to vector<16xi32>
    %select_n3A_780 = arith.select %ge3A_777, %get3A_774, %broadcast_in_dim3A_779 : vector<16xi1>, vector<16xi32>
    %shift_right_arithmetic3A_781 = arith.constant 7 : i32
    %shift_right_arithmetic3A_782 = vector.broadcast %shift_right_arithmetic3A_781 : i32 to vector<16xi32>
    %shift_right_arithmetic3A_783 = arith.shrsi %select_n3A_780, %shift_right_arithmetic3A_782 : vector<16xi32>
    %broadcast_in_dim3A_784 = arith.constant 0 : i32
    %broadcast_in_dim3A_785 = vector.broadcast %broadcast_in_dim3A_784 : i32 to vector<16xi32>
    %get3A_786 = arith.constant 1015 : index
    %get3A_787 = tpu.vector_load %arg5[%get3A_786] {strides = array<i32>} : memref<1032xi32, #tpu.memory_space<vmem>>, vector<16xi32>,
    %ge3A_788 = arith.constant 0 : i32
    %ge3A_789 = vector.broadcast %ge3A_788 : i32 to vector<16xi32>
    %ge3A_790 = arith.cmpi sge, %get3A_787, %ge3A_789 : vector<16xi32>
    %jit3A_791 = arith.constant 0 : i32
    %broadcast_in_dim3A_792 = vector.broadcast %jit3A_791 : i32 to vector<16xi32>
    %select_n3A_793 = arith.select %ge3A_790, %get3A_787, %broadcast_in_dim3A_792 : vector<16xi1>, vector<16xi32>
    %shift_right_arithmetic3A_794 = arith.constant 7 : i32
    %shift_right_arithmetic3A_795 = vector.broadcast %shift_right_arithmetic3A_794 : i32 to vector<16xi32>
    %shift_right_arithmetic3A_796 = arith.shrsi %select_n3A_793, %shift_right_arithmetic3A_795 : vector<16xi32>
    %eq3A_797 = arith.cmpi eq, %shift_right_arithmetic3A_783, %shift_right_arithmetic3A_796 : vector<16xi32>
    %ge3A_798 = arith.constant 1 : i32
    %ge3A_799 = vector.broadcast %ge3A_798 : i32 to vector<16xi32>
    %ge3A_800 = arith.cmpi sge, %and3A_6, %ge3A_799 : vector<16xi32>
    %and3A_801 = arith.andi %eq3A_797, %ge3A_800 : vector<16xi1>
    %jit3A_802 = arith.constant 1 : i32
    %broadcast_in_dim3A_803 = vector.broadcast %jit3A_802 : i32 to vector<16xi32>
    %select_n3A_804 = arith.select %and3A_801, %broadcast_in_dim3A_803, %broadcast_in_dim3A_785 : vector<16xi1>, vector<16xi32>
    %get3A_805 = arith.constant 1014 : index
    %get3A_806 = tpu.vector_load %arg5[%get3A_805] {strides = array<i32>} : memref<1032xi32, #tpu.memory_space<vmem>>, vector<16xi32>,
    %ge3A_807 = arith.constant 0 : i32
    %ge3A_808 = vector.broadcast %ge3A_807 : i32 to vector<16xi32>
    %ge3A_809 = arith.cmpi sge, %get3A_806, %ge3A_808 : vector<16xi32>
    %jit3A_810 = arith.constant 0 : i32
    %broadcast_in_dim3A_811 = vector.broadcast %jit3A_810 : i32 to vector<16xi32>
    %select_n3A_812 = arith.select %ge3A_809, %get3A_806, %broadcast_in_dim3A_811 : vector<16xi1>, vector<16xi32>
    %shift_right_arithmetic3A_813 = arith.constant 7 : i32
    %shift_right_arithmetic3A_814 = vector.broadcast %shift_right_arithmetic3A_813 : i32 to vector<16xi32>
    %shift_right_arithmetic3A_815 = arith.shrsi %select_n3A_812, %shift_right_arithmetic3A_814 : vector<16xi32>
    %eq3A_816 = arith.cmpi eq, %shift_right_arithmetic3A_783, %shift_right_arithmetic3A_815 : vector<16xi32>
    %ge3A_817 = arith.constant 2 : i32
    %ge3A_818 = vector.broadcast %ge3A_817 : i32 to vector<16xi32>
    %ge3A_819 = arith.cmpi sge, %and3A_6, %ge3A_818 : vector<16xi32>
    %and3A_820 = arith.andi %eq3A_816, %ge3A_819 : vector<16xi1>
    %jit3A_821 = arith.constant 2 : i32
    %broadcast_in_dim3A_822 = vector.broadcast %jit3A_821 : i32 to vector<16xi32>
    %select_n3A_823 = arith.select %and3A_820, %broadcast_in_dim3A_822, %select_n3A_804 : vector<16xi1>, vector<16xi32>
    %get3A_824 = arith.constant 1013 : index
    %get3A_825 = tpu.vector_load %arg5[%get3A_824] {strides = array<i32>} : memref<1032xi32, #tpu.memory_space<vmem>>, vector<16xi32>,
    %ge3A_826 = arith.constant 0 : i32
    %ge3A_827 = vector.broadcast %ge3A_826 : i32 to vector<16xi32>
    %ge3A_828 = arith.cmpi sge, %get3A_825, %ge3A_827 : vector<16xi32>
    %jit3A_829 = arith.constant 0 : i32
    %broadcast_in_dim3A_830 = vector.broadcast %jit3A_829 : i32 to vector<16xi32>
    %select_n3A_831 = arith.select %ge3A_828, %get3A_825, %broadcast_in_dim3A_830 : vector<16xi1>, vector<16xi32>
    %shift_right_arithmetic3A_832 = arith.constant 7 : i32
    %shift_right_arithmetic3A_833 = vector.broadcast %shift_right_arithmetic3A_832 : i32 to vector<16xi32>
    %shift_right_arithmetic3A_834 = arith.shrsi %select_n3A_831, %shift_right_arithmetic3A_833 : vector<16xi32>
    %eq3A_835 = arith.cmpi eq, %shift_right_arithmetic3A_783, %shift_right_arithmetic3A_834 : vector<16xi32>
    %ge3A_836 = arith.constant 3 : i32
    %ge3A_837 = vector.broadcast %ge3A_836 : i32 to vector<16xi32>
    %ge3A_838 = arith.cmpi sge, %and3A_6, %ge3A_837 : vector<16xi32>
    %and3A_839 = arith.andi %eq3A_835, %ge3A_838 : vector<16xi1>
    %jit3A_840 = arith.constant 3 : i32
    %broadcast_in_dim3A_841 = vector.broadcast %jit3A_840 : i32 to vector<16xi32>
    %select_n3A_842 = arith.select %and3A_839, %broadcast_in_dim3A_841, %select_n3A_823 : vector<16xi1>, vector<16xi32>
    %get3A_843 = arith.constant 1012 : index
    %get3A_844 = tpu.vector_load %arg5[%get3A_843] {strides = array<i32>} : memref<1032xi32, #tpu.memory_space<vmem>>, vector<16xi32>,
    %ge3A_845 = arith.constant 0 : i32
    %ge3A_846 = vector.broadcast %ge3A_845 : i32 to vector<16xi32>
    %ge3A_847 = arith.cmpi sge, %get3A_844, %ge3A_846 : vector<16xi32>
    %jit3A_848 = arith.constant 0 : i32
    %broadcast_in_dim3A_849 = vector.broadcast %jit3A_848 : i32 to vector<16xi32>
    %select_n3A_850 = arith.select %ge3A_847, %get3A_844, %broadcast_in_dim3A_849 : vector<16xi1>, vector<16xi32>
    %shift_right_arithmetic3A_851 = arith.constant 7 : i32
    %shift_right_arithmetic3A_852 = vector.broadcast %shift_right_arithmetic3A_851 : i32 to vector<16xi32>
    %shift_right_arithmetic3A_853 = arith.shrsi %select_n3A_850, %shift_right_arithmetic3A_852 : vector<16xi32>
    %eq3A_854 = arith.cmpi eq, %shift_right_arithmetic3A_783, %shift_right_arithmetic3A_853 : vector<16xi32>
    %ge3A_855 = arith.constant 4 : i32
    %ge3A_856 = vector.broadcast %ge3A_855 : i32 to vector<16xi32>
    %ge3A_857 = arith.cmpi sge, %and3A_6, %ge3A_856 : vector<16xi32>
    %and3A_858 = arith.andi %eq3A_854, %ge3A_857 : vector<16xi1>
    %jit3A_859 = arith.constant 4 : i32
    %broadcast_in_dim3A_860 = vector.broadcast %jit3A_859 : i32 to vector<16xi32>
    %select_n3A_861 = arith.select %and3A_858, %broadcast_in_dim3A_860, %select_n3A_842 : vector<16xi1>, vector<16xi32>
    %get3A_862 = arith.constant 1011 : index
    %get3A_863 = tpu.vector_load %arg5[%get3A_862] {strides = array<i32>} : memref<1032xi32, #tpu.memory_space<vmem>>, vector<16xi32>,
    %ge3A_864 = arith.constant 0 : i32
    %ge3A_865 = vector.broadcast %ge3A_864 : i32 to vector<16xi32>
    %ge3A_866 = arith.cmpi sge, %get3A_863, %ge3A_865 : vector<16xi32>
    %jit3A_867 = arith.constant 0 : i32
    %broadcast_in_dim3A_868 = vector.broadcast %jit3A_867 : i32 to vector<16xi32>
    %select_n3A_869 = arith.select %ge3A_866, %get3A_863, %broadcast_in_dim3A_868 : vector<16xi1>, vector<16xi32>
    %shift_right_arithmetic3A_870 = arith.constant 7 : i32
    %shift_right_arithmetic3A_871 = vector.broadcast %shift_right_arithmetic3A_870 : i32 to vector<16xi32>
    %shift_right_arithmetic3A_872 = arith.shrsi %select_n3A_869, %shift_right_arithmetic3A_871 : vector<16xi32>
    %eq3A_873 = arith.cmpi eq, %shift_right_arithmetic3A_783, %shift_right_arithmetic3A_872 : vector<16xi32>
    %ge3A_874 = arith.constant 5 : i32
    %ge3A_875 = vector.broadcast %ge3A_874 : i32 to vector<16xi32>
    %ge3A_876 = arith.cmpi sge, %and3A_6, %ge3A_875 : vector<16xi32>
    %and3A_877 = arith.andi %eq3A_873, %ge3A_876 : vector<16xi1>
    %jit3A_878 = arith.constant 5 : i32
    %broadcast_in_dim3A_879 = vector.broadcast %jit3A_878 : i32 to vector<16xi32>
    %select_n3A_880 = arith.select %and3A_877, %broadcast_in_dim3A_879, %select_n3A_861 : vector<16xi1>, vector<16xi32>
    %get3A_881 = arith.constant 1010 : index
    %get3A_882 = tpu.vector_load %arg5[%get3A_881] {strides = array<i32>} : memref<1032xi32, #tpu.memory_space<vmem>>, vector<16xi32>,
    %ge3A_883 = arith.constant 0 : i32
    %ge3A_884 = vector.broadcast %ge3A_883 : i32 to vector<16xi32>
    %ge3A_885 = arith.cmpi sge, %get3A_882, %ge3A_884 : vector<16xi32>
    %jit3A_886 = arith.constant 0 : i32
    %broadcast_in_dim3A_887 = vector.broadcast %jit3A_886 : i32 to vector<16xi32>
    %select_n3A_888 = arith.select %ge3A_885, %get3A_882, %broadcast_in_dim3A_887 : vector<16xi1>, vector<16xi32>
    %shift_right_arithmetic3A_889 = arith.constant 7 : i32
    %shift_right_arithmetic3A_890 = vector.broadcast %shift_right_arithmetic3A_889 : i32 to vector<16xi32>
    %shift_right_arithmetic3A_891 = arith.shrsi %select_n3A_888, %shift_right_arithmetic3A_890 : vector<16xi32>
    %eq3A_892 = arith.cmpi eq, %shift_right_arithmetic3A_783, %shift_right_arithmetic3A_891 : vector<16xi32>
    %ge3A_893 = arith.constant 6 : i32
    %ge3A_894 = vector.broadcast %ge3A_893 : i32 to vector<16xi32>
    %ge3A_895 = arith.cmpi sge, %and3A_6, %ge3A_894 : vector<16xi32>
    %and3A_896 = arith.andi %eq3A_892, %ge3A_895 : vector<16xi1>
    %jit3A_897 = arith.constant 6 : i32
    %broadcast_in_dim3A_898 = vector.broadcast %jit3A_897 : i32 to vector<16xi32>
    %select_n3A_899 = arith.select %and3A_896, %broadcast_in_dim3A_898, %select_n3A_880 : vector<16xi1>, vector<16xi32>
    %get3A_900 = arith.constant 1009 : index
    %get3A_901 = tpu.vector_load %arg5[%get3A_900] {strides = array<i32>} : memref<1032xi32, #tpu.memory_space<vmem>>, vector<16xi32>,
    %ge3A_902 = arith.constant 0 : i32
    %ge3A_903 = vector.broadcast %ge3A_902 : i32 to vector<16xi32>
    %ge3A_904 = arith.cmpi sge, %get3A_901, %ge3A_903 : vector<16xi32>
    %jit3A_905 = arith.constant 0 : i32
    %broadcast_in_dim3A_906 = vector.broadcast %jit3A_905 : i32 to vector<16xi32>
    %select_n3A_907 = arith.select %ge3A_904, %get3A_901, %broadcast_in_dim3A_906 : vector<16xi1>, vector<16xi32>
    %shift_right_arithmetic3A_908 = arith.constant 7 : i32
    %shift_right_arithmetic3A_909 = vector.broadcast %shift_right_arithmetic3A_908 : i32 to vector<16xi32>
    %shift_right_arithmetic3A_910 = arith.shrsi %select_n3A_907, %shift_right_arithmetic3A_909 : vector<16xi32>
    %eq3A_911 = arith.cmpi eq, %shift_right_arithmetic3A_783, %shift_right_arithmetic3A_910 : vector<16xi32>
    %ge3A_912 = arith.constant 7 : i32
    %ge3A_913 = vector.broadcast %ge3A_912 : i32 to vector<16xi32>
    %ge3A_914 = arith.cmpi sge, %and3A_6, %ge3A_913 : vector<16xi32>
    %and3A_915 = arith.andi %eq3A_911, %ge3A_914 : vector<16xi1>
    %jit3A_916 = arith.constant 7 : i32
    %broadcast_in_dim3A_917 = vector.broadcast %jit3A_916 : i32 to vector<16xi32>
    %select_n3A_918 = arith.select %and3A_915, %broadcast_in_dim3A_917, %select_n3A_899 : vector<16xi1>, vector<16xi32>
    %add3A_919 = arith.constant 16 : i32
    %add3A_920 = vector.broadcast %add3A_919 : i32 to vector<16xi32>
    %add3A_921 = arith.addi %add3A_920, %iota3A : vector<16xi32>
    %sub3A_922 = arith.subi %add3A_921, %select_n3A_918 : vector<16xi32>
    %add3A_923 = arith.constant 992 : i32
    %add3A_924 = arith.addi %mul3A_2, %add3A_923 : i32
    %add3A_925 = arith.constant 16 : i32
    %add3A_926 = arith.addi %add3A_924, %add3A_925 : i32
    %add3A_927 = vector.broadcast %add3A_926 : i32 to vector<16xi32>
    %add3A_928 = arith.addi %add3A_927, %iota3A : vector<16xi32>
    %and3A_929 = arith.constant 7 : i32
    %and3A_930 = vector.broadcast %and3A_929 : i32 to vector<16xi32>
    %and3A_931 = arith.andi %add3A_928, %and3A_930 : vector<16xi32>
    %and3A_932 = arith.constant 127 : i32
    %and3A_933 = vector.broadcast %and3A_932 : i32 to vector<16xi32>
    %and3A_934 = arith.andi %select_n3A_764, %and3A_933 : vector<16xi32>
    %gather3A_935 = arith.constant 1 : i32
    %gather3A_936 = arith.constant 0 : i32
    %gather3A_937 = arith.constant 0 : i32
    %gather3A_938 = arith.constant 0 : i32
    %gather3A_939 = tpu.memref_slice %arg6[%gather3A_935, %gather3A_936, %gather3A_937, %gather3A_938] : memref<2x32x8x128xf32, #tpu.memory_space<vmem>> -> memref<1x32x8x128xf32, #tpu.memory_space<vmem>>
    %gather3A_940 = tpu.memref_squeeze %gather3A_939 : memref<1x32x8x128xf32, #tpu.memory_space<vmem>> -> memref<32x8x128xf32, #tpu.memory_space<vmem>>
    %gather3A_941 = tpu.vector_load_idx %gather3A_940[%sub3A_922, %and3A_931, %and3A_934] : memref<32x8x128xf32, #tpu.memory_space<vmem>>[vector<16xi32>, vector<16xi32>, vector<16xi32>], vector<16xf32>,
    %sub3A_942 = arith.constant 1.000000e+00 : f32
    %sub3A_943 = vector.broadcast %sub3A_942 : f32 to vector<16xf32>
    %sub3A_944 = arith.subf %sub3A_943, %gather3A_941 : vector<16xf32>
    %mul3A_945 = arith.mulf %sub3A_944, %sub3A_944 : vector<16xf32>
    %mul3A_946 = arith.mulf %mul3A_945, %select_n3A_772 : vector<16xf32>
    %add3A_947 = arith.addf %add3A_755, %mul3A_946 : vector<16xf32>
    %add3A_948 = arith.addf %add3A_756, %select_n3A_772 : vector<16xf32>
    %swap3A_949 = arith.constant 0 : index
    %swap3A_950 = tpu.vector_load %arg7[%swap3A_949] {strides = array<i32>} : memref<32xf32, #tpu.memory_space<vmem>>, vector<16xf32>,
    tpu.vector_store %arg7[%swap3A_949], %add3A_947 {strides = array<i32>} : memref<32xf32, #tpu.memory_space<vmem>>, vector<16xf32>,
    %swap3A_951 = arith.constant 16 : index
    %swap3A_952 = tpu.vector_load %arg7[%swap3A_951] {strides = array<i32>} : memref<32xf32, #tpu.memory_space<vmem>>, vector<16xf32>,
    tpu.vector_store %arg7[%swap3A_951], %add3A_948 {strides = array<i32>} : memref<32xf32, #tpu.memory_space<vmem>>, vector<16xf32>,
    %mul3A_953 = arith.constant 16 : i32
    %mul3A_954 = arith.muli %add3A, %mul3A_953 : i32
    "tpu.region"() ({
      %run_scoped3A = tpu.sem_alloc : memref<!tpu.dma_semaphore, #tpu.memory_space<semaphore_mem>>
      %dma_start3A = arith.constant 0 : i32
      %dma_start3A_959 = tpu.memref_slice %arg7[%dma_start3A] : memref<32xf32, #tpu.memory_space<vmem>> -> memref<16xf32, #tpu.memory_space<vmem>>
      %dma_start3A_960 = tpu.memref_slice %arg4[%mul3A_954] : memref<1024xf32, #tpu.memory_space<hbm>> -> memref<16xf32, #tpu.memory_space<hbm>>
      %dma_start3A_961 = tpu.memref_slice %arg4[%mul3A_954] : memref<1024xf32, #tpu.memory_space<hbm>> -> memref<16xf32, #tpu.memory_space<hbm>>
      %dma_start3A_962 = arith.constant 0 : i32
      %dma_start3A_963 = tpu.memref_slice %arg7[%dma_start3A_962] : memref<32xf32, #tpu.memory_space<vmem>> -> memref<16xf32, #tpu.memory_space<vmem>>
      tpu.enqueue_dma source(%dma_start3A_963 : memref<16xf32, #tpu.memory_space<vmem>>) target(%dma_start3A_961 : memref<16xf32, #tpu.memory_space<hbm>>) target_semaphore(%run_scoped3A : memref<!tpu.dma_semaphore, #tpu.memory_space<semaphore_mem>>)
      %dma_wait3A = arith.constant 0 : i32
      %dma_wait3A_964 = tpu.memref_slice %arg7[%dma_wait3A] : memref<32xf32, #tpu.memory_space<vmem>> -> memref<16xf32, #tpu.memory_space<vmem>>
      %dma_wait3A_965 = tpu.memref_slice %arg4[%mul3A_954] : memref<1024xf32, #tpu.memory_space<hbm>> -> memref<16xf32, #tpu.memory_space<hbm>>
      %dma_wait3A_966 = tpu.memref_slice %arg4[%mul3A_954] : memref<1024xf32, #tpu.memory_space<hbm>> -> memref<16xf32, #tpu.memory_space<hbm>>
      %dma_wait3A_967 = arith.constant 0 : i32
      %dma_wait3A_968 = tpu.memref_slice %arg7[%dma_wait3A_967] : memref<32xf32, #tpu.memory_space<vmem>> -> memref<16xf32, #tpu.memory_space<vmem>>
      tpu.wait_dma2 semaphore(%run_scoped3A : memref<!tpu.dma_semaphore, #tpu.memory_space<semaphore_mem>>) src(%dma_wait3A_968 : memref<16xf32, #tpu.memory_space<vmem>>) dst(%dma_wait3A_966 : memref<16xf32, #tpu.memory_space<hbm>>)
      tpu.yield
    }) : () -> ()
    %mul3A_955 = arith.constant 16 : i32
    %mul3A_956 = arith.muli %add3A, %mul3A_955 : i32
    %add3A_957 = arith.constant 512 : i32
    %add3A_958 = arith.addi %add3A_957, %mul3A_956 : i32
    "tpu.region"() ({
      %run_scoped3A = tpu.sem_alloc : memref<!tpu.dma_semaphore, #tpu.memory_space<semaphore_mem>>
      %dma_start3A = arith.constant 16 : i32
      %dma_start3A_959 = tpu.memref_slice %arg7[%dma_start3A] : memref<32xf32, #tpu.memory_space<vmem>> -> memref<16xf32, #tpu.memory_space<vmem>>
      %dma_start3A_960 = tpu.memref_slice %arg4[%add3A_958] : memref<1024xf32, #tpu.memory_space<hbm>> -> memref<16xf32, #tpu.memory_space<hbm>>
      %dma_start3A_961 = tpu.memref_slice %arg4[%add3A_958] : memref<1024xf32, #tpu.memory_space<hbm>> -> memref<16xf32, #tpu.memory_space<hbm>>
      %dma_start3A_962 = arith.constant 16 : i32
      %dma_start3A_963 = tpu.memref_slice %arg7[%dma_start3A_962] : memref<32xf32, #tpu.memory_space<vmem>> -> memref<16xf32, #tpu.memory_space<vmem>>
      tpu.enqueue_dma source(%dma_start3A_963 : memref<16xf32, #tpu.memory_space<vmem>>) target(%dma_start3A_961 : memref<16xf32, #tpu.memory_space<hbm>>) target_semaphore(%run_scoped3A : memref<!tpu.dma_semaphore, #tpu.memory_space<semaphore_mem>>)
      %dma_wait3A = arith.constant 16 : i32
      %dma_wait3A_964 = tpu.memref_slice %arg7[%dma_wait3A] : memref<32xf32, #tpu.memory_space<vmem>> -> memref<16xf32, #tpu.memory_space<vmem>>
      %dma_wait3A_965 = tpu.memref_slice %arg4[%add3A_958] : memref<1024xf32, #tpu.memory_space<hbm>> -> memref<16xf32, #tpu.memory_space<hbm>>
      %dma_wait3A_966 = tpu.memref_slice %arg4[%add3A_958] : memref<1024xf32, #tpu.memory_space<hbm>> -> memref<16xf32, #tpu.memory_space<hbm>>
      %dma_wait3A_967 = arith.constant 16 : i32
      %dma_wait3A_968 = tpu.memref_slice %arg7[%dma_wait3A_967] : memref<32xf32, #tpu.memory_space<vmem>> -> memref<16xf32, #tpu.memory_space<vmem>>
      tpu.wait_dma2 semaphore(%run_scoped3A : memref<!tpu.dma_semaphore, #tpu.memory_space<semaphore_mem>>) src(%dma_wait3A_968 : memref<16xf32, #tpu.memory_space<vmem>>) dst(%dma_wait3A_966 : memref<16xf32, #tpu.memory_space<hbm>>)
      tpu.yield
    }) : () -> ()
    return
  }
}

module attributes {stable_mosaic.version = 14 : i64} {
  func.func @body(%arg0: memref<8x128xf32, #tpu.memory_space<vmem>>, %arg1: memref<1x1xf32, #tpu.memory_space<vmem>>) attributes {dimension_semantics = [], scalar_prefetch = 0 : i64, scratch_operands = 0 : i64, tpu.core_type = #tpu.core_type<tc>} {
    %get3A = arith.constant 0 : index
    %get3A_0 = arith.constant 0 : index
    %get3A_1 = vector.load %arg0[%get3A, %get3A_0] : memref<8x128xf32, #tpu.memory_space<vmem>>, vector<8x128xf32>
    %slice3A = vector.extract_strided_slice %get3A_1 {offsets = [0, 0], sizes = [4, 128], strides = [1, 1]} : vector<8x128xf32> to vector<4x128xf32>
    %reduce_sum3A = vector.shape_cast %slice3A : vector<4x128xf32> to vector<1x4x128xf32>
    %reduce_sum3A_2 = arith.constant dense<0.000000e+00> : vector<1xf32>
    %reduce_sum3A_3 = vector.multi_reduction <add>, %reduce_sum3A, %reduce_sum3A_2 [1, 2] : vector<1x4x128xf32> to vector<1xf32>
    %reduce_sum3A_4 = vector.shape_cast %reduce_sum3A_3 : vector<1xf32> to vector<1x1x1xf32>
    %reduce_sum3A_5 = vector.extract %reduce_sum3A_4[0, 0, 0] : f32 from vector<1x1x1xf32>
    %slice3A_6 = vector.extract_strided_slice %get3A_1 {offsets = [4, 0], sizes = [4, 128], strides = [1, 1]} : vector<8x128xf32> to vector<4x128xf32>
    %reduce_sum3A_7 = vector.shape_cast %slice3A_6 : vector<4x128xf32> to vector<1x4x128xf32>
    %reduce_sum3A_8 = arith.constant dense<0.000000e+00> : vector<1xf32>
    %reduce_sum3A_9 = vector.multi_reduction <add>, %reduce_sum3A_7, %reduce_sum3A_8 [1, 2] : vector<1x4x128xf32> to vector<1xf32>
    %reduce_sum3A_10 = vector.shape_cast %reduce_sum3A_9 : vector<1xf32> to vector<1x1x1xf32>
    %reduce_sum3A_11 = vector.extract %reduce_sum3A_10[0, 0, 0] : f32 from vector<1x1x1xf32>
    %div3A = arith.divf %reduce_sum3A_5, %reduce_sum3A_11 : f32
    %broadcast_in_dim3A = vector.broadcast %div3A : f32 to vector<1x1xf32>
    %swap3A = arith.constant 0 : index
    %swap3A_12 = arith.constant 0 : index
    %swap3A_13 = vector.load %arg1[%swap3A, %swap3A_12] : memref<1x1xf32, #tpu.memory_space<vmem>>, vector<1x1xf32>
    tpu.vector_store %arg1[%swap3A, %swap3A_12], %broadcast_in_dim3A {strides = array<i32>} : memref<1x1xf32, #tpu.memory_space<vmem>>, vector<1x1xf32>,
    return
  }
}

</mosaic_0001>

<sc_bundles>
// kernel: kernel.4.cloned.1.call-start
scs
__scs_entry_jumppad:
0x0: {  	(pc) =	sbr.rel $0x88, $3  }
0x1: {  	(tag) =	ssettag $0x0;
	lr =	simm.s32 $0x1  }
0x2: {  	[smem:$0x3F9F] =	sst lr;
	_ =	strace $0xD0000000  }
0x3: {  	_ = 	snop  }
0x4: {  	_ = 	snop  }
0x5: {  	_ = 	snop  }
0x6: {  	_ = 	snop  }
0x7: {  	_ = 	snop  }
__scs_overlays_trampoline_lowered:
0x8: {  	[smem:$0x3FAE] =	sst s0  }
0x9: {  	[smem:$0x3FAF] =	sst s1  }
0xa: {  	[smem:$0x3FB0] =	sst s2  }
0xb: {  	[smem:$0x3FB1] =	sst s3  }
0xc: {  	[smem:$0x3FB2] =	sst s4  }
0xd: {  	[smem:$0x3FB3] =	sst s5  }
0xe: {  	[smem:$0x3FB4] =	sst s6  }
0xf: {  	[smem:$0x3FB5] =	sst s7  }
0x10: {  	[smem:$0x3FB6] =	sst s8  }
0x11: {  	[smem:$0x3FB7] =	sst s9;
	s0 =	simm.s32 @!p0 $0x0  }
0x12: {  	s1 =	sld [smem:$0x3F9D];
	s0 =	simm.s32 @p0 $0x1  }
0x13: {  	[smem:$0x3FB8] =	sst s0;
	s0 =	simm.s32 @!p1 $0x0  }
0x14: {  	s2 =	sld [smem:$0x3F9C];
	s0 =	simm.s32 @p1 $0x1  }
0x15: {  	[smem:$0x3FB9] =	sst s0;
	s0 =	simm.s32 @!p2 $0x0  }
0x16: {  	s3 =	sld [smem:$0x3FDB];
	s0 =	simm.s32 @p2 $0x1  }
0x17: {  	s4 =	simm.s32 $0x1BF5;
	[smem:$0x3FBB] =	sst s0  }
0x18: {  	s0 =	sld [smem:$0x3F9E];
	_ =	swait.ge [sflag:s4], $0x0  }
0x19: {  	s7 =	sld [smem:$0x3F9F]  }
0x1a: {  	s8 =	sadd.s32 $0xFFFFE003, lr  }
0x1b: {  	s9 =	sadd.s32 $0xFFFFFEF7, lr;
	s5 =	simm.s32 $0xFFFFFFFF;
	p2 =	slt.u32 s8, $0xFFFFF086  }
0x1c: {  	p1 =	slt.u32 s9, $0xF7A;
	s5 =	simm.s32 @!p2 $0x0  }
0x1d: {  	s5 =	simm.s32 @p1 $0x1;
	p0 =	seq.s32 s7, s2  }
0x1e: {  	s7 =	smul.u32 @!p0 $0xF7A, s2;
	p2 =	seq.s32 @!p0 s5, $0x0  }
0x1f: {  	s9 =	smul.u32 $0xF7A, s1;
	s8 =	simm.s32 @!p0 $0x1BF5;
	p2 =	por !p2, p0  }
0x20: {  	[sflag:s8] =	ssyncset.s32 @!p0 $0xFFFFF086;
	s6 =	sadd.s32 @!p0 s3, s7;
	s7 =	simm.s32 @!p0 $0x108  }
0x21: {  	s3 =	sadd.s32 s3, s9;
	s6 =	sadd.s32 @!p0 $0x88, s6;
	s7 =	simm.s32 @p2 $0x1082  }
0x22: {  	[simem:s7], [sflag:s8] =	dma.local @!p0 [hbm:s6], $0xF7A  }
0x23: {  	s9 =	sor.u32 $0xD0000000, s2;
	s6 =	simm.s32 $0x108;
	_ =	swait.ge @!p0 [sflag:s8], $0x0  }
0x24: {  	s3 =	sadd.s32 $0x88, s3;
	s6 =	simm.s32 @!p1 $0x1082;
	[sflag:s4] =	ssyncset.s32 $0xFFFFF086  }
0x25: {  	[simem:s6], [sflag:s4] =	dma.local [hbm:s3], $0xF7A  }
0x26: {  	[smem:$0x3F9F] =	sst s1;
	(tag) =	ssettag s2;
	_ =	strace s9  }
0x27: {  	s1 =	sld [smem:$0x3FAF]  }
0x28: {  	s2 =	sld [smem:$0x3FB0]  }
0x29: {  	s4 =	sld [smem:$0x3FB2]  }
0x2a: {  	p0 =	seq.s32 s5, $0x0;
	s5 =	sld [smem:$0x3FB3]  }
0x2b: {  	s6 =	sld [smem:$0x3FB4]  }
0x2c: {  	s7 =	sld [smem:$0x3FB5]  }
0x2d: {  	s3 =	simm.s32 $0x108;
	s8 =	sld [smem:$0x3FB6]  }
0x2e: {  	s3 =	simm.s32 @!p0 $0x1082;
	s9 =	sld [smem:$0x3FB7]  }
0x2f: {  	lr =	sadd.s32 s0, s3;
	s0 =	sld [smem:$0x3FAE]  }
0x30: {  	s3 =	sld [smem:$0x3FB1]  }
0x31: {  	[smem:$0x3FBA] =	sst s10  }
0x32: {  	s10 =	sld [smem:$0x3FB8];
	_ =	sdelay $0x3  }
0x33: {  	p0 =	seq.s32 s10, $0x1;
	s10 =	sld [smem:$0x3FBA];
	_ =	sdelay $0x3  }
0x34: {  	[smem:$0x3FBA] =	sst s10  }
0x35: {  	s10 =	sld [smem:$0x3FB9];
	_ =	sdelay $0x3  }
0x36: {  	p1 =	seq.s32 s10, $0x1;
	s10 =	sld [smem:$0x3FBA];
	_ =	sdelay $0x3  }
0x37: {  	[smem:$0x3FBA] =	sst s10  }
0x38: {  	s10 =	sld [smem:$0x3FBB]  }
0x39: {  	_ = 	snop;
	(pc) =	sbr.ind lr, $3  }
0x3a: {  	_ = 	snop  }
0x3b: {  	_ = 	snop  }
0x3c: {  	p2 =	seq.s32 s10, $0x1;
	s10 =	sld [smem:$0x3FBA]  }
0x3d: {  	_ =	shalt  }
0x3e: {  	_ =	shalt  }
0x3f: {  	_ =	shalt  }
0x40: {  	_ =	shalt  }
0x41: {  	_ =	shalt  }
0x42: {  	_ =	shalt  }
0x43: {  	_ =	shalt  }
0x44: {  	_ =	shalt  }
0x45: {  	_ =	shalt  }
0x46: {  	_ =	shalt  }
0x47: {  	_ =	shalt  }
0x48: {  	_ =	shalt  }
0x49: {  	_ =	shalt  }
0x4a: {  	_ =	shalt  }
0x4b: {  	_ =	shalt  }
0x4c: {  	_ =	shalt  }
0x4d: {  	_ =	shalt  }
0x4e: {  	_ =	shalt  }
0x4f: {  	_ =	shalt  }
0x50: {  	_ =	shalt  }
0x51: {  	_ =	shalt  }
0x52: {  	_ =	shalt  }
0x53: {  	_ =	shalt  }
0x54: {  	_ =	shalt  }
0x55: {  	_ =	shalt  }
0x56: {  	_ =	shalt  }
0x57: {  	_ =	shalt  }
0x58: {  	_ =	shalt  }
0x59: {  	_ =	shalt  }
0x5a: {  	_ =	shalt  }
0x5b: {  	_ =	shalt  }
0x5c: {  	_ =	shalt  }
0x5d: {  	_ =	shalt  }
0x5e: {  	_ =	shalt  }
0x5f: {  	_ =	shalt  }
0x60: {  	_ =	shalt  }
0x61: {  	_ =	shalt  }
0x62: {  	_ =	shalt  }
0x63: {  	_ =	shalt  }
0x64: {  	_ =	shalt  }
0x65: {  	_ =	shalt  }
0x66: {  	_ =	shalt  }
0x67: {  	_ =	shalt  }
0x68: {  	_ =	shalt  }
0x69: {  	_ =	shalt  }
0x6a: {  	_ =	shalt  }
0x6b: {  	_ =	shalt  }
0x6c: {  	_ =	shalt  }
0x6d: {  	_ =	shalt  }
0x6e: {  	_ =	shalt  }
0x6f: {  	_ =	shalt  }
0x70: {  	_ =	shalt  }
0x71: {  	_ =	shalt  }
0x72: {  	_ =	shalt  }
0x73: {  	_ =	shalt  }
0x74: {  	_ =	shalt  }
0x75: {  	_ =	shalt  }
0x76: {  	_ =	shalt  }
0x77: {  	_ =	shalt  }
0x78: {  	_ =	shalt  }
0x79: {  	_ =	shalt  }
0x7a: {  	_ =	shalt  }
0x7b: {  	_ =	shalt  }
0x7c: {  	_ =	shalt  }
0x7d: {  	_ =	shalt  }
0x7e: {  	_ =	shalt  }
0x7f: {  	_ =	shalt  }
0x80: {  	_ =	shalt  }
0x81: {  	_ =	shalt  }
0x82: {  	_ =	shalt  }
0x83: {  	_ =	shalt  }
0x84: {  	_ =	shalt  }
0x85: {  	_ =	shalt  }
0x86: {  	_ =	shalt  }
0x87: {  	_ =	shalt  }
.Lfunc_end0:
.L_simem_size_0:
called_computation_lowered:
.L_overlay_start_0:
0x88: {  	s2 =	sld [smem:$0x3FD9]  }
0x89: {  	s3 =	sld [smem:$0x3FFE];
	_ =	sdelay $0x1  }
0x8a: {  	s1 =	srdreg.scid  }
0x8b: {  	s0 =	sand.u32 $0x1, s1  }
0x8c: {  	s17 =	sshll.u32 s0, $0xA;
	s2 =	sadd.s32 s3, s2  }
0x8d: {  	s2 =	sadd.s32 s2, s17  }
0x8e: {  	[smem:$0x3FC6] =	sst s2  }
0x8f: {  	_ = 	snop  }
0x90: {  	s2 =	sld [smem:$0x3FC9]  }
0x91: {  	s18 =	sld [smem:$0x3FC8];
	(tm) =	ssettm $0x1  }
0x92: {  	s4 =	sld [smem:$0x3FFB];
	_ =	sdelay $0x3  }
0x93: {  	_ =	strace s4  }
0x94: {  	s4 =	sld [smem:$0x3FFC];
	_ =	sdelay $0x3  }
0x95: {  	_ =	strace s4  }
0x96: {  	s4 =	sld [smem:$0x3FFD];
	_ =	sdelay $0x3  }
0x97: {  	_ =	strace s4  }
0x98: {  	_ =	strace $0x8FFFFFFF  }
0x99: {  	s19 =	sld [smem:$0x3FDB];
	_ =	sdelay $0x1  }
0x9a: {  	s5 =	simm.s32 $_scs_section_size  }
0x9b: {  	s6 =	simm.s32 $_size__tile_overlayer_lowered;
	s7 =	simm.s32 $_tile_overlayer_lowered  }
0x9c: {  	s22 =	simm.s32 $0x1BFF;
	s21 =	sshll.u32 s7, $0x1;
	s4 =	sadd.s32 s5, s19  }
0x9d: {  	s8 =	simm.s32 $0x0;
	s20 =	sshll.u32 s6, $0x1;
	s6 =	sadd.s32 s21, s4  }
0x9e: {  	[timem:s8], [sflag:s22] =	dma.local [hbm:s6], s20  }
0x9f: {  	_ =	swait.ge [sflag:s22], s20  }
0xa0: {  	s5 =	ssub.s32 $0x0, s20;
	[sflag:s22] =	ssyncset.done $0x0  }
0xa1: {  	[sflag:s22] =	ssyncadd.s32 s5;
	_ =	sdelay $0x1  }
0xa2: {  	s23 =	simm.s32 $0x1B8B  }
0xa3: {  	_ =	swait.ge [sflag:s23], $0x1  }
0xa4: {  	[sflag:s23] =	ssyncset.done $0x0  }
0xa5: {  	s25 =	simm.s32 $0x1B8E;
	s24 =	sld [smem:$0x3FFE];
	[sflag:s23] =	ssyncadd.s32 $0xFFFFFFFF  }
0xa6: {  	s26 =	simm.s32 $execute0_lowered;
	[smem:$0x3FD2] =	sst s25  }
0xa7: {  	s6 =	sshll.u32 s26, $0x1;
	_ =	strace $0x80000046;
	[dreg:$0x1] =	wrdreg $0xFFFFFFFF  }
0xa8: {  	s28 =	simm.s32 $_size_execute0_lowered;
	s4 =	sadd.s32 s4, s6;
	[dreg:$0x0] =	wrdreg $0x0  }
0xa9: {  	s6 =	sshll.u32 s28, $0x1;
	[dreg:$0x2] =	wrdreg s4  }
0xaa: {  	[dreg:$0x3] =	wrdreg s6  }
0xab: {  	[dreg:$0x4] =	wrdreg $0xC0  }
0xac: {  	_ =	task [dreg:s8], $0x5FFFF  }
0xad: {  	[dreg:$0x1] =	wrdreg $0xFFFFFFFF  }
0xae: {  	[dreg:$0x0] =	wrdreg $0x60  }
0xaf: {  	[dreg:$0x2] =	wrdreg s2  }
0xb0: {  	[dreg:$0x3] =	wrdreg s18  }
0xb1: {  	[dreg:$0x4] =	wrdreg s24  }
0xb2: {  	[dreg:$0x5] =	wrdreg $0x9  }
0xb3: {  	_ =	task.clear_ibuf [dreg:s8], $0x6FFFF;
	_ =	strace $0x90000046  }
0xb4: {  	s29 =	simm.s32 $0x9;
	_ =	strace $0x80000048  }
0xb5: {  	_ =	swait.ge [sflag:s29], $0x1  }
0xb6: {  	[sflag:s29] =	ssyncadd.s32 $0xFFFFFFFF  }
0xb7: {  	_ =	strace $0x90000048  }
0xb8: {  	_ =	sfence  }
0xb9: {  	s30 =	sld [smem:$0x0];
	_ =	sdelay $0x2  }
0xba: {  	s31 =	sshll.u32 s1, $0xD;
	s1 =	sshrl.u32 s1, $0x2  }
0xbb: {  	s3 =	sand.u32 $0x4000, s31;
	s1 =	sadd.s32 s1, s30  }
0xbc: {  	s0 =	sor.u32 s3, s0;
	s1 =	sshll.u32 s1, $0x11  }
0xbd: {  	s0 =	sor.u32 s1, s0  }
0xbe: {  	s0 =	sadd.s32 $0x8F2B, s0  }
0xbf: {  	[sflag:s0] =	ssyncadd.remote.s32 $0x1  }
0xc0: {  	_ =	sfence.sel $0xFFFF  }
0xc1: {  	[dreg:$0x0] =	wrdreg $0xFFFFFFFF;
	(pc) =	sbr.abs _section_cstart, $3  }
0xc2: {  	[dreg:$0x1] =	wrdreg $0xFFFFFFFF  }
0xc3: {  	_ =	task.clear_ibuf [dreg:s8], $0x2FFFF;
	_ =	strace $0x9FFFFFFF  }
0xc4: {  	(tm) =	ssettm $0x7FFFFFFF  }
0xc5: {  	_ =	shalt  }
tec
execute0_lowered:
.L_overlay_start_1:
0x0: {  	(tag) =	ssettag $0x1  }
0x1: {  	vm0 =	vcmask $0x3F24;
	vm1 =	vcmask $0x1F04  }
0x2: {  	vm2 =	vcmask $0x1F08;
	vm3 =	vcmask $0x1F0C;
	vm4 =	vcmask $0x1F10  }
0x3: {  	v0 =	vimm.s32 $0x3F80;
	vm8 =	vcmask $0x300;
	vm12 =	vcmask $0x704  }
0x4: {  	vm5 =	vcmask $0x1F14;
	vm10 =	vcmask $0xB08;
	vm11 =	vcmask $0xF0C  }
0x5: {  	vm9 =	vcmask $0x1310;
	vm7 =	vcmask $0x1F18;
	vm6 =	vcmask $0x1714  }
0x6: {  	v1 =	vimm.s32 $0x3B80;
	v2 =	vimm.s32 $0x3780;
	v3 =	vimm.s32 $0x3380  }
0x7: {  	v4 =	vimm.s32 $0x2F80;
	v5 =	vimm.s32 $0x2B80;
	v6 =	vimm.s32 $0x2780  }
0x8: {  	v7 =	vimm.s32 $0x2380;
	v8 =	vimm.s32 $0x7F80;
	v9 =	vimm.s32 $0x7B80  }
0x9: {  	v10 =	vimm.s32 $0x7780;
	v11 =	vimm.s32 $0x7380;
	v12 =	vimm.s32 $0x6F80  }
0xa: {  	v13 =	vimm.s32 $0x6B80;
	v14 =	vimm.s32 $0x6780;
	v15 =	vimm.s32 $0x6380  }
0xb: {  	vm13 =	vcmask $0x3F3C;
	vm14 =	vcmask $0x2724;
	vm15 =	vcmask $0x3330  }
0xc: {  	vm0 =	vmor vm1, vm0;
	vm1 =	vcmask $0x3F28;
	v0 =	vsel vm8, $0x0, v0  }
0xd: {  	v1 =	vsel vm8, $0x0, v1;
	v2 =	vsel vm8, $0xFFFFF800, v2;
	v3 =	vsel vm8, $0xFFFFF400, v3  }
0xe: {  	v4 =	vsel vm8, $0xFFFFF000, v4;
	v5 =	vsel vm8, $0xFFFFEC00, v5;
	v6 =	vsel vm8, $0xFFFFE800, v6  }
0xf: {  	v7 =	vsel vm8, $0xFFFFE400, v7;
	v8 =	vsel vm8, $0x4000, v8;
	v9 =	vsel vm8, $0x4000, v9  }
0x10: {  	v10 =	vsel vm8, $0x3800, v10;
	v11 =	vsel vm8, $0x3400, v11;
	v12 =	vsel vm8, $0x3000, v12  }
0x11: {  	v13 =	vsel vm8, $0x2C00, v13;
	v14 =	vsel vm8, $0x2800, v14;
	v15 =	vsel vm8, $0x2400, v15  }
0x12: {  	vm8 =	vcmask $0x1F1C;
	vm1 =	vmor vm2, vm1;
	vm2 =	vcmask $0x3F2C  }
0x13: {  	v0 =	vsel vm12, $0x480, v0;
	v1 =	vsel vm12, $0x80, v1;
	v2 =	vsel vm12, $0xFFFFFC80, v2  }
0x14: {  	v3 =	vsel vm12, $0xFFFFF880, v3;
	v4 =	vsel vm12, $0xFFFFF480, v4;
	v5 =	vsel vm12, $0xFFFFF080, v5  }
0x15: {  	v6 =	vsel vm12, $0xFFFFEC80, v6;
	v7 =	vsel vm12, $0xFFFFE880, v7;
	v8 =	vsel vm12, $0x4480, v8  }
0x16: {  	v9 =	vsel vm12, $0x4080, v9;
	v10 =	vsel vm12, $0x3C80, v10;
	v11 =	vsel vm12, $0x3880, v11  }
0x17: {  	v12 =	vsel vm12, $0x3480, v12;
	v13 =	vsel vm12, $0x3080, v13;
	v14 =	vsel vm12, $0x2C80, v14  }
0x18: {  	v15 =	vsel vm12, $0x2880, v15;
	vm12 =	vcmask $0x2320;
	vm2 =	vmor vm3, vm2  }
0x19: {  	vm3 =	vcmask $0x3F30;
	v0 =	vsel vm10, $0x900, v0;
	v1 =	vsel vm10, $0x500, v1  }
0x1a: {  	v2 =	vsel vm10, $0x100, v2;
	v3 =	vsel vm10, $0xFFFFFD00, v3;
	v4 =	vsel vm10, $0xFFFFF900, v4  }
0x1b: {  	v5 =	vsel vm10, $0xFFFFF500, v5;
	v6 =	vsel vm10, $0xFFFFF100, v6;
	v7 =	vsel vm10, $0xFFFFED00, v7  }
0x1c: {  	v8 =	vsel vm10, $0x4900, v8;
	v9 =	vsel vm10, $0x4500, v9;
	v10 =	vsel vm10, $0x4100, v10  }
0x1d: {  	v11 =	vsel vm10, $0x3D00, v11;
	v12 =	vsel vm10, $0x3900, v12;
	v13 =	vsel vm10, $0x3500, v13  }
0x1e: {  	v14 =	vsel vm10, $0x3100, v14;
	v15 =	vsel vm10, $0x2D00, v15;
	vm3 =	vmor vm4, vm3  }
0x1f: {  	vm4 =	vcmask $0x3F34;
	v0 =	vsel vm11, $0xD80, v0;
	v1 =	vsel vm11, $0x980, v1  }
0x20: {  	v2 =	vsel vm11, $0x580, v2;
	v3 =	vsel vm11, $0x180, v3;
	v4 =	vsel vm11, $0xFFFFFD80, v4  }
0x21: {  	v5 =	vsel vm11, $0xFFFFF980, v5;
	v6 =	vsel vm11, $0xFFFFF580, v6;
	v7 =	vsel vm11, $0xFFFFF180, v7  }
0x22: {  	v8 =	vsel vm11, $0x4D80, v8;
	v9 =	vsel vm11, $0x4980, v9;
	v10 =	vsel vm11, $0x4580, v10  }
0x23: {  	v11 =	vsel vm11, $0x4180, v11;
	v12 =	vsel vm11, $0x3D80, v12;
	v13 =	vsel vm11, $0x3980, v13  }
0x24: {  	v14 =	vsel vm11, $0x3580, v14;
	v15 =	vsel vm11, $0x3180, v15;
	vm4 =	vmor vm5, vm4  }
0x25: {  	vm5 =	vcmask $0x3F38;
	v0 =	vsel vm9, $0x1200, v0;
	v1 =	vsel vm9, $0xE00, v1  }
0x26: {  	v2 =	vsel vm9, $0xA00, v2;
	v3 =	vsel vm9, $0x600, v3;
	v4 =	vsel vm9, $0x200, v4  }
0x27: {  	v5 =	vsel vm9, $0xFFFFFE00, v5;
	v6 =	vsel vm9, $0xFFFFFA00, v6;
	v7 =	vsel vm9, $0xFFFFF600, v7  }
0x28: {  	v8 =	vsel vm9, $0x5200, v8;
	v9 =	vsel vm9, $0x4E00, v9;
	v10 =	vsel vm9, $0x4A00, v10  }
0x29: {  	v11 =	vsel vm9, $0x4600, v11;
	v12 =	vsel vm9, $0x4200, v12;
	v13 =	vsel vm9, $0x3E00, v13  }
0x2a: {  	v14 =	vsel vm9, $0x3A00, v14;
	v15 =	vsel vm9, $0x3600, v15;
	vm5 =	vmor vm7, vm5  }
0x2b: {  	v0 =	vsel vm6, $0x1680, v0;
	vm7 =	vcmask $0x1B18;
	v1 =	vsel vm6, $0x1280, v1  }
0x2c: {  	v2 =	vsel vm6, $0xE80, v2;
	v3 =	vsel vm6, $0xA80, v3;
	v4 =	vsel vm6, $0x680, v4  }
0x2d: {  	v5 =	vsel vm6, $0x280, v5;
	v6 =	vsel vm6, $0xFFFFFE80, v6;
	v7 =	vsel vm6, $0xFFFFFA80, v7  }
0x2e: {  	v8 =	vsel vm6, $0x5680, v8;
	v9 =	vsel vm6, $0x5280, v9;
	v10 =	vsel vm6, $0x4E80, v10  }
0x2f: {  	v11 =	vsel vm6, $0x4A80, v11;
	v12 =	vsel vm6, $0x4680, v12;
	v13 =	vsel vm6, $0x4280, v13  }
0x30: {  	v14 =	vsel vm6, $0x3E80, v14;
	v15 =	vsel vm6, $0x3A80, v15;
	vm6 =	vmor vm8, vm13  }
0x31: {  	v0 =	vsel vm7, $0x1B00, v0;
	v1 =	vsel vm7, $0x1700, v1;
	v2 =	vsel vm7, $0x1300, v2  }
0x32: {  	v3 =	vsel vm7, $0xF00, v3;
	v4 =	vsel vm7, $0xB00, v4;
	v5 =	vsel vm7, $0x700, v5  }
0x33: {  	v6 =	vsel vm7, $0x300, v6;
	v7 =	vsel vm7, $0xFFFFFF00, v7;
	v8 =	vsel vm7, $0x5B00, v8  }
0x34: {  	v9 =	vsel vm7, $0x5700, v9;
	v10 =	vsel vm7, $0x5300, v10;
	v11 =	vsel vm7, $0x4F00, v11  }
0x35: {  	v12 =	vsel vm7, $0x4B00, v12;
	v13 =	vsel vm7, $0x4700, v13;
	v14 =	vsel vm7, $0x4300, v14  }
0x36: {  	v15 =	vsel vm7, $0x3F00, v15;
	vm7 =	vcmask $0x2B28;
	v0 =	vsel vm8, $0x1F80, v0  }
0x37: {  	v1 =	vsel vm8, $0x1B80, v1;
	v2 =	vsel vm8, $0x1780, v2;
	v3 =	vsel vm8, $0x1380, v3  }
0x38: {  	v4 =	vsel vm8, $0xF80, v4;
	v5 =	vsel vm8, $0xB80, v5;
	v6 =	vsel vm8, $0x780, v6  }
0x39: {  	v7 =	vsel vm8, $0x380, v7;
	v8 =	vsel vm8, $0x5F80, v8;
	v9 =	vsel vm8, $0x5B80, v9  }
0x3a: {  	v10 =	vsel vm8, $0x5780, v10;
	v11 =	vsel vm8, $0x5380, v11;
	v12 =	vsel vm8, $0x4F80, v12  }
0x3b: {  	v13 =	vsel vm8, $0x4B80, v13;
	v14 =	vsel vm8, $0x4780, v14;
	v15 =	vsel vm8, $0x4380, v15  }
0x3c: {  	vm8 =	vcmask $0x2F2C;
	v0 =	vsel vm12, $0x2000, v0;
	v1 =	vsel vm12, $0x2000, v1  }
0x3d: {  	v2 =	vsel vm12, $0x1800, v2;
	v3 =	vsel vm12, $0x1400, v3;
	v4 =	vsel vm12, $0x1000, v4  }
0x3e: {  	v5 =	vsel vm12, $0xC00, v5;
	v6 =	vsel vm12, $0x800, v6;
	v7 =	vsel vm12, $0x400, v7  }
0x3f: {  	v8 =	vsel vm12, $0x6000, v8;
	v9 =	vsel vm12, $0x6000, v9;
	v10 =	vsel vm12, $0x5800, v10  }
0x40: {  	v11 =	vsel vm12, $0x5400, v11;
	v12 =	vsel vm12, $0x5000, v12;
	v13 =	vsel vm12, $0x4C00, v13  }
0x41: {  	v14 =	vsel vm12, $0x4800, v14;
	v15 =	vsel vm12, $0x4400, v15;
	v0 =	vsel vm14, $0x2480, v0  }
0x42: {  	v1 =	vsel vm14, $0x2080, v1;
	v2 =	vsel vm14, $0x1C80, v2;
	v3 =	vsel vm14, $0x1880, v3  }
0x43: {  	v4 =	vsel vm14, $0x1480, v4;
	v5 =	vsel vm14, $0x1080, v5;
	v6 =	vsel vm14, $0xC80, v6  }
0x44: {  	v7 =	vsel vm14, $0x880, v7;
	v8 =	vsel vm14, $0x6480, v8;
	v9 =	vsel vm14, $0x6080, v9  }
0x45: {  	v10 =	vsel vm14, $0x5C80, v10;
	v11 =	vsel vm14, $0x5880, v11;
	v12 =	vsel vm14, $0x5480, v12  }
0x46: {  	v13 =	vsel vm14, $0x5080, v13;
	v14 =	vsel vm14, $0x4C80, v14;
	v15 =	vsel vm14, $0x4880, v15  }
0x47: {  	v0 =	vsel vm7, $0x2900, v0;
	v1 =	vsel vm7, $0x2500, v1;
	v2 =	vsel vm7, $0x2100, v2  }
0x48: {  	v3 =	vsel vm7, $0x1D00, v3;
	v4 =	vsel vm7, $0x1900, v4;
	v5 =	vsel vm7, $0x1500, v5  }
0x49: {  	v6 =	vsel vm7, $0x1100, v6;
	v7 =	vsel vm7, $0xD00, v7;
	v8 =	vsel vm7, $0x6900, v8  }
0x4a: {  	v9 =	vsel vm7, $0x6500, v9;
	v10 =	vsel vm7, $0x6100, v10;
	v11 =	vsel vm7, $0x5D00, v11  }
0x4b: {  	v12 =	vsel vm7, $0x5900, v12;
	v13 =	vsel vm7, $0x5500, v13;
	v14 =	vsel vm7, $0x5100, v14  }
0x4c: {  	v15 =	vsel vm7, $0x4D00, v15;
	vm7 =	vcmask $0x3734;
	v0 =	vsel vm8, $0x2D80, v0  }
0x4d: {  	v1 =	vsel vm8, $0x2980, v1;
	v2 =	vsel vm8, $0x2580, v2;
	v3 =	vsel vm8, $0x2180, v3  }
0x4e: {  	v4 =	vsel vm8, $0x1D80, v4;
	v5 =	vsel vm8, $0x1980, v5;
	v6 =	vsel vm8, $0x1580, v6  }
0x4f: {  	v7 =	vsel vm8, $0x1180, v7;
	v8 =	vsel vm8, $0x6D80, v8;
	v9 =	vsel vm8, $0x6980, v9  }
0x50: {  	v10 =	vsel vm8, $0x6580, v10;
	v11 =	vsel vm8, $0x6180, v11;
	v12 =	vsel vm8, $0x5D80, v12  }
0x51: {  	v13 =	vsel vm8, $0x5980, v13;
	v14 =	vsel vm8, $0x5580, v14;
	v15 =	vsel vm8, $0x5180, v15  }
0x52: {  	v0 =	vsel vm15, $0x3200, v0;
	v1 =	vsel vm15, $0x2E00, v1;
	v2 =	vsel vm15, $0x2A00, v2  }
0x53: {  	v3 =	vsel vm15, $0x2600, v3;
	v4 =	vsel vm15, $0x2200, v4;
	v5 =	vsel vm15, $0x1E00, v5  }
0x54: {  	v6 =	vsel vm15, $0x1A00, v6;
	v7 =	vsel vm15, $0x1600, v7;
	v8 =	vsel vm15, $0x7200, v8  }
0x55: {  	v9 =	vsel vm15, $0x6E00, v9;
	v10 =	vsel vm15, $0x6A00, v10;
	v11 =	vsel vm15, $0x6600, v11  }
0x56: {  	v12 =	vsel vm15, $0x6200, v12;
	v13 =	vsel vm15, $0x5E00, v13;
	v14 =	vsel vm15, $0x5A00, v14  }
0x57: {  	s0 =	rddreg [dreg:$0x0];
	v15 =	vsel vm15, $0x5600, v15;
	v0 =	vsel vm7, $0x3680, v0;
	v1 =	vsel vm7, $0x3280, v1  }
0x58: {  	s1 =	rddreg [dreg:$0x1];
	s2 =	srdreg.scid;
	v2 =	vsel vm7, $0x2E80, v2;
	v3 =	vsel vm7, $0x2A80, v3;
	v4 =	vsel vm7, $0x2680, v4  }
0x59: {  	s3 =	stileid.u32;
	s4 =	rddreg [dreg:$0x2];
	v5 =	vsel vm7, $0x2280, v5;
	v6 =	vsel vm7, $0x1E80, v6;
	v7 =	vsel vm7, $0x1A80, v7  }
0x5a: {  	s14 =	simm.s32 $0x2;
	s15 =	simm.s32 $0x1;
	s19 =	simm.s32 $0x0;
	v8 =	vsel vm7, $0x7680, v8;
	v9 =	vsel vm7, $0x7280, v9;
	v10 =	vsel vm7, $0x6E80, v10  }
0x5b: {  	s2 =	sand.u32 $0x1, s2;
	s5 =	sshll.u32 s3, $0x1;
	s3 =	simm.s32 $0x0;
	v11 =	vsel vm7, $0x6A80, v11;
	v12 =	vsel vm7, $0x6680, v12;
	v13 =	vsel vm7, $0x6280, v13  }
0x5c: {  	s5 =	sor.u32 s2, s5;
	[smem:$0x7FF] =	sst s3;
	s2 =	ssub.s32 $0x2, s2;
	v14 =	vsel vm7, $0x5E80, v14;
	v15 =	vsel vm7, $0x5A80, v15;
	vm7 =	vcmask $0x3B38  }
0x5d: {  	v16 =	vimm.s32 $0x0;
	v17 =	vimm.f32 $0.0e+00;
	s6 =	sshll.u32 s5, $0x1;
	_ =	strace $0x80000047;
	s29 =	sshrl.u32 s2, $0x1;
	v0 =	vsel vm7, $0x3B00, v0  }
.Ltmp0:
0x5e: {  	s30 =	sshll.u32 s5, $0x7;
	s11 =	sadd.s32 s6, s4;
	v1 =	vsel vm7, $0x3700, v1;
	v2 =	vsel vm7, $0x3300, v2;
	v3 =	vsel vm7, $0x2F00, v3;
	(pc) =	sbr.rel .LBB2_1-.Ltmp0, $4  }
0x5f: {  	s2 =	ssub.s32 s2, s29;
	s4 =	sshll.u32 s5, $0x15;
	s1 =	sadd.s32 s1, s30;
	v4 =	vsel vm7, $0x2B00, v4;
	v5 =	vsel vm7, $0x2700, v5;
	v6 =	vsel vm7, $0x2300, v6  }
0x60: {  	s5 =	sshll.u32 s5, $0xA;
	[dreg:$0x4] =	wrdreg s1;
	s7 =	sor.u32 $0x4000, s4;
	v7 =	vsel vm7, $0x1F00, v7;
	v8 =	vsel vm7, $0x7B00, v8;
	v9 =	vsel vm7, $0x7700, v9  }
0x61: {  	s8 =	sor.u32 $0x8000, s4;
	s9 =	sor.u32 $0xC000, s4;
	s31 =	sadd.s32 $0x600, s11;
	v10 =	vsel vm7, $0x7300, v10;
	v11 =	vsel vm7, $0x6F00, v11;
	v12 =	vsel vm7, $0x6B00, v12  }
0x62: {  	s11 =	sadd.s32 $0x640, s11;
	s12 =	smax.u32 s2, $0x1;
	[dreg:$0x5] =	wrdreg s31;
	v13 =	vsel vm7, $0x6700, v13;
	v14 =	vsel vm7, $0x6300, v14;
	v15 =	vsel vm7, $0x5F00, v15  }
.LBB2_10:
0x63: {  	[sflag:s15] =	ssyncadd.s32 $0xFFFFFC00  }
.LBB2_11:
0x64: {  	v20 =	vld [tilespmem:$0x3E8]  }
0x65: {  	v21 =	vld [tilespmem:$0x3E7]  }
0x66: {  	v22 =	vld [tilespmem:$0x3E6]  }
0x67: {  	v26 =	vld [tilespmem:$0x3E3]  }
0x68: {  	v31 =	vld [tilespmem:$0x3E2]  }
0x69: {  	v33 =	vld [tilespmem:$0x3E1]  }
0x6a: {  	v23 =	vld [tilespmem:$0x3E5]  }
0x6b: {  	v36 =	vld [tilespmem:$0x3F8]  }
0x6c: {  	v37 =	vld [tilespmem:$0x3F7]  }
0x6d: {  	vm7 =	vgt.s32 v20, $0x0;
	vm8 =	vgt.s32 v21, $0x0  }
0x6e: {  	v24 =	vld [tilespmem:$0x3E4];
	vm14 =	vgt.s32 v26, $0x0;
	vm15 =	vgt.s32 v31, $0x0;
	vm13 =	vgt.s32 v33, $0x0  }
0x6f: {  	v29 =	vld [tilespmem:$0x3F5];
	v25 =	vnsel vm7, $0x0, v20;
	v21 =	vnsel vm8, $0x0, v21;
	vm7 =	vgt.s32 v22, $0x0  }
0x70: {  	vm8 =	vgt.s32 v23, $0x0;
	v35 =	vnsel vm14, $0x0, v26;
	v38 =	vnsel vm15, $0x0, v31  }
0x71: {  	vm14 =	vgt.s32 v36, $0x0;
	vm15 =	vgt.s32 v37, $0x0;
	v27 =	vshrl.u32 v25, $0x7  }
0x72: {  	v21 =	vshrl.u32 v21, $0x7;
	v22 =	vnsel vm7, $0x0, v22;
	v32 =	vnsel vm8, $0x0, v23  }
0x73: {  	vm8 =	vgt.s32 v24, $0x0;
	v23 =	vnsel vm13, $0x0, v33;
	v44 =	vnsel vm14, $0x0, v36  }
0x74: {  	v26 =	vnsel vm15, $0x0, v37;
	vm13 =	vgt.s32 v29, $0x0;
	v57 =	vand.u32 $0x7F, v25  }
0x75: {  	vm7 =	veq.s32 v27, v21;
	v30 =	vshrl.u32 v22, $0x7;
	v21 =	vshrl.u32 v32, $0x7  }
0x76: {  	v24 =	vnsel vm8, $0x0, v24;
	v40 =	vshrl.u32 v23, $0x7;
	v45 =	vshrl.u32 v44, $0x7  }
0x77: {  	v26 =	vshrl.u32 v26, $0x7;
	v46 =	vnsel vm13, $0x0, v29;
	vm9 =	veq.s32 v27, v30  }
0x78: {  	vm8 =	veq.s32 v27, v21;
	v34 =	vshrl.u32 v24, $0x7;
	v21 =	vshrl.u32 v35, $0x7  }
0x79: {  	v39 =	vld [tilespmem:$0x3F6];
	v28 =	vsel vm7, v1, v0;
	vm7 =	veq.s32 v27, v40;
	v48 =	vshrl.u32 v46, $0x7  }
0x7a: {  	v43 =	vld [tilespmem:$0x3F4];
	vm10 =	vmand vm9, vm1;
	vm11 =	vmand vm8, vm2;
	vm8 =	veq.s32 v27, v34  }
0x7b: {  	v30 =	vld [tilespmem:$0x3F3];
	vm13 =	veq.s32 v45, v48;
	vm7 =	vmand vm7, vm6;
	vm12 =	vmand vm8, vm3  }
0x7c: {  	vm8 =	veq.s32 v27, v21;
	v21 =	vshrl.u32 v38, $0x7;
	v41 =	vsel vm10, v2, v28  }
0x7d: {  	vm9 =	veq.s32 v27, v21;
	v42 =	vsel vm11, v3, v41;
	vm11 =	veq.s32 v45, v26  }
0x7e: {  	v47 =	vld [tilespmem:$0x3F2];
	vm8 =	vmand vm8, vm4;
	v21 =	vsel vm12, v4, v42;
	vm12 =	vgt.s32 v39, $0x0  }
0x7f: {  	v49 =	vld [tilespmem:$0x3F1];
	v55 =	vsel vm11, v9, v8;
	v22 =	vnsel vm12, $0x0, v39;
	vm12 =	vgt.s32 v43, $0x0  }
0x80: {  	v21 =	vsel vm8, v5, v21;
	vm8 =	vgt.s32 v30, $0x0;
	v22 =	vshrl.u32 v22, $0x7  }
0x81: {  	v50 =	vnsel vm12, $0x0, v43;
	v51 =	vnsel vm8, $0x0, v30;
	vm8 =	vmand vm9, vm5  }
0x82: {  	vm10 =	veq.s32 v45, v22;
	v22 =	vshrl.u32 v50, $0x7;
	v21 =	vsel vm8, v6, v21  }
0x83: {  	vm8 =	vgt.s32 v47, $0x0;
	vm12 =	veq.s32 v45, v22;
	v22 =	vshrl.u32 v51, $0x7  }
0x84: {  	v52 =	vnsel vm8, $0x0, v47;
	vm8 =	vgt.s32 v49, $0x0;
	v21 =	vsel vm7, v7, v21  }
0x85: {  	vm9 =	veq.s32 v45, v22;
	v53 =	vnsel vm8, $0x0, v49;
	vm8 =	vmand vm10, vm1  }
0x86: {  	v22 =	vshrl.u32 v52, $0x7;
	v56 =	vsel vm8, v10, v55;
	vm8 =	vmand vm13, vm2  }
0x87: {  	vm14 =	veq.s32 v45, v22;
	v22 =	vsel vm8, v11, v56;
	vm8 =	vmand vm12, vm3  }
0x88: {  	v54 =	vshrl.u32 v53, $0x7;
	vm9 =	vmand vm9, vm4;
	v22 =	vsel vm8, v12, v22  }
0x89: {  	vm15 =	veq.s32 v45, v54;
	vm7 =	vmand vm14, vm5;
	v22 =	vsel vm9, v13, v22  }
0x8a: {  	v21 =	vadd.s32 v57, v21;
	vm8 =	vmand vm15, vm6;
	v22 =	vsel vm7, v14, v22  }
0x8b: {  	v58 =	vand.u32 $0x7F, v44;
	v22 =	vsel vm8, v15, v22  }
0x8c: {  	v22 =	vadd.s32 v58, v22;
	_ =	sdelay $0x1  }
0x8d: {  	s1 =	simm.s32 $0x8480  }
0x8e: {  	v21 =	vld.idx.msk [tilespmem:v21+s1+$0x0], $0xffff;
	_ =	sdelay $0x1  }
0x8f: {  	v22 =	vld.idx.msk [tilespmem:v22+s1+$0x0], $0xffff;
	_ =	sdelay $0x2  }
0x90: {  	v21 =	vsub.f32 $1.000000000e+00, v21;
	_ =	sdelay $0x1  }
0x91: {  	vm7 =	vgt.s32 v20, $0xFFFFFFFF;
	v59 =	vmul.f32 v21, v21;
	v60 =	vsub.f32 $1.000000000e+00, v22  }
0x92: {  	v61 =	vsel vm7, $0x3F800000, v17  }
0x93: {  	vm7 =	vgt.s32 v36, $0xFFFFFFFF;
	v20 =	vmul.f32 v59, v61;
	v21 =	vmul.f32 v60, v60  }
0x94: {  	v62 =	vsel vm7, $0x3F800000, v17;
	v18 =	vadd.f32 v61, v18  }
0x95: {  	v19 =	vadd.f32 v20, v19;
	v63 =	vmul.f32 v21, v62  }
0x96: {  	v18 =	vadd.f32 v62, v18  }
0x97: {  	v19 =	vadd.f32 v63, v19  }
0x98: {  	[tilespmem:$0x10490] =	vst v18  }
0x99: {  	s30 =	rddreg [dreg:$0x5];
	s2 =	simm.s32 $0x10480;
	[tilespmem:$0x10480] =	vst v19  }
0x9a: {  	[hbm4b:s30+s3] =	stream.linear.scatter [tilespmem:s2], [sflag:$0x2], $0x10, $0x38;
	[tilespmem:$0x10500] =	vst v63  }
0x9b: {  	s19 =	sadd.s32 $0x1, s19;
	_ =	swait.ge [sflag:s14], $0x10  }
0x9c: {  	p0 =	sne.s32 s19, s12;
	[sflag:s14] =	ssyncset.done $0x0  }
.Ltmp1:
0x9d: {  	s31 =	simm.s32 $0x10490;
	[sflag:s14] =	ssyncadd.s32 $0xFFFFFFF0;
	(pc) =	sbr.rel @!p0 .LBB2_12-.Ltmp1, $4  }
0x9e: {  	[hbm4b:s11+s3] =	stream.linear.scatter [tilespmem:s31], [sflag:$0x2], $0x10, $0x38;
	[tilespmem:$0x10500] =	vst v63  }
0x9f: {  	_ =	swait.ge [sflag:s14], $0x10  }
0xa0: {  	[sflag:s14] =	ssyncset.done $0x0  }
0xa1: {  	[sflag:s14] =	ssyncadd.s32 $0xFFFFFFF0  }
.LBB2_1:
0xa2: {  	[tilespmem:$0x0] =	vst v16;
	s1 =	rddreg [dreg:$0x4];
	s2 =	simm.s32 $0x8  }
0xa3: {  	[tilespmem:s2], [sflag:$0x2] =	stream.linear.gather [hbm4b:s1+s3], $0x400, $0x38;
	[tilespmem:$0x10500] =	vst v63  }
0xa4: {  	_ =	swait.ge [sflag:s14], $0x400  }
0xa5: {  	[sflag:s14] =	ssyncset.done $0x0  }
0xa6: {  	[sflag:s14] =	ssyncadd.s32 $0xFFFFFC00  }
0xa7: {  	v18 =	vld [tilespmem:$0x8]  }
0xa8: {  	v19 =	vld [tilespmem:$0x7];
	_ =	sdelay $0x3  }
0xa9: {  	v20 =	vld [tilespmem:$0x6]  }
0xaa: {  	v21 =	vld [tilespmem:$0x5];
	vm7 =	vgt.s32 v18, $0x0;
	vm8 =	vgt.s32 v19, $0x0  }
0xab: {  	v22 =	vld [tilespmem:$0x4];
	v18 =	vnsel vm7, $0x0, v18;
	v19 =	vnsel vm8, $0x0, v19  }
0xac: {  	v18 =	vshrl.u32 v18, $0x7;
	v19 =	vshrl.u32 v19, $0x7  }
0xad: {  	vm7 =	veq.s32 v18, v19  }
0xae: {  	vm8 =	vgt.s32 v20, $0x0;
	vm7 =	vmand vm7, vm0  }
0xaf: {  	v23 =	vld [tilespmem:$0x3];
	v20 =	vnsel vm8, $0x0, v20;
	v19 =	vsel vm7, $0x1, v16;
	vm7 =	vgt.s32 v21, $0x0  }
0xb0: {  	v24 =	vld [tilespmem:$0x2];
	v20 =	vshrl.u32 v20, $0x7;
	v21 =	vnsel vm7, $0x0, v21;
	vm7 =	vgt.s32 v22, $0x0  }
0xb1: {  	v54 =	vld [tilespmem:$0x1];
	vm8 =	veq.s32 v18, v20;
	v20 =	vshrl.u32 v21, $0x7;
	v53 =	vnsel vm7, $0x0, v22  }
0xb2: {  	vm7 =	vmand vm8, vm1;
	vm8 =	veq.s32 v18, v20;
	v20 =	vshrl.u32 v53, $0x7  }
0xb3: {  	v19 =	vsel vm7, $0x2, v19;
	vm7 =	vmand vm8, vm2;
	vm8 =	veq.s32 v18, v20  }
0xb4: {  	v19 =	vsel vm7, $0x3, v19;
	vm7 =	vmand vm8, vm3;
	vm8 =	vgt.s32 v23, $0x0  }
0xb5: {  	v19 =	vsel vm7, $0x4, v19;
	v20 =	vnsel vm8, $0x0, v23;
	vm7 =	vgt.s32 v24, $0x0  }
0xb6: {  	v20 =	vshrl.u32 v20, $0x7;
	v55 =	vnsel vm7, $0x0, v24;
	vm7 =	vgt.s32 v54, $0x0  }
0xb7: {  	vm8 =	veq.s32 v18, v20;
	v20 =	vshrl.u32 v55, $0x7;
	v56 =	vnsel vm7, $0x0, v54  }
0xb8: {  	vm7 =	vmand vm8, vm4;
	vm8 =	veq.s32 v18, v20;
	v20 =	vshrl.u32 v56, $0x7  }
0xb9: {  	v19 =	vsel vm7, $0x5, v19;
	vm7 =	vmand vm8, vm5;
	vm8 =	veq.s32 v18, v20  }
0xba: {  	v19 =	vsel vm7, $0x6, v19;
	vm7 =	vmand vm8, vm6  }
0xbb: {  	v19 =	vsel vm7, $0x7, v19  }
0xbc: {  	vm7 =	veq.s32 v19, $0x0  }
0xbd: {  	v20 =	vmpcnt.ones.xlane vm7;
	_ =	sdelay $0x1  }
0xbe: {  	(v2sf) =	vpush v20, $0x0  }
0xbf: {  	(v2sf) =	vpush v19, $0x0;
	_ =	sdelay $0xd  }
0xc0: {  	s20 =	spop (v2sf)  }
0xc1: {  	s31 =	spop (v2sf)  }
0xc2: {  	p0 =	sne.s32 s31, $0x0  }
0xc3: {  	(v2sf) =	vpush @!p0 v18, $0x0  }
0xc4: {  	(v2sf) =	vpush v19, $0x1;
	_ =	sdelay $0xd  }
0xc5: {  	s17 =	spop @!p0 (v2sf)  }
0xc6: {  	s2 =	spop (v2sf)  }
0xc7: {  	p2 =	sne.s32 s2, $0x0  }
0xc8: {  	(v2sf) =	vpush @!p2 v18, $0x1  }
0xc9: {  	(v2sf) =	vpush v19, $0x2;
	_ =	sdelay $0xd  }
0xca: {  	s26 =	spop @!p2 (v2sf)  }
0xcb: {  	s6 =	spop (v2sf)  }
0xcc: {  	p6 =	sne.s32 s6, $0x0  }
0xcd: {  	(v2sf) =	vpush @!p6 v18, $0x2  }
0xce: {  	(v2sf) =	vpush v19, $0x3;
	_ =	sdelay $0xd  }
0xcf: {  	s28 =	spop @!p6 (v2sf)  }
0xd0: {  	s10 =	spop (v2sf)  }
0xd1: {  	p3 =	sne.s32 s10, $0x0  }
0xd2: {  	(v2sf) =	vpush @!p3 v18, $0x3  }
0xd3: {  	(v2sf) =	vpush v19, $0x4;
	_ =	sdelay $0xd  }
0xd4: {  	s25 =	spop @!p3 (v2sf)  }
0xd5: {  	s13 =	spop (v2sf)  }
0xd6: {  	p4 =	sne.s32 s13, $0x0  }
0xd7: {  	(v2sf) =	vpush @!p4 v18, $0x4  }
0xd8: {  	(v2sf) =	vpush v19, $0x5;
	_ =	sdelay $0xd  }
0xd9: {  	s24 =	spop @!p4 (v2sf)  }
0xda: {  	s16 =	spop (v2sf)  }
0xdb: {  	p5 =	sne.s32 s16, $0x0  }
0xdc: {  	(v2sf) =	vpush @!p5 v18, $0x5  }
0xdd: {  	(v2sf) =	vpush v19, $0x6;
	_ =	sdelay $0xd  }
0xde: {  	s23 =	spop @!p5 (v2sf)  }
0xdf: {  	s18 =	spop (v2sf)  }
0xe0: {  	p1 =	sne.s32 s18, $0x0  }
0xe1: {  	(v2sf) =	vpush @!p1 v18, $0x6  }
0xe2: {  	(v2sf) =	vpush v19, $0x7;
	_ =	sdelay $0xd  }
0xe3: {  	s22 =	spop @!p1 (v2sf)  }
0xe4: {  	s1 =	simm.s32 @!p1 $0x0;
	s21 =	spop (v2sf)  }
0xe5: {  	s1 =	simm.s32 @p1 $0x1;
	p1 =	sne.s32 s21, $0x0  }
0xe6: {  	(v2sf) =	vpush @!p1 v18, $0x7  }
0xe7: {  	(v2sf) =	vpush v19, $0x8;
	_ =	sdelay $0xd  }
0xe8: {  	s21 =	spop @!p1 (v2sf)  }
0xe9: {  	[smem:$0x7F2] =	sst s1;
	s1 =	simm.s32 @!p1 $0x0;
	s29 =	spop (v2sf)  }
0xea: {  	s1 =	simm.s32 @p1 $0x1;
	p1 =	sne.s32 s29, $0x0  }
0xeb: {  	(v2sf) =	vpush @!p1 v18, $0x8  }
0xec: {  	(v2sf) =	vpush v19, $0x9;
	_ =	sdelay $0xd  }
0xed: {  	s13 =	spop @!p1 (v2sf)  }
0xee: {  	[smem:$0x7F3] =	sst s1;
	s1 =	simm.s32 @!p1 $0x0;
	s30 =	spop (v2sf)  }
0xef: {  	s1 =	simm.s32 @p1 $0x1;
	p1 =	sne.s32 s30, $0x0  }
0xf0: {  	(v2sf) =	vpush @!p1 v18, $0x9  }
0xf1: {  	(v2sf) =	vpush v19, $0xA;
	_ =	sdelay $0xb  }
0xf2: {  	[smem:$0x7F4] =	sst s1;
	s1 =	simm.s32 @!p1 $0x0  }
0xf3: {  	s1 =	simm.s32 @p1 $0x1  }
0xf4: {  	[smem:$0x7F5] =	sst s1;
	s1 =	spop @!p1 (v2sf)  }
0xf5: {  	s31 =	spop (v2sf)  }
0xf6: {  	p1 =	sne.s32 s31, $0x0  }
0xf7: {  	(v2sf) =	vpush @!p1 v18, $0xA  }
0xf8: {  	(v2sf) =	vpush v19, $0xB;
	_ =	sdelay $0xb  }
0xf9: {  	s2 =	simm.s32 @!p1 $0x0  }
0xfa: {  	s2 =	simm.s32 @p1 $0x1  }
0xfb: {  	[smem:$0x7F6] =	sst s2;
	s2 =	spop @!p1 (v2sf)  }
0xfc: {  	s29 =	spop (v2sf)  }
0xfd: {  	p1 =	sne.s32 s29, $0x0  }
0xfe: {  	s17 =	sshll.u32 @!p0 s17, $0xA;
	(v2sf) =	vpush @!p1 v18, $0xB  }
0xff: {  	s17 =	sadd.s32 @!p0 s4, s17;
	(v2sf) =	vpush v19, $0xC  }
0x100: {  	s17 =	sshrl.u32 @!p0 s17, $0x3  }
0x101: {  	s17 =	sadd.s32 @!p0 s0, s17;
	s30 =	simm.s32 @!p0 $0x480;
	s29 =	simm.s32 @!p0 $0x0  }
0x102: {  	[tilespmem:s30], [sflag:$0x1] =	stream.linear.gather @!p0 [hbm4b:s17+s29], $0x400, $0x38;
	[tilespmem:$0x10500] =	vst v63  }
0x103: {  	s17 =	sshll.u32 @!p2 s26, $0xA  }
0x104: {  	s17 =	sadd.s32 @!p2 s4, s17  }
0x105: {  	s17 =	sshrl.u32 @!p2 s17, $0x3  }
0x106: {  	s26 =	simm.s32 @!p2 $0x0;
	s29 =	simm.s32 @!p2 $0x880;
	s17 =	sadd.s32 @!p2 s0, s17  }
0x107: {  	[tilespmem:s29], [sflag:$0x1] =	stream.linear.gather @!p2 [hbm4b:s17+s26], $0x400, $0x38;
	[tilespmem:$0x10500] =	vst v63  }
0x108: {  	s17 =	sshll.u32 @!p6 s28, $0xA  }
0x109: {  	s17 =	sadd.s32 @!p6 s4, s17  }
0x10a: {  	s6 =	simm.s32 @!p1 $0x0;
	s17 =	sshrl.u32 @!p6 s17, $0x3  }
0x10b: {  	s26 =	simm.s32 @!p6 $0x0;
	s28 =	simm.s32 @!p6 $0xC80;
	s17 =	sadd.s32 @!p6 s0, s17  }
0x10c: {  	[tilespmem:s28], [sflag:$0x1] =	stream.linear.gather @!p6 [hbm4b:s17+s26], $0x400, $0x38;
	[tilespmem:$0x10500] =	vst v63  }
0x10d: {  	s6 =	simm.s32 @p1 $0x1;
	s17 =	spop @!p1 (v2sf)  }
0x10e: {  	[smem:$0x7F7] =	sst s6;
	s6 =	spop (v2sf)  }
0x10f: {  	s25 =	sshll.u32 @!p3 s25, $0xA;
	s24 =	sshll.u32 @!p4 s24, $0xA;
	p6 =	sne.s32 s6, $0x0  }
0x110: {  	s25 =	sadd.s32 @!p3 s4, s25;
	s24 =	sadd.s32 @!p4 s4, s24;
	(v2sf) =	vpush @!p6 v18, $0xC  }
0x111: {  	s25 =	sshrl.u32 @!p3 s25, $0x3;
	s24 =	sshrl.u32 @!p4 s24, $0x3;
	s23 =	sshll.u32 @!p5 s23, $0xA;
	(v2sf) =	vpush v19, $0xD  }
0x112: {  	s25 =	sadd.s32 @!p3 s0, s25;
	s24 =	sadd.s32 @!p4 s0, s24;
	s23 =	sadd.s32 @!p5 s4, s23  }
0x113: {  	s23 =	sshrl.u32 @!p5 s23, $0x3;
	s26 =	simm.s32 @!p3 $0x0;
	s28 =	simm.s32 @!p3 $0x1080  }
0x114: {  	[tilespmem:s28], [sflag:$0x1] =	stream.linear.gather @!p3 [hbm4b:s25+s26], $0x400, $0x38;
	[tilespmem:$0x10500] =	vst v63  }
0x115: {  	s16 =	sld [smem:$0x7F2];
	s25 =	simm.s32 @!p4 $0x0;
	s26 =	simm.s32 @!p4 $0x1480  }
0x116: {  	[tilespmem:s26], [sflag:$0x1] =	stream.linear.gather @!p4 [hbm4b:s24+s25], $0x400, $0x38;
	[tilespmem:$0x10500] =	vst v63  }
0x117: {  	s23 =	sadd.s32 @!p5 s0, s23;
	s24 =	simm.s32 @!p5 $0x0;
	s25 =	simm.s32 @!p5 $0x1880  }
0x118: {  	[tilespmem:s25], [sflag:$0x1] =	stream.linear.gather @!p5 [hbm4b:s23+s24], $0x400, $0x38;
	[tilespmem:$0x10500] =	vst v63  }
0x119: {  	p1 =	seq.s32 s16, $0x1  }
0x11a: {  	s22 =	sshll.u32 @!p1 s22, $0xA  }
0x11b: {  	s22 =	sadd.s32 @!p1 s4, s22  }
0x11c: {  	s22 =	sshrl.u32 @!p1 s22, $0x3  }
0x11d: {  	s24 =	simm.s32 @!p1 $0x0;
	s25 =	simm.s32 @!p1 $0x1C80;
	s22 =	sadd.s32 @!p1 s0, s22  }
0x11e: {  	[tilespmem:s25], [sflag:$0x1] =	stream.linear.gather @!p1 [hbm4b:s22+s24], $0x400, $0x38;
	[tilespmem:$0x10500] =	vst v63  }
0x11f: {  	s18 =	sld [smem:$0x7F3];
	s23 =	spop @!p6 (v2sf)  }
0x120: {  	s10 =	spop (v2sf)  }
0x121: {  	p0 =	sne.s32 s10, $0x0  }
0x122: {  	p1 =	seq.s32 s18, $0x1;
	(v2sf) =	vpush @!p0 v18, $0xD  }
0x123: {  	s21 =	sshll.u32 @!p1 s21, $0xA;
	(v2sf) =	vpush v19, $0xE  }
0x124: {  	s21 =	sadd.s32 @!p1 s4, s21  }
0x125: {  	s21 =	sshrl.u32 @!p1 s21, $0x3  }
0x126: {  	s22 =	simm.s32 @!p1 $0x0;
	s24 =	simm.s32 @!p1 $0x2080;
	s21 =	sadd.s32 @!p1 s0, s21  }
0x127: {  	[tilespmem:s24], [sflag:$0x1] =	stream.linear.gather @!p1 [hbm4b:s21+s22], $0x400, $0x38;
	[tilespmem:$0x10500] =	vst v63  }
0x128: {  	s21 =	sld [smem:$0x7F4];
	_ =	sdelay $0x2  }
0x129: {  	p1 =	seq.s32 s21, $0x1  }
0x12a: {  	s13 =	sshll.u32 @!p1 s13, $0xA  }
0x12b: {  	s13 =	sadd.s32 @!p1 s13, s7  }
0x12c: {  	s24 =	sld [smem:$0x7F5];
	s13 =	sshrl.u32 @!p1 s13, $0x3  }
0x12d: {  	s21 =	simm.s32 @!p1 $0x0;
	s22 =	simm.s32 @!p1 $0x2480;
	s13 =	sadd.s32 @!p1 s0, s13  }
0x12e: {  	[tilespmem:s22], [sflag:$0x1] =	stream.linear.gather @!p1 [hbm4b:s13+s21], $0x400, $0x38;
	[tilespmem:$0x10500] =	vst v63  }
0x12f: {  	p2 =	seq.s32 s24, $0x1;
	s13 =	spop @!p0 (v2sf)  }
0x130: {  	s1 =	sshll.u32 @!p2 s1, $0xA;
	s22 =	spop (v2sf)  }
0x131: {  	s1 =	sadd.s32 @!p2 s1, s7;
	p1 =	sne.s32 s22, $0x0  }
0x132: {  	s25 =	sld [smem:$0x7F6];
	s1 =	sshrl.u32 @!p2 s1, $0x3;
	(v2sf) =	vpush @!p1 v18, $0xE  }
0x133: {  	s1 =	sadd.s32 @!p2 s0, s1;
	s21 =	simm.s32 @!p2 $0x0;
	s22 =	simm.s32 @!p2 $0x2880;
	(v2sf) =	vpush v19, $0xF  }
0x134: {  	[tilespmem:s22], [sflag:$0x1] =	stream.linear.gather @!p2 [hbm4b:s1+s21], $0x400, $0x38;
	[tilespmem:$0x10500] =	vst v63  }
0x135: {  	p2 =	seq.s32 s25, $0x1  }
0x136: {  	s1 =	sshll.u32 @!p2 s2, $0xA  }
0x137: {  	s1 =	sadd.s32 @!p2 s1, s7  }
0x138: {  	s26 =	sld [smem:$0x7F7];
	s1 =	sshrl.u32 @!p2 s1, $0x3  }
0x139: {  	s2 =	simm.s32 @!p2 $0x0;
	s21 =	simm.s32 @!p2 $0x2C80;
	s1 =	sadd.s32 @!p2 s0, s1  }
0x13a: {  	[tilespmem:s21], [sflag:$0x1] =	stream.linear.gather @!p2 [hbm4b:s1+s2], $0x400, $0x38;
	[tilespmem:$0x10500] =	vst v63  }
0x13b: {  	p2 =	seq.s32 s26, $0x1  }
0x13c: {  	s1 =	sshll.u32 @!p2 s17, $0xA  }
0x13d: {  	s1 =	sadd.s32 @!p2 s1, s7  }
0x13e: {  	s1 =	sshrl.u32 @!p2 s1, $0x3  }
0x13f: {  	s2 =	simm.s32 @!p2 $0x0;
	s17 =	simm.s32 @!p2 $0x3080;
	s1 =	sadd.s32 @!p2 s0, s1  }
0x140: {  	[tilespmem:s17], [sflag:$0x1] =	stream.linear.gather @!p2 [hbm4b:s1+s2], $0x400, $0x38;
	[tilespmem:$0x10500] =	vst v63  }
0x141: {  	s1 =	spop @!p1 (v2sf)  }
0x142: {  	s28 =	spop (v2sf)  }
0x143: {  	p2 =	sne.s32 s28, $0x0  }
0x144: {  	(v2sf) =	vpush @!p2 v18, $0xF;
	_ =	sdelay $0x1  }
0x145: {  	s2 =	sshll.u32 @!p6 s23, $0xA  }
0x146: {  	s2 =	sadd.s32 @!p6 s2, s7  }
0x147: {  	s2 =	sshrl.u32 @!p6 s2, $0x3  }
0x148: {  	s21 =	simm.s32 @!p6 $0x3480;
	s17 =	simm.s32 @!p6 $0x0;
	s2 =	sadd.s32 @!p6 s0, s2  }
0x149: {  	[tilespmem:s21], [sflag:$0x1] =	stream.linear.gather @!p6 [hbm4b:s2+s17], $0x400, $0x38;
	[tilespmem:$0x10500] =	vst v63  }
0x14a: {  	s2 =	sshll.u32 @!p0 s13, $0xA  }
0x14b: {  	s2 =	sadd.s32 @!p0 s2, s7  }
0x14c: {  	s13 =	simm.s32 @!p0 $0x0;
	s2 =	sshrl.u32 @!p0 s2, $0x3;
	s1 =	sshll.u32 @!p1 s1, $0xA  }
0x14d: {  	s17 =	simm.s32 @!p0 $0x3880;
	s2 =	sadd.s32 @!p0 s0, s2;
	s1 =	sadd.s32 @!p1 s1, s7  }
0x14e: {  	[tilespmem:s17], [sflag:$0x1] =	stream.linear.gather @!p0 [hbm4b:s2+s13], $0x400, $0x38;
	[tilespmem:$0x10500] =	vst v63  }
0x14f: {  	s1 =	sshrl.u32 @!p1 s1, $0x3  }
0x150: {  	s2 =	simm.s32 @!p1 $0x0;
	s13 =	simm.s32 @!p1 $0x3C80;
	s1 =	sadd.s32 @!p1 s0, s1  }
0x151: {  	[tilespmem:s13], [sflag:$0x1] =	stream.linear.gather @!p1 [hbm4b:s1+s2], $0x400, $0x38;
	[tilespmem:$0x10500] =	vst v63  }
0x152: {  	s1 =	spop @!p2 (v2sf)  }
0x153: {  	s1 =	sshll.u32 @!p2 s1, $0xA  }
0x154: {  	s1 =	sadd.s32 @!p2 s1, s7  }
0x155: {  	s1 =	sshrl.u32 @!p2 s1, $0x3  }
0x156: {  	s2 =	simm.s32 @!p2 $0x0;
	s13 =	simm.s32 @!p2 $0x4080;
	s1 =	sadd.s32 @!p2 s0, s1  }
0x157: {  	[tilespmem:s13], [sflag:$0x1] =	stream.linear.gather @!p2 [hbm4b:s1+s2], $0x400, $0x38;
	[tilespmem:$0x10500] =	vst v63  }
0x158: {  	v18 =	vld [tilespmem:$0x18]  }
0x159: {  	v19 =	vld [tilespmem:$0x17];
	_ =	sdelay $0x3  }
0x15a: {  	v20 =	vld [tilespmem:$0x16]  }
0x15b: {  	v57 =	vld [tilespmem:$0x15];
	vm7 =	vgt.s32 v18, $0x0;
	vm8 =	vgt.s32 v19, $0x0  }
0x15c: {  	v58 =	vld [tilespmem:$0x14];
	v18 =	vnsel vm7, $0x0, v18;
	v19 =	vnsel vm8, $0x0, v19  }
0x15d: {  	v18 =	vshrl.u32 v18, $0x7;
	v19 =	vshrl.u32 v19, $0x7  }
0x15e: {  	vm7 =	veq.s32 v18, v19  }
0x15f: {  	vm8 =	vgt.s32 v20, $0x0;
	vm7 =	vmand vm7, vm0  }
0x160: {  	v59 =	vld [tilespmem:$0x13];
	v20 =	vnsel vm8, $0x0, v20;
	v19 =	vsel vm7, $0x1, v16;
	vm7 =	vgt.s32 v57, $0x0  }
0x161: {  	v60 =	vld [tilespmem:$0x12];
	v20 =	vshrl.u32 v20, $0x7;
	v21 =	vnsel vm7, $0x0, v57;
	vm7 =	vgt.s32 v58, $0x0  }
0x162: {  	v62 =	vld [tilespmem:$0x11];
	vm8 =	veq.s32 v18, v20;
	v20 =	vshrl.u32 v21, $0x7;
	v61 =	vnsel vm7, $0x0, v58  }
0x163: {  	vm8 =	vmand vm8, vm1;
	vm7 =	veq.s32 v18, v20;
	v20 =	vshrl.u32 v61, $0x7  }
0x164: {  	v19 =	vsel vm8, $0x2, v19;
	vm8 =	veq.s32 v18, v20;
	vm7 =	vmand vm7, vm2  }
0x165: {  	v19 =	vsel vm7, $0x3, v19;
	vm7 =	vmand vm8, vm3;
	vm8 =	vgt.s32 v59, $0x0  }
0x166: {  	v19 =	vsel vm7, $0x4, v19;
	v20 =	vnsel vm8, $0x0, v59;
	vm7 =	vgt.s32 v60, $0x0  }
0x167: {  	v20 =	vshrl.u32 v20, $0x7;
	v63 =	vnsel vm7, $0x0, v60;
	vm7 =	vgt.s32 v62, $0x0  }
0x168: {  	vm8 =	veq.s32 v18, v20;
	v20 =	vnsel vm7, $0x0, v62;
	v21 =	vshrl.u32 v63, $0x7  }
0x169: {  	vm7 =	veq.s32 v18, v21;
	vm8 =	vmand vm8, vm4;
	v20 =	vshrl.u32 v20, $0x7  }
0x16a: {  	v19 =	vsel vm8, $0x5, v19;
	vm7 =	vmand vm7, vm5;
	vm8 =	veq.s32 v18, v20  }
0x16b: {  	v19 =	vsel vm7, $0x6, v19;
	vm7 =	vmand vm8, vm6  }
0x16c: {  	v19 =	vsel vm7, $0x7, v19  }
0x16d: {  	vm7 =	veq.s32 v19, $0x0  }
0x16e: {  	v20 =	vmpcnt.ones.xlane vm7;
	_ =	sdelay $0x1  }
0x16f: {  	(v2sf) =	vpush v20, $0x0  }
0x170: {  	(v2sf) =	vpush v19, $0x0;
	_ =	sdelay $0xd  }
0x171: {  	s21 =	spop (v2sf)  }
0x172: {  	s29 =	spop (v2sf)  }
0x173: {  	p0 =	sne.s32 s29, $0x0  }
0x174: {  	(v2sf) =	vpush @!p0 v18, $0x0  }
0x175: {  	(v2sf) =	vpush v19, $0x1;
	_ =	sdelay $0xd  }
0x176: {  	s17 =	spop @!p0 (v2sf)  }
0x177: {  	s30 =	spop (v2sf)  }
0x178: {  	p2 =	sne.s32 s30, $0x0  }
0x179: {  	(v2sf) =	vpush @!p2 v18, $0x1  }
0x17a: {  	(v2sf) =	vpush v19, $0x2;
	_ =	sdelay $0xd  }
0x17b: {  	s28 =	spop @!p2 (v2sf)  }
0x17c: {  	s31 =	spop (v2sf)  }
0x17d: {  	p6 =	sne.s32 s31, $0x0  }
0x17e: {  	(v2sf) =	vpush @!p6 v18, $0x2  }
0x17f: {  	(v2sf) =	vpush v19, $0x3;
	_ =	sdelay $0xd  }
0x180: {  	s29 =	spop @!p6 (v2sf)  }
0x181: {  	s2 =	spop (v2sf)  }
0x182: {  	p3 =	sne.s32 s2, $0x0  }
0x183: {  	(v2sf) =	vpush @!p3 v18, $0x3  }
0x184: {  	(v2sf) =	vpush v19, $0x4;
	_ =	sdelay $0xd  }
0x185: {  	s26 =	spop @!p3 (v2sf)  }
0x186: {  	s6 =	spop (v2sf)  }
0x187: {  	p4 =	sne.s32 s6, $0x0  }
0x188: {  	(v2sf) =	vpush @!p4 v18, $0x4  }
0x189: {  	(v2sf) =	vpush v19, $0x5;
	_ =	sdelay $0xd  }
0x18a: {  	s25 =	spop @!p4 (v2sf)  }
0x18b: {  	s10 =	spop (v2sf)  }
0x18c: {  	p5 =	sne.s32 s10, $0x0  }
0x18d: {  	(v2sf) =	vpush @!p5 v18, $0x5  }
0x18e: {  	(v2sf) =	vpush v19, $0x6;
	_ =	sdelay $0xd  }
0x18f: {  	s24 =	spop @!p5 (v2sf)  }
0x190: {  	s13 =	spop (v2sf)  }
0x191: {  	p1 =	sne.s32 s13, $0x0  }
0x192: {  	(v2sf) =	vpush @!p1 v18, $0x6  }
0x193: {  	(v2sf) =	vpush v19, $0x7;
	_ =	sdelay $0xd  }
0x194: {  	s23 =	spop @!p1 (v2sf)  }
0x195: {  	s1 =	simm.s32 @!p1 $0x0;
	s16 =	spop (v2sf)  }
0x196: {  	s1 =	simm.s32 @p1 $0x1;
	p1 =	sne.s32 s16, $0x0  }
0x197: {  	(v2sf) =	vpush @!p1 v18, $0x7  }
0x198: {  	(v2sf) =	vpush v19, $0x8;
	_ =	sdelay $0xd  }
0x199: {  	s22 =	spop @!p1 (v2sf)  }
0x19a: {  	[smem:$0x7F8] =	sst s1;
	s1 =	simm.s32 @!p1 $0x0;
	s18 =	spop (v2sf)  }
0x19b: {  	s1 =	simm.s32 @p1 $0x1;
	p1 =	sne.s32 s18, $0x0  }
0x19c: {  	(v2sf) =	vpush @!p1 v18, $0x8  }
0x19d: {  	(v2sf) =	vpush v19, $0x9;
	_ =	sdelay $0xd  }
0x19e: {  	s13 =	spop @!p1 (v2sf)  }
0x19f: {  	[smem:$0x7F9] =	sst s1;
	s1 =	simm.s32 @!p1 $0x0;
	s30 =	spop (v2sf)  }
0x1a0: {  	s1 =	simm.s32 @p1 $0x1;
	p1 =	sne.s32 s30, $0x0  }
0x1a1: {  	(v2sf) =	vpush @!p1 v18, $0x9  }
0x1a2: {  	(v2sf) =	vpush v19, $0xA;
	_ =	sdelay $0xb  }
0x1a3: {  	[smem:$0x7FA] =	sst s1;
	s1 =	simm.s32 @!p1 $0x0  }
0x1a4: {  	s1 =	simm.s32 @p1 $0x1  }
0x1a5: {  	[smem:$0x7FB] =	sst s1;
	s1 =	spop @!p1 (v2sf)  }
0x1a6: {  	s31 =	spop (v2sf)  }
0x1a7: {  	p1 =	sne.s32 s31, $0x0  }
0x1a8: {  	(v2sf) =	vpush @!p1 v18, $0xA  }
0x1a9: {  	(v2sf) =	vpush v19, $0xB;
	_ =	sdelay $0xb  }
0x1aa: {  	s2 =	simm.s32 @!p1 $0x0  }
0x1ab: {  	s2 =	simm.s32 @p1 $0x1  }
0x1ac: {  	[smem:$0x7FC] =	sst s2;
	s2 =	spop @!p1 (v2sf)  }
0x1ad: {  	s6 =	spop (v2sf)  }
0x1ae: {  	p1 =	sne.s32 s6, $0x0  }
0x1af: {  	s17 =	sshll.u32 @!p0 s17, $0xA;
	(v2sf) =	vpush @!p1 v18, $0xB  }
0x1b0: {  	s17 =	sadd.s32 @!p0 s17, s8;
	(v2sf) =	vpush v19, $0xC  }
0x1b1: {  	s17 =	sshrl.u32 @!p0 s17, $0x3  }
0x1b2: {  	s17 =	sadd.s32 @!p0 s0, s17;
	s30 =	simm.s32 @!p0 $0x0;
	s31 =	simm.s32 @!p0 $0x4480  }
0x1b3: {  	[tilespmem:s31], [sflag:$0x1] =	stream.linear.gather @!p0 [hbm4b:s17+s30], $0x400, $0x38;
	[tilespmem:$0x10500] =	vst v63  }
0x1b4: {  	s17 =	sshll.u32 @!p2 s28, $0xA  }
0x1b5: {  	s17 =	sadd.s32 @!p2 s17, s8  }
0x1b6: {  	s17 =	sshrl.u32 @!p2 s17, $0x3  }
0x1b7: {  	s28 =	simm.s32 @!p2 $0x0;
	s30 =	simm.s32 @!p2 $0x4880;
	s17 =	sadd.s32 @!p2 s0, s17  }
0x1b8: {  	[tilespmem:s30], [sflag:$0x1] =	stream.linear.gather @!p2 [hbm4b:s17+s28], $0x400, $0x38;
	[tilespmem:$0x10500] =	vst v63  }
0x1b9: {  	s17 =	sshll.u32 @!p6 s29, $0xA  }
0x1ba: {  	s17 =	sadd.s32 @!p6 s17, s8  }
0x1bb: {  	s17 =	sshrl.u32 @!p6 s17, $0x3  }
0x1bc: {  	s28 =	simm.s32 @!p6 $0x0;
	s29 =	simm.s32 @!p6 $0x4C80;
	s17 =	sadd.s32 @!p6 s0, s17  }
0x1bd: {  	[tilespmem:s29], [sflag:$0x1] =	stream.linear.gather @!p6 [hbm4b:s17+s28], $0x400, $0x38;
	[tilespmem:$0x10500] =	vst v63  }
0x1be: {  	s17 =	spop @!p1 (v2sf)  }
0x1bf: {  	s26 =	sshll.u32 @!p3 s26, $0xA;
	s25 =	sshll.u32 @!p4 s25, $0xA;
	s10 =	spop (v2sf)  }
0x1c0: {  	s26 =	sadd.s32 @!p3 s26, s8;
	s25 =	sadd.s32 @!p4 s25, s8;
	p6 =	sne.s32 s10, $0x0  }
0x1c1: {  	s26 =	sshrl.u32 @!p3 s26, $0x3;
	s25 =	sshrl.u32 @!p4 s25, $0x3;
	s24 =	sshll.u32 @!p5 s24, $0xA;
	(v2sf) =	vpush @!p6 v18, $0xC  }
0x1c2: {  	s26 =	sadd.s32 @!p3 s0, s26;
	s25 =	sadd.s32 @!p4 s0, s25;
	s24 =	sadd.s32 @!p5 s24, s8;
	(v2sf) =	vpush v19, $0xD  }
0x1c3: {  	s24 =	sshrl.u32 @!p5 s24, $0x3;
	s28 =	simm.s32 @!p3 $0x0;
	s29 =	simm.s32 @!p3 $0x5080  }
0x1c4: {  	[tilespmem:s29], [sflag:$0x1] =	stream.linear.gather @!p3 [hbm4b:s26+s28], $0x400, $0x38;
	[tilespmem:$0x10500] =	vst v63  }
0x1c5: {  	s24 =	sadd.s32 @!p5 s0, s24;
	s26 =	simm.s32 @!p4 $0x0;
	s28 =	simm.s32 @!p4 $0x5480  }
0x1c6: {  	[tilespmem:s28], [sflag:$0x1] =	stream.linear.gather @!p4 [hbm4b:s25+s26], $0x400, $0x38;
	[tilespmem:$0x10500] =	vst v63  }
0x1c7: {  	s18 =	sld [smem:$0x7F8];
	s25 =	simm.s32 @!p5 $0x0;
	s26 =	simm.s32 @!p5 $0x5880  }
0x1c8: {  	[tilespmem:s26], [sflag:$0x1] =	stream.linear.gather @!p5 [hbm4b:s24+s25], $0x400, $0x38;
	[tilespmem:$0x10500] =	vst v63  }
0x1c9: {  	s6 =	simm.s32 @!p1 $0x0  }
0x1ca: {  	s6 =	simm.s32 @p1 $0x1;
	p1 =	seq.s32 s18, $0x1  }
0x1cb: {  	s23 =	sshll.u32 @!p1 s23, $0xA  }
0x1cc: {  	s23 =	sadd.s32 @!p1 s23, s8  }
0x1cd: {  	s23 =	sshrl.u32 @!p1 s23, $0x3  }
0x1ce: {  	s25 =	simm.s32 @!p1 $0x0;
	s26 =	simm.s32 @!p1 $0x5C80;
	s23 =	sadd.s32 @!p1 s0, s23  }
0x1cf: {  	[tilespmem:s26], [sflag:$0x1] =	stream.linear.gather @!p1 [hbm4b:s23+s25], $0x400, $0x38;
	[tilespmem:$0x10500] =	vst v63  }
0x1d0: {  	s23 =	sld [smem:$0x7F9];
	s24 =	spop @!p6 (v2sf)  }
0x1d1: {  	s16 =	spop (v2sf)  }
0x1d2: {  	p0 =	sne.s32 s16, $0x0  }
0x1d3: {  	p1 =	seq.s32 s23, $0x1;
	(v2sf) =	vpush @!p0 v18, $0xD  }
0x1d4: {  	s22 =	sshll.u32 @!p1 s22, $0xA;
	(v2sf) =	vpush v19, $0xE  }
0x1d5: {  	s22 =	sadd.s32 @!p1 s22, s8  }
0x1d6: {  	s22 =	sshrl.u32 @!p1 s22, $0x3  }
0x1d7: {  	s23 =	simm.s32 @!p1 $0x0;
	s25 =	simm.s32 @!p1 $0x6080;
	s22 =	sadd.s32 @!p1 s0, s22  }
0x1d8: {  	[tilespmem:s25], [sflag:$0x1] =	stream.linear.gather @!p1 [hbm4b:s22+s23], $0x400, $0x38;
	[tilespmem:$0x10500] =	vst v63  }
0x1d9: {  	s25 =	sld [smem:$0x7FA];
	_ =	sdelay $0x2  }
0x1da: {  	p1 =	seq.s32 s25, $0x1  }
0x1db: {  	s13 =	sshll.u32 @!p1 s13, $0xA  }
0x1dc: {  	s13 =	sadd.s32 @!p1 s13, s9  }
0x1dd: {  	s28 =	sld [smem:$0x7FB];
	s13 =	sshrl.u32 @!p1 s13, $0x3  }
0x1de: {  	s22 =	simm.s32 @!p1 $0x0;
	s23 =	simm.s32 @!p1 $0x6480;
	s13 =	sadd.s32 @!p1 s0, s13  }
0x1df: {  	[tilespmem:s23], [sflag:$0x1] =	stream.linear.gather @!p1 [hbm4b:s13+s22], $0x400, $0x38;
	[tilespmem:$0x10500] =	vst v63  }
0x1e0: {  	p2 =	seq.s32 s28, $0x1;
	s13 =	spop @!p0 (v2sf)  }
0x1e1: {  	s1 =	sshll.u32 @!p2 s1, $0xA;
	s26 =	spop (v2sf)  }
0x1e2: {  	s1 =	sadd.s32 @!p2 s1, s9;
	p1 =	sne.s32 s26, $0x0  }
0x1e3: {  	s29 =	sld [smem:$0x7FC];
	s1 =	sshrl.u32 @!p2 s1, $0x3;
	(v2sf) =	vpush @!p1 v18, $0xE  }
0x1e4: {  	s1 =	sadd.s32 @!p2 s0, s1;
	s22 =	simm.s32 @!p2 $0x0;
	s23 =	simm.s32 @!p2 $0x6880;
	(v2sf) =	vpush v19, $0xF  }
0x1e5: {  	[tilespmem:s23], [sflag:$0x1] =	stream.linear.gather @!p2 [hbm4b:s1+s22], $0x400, $0x38;
	[tilespmem:$0x10500] =	vst v63  }
0x1e6: {  	p2 =	seq.s32 s29, $0x1  }
0x1e7: {  	s1 =	sshll.u32 @!p2 s2, $0xA  }
0x1e8: {  	[smem:$0x7FD] =	sst s6;
	s1 =	sadd.s32 @!p2 s1, s9  }
0x1e9: {  	s30 =	sld [smem:$0x7FD];
	s1 =	sshrl.u32 @!p2 s1, $0x3  }
0x1ea: {  	s2 =	simm.s32 @!p2 $0x0;
	s22 =	simm.s32 @!p2 $0x6C80;
	s1 =	sadd.s32 @!p2 s0, s1  }
0x1eb: {  	[tilespmem:s22], [sflag:$0x1] =	stream.linear.gather @!p2 [hbm4b:s1+s2], $0x400, $0x38;
	[tilespmem:$0x10500] =	vst v63  }
0x1ec: {  	p2 =	seq.s32 s30, $0x1  }
0x1ed: {  	s1 =	sshll.u32 @!p2 s17, $0xA  }
0x1ee: {  	s1 =	sadd.s32 @!p2 s1, s9  }
0x1ef: {  	s1 =	sshrl.u32 @!p2 s1, $0x3  }
0x1f0: {  	s2 =	simm.s32 @!p2 $0x0;
	s17 =	simm.s32 @!p2 $0x7080;
	s1 =	sadd.s32 @!p2 s0, s1  }
0x1f1: {  	[tilespmem:s17], [sflag:$0x1] =	stream.linear.gather @!p2 [hbm4b:s1+s2], $0x400, $0x38;
	[tilespmem:$0x10500] =	vst v63  }
0x1f2: {  	s1 =	spop @!p1 (v2sf)  }
0x1f3: {  	s31 =	spop (v2sf)  }
0x1f4: {  	p2 =	seq.s32 s31, $0x0  }
0x1f5: {  	s2 =	sshll.u32 @!p6 s24, $0xA;
	(v2sf) =	vpush @p2 v18, $0xF  }
0x1f6: {  	s2 =	sadd.s32 @!p6 s2, s9  }
0x1f7: {  	s2 =	sshrl.u32 @!p6 s2, $0x3  }
0x1f8: {  	s22 =	simm.s32 @!p6 $0x7480;
	s17 =	simm.s32 @!p6 $0x0;
	s2 =	sadd.s32 @!p6 s0, s2  }
0x1f9: {  	[tilespmem:s22], [sflag:$0x1] =	stream.linear.gather @!p6 [hbm4b:s2+s17], $0x400, $0x38;
	[tilespmem:$0x10500] =	vst v63  }
0x1fa: {  	s2 =	sshll.u32 @!p0 s13, $0xA  }
0x1fb: {  	s2 =	sadd.s32 @!p0 s2, s9  }
0x1fc: {  	s2 =	sshrl.u32 @!p0 s2, $0x3  }
0x1fd: {  	s13 =	simm.s32 @!p0 $0x0;
	s17 =	simm.s32 @!p0 $0x7880;
	s2 =	sadd.s32 @!p0 s0, s2  }
0x1fe: {  	[tilespmem:s17], [sflag:$0x1] =	stream.linear.gather @!p0 [hbm4b:s2+s13], $0x400, $0x38;
	[tilespmem:$0x10500] =	vst v63  }
0x1ff: {  	s1 =	sshll.u32 @!p1 s1, $0xA  }
0x200: {  	s1 =	sadd.s32 @!p1 s1, s9  }
0x201: {  	s1 =	sshrl.u32 @!p1 s1, $0x3  }
0x202: {  	s2 =	simm.s32 @!p1 $0x0;
	s13 =	simm.s32 @!p1 $0x7C80;
	s1 =	sadd.s32 @!p1 s0, s1  }
0x203: {  	[tilespmem:s13], [sflag:$0x1] =	stream.linear.gather @!p1 [hbm4b:s1+s2], $0x400, $0x38;
	[tilespmem:$0x10500] =	vst v63  }
0x204: {  	s1 =	spop @p2 (v2sf)  }
.Ltmp2:
0x205: {  	s1 =	sshll.u32 @p2 s1, $0xA;
	(pc) =	sbr.rel .LBB2_2-.Ltmp2, $4  }
0x206: {  	s1 =	sadd.s32 @p2 s1, s9  }
0x207: {  	s23 =	sadd.s32 s20, s21;
	s21 =	simm.s32 $0x0;
	s1 =	sshrl.u32 @p2 s1, $0x3  }
0x208: {  	s2 =	simm.s32 @p2 $0x0;
	s13 =	simm.s32 @p2 $0x8080;
	s1 =	sadd.s32 @p2 s0, s1  }
0x209: {  	v19 =	vimm.f32 $0.0e+00;
	v18 =	vimm.f32 $0.0e+00;
	[tilespmem:s13], [sflag:$0x1] =	stream.linear.gather @p2 [hbm4b:s1+s2], $0x400, $0x38;
	[tilespmem:$0x10500] =	vst v63  }
.LBB2_5:
0x20a: {  	[sflag:s15] =	ssyncadd.s32 $0xFFFFFC00  }
.LBB2_6:
0x20b: {  	s1 =	sshll.u32 s21, $0x5  }
0x20c: {  	s1 =	sand.u32 $0x3FFFFFE0, s1  }
0x20d: {  	v20 =	vld [tilespmem:s1+$0x8]  }
0x20e: {  	v21 =	vld [tilespmem:s1+$0x7]  }
0x20f: {  	v22 =	vld [tilespmem:s1+$0x6]  }
0x210: {  	v26 =	vld [tilespmem:s1+$0x3]  }
0x211: {  	v33 =	vld [tilespmem:s1+$0x2]  }
0x212: {  	v35 =	vld [tilespmem:s1+$0x1]  }
0x213: {  	v23 =	vld [tilespmem:s1+$0x5]  }
0x214: {  	v38 =	vld [tilespmem:s1+$0x18]  }
0x215: {  	v39 =	vld [tilespmem:s1+$0x17]  }
0x216: {  	vm7 =	vgt.s32 v20, $0x0;
	vm8 =	vgt.s32 v21, $0x0  }
0x217: {  	v24 =	vld [tilespmem:s1+$0x4];
	vm14 =	vgt.s32 v26, $0x0;
	vm15 =	vgt.s32 v33, $0x0;
	vm13 =	vgt.s32 v35, $0x0  }
0x218: {  	v29 =	vld [tilespmem:s1+$0x15];
	v25 =	vnsel vm7, $0x0, v20;
	v21 =	vnsel vm8, $0x0, v21;
	vm7 =	vgt.s32 v22, $0x0  }
0x219: {  	vm8 =	vgt.s32 v23, $0x0;
	v37 =	vnsel vm14, $0x0, v26;
	v40 =	vnsel vm15, $0x0, v33  }
0x21a: {  	vm14 =	vgt.s32 v38, $0x0;
	vm15 =	vgt.s32 v39, $0x0;
	v27 =	vshrl.u32 v25, $0x7  }
0x21b: {  	v21 =	vshrl.u32 v21, $0x7;
	v22 =	vnsel vm7, $0x0, v22;
	v34 =	vnsel vm8, $0x0, v23  }
0x21c: {  	vm8 =	vgt.s32 v24, $0x0;
	v23 =	vnsel vm13, $0x0, v35;
	v46 =	vnsel vm14, $0x0, v38  }
0x21d: {  	v26 =	vnsel vm15, $0x0, v39;
	vm13 =	vgt.s32 v29, $0x0;
	v59 =	vand.u32 $0x7F, v25  }
0x21e: {  	vm7 =	veq.s32 v27, v21;
	v32 =	vshrl.u32 v22, $0x7;
	v21 =	vshrl.u32 v34, $0x7  }
0x21f: {  	v24 =	vnsel vm8, $0x0, v24;
	v42 =	vshrl.u32 v23, $0x7;
	v47 =	vshrl.u32 v46, $0x7  }
0x220: {  	v26 =	vshrl.u32 v26, $0x7;
	v48 =	vnsel vm13, $0x0, v29;
	vm9 =	veq.s32 v27, v32  }
0x221: {  	vm8 =	veq.s32 v27, v21;
	v36 =	vshrl.u32 v24, $0x7;
	v21 =	vshrl.u32 v37, $0x7  }
0x222: {  	v41 =	vld [tilespmem:s1+$0x16];
	v28 =	vsel vm7, v1, v0;
	vm7 =	veq.s32 v27, v42;
	v50 =	vshrl.u32 v48, $0x7  }
0x223: {  	v45 =	vld [tilespmem:s1+$0x14];
	vm10 =	vmand vm9, vm1;
	vm11 =	vmand vm8, vm2;
	vm8 =	veq.s32 v27, v36  }
0x224: {  	v30 =	vld [tilespmem:s1+$0x13];
	vm13 =	veq.s32 v47, v50;
	vm7 =	vmand vm7, vm6;
	vm12 =	vmand vm8, vm3  }
0x225: {  	vm8 =	veq.s32 v27, v21;
	v21 =	vshrl.u32 v40, $0x7;
	v43 =	vsel vm10, v2, v28  }
0x226: {  	vm9 =	veq.s32 v27, v21;
	v44 =	vsel vm11, v3, v43;
	vm11 =	veq.s32 v47, v26  }
0x227: {  	v49 =	vld [tilespmem:s1+$0x12];
	vm8 =	vmand vm8, vm4;
	v21 =	vsel vm12, v4, v44;
	vm12 =	vgt.s32 v41, $0x0  }
0x228: {  	v51 =	vld [tilespmem:s1+$0x11];
	v57 =	vsel vm11, v9, v8;
	v22 =	vnsel vm12, $0x0, v41;
	vm12 =	vgt.s32 v45, $0x0  }
0x229: {  	v21 =	vsel vm8, v5, v21;
	vm8 =	vgt.s32 v30, $0x0;
	v22 =	vshrl.u32 v22, $0x7  }
0x22a: {  	v52 =	vnsel vm12, $0x0, v45;
	v53 =	vnsel vm8, $0x0, v30;
	vm8 =	vmand vm9, vm5  }
0x22b: {  	vm10 =	veq.s32 v47, v22;
	v22 =	vshrl.u32 v52, $0x7;
	v21 =	vsel vm8, v6, v21  }
0x22c: {  	vm8 =	vgt.s32 v49, $0x0;
	vm12 =	veq.s32 v47, v22;
	v22 =	vshrl.u32 v53, $0x7  }
0x22d: {  	v54 =	vnsel vm8, $0x0, v49;
	vm8 =	vgt.s32 v51, $0x0;
	v21 =	vsel vm7, v7, v21  }
0x22e: {  	vm9 =	veq.s32 v47, v22;
	v55 =	vnsel vm8, $0x0, v51;
	vm8 =	vmand vm10, vm1  }
0x22f: {  	v22 =	vshrl.u32 v54, $0x7;
	v58 =	vsel vm8, v10, v57;
	vm8 =	vmand vm13, vm2  }
0x230: {  	vm14 =	veq.s32 v47, v22;
	v22 =	vsel vm8, v11, v58;
	vm8 =	vmand vm12, vm3  }
0x231: {  	v56 =	vshrl.u32 v55, $0x7;
	vm9 =	vmand vm9, vm4;
	v22 =	vsel vm8, v12, v22  }
0x232: {  	vm15 =	veq.s32 v47, v56;
	vm7 =	vmand vm14, vm5;
	v22 =	vsel vm9, v13, v22  }
0x233: {  	v21 =	vadd.s32 v59, v21;
	vm8 =	vmand vm15, vm6;
	v22 =	vsel vm7, v14, v22  }
0x234: {  	v60 =	vand.u32 $0x7F, v46;
	v22 =	vsel vm8, v15, v22  }
0x235: {  	s31 =	sshll.u32 s21, $0xF;
	v22 =	vadd.s32 v60, v22  }
0x236: {  	s1 =	sand.u32 $0x8000, s31  }
0x237: {  	s1 =	sor.u32 $0x480, s1  }
0x238: {  	v21 =	vld.idx.msk [tilespmem:v21+s1+$0x0], $0xffff;
	_ =	sdelay $0x1  }
0x239: {  	v22 =	vld.idx.msk [tilespmem:v22+s1+$0x0], $0xffff;
	_ =	sdelay $0x2  }
0x23a: {  	v21 =	vsub.f32 $1.000000000e+00, v21;
	_ =	sdelay $0x1  }
0x23b: {  	vm7 =	vgt.s32 v20, $0xFFFFFFFF;
	v20 =	vmul.f32 v21, v21;
	v61 =	vsub.f32 $1.000000000e+00, v22  }
0x23c: {  	p0 =	seq.s32 s20, $0x1F;
	v62 =	vsel vm7, $0x3F800000, v17  }
.Ltmp3:
0x23d: {  	vm7 =	vgt.s32 v38, $0xFFFFFFFF;
	v20 =	vmul.f32 v20, v62;
	v21 =	vmul.f32 v61, v61;
	(pc) =	sbr.rel @p0 .LBB2_7-.Ltmp3, $3  }
0x23e: {  	v63 =	vsel vm7, $0x3F800000, v17  }
0x23f: {  	v18 =	vadd.f32 v62, v18;
	v19 =	vadd.f32 v20, v19;
	v20 =	vmul.f32 v21, v63;
	_ =	sdelay $0x1  }
0x240: {  	s23 =	sadd.s32 s22, s26;
	s21 =	smov.u32 s20;
	v18 =	vadd.f32 v63, v18;
	v19 =	vadd.f32 v20, v19  }
.LBB2_2:
0x241: {  	s20 =	sadd.s32 $0x1, s21  }
0x242: {  	s24 =	sshll.u32 s20, $0x5  }
0x243: {  	v20 =	vld [tilespmem:s24+$0x8]  }
0x244: {  	v21 =	vld [tilespmem:s24+$0x7];
	_ =	sdelay $0x3  }
0x245: {  	v22 =	vld [tilespmem:s24+$0x6]  }
0x246: {  	v23 =	vld [tilespmem:s24+$0x5];
	vm7 =	vgt.s32 v20, $0x0;
	vm8 =	vgt.s32 v21, $0x0  }
0x247: {  	v24 =	vld [tilespmem:s24+$0x4];
	v20 =	vnsel vm7, $0x0, v20;
	v21 =	vnsel vm8, $0x0, v21  }
0x248: {  	v20 =	vshrl.u32 v20, $0x7;
	v21 =	vshrl.u32 v21, $0x7  }
0x249: {  	vm7 =	veq.s32 v20, v21  }
0x24a: {  	vm8 =	vgt.s32 v22, $0x0;
	vm7 =	vmand vm7, vm0  }
0x24b: {  	v25 =	vld [tilespmem:s24+$0x3];
	v22 =	vnsel vm8, $0x0, v22;
	v38 =	vsel vm7, $0x1, v16;
	vm7 =	vgt.s32 v23, $0x0  }
0x24c: {  	v26 =	vld [tilespmem:s24+$0x2];
	v22 =	vshrl.u32 v22, $0x7;
	v23 =	vnsel vm7, $0x0, v23;
	vm7 =	vgt.s32 v24, $0x0  }
0x24d: {  	v41 =	vld [tilespmem:s24+$0x1];
	vm8 =	veq.s32 v20, v22;
	v39 =	vshrl.u32 v23, $0x7;
	v40 =	vnsel vm7, $0x0, v24  }
0x24e: {  	vm7 =	vmand vm8, vm1;
	vm8 =	veq.s32 v20, v39;
	v42 =	vshrl.u32 v40, $0x7  }
0x24f: {  	v21 =	vsel vm7, $0x2, v38;
	vm7 =	vmand vm8, vm2;
	vm8 =	veq.s32 v20, v42  }
0x250: {  	v21 =	vsel vm7, $0x3, v21;
	vm7 =	vmand vm8, vm3;
	vm8 =	vgt.s32 v25, $0x0  }
0x251: {  	v21 =	vsel vm7, $0x4, v21;
	v43 =	vnsel vm8, $0x0, v25;
	vm7 =	vgt.s32 v26, $0x0  }
0x252: {  	v22 =	vshrl.u32 v43, $0x7;
	v44 =	vnsel vm7, $0x0, v26;
	vm7 =	vgt.s32 v41, $0x0  }
0x253: {  	vm8 =	veq.s32 v20, v22;
	v45 =	vshrl.u32 v44, $0x7;
	v46 =	vnsel vm7, $0x0, v41  }
0x254: {  	vm7 =	vmand vm8, vm4;
	vm8 =	veq.s32 v20, v45;
	v47 =	vshrl.u32 v46, $0x7  }
0x255: {  	v21 =	vsel vm7, $0x5, v21;
	vm7 =	vmand vm8, vm5;
	vm8 =	veq.s32 v20, v47  }
0x256: {  	v21 =	vsel vm7, $0x6, v21;
	vm7 =	vmand vm8, vm6  }
0x257: {  	v21 =	vsel vm7, $0x7, v21  }
0x258: {  	vm7 =	veq.s32 v21, $0x0  }
0x259: {  	v48 =	vmpcnt.ones.xlane vm7;
	_ =	sdelay $0x1  }
0x25a: {  	(v2sf) =	vpush v48, $0x0  }
0x25b: {  	(v2sf) =	vpush v21, $0x0;
	_ =	sdelay $0xd  }
0x25c: {  	s22 =	spop (v2sf)  }
0x25d: {  	s1 =	spop (v2sf)  }
0x25e: {  	p0 =	sne.s32 s1, $0x0  }
0x25f: {  	(v2sf) =	vpush @!p0 v20, $0x0  }
0x260: {  	(v2sf) =	vpush v21, $0x1;
	_ =	sdelay $0xd  }
0x261: {  	s25 =	spop @!p0 (v2sf)  }
0x262: {  	s26 =	spop (v2sf)  }
0x263: {  	p1 =	sne.s32 s26, $0x0  }
0x264: {  	(v2sf) =	vpush @!p1 v20, $0x1  }
0x265: {  	(v2sf) =	vpush v21, $0x2;
	_ =	sdelay $0xd  }
0x266: {  	s29 =	spop @!p1 (v2sf)  }
0x267: {  	s28 =	spop (v2sf)  }
0x268: {  	p2 =	sne.s32 s28, $0x0  }
0x269: {  	(v2sf) =	vpush @!p2 v20, $0x2  }
0x26a: {  	(v2sf) =	vpush v21, $0x3;
	_ =	sdelay $0xd  }
0x26b: {  	s31 =	spop @!p2 (v2sf)  }
0x26c: {  	s30 =	spop (v2sf)  }
0x26d: {  	p6 =	sne.s32 s30, $0x0  }
0x26e: {  	(v2sf) =	vpush @!p6 v20, $0x3  }
0x26f: {  	(v2sf) =	vpush v21, $0x4;
	_ =	sdelay $0xd  }
0x270: {  	s17 =	spop @!p6 (v2sf)  }
0x271: {  	s2 =	spop (v2sf)  }
0x272: {  	p4 =	sne.s32 s2, $0x0  }
0x273: {  	(v2sf) =	vpush @!p4 v20, $0x4  }
0x274: {  	(v2sf) =	vpush v21, $0x5;
	_ =	sdelay $0xd  }
0x275: {  	s13 =	spop @!p4 (v2sf)  }
0x276: {  	s6 =	spop (v2sf)  }
0x277: {  	p5 =	sne.s32 s6, $0x0  }
0x278: {  	(v2sf) =	vpush @!p5 v20, $0x5  }
0x279: {  	(v2sf) =	vpush v21, $0x6;
	_ =	sdelay $0xd  }
0x27a: {  	s1 =	spop @!p5 (v2sf)  }
0x27b: {  	s2 =	spop (v2sf)  }
0x27c: {  	p3 =	sne.s32 s2, $0x0  }
0x27d: {  	(v2sf) =	vpush @!p3 v20, $0x6  }
0x27e: {  	(v2sf) =	vpush v21, $0x7;
	_ =	sdelay $0xb  }
0x27f: {  	s2 =	simm.s32 @!p3 $0x0  }
0x280: {  	s2 =	simm.s32 @p3 $0x1  }
0x281: {  	[smem:$0x7E9] =	sst s2;
	s2 =	spop @!p3 (v2sf)  }
0x282: {  	s26 =	spop (v2sf)  }
0x283: {  	p3 =	sne.s32 s26, $0x0  }
0x284: {  	(v2sf) =	vpush @!p3 v20, $0x7  }
0x285: {  	(v2sf) =	vpush v21, $0x8;
	_ =	sdelay $0xd  }
0x286: {  	s30 =	spop @!p3 (v2sf)  }
0x287: {  	s6 =	simm.s32 @!p3 $0x0;
	s10 =	spop (v2sf)  }
0x288: {  	s6 =	simm.s32 @p3 $0x1;
	p3 =	sne.s32 s10, $0x0  }
0x289: {  	(v2sf) =	vpush @!p3 v20, $0x8  }
0x28a: {  	(v2sf) =	vpush v21, $0x9;
	_ =	sdelay $0xd  }
0x28b: {  	s28 =	spop @!p3 (v2sf)  }
0x28c: {  	[smem:$0x7EA] =	sst s6;
	s6 =	simm.s32 @!p3 $0x0;
	s16 =	spop (v2sf)  }
0x28d: {  	s6 =	simm.s32 @p3 $0x1;
	p3 =	sne.s32 s16, $0x0  }
0x28e: {  	(v2sf) =	vpush @!p3 v20, $0x9  }
0x28f: {  	(v2sf) =	vpush v21, $0xA;
	_ =	sdelay $0xd  }
0x290: {  	[smem:$0x7EB] =	sst s6;
	s26 =	spop @!p3 (v2sf)  }
0x291: {  	s16 =	sshll.u32 @!p0 s25, $0xA;
	s6 =	simm.s32 @!p3 $0x0;
	s18 =	spop (v2sf)  }
0x292: {  	s6 =	simm.s32 @p3 $0x1;
	p3 =	sne.s32 s18, $0x0;
	s18 =	sadd.s32 @!p0 s5, s24  }
0x293: {  	[smem:$0x7EC] =	sst s6;
	s6 =	simm.s32 @!p3 $0x0;
	s18 =	sshll.u32 @!p0 s18, $0xB  }
0x294: {  	s25 =	sand.u32 $0x1, s20;
	s6 =	simm.s32 @p3 $0x1;
	s16 =	sadd.s32 @!p0 s18, s16  }
0x295: {  	(v2sf) =	vpush @!p3 v20, $0xA;
	s18 =	sshll.u32 @!p0 s25, $0xF;
	[smem:$0x7ED] =	sst s6;
	s16 =	sshrl.u32 @!p0 s16, $0x3  }
0x296: {  	(v2sf) =	vpush v21, $0xB;
	s18 =	sor.u32 @!p0 $0x480, s18;
	s6 =	simm.s32 @!p0 $0x0;
	s16 =	sadd.s32 @!p0 s0, s16  }
0x297: {  	[tilespmem:s18], [sflag:$0x1] =	stream.linear.gather @!p0 [hbm4b:s16+s6], $0x400, $0x38;
	[tilespmem:$0x10500] =	vst v63  }
0x298: {  	s6 =	sadd.s32 @!p1 s5, s24  }
0x299: {  	s16 =	sshll.u32 @!p1 s29, $0xA;
	s6 =	sshll.u32 @!p1 s6, $0xB  }
0x29a: {  	s6 =	sadd.s32 @!p1 s6, s16  }
0x29b: {  	s16 =	sshll.u32 @!p1 s25, $0xF;
	s6 =	sshrl.u32 @!p1 s6, $0x3  }
0x29c: {  	s10 =	simm.s32 @!p1 $0x0;
	s16 =	sor.u32 @!p1 $0x880, s16;
	s6 =	sadd.s32 @!p1 s0, s6  }
0x29d: {  	[tilespmem:s16], [sflag:$0x1] =	stream.linear.gather @!p1 [hbm4b:s6+s10], $0x400, $0x38;
	[tilespmem:$0x10500] =	vst v63  }
0x29e: {  	s6 =	sadd.s32 @!p2 s5, s24  }
0x29f: {  	s10 =	sshll.u32 @!p2 s31, $0xA;
	s6 =	sshll.u32 @!p2 s6, $0xB  }
0x2a0: {  	s6 =	sadd.s32 @!p2 s6, s10  }
0x2a1: {  	s10 =	sshll.u32 @!p2 s25, $0xF;
	s6 =	sshrl.u32 @!p2 s6, $0x3  }
0x2a2: {  	s16 =	simm.s32 @!p2 $0x0;
	s10 =	sor.u32 @!p2 $0xC80, s10;
	s6 =	sadd.s32 @!p2 s0, s6  }
0x2a3: {  	[tilespmem:s10], [sflag:$0x1] =	stream.linear.gather @!p2 [hbm4b:s6+s16], $0x400, $0x38;
	[tilespmem:$0x10500] =	vst v63  }
0x2a4: {  	s6 =	sadd.s32 @!p6 s5, s24;
	s29 =	spop @!p3 (v2sf)  }
0x2a5: {  	s10 =	sshll.u32 @!p6 s17, $0xA;
	s6 =	sshll.u32 @!p6 s6, $0xB;
	s18 =	spop (v2sf)  }
0x2a6: {  	s6 =	sadd.s32 @!p6 s6, s10;
	p3 =	sne.s32 s18, $0x0  }
0x2a7: {  	s10 =	sshll.u32 @!p6 s25, $0xF;
	s6 =	sshrl.u32 @!p6 s6, $0x3;
	(v2sf) =	vpush @!p3 v20, $0xB  }
0x2a8: {  	s16 =	simm.s32 @!p6 $0x0;
	s10 =	sor.u32 @!p6 $0x1080, s10;
	s6 =	sadd.s32 @!p6 s0, s6;
	(v2sf) =	vpush v21, $0xC  }
0x2a9: {  	[tilespmem:s10], [sflag:$0x1] =	stream.linear.gather @!p6 [hbm4b:s6+s16], $0x400, $0x38;
	[tilespmem:$0x10500] =	vst v63  }
0x2aa: {  	s6 =	sadd.s32 @!p4 s5, s24  }
0x2ab: {  	s10 =	sshll.u32 @!p4 s13, $0xA;
	s6 =	sshll.u32 @!p4 s6, $0xB  }
0x2ac: {  	s6 =	sadd.s32 @!p4 s6, s10  }
0x2ad: {  	s10 =	sshll.u32 @!p4 s25, $0xF;
	s6 =	sshrl.u32 @!p4 s6, $0x3  }
0x2ae: {  	s16 =	simm.s32 @!p4 $0x0;
	s10 =	sor.u32 @!p4 $0x1480, s10;
	s6 =	sadd.s32 @!p4 s0, s6  }
0x2af: {  	[tilespmem:s10], [sflag:$0x1] =	stream.linear.gather @!p4 [hbm4b:s6+s16], $0x400, $0x38;
	[tilespmem:$0x10500] =	vst v63  }
0x2b0: {  	s6 =	sadd.s32 @!p5 s5, s24  }
0x2b1: {  	s1 =	sshll.u32 @!p5 s1, $0xA;
	s6 =	sshll.u32 @!p5 s6, $0xB  }
0x2b2: {  	s1 =	sadd.s32 @!p5 s6, s1  }
0x2b3: {  	s6 =	sshll.u32 @!p5 s25, $0xF;
	s1 =	sshrl.u32 @!p5 s1, $0x3  }
0x2b4: {  	s10 =	simm.s32 @!p5 $0x0;
	s6 =	sor.u32 @!p5 $0x1880, s6;
	s1 =	sadd.s32 @!p5 s0, s1  }
0x2b5: {  	[tilespmem:s6], [sflag:$0x1] =	stream.linear.gather @!p5 [hbm4b:s1+s10], $0x400, $0x38;
	[tilespmem:$0x10500] =	vst v63  }
0x2b6: {  	s31 =	spop @!p3 (v2sf)  }
0x2b7: {  	s18 =	spop (v2sf)  }
0x2b8: {  	s10 =	sld [smem:$0x7E9];
	p6 =	sne.s32 s18, $0x0  }
0x2b9: {  	(v2sf) =	vpush @!p6 v20, $0xC  }
0x2ba: {  	(v2sf) =	vpush v21, $0xD  }
0x2bb: {  	p0 =	seq.s32 s10, $0x1  }
0x2bc: {  	s13 =	sld [smem:$0x7EA];
	s1 =	sadd.s32 @!p0 s5, s24  }
0x2bd: {  	s2 =	sshll.u32 @!p0 s2, $0xA;
	s1 =	sshll.u32 @!p0 s1, $0xB  }
0x2be: {  	s1 =	sadd.s32 @!p0 s1, s2  }
0x2bf: {  	p1 =	seq.s32 s13, $0x1;
	s2 =	sshll.u32 @!p0 s25, $0xF;
	s1 =	sshrl.u32 @!p0 s1, $0x3  }
0x2c0: {  	s6 =	simm.s32 @!p0 $0x0;
	s2 =	sor.u32 @!p0 $0x1C80, s2;
	s1 =	sadd.s32 @!p0 s0, s1  }
0x2c1: {  	[tilespmem:s2], [sflag:$0x1] =	stream.linear.gather @!p0 [hbm4b:s1+s6], $0x400, $0x38;
	[tilespmem:$0x10500] =	vst v63  }
0x2c2: {  	s1 =	sadd.s32 @!p1 s5, s24  }
0x2c3: {  	s2 =	sshll.u32 @!p1 s30, $0xA;
	s1 =	sshll.u32 @!p1 s1, $0xB  }
0x2c4: {  	s1 =	sadd.s32 @!p1 s1, s2  }
0x2c5: {  	s17 =	sld [smem:$0x7EB];
	s2 =	sshll.u32 @!p1 s25, $0xF;
	s1 =	sshrl.u32 @!p1 s1, $0x3  }
0x2c6: {  	s13 =	simm.s32 @!p1 $0x0;
	s2 =	sor.u32 @!p1 $0x2080, s2;
	s1 =	sadd.s32 @!p1 s0, s1  }
0x2c7: {  	[tilespmem:s2], [sflag:$0x1] =	stream.linear.gather @!p1 [hbm4b:s1+s13], $0x400, $0x38;
	[tilespmem:$0x10500] =	vst v63  }
0x2c8: {  	s6 =	spop @!p6 (v2sf)  }
0x2c9: {  	s16 =	spop (v2sf)  }
0x2ca: {  	p1 =	seq.s32 s17, $0x1;
	p0 =	sne.s32 s16, $0x0  }
0x2cb: {  	s1 =	sadd.s32 @!p1 s5, s24;
	(v2sf) =	vpush @!p0 v20, $0xD  }
0x2cc: {  	s2 =	sshll.u32 @!p1 s28, $0xA;
	s1 =	sshll.u32 @!p1 s1, $0xB;
	(v2sf) =	vpush v21, $0xE  }
0x2cd: {  	s1 =	sadd.s32 @!p1 s1, s2  }
0x2ce: {  	s1 =	sadd.s32 @!p1 $0x4000, s1  }
0x2cf: {  	s18 =	sld [smem:$0x7EC];
	s2 =	sshll.u32 @!p1 s25, $0xF;
	s1 =	sshrl.u32 @!p1 s1, $0x3  }
0x2d0: {  	s10 =	simm.s32 @!p1 $0x0;
	s2 =	sor.u32 @!p1 $0x2480, s2;
	s1 =	sadd.s32 @!p1 s0, s1  }
0x2d1: {  	[tilespmem:s2], [sflag:$0x1] =	stream.linear.gather @!p1 [hbm4b:s1+s10], $0x400, $0x38;
	[tilespmem:$0x10500] =	vst v63  }
0x2d2: {  	p1 =	seq.s32 s18, $0x1  }
0x2d3: {  	s1 =	sadd.s32 @!p1 s5, s24  }
0x2d4: {  	s2 =	sshll.u32 @!p1 s26, $0xA;
	s1 =	sshll.u32 @!p1 s1, $0xB  }
0x2d5: {  	s1 =	sadd.s32 @!p1 s1, s2  }
0x2d6: {  	s1 =	sadd.s32 @!p1 $0x4000, s1  }
0x2d7: {  	s28 =	sld [smem:$0x7ED];
	s2 =	sshll.u32 @!p1 s25, $0xF;
	s1 =	sshrl.u32 @!p1 s1, $0x3  }
0x2d8: {  	s10 =	simm.s32 @!p1 $0x0;
	s2 =	sor.u32 @!p1 $0x2880, s2;
	s1 =	sadd.s32 @!p1 s0, s1  }
0x2d9: {  	[tilespmem:s2], [sflag:$0x1] =	stream.linear.gather @!p1 [hbm4b:s1+s10], $0x400, $0x38;
	[tilespmem:$0x10500] =	vst v63  }
0x2da: {  	p2 =	seq.s32 s28, $0x1;
	s1 =	spop @!p0 (v2sf)  }
0x2db: {  	s2 =	sadd.s32 @!p2 s5, s24;
	s30 =	spop (v2sf)  }
0x2dc: {  	s13 =	sshll.u32 @!p2 s29, $0xA;
	s2 =	sshll.u32 @!p2 s2, $0xB;
	p1 =	sne.s32 s30, $0x0  }
0x2dd: {  	s2 =	sadd.s32 @!p2 s2, s13;
	(v2sf) =	vpush @!p1 v20, $0xE  }
0x2de: {  	s2 =	sadd.s32 @!p2 $0x4000, s2;
	(v2sf) =	vpush v21, $0xF  }
0x2df: {  	s10 =	sshll.u32 @!p2 s25, $0xF;
	s2 =	sshrl.u32 @!p2 s2, $0x3  }
0x2e0: {  	s10 =	sor.u32 @!p2 $0x2C80, s10;
	s13 =	simm.s32 @!p2 $0x0;
	s2 =	sadd.s32 @!p2 s0, s2  }
0x2e1: {  	[tilespmem:s10], [sflag:$0x1] =	stream.linear.gather @!p2 [hbm4b:s2+s13], $0x400, $0x38;
	[tilespmem:$0x10500] =	vst v63  }
0x2e2: {  	s2 =	sadd.s32 @!p3 s5, s24  }
0x2e3: {  	s10 =	sshll.u32 @!p3 s31, $0xA;
	s2 =	sshll.u32 @!p3 s2, $0xB  }
0x2e4: {  	s2 =	sadd.s32 @!p3 s2, s10  }
0x2e5: {  	s2 =	sadd.s32 @!p3 $0x4000, s2  }
0x2e6: {  	s10 =	sshll.u32 @!p3 s25, $0xF;
	s2 =	sshrl.u32 @!p3 s2, $0x3  }
0x2e7: {  	s13 =	simm.s32 @!p3 $0x0;
	s10 =	sor.u32 @!p3 $0x3080, s10;
	s2 =	sadd.s32 @!p3 s0, s2  }
0x2e8: {  	[tilespmem:s10], [sflag:$0x1] =	stream.linear.gather @!p3 [hbm4b:s2+s13], $0x400, $0x38;
	[tilespmem:$0x10500] =	vst v63  }
0x2e9: {  	s2 =	sadd.s32 @!p6 s5, s24  }
0x2ea: {  	s6 =	sshll.u32 @!p6 s6, $0xA;
	s2 =	sshll.u32 @!p6 s2, $0xB  }
0x2eb: {  	s2 =	sadd.s32 @!p6 s2, s6  }
0x2ec: {  	s16 =	simm.s32 @!p6 $0x0;
	s2 =	sadd.s32 @!p6 $0x4000, s2;
	s10 =	spop @!p1 (v2sf)  }
0x2ed: {  	s6 =	sshll.u32 @!p6 s25, $0xF;
	s2 =	sshrl.u32 @!p6 s2, $0x3;
	s31 =	spop (v2sf)  }
0x2ee: {  	s6 =	sor.u32 @!p6 $0x3480, s6;
	s2 =	sadd.s32 @!p6 s0, s2;
	p2 =	sne.s32 s31, $0x0  }
0x2ef: {  	[tilespmem:s6], [sflag:$0x1] =	stream.linear.gather @!p6 [hbm4b:s2+s16], $0x400, $0x38;
	(v2sf) =	vpush @!p2 v20, $0xF;
	[tilespmem:$0x10500] =	vst v63  }
0x2f0: {  	s2 =	sadd.s32 @!p0 s5, s24  }
0x2f1: {  	s1 =	sshll.u32 @!p0 s1, $0xA;
	s2 =	sshll.u32 @!p0 s2, $0xB  }
0x2f2: {  	s1 =	sadd.s32 @!p0 s2, s1  }
0x2f3: {  	s1 =	sadd.s32 @!p0 $0x4000, s1  }
0x2f4: {  	s2 =	sshll.u32 @!p0 s25, $0xF;
	s1 =	sshrl.u32 @!p0 s1, $0x3  }
0x2f5: {  	s6 =	simm.s32 @!p0 $0x0;
	s2 =	sor.u32 @!p0 $0x3880, s2;
	s1 =	sadd.s32 @!p0 s0, s1  }
0x2f6: {  	[tilespmem:s2], [sflag:$0x1] =	stream.linear.gather @!p0 [hbm4b:s1+s6], $0x400, $0x38;
	[tilespmem:$0x10500] =	vst v63  }
0x2f7: {  	s1 =	sadd.s32 @!p1 s5, s24  }
0x2f8: {  	s1 =	sshll.u32 @!p1 s1, $0xB;
	s2 =	sshll.u32 @!p1 s10, $0xA  }
0x2f9: {  	s1 =	sadd.s32 @!p1 s1, s2  }
0x2fa: {  	s1 =	sadd.s32 @!p1 $0x4000, s1  }
0x2fb: {  	s2 =	sshll.u32 @!p1 s25, $0xF;
	s1 =	sshrl.u32 @!p1 s1, $0x3  }
0x2fc: {  	s6 =	simm.s32 @!p1 $0x0;
	s2 =	sor.u32 @!p1 $0x3C80, s2;
	s1 =	sadd.s32 @!p1 s0, s1  }
0x2fd: {  	[tilespmem:s2], [sflag:$0x1] =	stream.linear.gather @!p1 [hbm4b:s1+s6], $0x400, $0x38;
	[tilespmem:$0x10500] =	vst v63  }
0x2fe: {  	s1 =	sadd.s32 @!p2 s5, s24;
	s2 =	spop @!p2 (v2sf)  }
0x2ff: {  	s1 =	sshll.u32 @!p2 s1, $0xB;
	s2 =	sshll.u32 @!p2 s2, $0xA  }
0x300: {  	s1 =	sadd.s32 @!p2 s1, s2  }
0x301: {  	s1 =	sadd.s32 @!p2 $0x4000, s1  }
0x302: {  	s2 =	sshll.u32 @!p2 s25, $0xF;
	s1 =	sshrl.u32 @!p2 s1, $0x3  }
0x303: {  	s6 =	simm.s32 @!p2 $0x0;
	s2 =	sor.u32 @!p2 $0x4080, s2;
	s1 =	sadd.s32 @!p2 s0, s1  }
0x304: {  	[tilespmem:s2], [sflag:$0x1] =	stream.linear.gather @!p2 [hbm4b:s1+s6], $0x400, $0x38;
	[tilespmem:$0x10500] =	vst v63  }
0x305: {  	v20 =	vld [tilespmem:s24+$0x18]  }
0x306: {  	v49 =	vld [tilespmem:s24+$0x17];
	_ =	sdelay $0x3  }
0x307: {  	v50 =	vld [tilespmem:s24+$0x16]  }
0x308: {  	v51 =	vld [tilespmem:s24+$0x15];
	vm7 =	vgt.s32 v20, $0x0;
	vm8 =	vgt.s32 v49, $0x0  }
0x309: {  	v52 =	vld [tilespmem:s24+$0x14];
	v20 =	vnsel vm7, $0x0, v20;
	v21 =	vnsel vm8, $0x0, v49  }
0x30a: {  	v20 =	vshrl.u32 v20, $0x7;
	v21 =	vshrl.u32 v21, $0x7  }
0x30b: {  	vm7 =	veq.s32 v20, v21  }
0x30c: {  	vm8 =	vgt.s32 v50, $0x0;
	vm7 =	vmand vm7, vm0  }
0x30d: {  	v54 =	vld [tilespmem:s24+$0x13];
	v22 =	vnsel vm8, $0x0, v50;
	v53 =	vsel vm7, $0x1, v16;
	vm7 =	vgt.s32 v51, $0x0  }
0x30e: {  	v55 =	vld [tilespmem:s24+$0x12];
	v22 =	vshrl.u32 v22, $0x7;
	v23 =	vnsel vm7, $0x0, v51;
	vm7 =	vgt.s32 v52, $0x0  }
0x30f: {  	v58 =	vld [tilespmem:s24+$0x11];
	vm8 =	veq.s32 v20, v22;
	v56 =	vshrl.u32 v23, $0x7;
	v57 =	vnsel vm7, $0x0, v52  }
0x310: {  	vm8 =	vmand vm8, vm1;
	vm7 =	veq.s32 v20, v56;
	v59 =	vshrl.u32 v57, $0x7  }
0x311: {  	v21 =	vsel vm8, $0x2, v53;
	vm8 =	veq.s32 v20, v59;
	vm7 =	vmand vm7, vm2  }
0x312: {  	v21 =	vsel vm7, $0x3, v21;
	vm7 =	vmand vm8, vm3;
	vm8 =	vgt.s32 v54, $0x0  }
0x313: {  	v21 =	vsel vm7, $0x4, v21;
	v60 =	vnsel vm8, $0x0, v54;
	vm7 =	vgt.s32 v55, $0x0  }
0x314: {  	v22 =	vshrl.u32 v60, $0x7;
	v61 =	vnsel vm7, $0x0, v55;
	vm7 =	vgt.s32 v58, $0x0  }
0x315: {  	vm8 =	veq.s32 v20, v22;
	v62 =	vnsel vm7, $0x0, v58;
	v23 =	vshrl.u32 v61, $0x7  }
0x316: {  	vm7 =	veq.s32 v20, v23;
	vm8 =	vmand vm8, vm4;
	v22 =	vshrl.u32 v62, $0x7  }
0x317: {  	v21 =	vsel vm8, $0x5, v21;
	vm7 =	vmand vm7, vm5;
	vm8 =	veq.s32 v20, v22  }
0x318: {  	v21 =	vsel vm7, $0x6, v21;
	vm7 =	vmand vm8, vm6  }
0x319: {  	v21 =	vsel vm7, $0x7, v21  }
0x31a: {  	vm7 =	veq.s32 v21, $0x0  }
0x31b: {  	v63 =	vmpcnt.ones.xlane vm7;
	_ =	sdelay $0x1  }
0x31c: {  	(v2sf) =	vpush v63, $0x0  }
0x31d: {  	(v2sf) =	vpush v21, $0x0;
	_ =	sdelay $0xd  }
0x31e: {  	s26 =	spop (v2sf)  }
0x31f: {  	s10 =	spop (v2sf)  }
0x320: {  	p0 =	sne.s32 s10, $0x0  }
0x321: {  	(v2sf) =	vpush @!p0 v20, $0x0  }
0x322: {  	(v2sf) =	vpush v21, $0x1;
	_ =	sdelay $0xd  }
0x323: {  	s6 =	spop @!p0 (v2sf)  }
0x324: {  	s13 =	spop (v2sf)  }
0x325: {  	p4 =	sne.s32 s13, $0x0  }
0x326: {  	(v2sf) =	vpush @!p4 v20, $0x1  }
0x327: {  	(v2sf) =	vpush v21, $0x2;
	_ =	sdelay $0xd  }
0x328: {  	s10 =	spop @!p4 (v2sf)  }
0x329: {  	s16 =	spop (v2sf)  }
0x32a: {  	p1 =	sne.s32 s16, $0x0  }
0x32b: {  	(v2sf) =	vpush @!p1 v20, $0x2  }
0x32c: {  	(v2sf) =	vpush v21, $0x3;
	_ =	sdelay $0xd  }
0x32d: {  	s31 =	spop @!p1 (v2sf)  }
0x32e: {  	s17 =	spop (v2sf)  }
0x32f: {  	p2 =	sne.s32 s17, $0x0  }
0x330: {  	(v2sf) =	vpush @!p2 v20, $0x3  }
0x331: {  	(v2sf) =	vpush v21, $0x4;
	_ =	sdelay $0xd  }
0x332: {  	s17 =	spop @!p2 (v2sf)  }
0x333: {  	s18 =	spop (v2sf)  }
0x334: {  	p3 =	sne.s32 s18, $0x0  }
0x335: {  	(v2sf) =	vpush @!p3 v20, $0x4  }
0x336: {  	(v2sf) =	vpush v21, $0x5;
	_ =	sdelay $0xd  }
0x337: {  	s13 =	spop @!p3 (v2sf)  }
0x338: {  	s28 =	spop (v2sf)  }
0x339: {  	p6 =	sne.s32 s28, $0x0  }
0x33a: {  	(v2sf) =	vpush @!p6 v20, $0x5  }
0x33b: {  	(v2sf) =	vpush v21, $0x6;
	_ =	sdelay $0xd  }
0x33c: {  	s1 =	spop @!p6 (v2sf)  }
0x33d: {  	s29 =	spop (v2sf)  }
0x33e: {  	p5 =	sne.s32 s29, $0x0  }
0x33f: {  	(v2sf) =	vpush @!p5 v20, $0x6  }
0x340: {  	(v2sf) =	vpush v21, $0x7;
	_ =	sdelay $0xb  }
0x341: {  	s2 =	simm.s32 @!p5 $0x0  }
0x342: {  	s2 =	simm.s32 @p5 $0x1  }
0x343: {  	[smem:$0x7EE] =	sst s2;
	s2 =	spop @!p5 (v2sf)  }
0x344: {  	s30 =	spop (v2sf)  }
0x345: {  	p5 =	sne.s32 s30, $0x0  }
0x346: {  	(v2sf) =	vpush @!p5 v20, $0x7  }
0x347: {  	(v2sf) =	vpush v21, $0x8;
	_ =	sdelay $0xd  }
0x348: {  	s30 =	spop @!p5 (v2sf)  }
0x349: {  	s16 =	simm.s32 @!p5 $0x0;
	s18 =	spop (v2sf)  }
0x34a: {  	s16 =	simm.s32 @p5 $0x1;
	p5 =	sne.s32 s18, $0x0  }
0x34b: {  	(v2sf) =	vpush @!p5 v20, $0x8  }
0x34c: {  	(v2sf) =	vpush v21, $0x9;
	_ =	sdelay $0xd  }
0x34d: {  	s29 =	spop @!p5 (v2sf)  }
0x34e: {  	[smem:$0x7EF] =	sst s16;
	s16 =	simm.s32 @!p5 $0x0;
	s28 =	spop (v2sf)  }
0x34f: {  	s16 =	simm.s32 @p5 $0x1;
	p5 =	sne.s32 s28, $0x0  }
0x350: {  	(v2sf) =	vpush @!p5 v20, $0x9  }
0x351: {  	(v2sf) =	vpush v21, $0xA;
	_ =	sdelay $0x8  }
0x352: {  	[smem:$0x7F0] =	sst s16;
	s16 =	simm.s32 @!p5 $0x0  }
0x353: {  	s16 =	simm.s32 @p5 $0x1  }
0x354: {  	[smem:$0x7F1] =	sst s16;
	s16 =	sadd.s32 @!p0 s5, s24  }
0x355: {  	s6 =	sshll.u32 @!p0 s6, $0xA;
	s16 =	sshll.u32 @!p0 s16, $0xB  }
0x356: {  	s6 =	sadd.s32 @!p0 s16, s6  }
0x357: {  	s16 =	sshll.u32 @!p0 s25, $0xF;
	s6 =	sadd.s32 @!p0 $0x8000, s6;
	s28 =	spop @!p5 (v2sf)  }
0x358: {  	s16 =	sor.u32 @!p0 $0x4480, s16;
	s6 =	sshrl.u32 @!p0 s6, $0x3;
	s18 =	spop (v2sf)  }
0x359: {  	s6 =	sadd.s32 @!p0 s0, s6;
	p5 =	sne.s32 s18, $0x0;
	s18 =	simm.s32 @!p0 $0x0  }
0x35a: {  	[tilespmem:s16], [sflag:$0x1] =	stream.linear.gather @!p0 [hbm4b:s6+s18], $0x400, $0x38;
	[tilespmem:$0x10500] =	vst v63  }
0x35b: {  	s6 =	sadd.s32 @!p4 s5, s24  }
0x35c: {  	s10 =	sshll.u32 @!p4 s10, $0xA;
	s6 =	sshll.u32 @!p4 s6, $0xB  }
0x35d: {  	(v2sf) =	vpush @!p5 v20, $0xA;
	s6 =	sadd.s32 @!p4 s6, s10  }
0x35e: {  	(v2sf) =	vpush v21, $0xB;
	s6 =	sadd.s32 @!p4 $0x8000, s6  }
0x35f: {  	s10 =	sshll.u32 @!p4 s25, $0xF;
	s6 =	sshrl.u32 @!p4 s6, $0x3  }
0x360: {  	s16 =	simm.s32 @!p4 $0x0;
	s10 =	sor.u32 @!p4 $0x4880, s10;
	s6 =	sadd.s32 @!p4 s0, s6  }
0x361: {  	[tilespmem:s10], [sflag:$0x1] =	stream.linear.gather @!p4 [hbm4b:s6+s16], $0x400, $0x38;
	[tilespmem:$0x10500] =	vst v63  }
0x362: {  	s6 =	sadd.s32 @!p1 s5, s24  }
0x363: {  	s10 =	sshll.u32 @!p1 s31, $0xA;
	s6 =	sshll.u32 @!p1 s6, $0xB  }
0x364: {  	s6 =	sadd.s32 @!p1 s6, s10  }
0x365: {  	s6 =	sadd.s32 @!p1 $0x8000, s6  }
0x366: {  	s10 =	sshll.u32 @!p1 s25, $0xF;
	s6 =	sshrl.u32 @!p1 s6, $0x3  }
0x367: {  	s18 =	simm.s32 @!p1 $0x0;
	s10 =	sor.u32 @!p1 $0x4C80, s10;
	s6 =	sadd.s32 @!p1 s0, s6  }
0x368: {  	[tilespmem:s10], [sflag:$0x1] =	stream.linear.gather @!p1 [hbm4b:s6+s18], $0x400, $0x38;
	[tilespmem:$0x10500] =	vst v63  }
0x369: {  	s6 =	sadd.s32 @!p2 s5, s24  }
0x36a: {  	s10 =	sshll.u32 @!p2 s17, $0xA;
	s6 =	sshll.u32 @!p2 s6, $0xB  }
0x36b: {  	s6 =	sadd.s32 @!p2 s6, s10  }
0x36c: {  	s10 =	sshll.u32 @!p2 s25, $0xF;
	s31 =	spop @!p5 (v2sf);
	s6 =	sadd.s32 @!p2 $0x8000, s6  }
0x36d: {  	s10 =	sor.u32 @!p2 $0x5080, s10;
	s16 =	spop (v2sf);
	s6 =	sshrl.u32 @!p2 s6, $0x3  }
0x36e: {  	p4 =	sne.s32 s16, $0x0;
	s6 =	sadd.s32 @!p2 s0, s6;
	s16 =	simm.s32 @!p2 $0x0  }
0x36f: {  	(v2sf) =	vpush @!p4 v20, $0xB;
	[tilespmem:s10], [sflag:$0x1] =	stream.linear.gather @!p2 [hbm4b:s6+s16], $0x400, $0x38;
	[tilespmem:$0x10500] =	vst v63  }
0x370: {  	s6 =	sadd.s32 @!p3 s5, s24;
	(v2sf) =	vpush v21, $0xC  }
0x371: {  	s10 =	sshll.u32 @!p3 s13, $0xA;
	s6 =	sshll.u32 @!p3 s6, $0xB  }
0x372: {  	s6 =	sadd.s32 @!p3 s6, s10  }
0x373: {  	s6 =	sadd.s32 @!p3 $0x8000, s6  }
0x374: {  	s10 =	sshll.u32 @!p3 s25, $0xF;
	s6 =	sshrl.u32 @!p3 s6, $0x3  }
0x375: {  	s13 =	simm.s32 @!p3 $0x0;
	s10 =	sor.u32 @!p3 $0x5480, s10;
	s6 =	sadd.s32 @!p3 s0, s6  }
0x376: {  	[tilespmem:s10], [sflag:$0x1] =	stream.linear.gather @!p3 [hbm4b:s6+s13], $0x400, $0x38;
	[tilespmem:$0x10500] =	vst v63  }
0x377: {  	s6 =	sadd.s32 @!p6 s5, s24  }
0x378: {  	s1 =	sshll.u32 @!p6 s1, $0xA;
	s6 =	sshll.u32 @!p6 s6, $0xB  }
0x379: {  	s1 =	sadd.s32 @!p6 s6, s1  }
0x37a: {  	s1 =	sadd.s32 @!p6 $0x8000, s1  }
0x37b: {  	s6 =	sshll.u32 @!p6 s25, $0xF;
	s1 =	sshrl.u32 @!p6 s1, $0x3  }
0x37c: {  	s10 =	simm.s32 @!p6 $0x0;
	s6 =	sor.u32 @!p6 $0x5880, s6;
	s1 =	sadd.s32 @!p6 s0, s1  }
0x37d: {  	[tilespmem:s6], [sflag:$0x1] =	stream.linear.gather @!p6 [hbm4b:s1+s10], $0x400, $0x38;
	[tilespmem:$0x10500] =	vst v63  }
0x37e: {  	s10 =	sld [smem:$0x7EE];
	s13 =	spop @!p4 (v2sf)  }
0x37f: {  	s18 =	spop (v2sf)  }
0x380: {  	p0 =	sne.s32 s18, $0x0  }
0x381: {  	p1 =	seq.s32 s10, $0x1;
	(v2sf) =	vpush @!p0 v20, $0xC  }
0x382: {  	s1 =	sadd.s32 @!p1 s5, s24;
	(v2sf) =	vpush v21, $0xD  }
0x383: {  	s16 =	sld [smem:$0x7EF];
	s2 =	sshll.u32 @!p1 s2, $0xA;
	s1 =	sshll.u32 @!p1 s1, $0xB  }
0x384: {  	s1 =	sadd.s32 @!p1 s1, s2  }
0x385: {  	s1 =	sadd.s32 @!p1 $0x8000, s1  }
0x386: {  	p2 =	seq.s32 s16, $0x1;
	s2 =	sshll.u32 @!p1 s25, $0xF;
	s1 =	sshrl.u32 @!p1 s1, $0x3  }
0x387: {  	s6 =	simm.s32 @!p1 $0x0;
	s2 =	sor.u32 @!p1 $0x5C80, s2;
	s1 =	sadd.s32 @!p1 s0, s1  }
0x388: {  	[tilespmem:s2], [sflag:$0x1] =	stream.linear.gather @!p1 [hbm4b:s1+s6], $0x400, $0x38;
	[tilespmem:$0x10500] =	vst v63  }
0x389: {  	s1 =	sadd.s32 @!p2 s5, s24  }
0x38a: {  	s2 =	sshll.u32 @!p2 s30, $0xA;
	s1 =	sshll.u32 @!p2 s1, $0xB  }
0x38b: {  	s1 =	sadd.s32 @!p2 s1, s2  }
0x38c: {  	s1 =	sadd.s32 @!p2 $0x8000, s1  }
0x38d: {  	s10 =	simm.s32 @!p2 $0x0;
	s2 =	sshll.u32 @!p2 s25, $0xF;
	s1 =	sshrl.u32 @!p2 s1, $0x3  }
0x38e: {  	s18 =	sld [smem:$0x7F0];
	s2 =	sor.u32 @!p2 $0x6080, s2;
	s1 =	sadd.s32 @!p2 s0, s1  }
0x38f: {  	[tilespmem:s2], [sflag:$0x1] =	stream.linear.gather @!p2 [hbm4b:s1+s10], $0x400, $0x38;
	[tilespmem:$0x10500] =	vst v63  }
0x390: {  	s6 =	spop @!p0 (v2sf)  }
0x391: {  	s17 =	spop (v2sf)  }
0x392: {  	p2 =	seq.s32 s18, $0x1;
	p1 =	sne.s32 s17, $0x0  }
0x393: {  	s1 =	sadd.s32 @!p2 s5, s24;
	(v2sf) =	vpush @!p1 v20, $0xD  }
0x394: {  	s2 =	sshll.u32 @!p2 s29, $0xA;
	s1 =	sshll.u32 @!p2 s1, $0xB;
	(v2sf) =	vpush v21, $0xE  }
0x395: {  	s1 =	sadd.s32 @!p2 s1, s2  }
0x396: {  	s1 =	sadd.s32 @!p2 $0xC000, s1  }
0x397: {  	s29 =	sld [smem:$0x7F1];
	s2 =	sshll.u32 @!p2 s25, $0xF;
	s1 =	sshrl.u32 @!p2 s1, $0x3  }
0x398: {  	s10 =	simm.s32 @!p2 $0x0;
	s2 =	sor.u32 @!p2 $0x6480, s2;
	s1 =	sadd.s32 @!p2 s0, s1  }
0x399: {  	[tilespmem:s2], [sflag:$0x1] =	stream.linear.gather @!p2 [hbm4b:s1+s10], $0x400, $0x38;
	[tilespmem:$0x10500] =	vst v63  }
0x39a: {  	p2 =	seq.s32 s29, $0x1  }
0x39b: {  	s1 =	sadd.s32 @!p2 s5, s24  }
0x39c: {  	s2 =	sshll.u32 @!p2 s28, $0xA;
	s1 =	sshll.u32 @!p2 s1, $0xB  }
0x39d: {  	s1 =	sadd.s32 @!p2 s1, s2  }
0x39e: {  	s1 =	sadd.s32 @!p2 $0xC000, s1  }
0x39f: {  	s2 =	sshll.u32 @!p2 s25, $0xF;
	s1 =	sshrl.u32 @!p2 s1, $0x3  }
0x3a0: {  	s10 =	simm.s32 @!p2 $0x0;
	s2 =	sor.u32 @!p2 $0x6880, s2;
	s1 =	sadd.s32 @!p2 s0, s1  }
0x3a1: {  	[tilespmem:s2], [sflag:$0x1] =	stream.linear.gather @!p2 [hbm4b:s1+s10], $0x400, $0x38;
	[tilespmem:$0x10500] =	vst v63  }
0x3a2: {  	s1 =	spop @!p1 (v2sf)  }
0x3a3: {  	s2 =	sadd.s32 @!p5 s5, s24;
	s30 =	spop (v2sf)  }
0x3a4: {  	s16 =	sshll.u32 @!p5 s31, $0xA;
	s2 =	sshll.u32 @!p5 s2, $0xB;
	p2 =	sne.s32 s30, $0x0  }
0x3a5: {  	s2 =	sadd.s32 @!p5 s2, s16;
	(v2sf) =	vpush @!p2 v20, $0xE  }
0x3a6: {  	s2 =	sadd.s32 @!p5 $0xC000, s2;
	(v2sf) =	vpush v21, $0xF  }
0x3a7: {  	s10 =	sshll.u32 @!p5 s25, $0xF;
	s2 =	sshrl.u32 @!p5 s2, $0x3  }
0x3a8: {  	s10 =	sor.u32 @!p5 $0x6C80, s10;
	s16 =	simm.s32 @!p5 $0x0;
	s2 =	sadd.s32 @!p5 s0, s2  }
0x3a9: {  	[tilespmem:s10], [sflag:$0x1] =	stream.linear.gather @!p5 [hbm4b:s2+s16], $0x400, $0x38;
	[tilespmem:$0x10500] =	vst v63  }
0x3aa: {  	s2 =	sadd.s32 @!p4 s5, s24  }
0x3ab: {  	s10 =	sshll.u32 @!p4 s13, $0xA;
	s2 =	sshll.u32 @!p4 s2, $0xB  }
0x3ac: {  	s2 =	sadd.s32 @!p4 s2, s10  }
0x3ad: {  	s2 =	sadd.s32 @!p4 $0xC000, s2  }
0x3ae: {  	s10 =	sshll.u32 @!p4 s25, $0xF;
	s2 =	sshrl.u32 @!p4 s2, $0x3  }
0x3af: {  	s13 =	simm.s32 @!p4 $0x0;
	s10 =	sor.u32 @!p4 $0x7080, s10;
	s2 =	sadd.s32 @!p4 s0, s2  }
0x3b0: {  	[tilespmem:s10], [sflag:$0x1] =	stream.linear.gather @!p4 [hbm4b:s2+s13], $0x400, $0x38;
	[tilespmem:$0x10500] =	vst v63  }
0x3b1: {  	s2 =	sadd.s32 @!p0 s5, s24  }
0x3b2: {  	s6 =	sshll.u32 @!p0 s6, $0xA;
	s2 =	sshll.u32 @!p0 s2, $0xB  }
0x3b3: {  	s2 =	sadd.s32 @!p0 s2, s6  }
0x3b4: {  	s10 =	sshll.u32 @!p0 s25, $0xF;
	s2 =	sadd.s32 @!p0 $0xC000, s2;
	s6 =	spop @!p2 (v2sf)  }
0x3b5: {  	s13 =	simm.s32 @!p0 $0x0;
	s2 =	sshrl.u32 @!p0 s2, $0x3;
	s31 =	spop (v2sf)  }
0x3b6: {  	s10 =	sor.u32 @!p0 $0x7480, s10;
	s2 =	sadd.s32 @!p0 s0, s2;
	p3 =	sne.s32 s31, $0x0  }
0x3b7: {  	[tilespmem:s10], [sflag:$0x1] =	stream.linear.gather @!p0 [hbm4b:s2+s13], $0x400, $0x38;
	(v2sf) =	vpush @!p3 v20, $0xF;
	[tilespmem:$0x10500] =	vst v63  }
0x3b8: {  	s2 =	sadd.s32 @!p1 s5, s24  }
0x3b9: {  	s1 =	sshll.u32 @!p1 s1, $0xA;
	s2 =	sshll.u32 @!p1 s2, $0xB  }
0x3ba: {  	s1 =	sadd.s32 @!p1 s2, s1  }
0x3bb: {  	s1 =	sadd.s32 @!p1 $0xC000, s1  }
0x3bc: {  	s2 =	sshll.u32 @!p1 s25, $0xF;
	s1 =	sshrl.u32 @!p1 s1, $0x3  }
0x3bd: {  	s10 =	simm.s32 @!p1 $0x0;
	s2 =	sor.u32 @!p1 $0x7880, s2;
	s1 =	sadd.s32 @!p1 s0, s1  }
0x3be: {  	[tilespmem:s2], [sflag:$0x1] =	stream.linear.gather @!p1 [hbm4b:s1+s10], $0x400, $0x38;
	[tilespmem:$0x10500] =	vst v63  }
0x3bf: {  	s1 =	sadd.s32 @!p2 s5, s24  }
0x3c0: {  	s1 =	sshll.u32 @!p2 s1, $0xB;
	s2 =	sshll.u32 @!p2 s6, $0xA  }
0x3c1: {  	s1 =	sadd.s32 @!p2 s1, s2  }
0x3c2: {  	s1 =	sadd.s32 @!p2 $0xC000, s1  }
0x3c3: {  	s2 =	sshll.u32 @!p2 s25, $0xF;
	s1 =	sshrl.u32 @!p2 s1, $0x3  }
0x3c4: {  	s6 =	simm.s32 @!p2 $0x0;
	s2 =	sor.u32 @!p2 $0x7C80, s2;
	s1 =	sadd.s32 @!p2 s0, s1  }
0x3c5: {  	[tilespmem:s2], [sflag:$0x1] =	stream.linear.gather @!p2 [hbm4b:s1+s6], $0x400, $0x38;
	[tilespmem:$0x10500] =	vst v63  }
0x3c6: {  	s1 =	sadd.s32 @!p3 s5, s24;
	s2 =	spop @!p3 (v2sf)  }
0x3c7: {  	p0 =	slt.s32 s23, $0x1;
	s1 =	sshll.u32 @!p3 s1, $0xB;
	s2 =	sshll.u32 @!p3 s2, $0xA  }
.Ltmp4:
0x3c8: {  	s1 =	sadd.s32 @!p3 s1, s2;
	(pc) =	sbr.rel @p0 .LBB2_6-.Ltmp4, $4  }
0x3c9: {  	s1 =	sadd.s32 @!p3 $0xC000, s1  }
0x3ca: {  	s2 =	sshll.u32 @!p3 s25, $0xF;
	s1 =	sshrl.u32 @!p3 s1, $0x3  }
0x3cb: {  	s6 =	simm.s32 @!p3 $0x0;
	s2 =	sadd.s32 @!p3 $0x8080, s2;
	s1 =	sadd.s32 @!p3 s0, s1  }
0x3cc: {  	[tilespmem:s2], [sflag:$0x1] =	stream.linear.gather @!p3 [hbm4b:s1+s6], $0x400, $0x38;
	[tilespmem:$0x10500] =	vst v63  }
0x3cd: {  	p0 =	sne.s32 s23, $0x1  }
.Ltmp5:
0x3ce: {  	_ = 	snop;
	(pc) =	sbr.rel @!p0 .LBB2_5-.Ltmp5, $3  }
0x3cf: {  	_ =	sdelay $0x1  }
0x3d0: {  	_ =	swait.ge [sflag:s15], $0x400  }
0x3d1: {  	s1 =	sadd.s32 $0xFFFFFFFF, s23;
	[sflag:s15] =	ssyncset.done $0x0  }
.LBB2_4:
0x3d2: {  	p0 =	sne.s32 s1, $0x1;
	s1 =	sadd.s32 $0xFFFFFFFF, s1;
	[sflag:s15] =	ssyncadd.s32 $0xFFFFFC00  }
.Ltmp6:
0x3d3: {  	(pc) =	sbr.rel @p0 .LBB2_4-.Ltmp6, $3  }
0x3d4: {  	_ =	sdelay $0x1  }
0x3d5: {  	_ =	swait.ge [sflag:s15], $0x400  }
0x3d6: {  	[sflag:s15] =	ssyncset.done $0x0  }
.Ltmp7:
0x3d7: {  	_ = 	snop;
	(pc) =	sbr.rel .LBB2_5-.Ltmp7, $1  }
0x3d8: {  	_ =	sdelay $0x3  }
.LBB2_7:
0x3d9: {  	p0 =	slt.s32 s23, $0x1  }
.Ltmp8:
0x3da: {  	_ = 	snop;
	(pc) =	sbr.rel @p0 .LBB2_11-.Ltmp8, $1  }
0x3db: {  	_ =	sdelay $0x3  }
0x3dc: {  	s1 =	sadd.s32 s22, s26  }
0x3dd: {  	p0 =	sne.s32 s1, $0x1  }
.Ltmp9:
0x3de: {  	_ = 	snop;
	(pc) =	sbr.rel @!p0 .LBB2_10-.Ltmp9, $3  }
0x3df: {  	_ =	sdelay $0x1  }
0x3e0: {  	_ =	swait.ge [sflag:s15], $0x400  }
0x3e1: {  	s1 =	sadd.s32 $0xFFFFFFFF, s1;
	[sflag:s15] =	ssyncset.done $0x0  }
.LBB2_9:
0x3e2: {  	p0 =	sne.s32 s1, $0x1;
	s1 =	sadd.s32 $0xFFFFFFFF, s1;
	[sflag:s15] =	ssyncadd.s32 $0xFFFFFC00  }
.Ltmp10:
0x3e3: {  	(pc) =	sbr.rel @p0 .LBB2_9-.Ltmp10, $3  }
0x3e4: {  	_ =	sdelay $0x1  }
0x3e5: {  	_ =	swait.ge [sflag:s15], $0x400  }
0x3e6: {  	[sflag:s15] =	ssyncset.done $0x0  }
.Ltmp11:
0x3e7: {  	_ = 	snop;
	(pc) =	sbr.rel .LBB2_10-.Ltmp11, $1  }
0x3e8: {  	_ =	sdelay $0x3  }
.LBB2_12:
0x3e9: {  	_ =	sfence.sel $0x180000  }
0x3ea: {  	[bflag:$0x0] =	sbarrier.arrive $0xFFFF  }
0x3eb: {  	_ =	strace $0x90000047  }
0x3ec: {  	s0 =	stileid.u32;
	[bflag:$0x2] =	sbarrier.arrive $0xFFFF  }
0x3ed: {  	p0 =	sne.s32 s0, $0x0;
	s0 =	rddreg [dreg:$0x3]  }
0x3ee: {  	s0 =	sadd.s32 @!p0 $0x100000, s0  }
0x3ef: {  	[sflag:s0] =	ssyncadd.tile.s32 @!p0 $0x1;
	_ =	shalt  }
.Lfunc_end2:
_tile_overlayer_lowered:
.L_overlay_start_2:
0x3f0: {  	(tag) =	ssettag $0x2  }
0x3f1: {  	s0 =	rddreg [dreg:$0x0];
	s2 =	stileid.u32  }
0x3f2: {  	s1 =	rddreg [dreg:$0x1];
	p0 =	sne.s32 s2, $0x0  }
0x3f3: {  	s3 =	rddreg [dreg:$0x2];
	[bflag:$0x3] =	sbarrier.arrive $0xFFFF;
	s2 =	simm.s32 @!p0 $0x1C02  }
0x3f4: {  	[timem:s3], [sflag:s2] =	dma.local @!p0 [hbm:s0], s1  }
0x3f5: {  	s0 =	simm.s32 @!p0 $0x2  }
0x3f6: {  	_ =	swait.ge @!p0 [sflag:s0], s1  }
0x3f7: {  	s1 =	ssub.s32 @!p0 $0x0, s1;
	[sflag:s0] =	ssyncset.done @!p0 $0x0  }
0x3f8: {  	[sflag:s0] =	ssyncadd.s32 @!p0 s1  }
0x3f9: {  	[bflag:$0x3] =	sbarrier.arrive $0xFFFF  }
0x3fa: {  	_ =	shalt  }

</sc_bundles>
